<compile_context>
chip_gen: v7x
topology: tpu7x:2x2x1
jax: 0.10.2.dev20260603
libtpu: 0.0.44.dev20260713+nightly
codegen_flags: <defaults>
</compile_context>

<pallas_src>
import functools

import jax
import jax.numpy as jnp
from jax import lax
from jax.experimental import pallas as pl
from jax.experimental.pallas import tpu as pltpu
from jax.experimental.pallas import tpu_sc as plsc

N_NODES = 10000
N_EDGES = 320000
D = 128
DH = D // 2

NC = 2
NS = 16
NW = NC * NS
NP = 10016
RPT = NP // NS
DUMP = 10008
CHUNK = 128
L = 16

E64 = 20480
K64 = 2
E16 = 10240
K16 = 8

_SC_PARAMS = pltpu.CompilerParams(use_tc_tiling_on_sc=False,
                                  needs_layout_passes=False)


def _make_pass(width, ept, k, feature_split, with_deg):
    nch = ept // CHUNK
    nt = nch // (2 * k)
    mesh = plsc.VectorSubcoreMesh(core_axis_name="c", subcore_axis_name="s")

    out_type = jax.ShapeDtypeStruct((NC, NP, width), jnp.float32)
    scratch = [
        pltpu.VMEM((ept,), jnp.int32),
        pltpu.VMEM((ept,), jnp.int32),
        pltpu.VMEM((k, CHUNK, width), jnp.float32),
        pltpu.VMEM((k, CHUNK, width), jnp.float32),
        pltpu.VMEM_SHARED((NP, width), jnp.float32),
        pltpu.SemaphoreType.DMA,
        pltpu.SemaphoreType.DMA,
        pltpu.SemaphoreType.DMA,
        pltpu.SemaphoreType.DMA,
    ]
    if with_deg:
        out_type = [out_type, jax.ShapeDtypeStruct((NS, NP), jnp.float32)]
        scratch.insert(4, pltpu.VMEM((NP,), jnp.float32))

    @functools.partial(pl.kernel, out_type=out_type, mesh=mesh,
                       scratch_types=scratch, compiler_params=_SC_PARAMS)
    def seg(*refs):
        if with_deg:
            (table_hbm, srclo_hbm, srchi_hbm, dst_hbm, zeros_hbm, znp_hbm,
             out_hbm, deg_hbm,
             src_v, dst_v, buf0, buf1, deg_v, acc_sh,
             gsem0, gsem1, ssem0, ssem1) = refs
        else:
            (table_hbm, srclo_hbm, srchi_hbm, dst_hbm, zeros_hbm,
             out_hbm,
             src_v, dst_v, buf0, buf1, acc_sh,
             gsem0, gsem1, ssem0, ssem1) = refs
        c = lax.axis_index("c")
        s = lax.axis_index("s")
        if feature_split:
            base = s * ept

            @pl.when(c == 0)
            def _():
                pltpu.sync_copy(srclo_hbm.at[pl.ds(base, ept)], src_v)

            @pl.when(c == 1)
            def _():
                pltpu.sync_copy(srchi_hbm.at[pl.ds(base, ept)], src_v)
        else:
            base = (s * NC + c) * ept
            pltpu.sync_copy(srclo_hbm.at[pl.ds(base, ept)], src_v)
        pltpu.sync_copy(dst_hbm.at[pl.ds(base, ept)], dst_v)
        if with_deg:
            pltpu.sync_copy(znp_hbm, deg_v)

        def idx(ref, chunk_no):
            return ref.at[pl.ds(chunk_no * CHUNK, CHUNK)]

        def gather_k(group, buf, sem):
            for j in range(k):
                pltpu.async_copy(table_hbm.at[idx(src_v, group * k + j)],
                                 buf.at[j], sem)

        def gwait_k(buf, sem):
            d = pltpu.make_async_copy(table_hbm.at[idx(src_v, 0)],
                                      buf.at[0], sem)
            for _ in range(k):
                d.wait()

        def scatter_k(group, buf, sem):
            for j in range(k):
                pltpu.async_copy(buf.at[j],
                                 acc_sh.at[idx(dst_v, group * k + j)],
                                 sem, add=True)

        def swait_k(buf, sem):
            d = pltpu.make_async_copy(buf.at[0], acc_sh.at[idx(dst_v, 0)], sem)
            for _ in range(k):
                d.wait()

        gather_k(0, buf0, gsem0)
        pltpu.sync_copy(zeros_hbm, buf1)
        nfull = RPT // CHUNK
        for j in range(nfull):
            pltpu.sync_copy(buf1.at[j % k],
                            acc_sh.at[pl.ds(s * RPT + j * CHUNK, CHUNK)])
        rem = RPT - nfull * CHUNK
        if rem:
            pltpu.sync_copy(buf1.at[0].at[pl.ds(0, rem)],
                            acc_sh.at[pl.ds(s * RPT + nfull * CHUNK, rem)])
        plsc.subcore_barrier()

        epg = 2 * k * CHUNK

        def body(t, carry):
            g0 = 2 * t
            g1 = g0 + 1
            gather_k(g1, buf1, gsem1)
            gwait_k(buf0, gsem0)
            scatter_k(g0, buf0, ssem0)
            gwait_k(buf1, gsem1)
            scatter_k(g1, buf1, ssem1)
            if with_deg:
                @pl.when(c == 0)
                def _():
                    ones = jnp.full((L,), 1.0, jnp.float32)

                    def dbody(i, carry2):
                        dd = dst_v[pl.ds(t * epg + i * L, L)]
                        plsc.addupdate_scatter(deg_v, [dd], ones)
                        return carry2

                    lax.fori_loop(0, epg // L, dbody, 0)
            swait_k(buf0, ssem0)

            @pl.when(t + 1 < nt)
            def _():
                gather_k(g0 + 2, buf0, gsem0)

            swait_k(buf1, ssem1)
            return carry

        lax.fori_loop(0, nt, body, 0)
        plsc.subcore_barrier()
        pltpu.sync_copy(acc_sh.at[pl.ds(s * RPT, RPT)],
                        out_hbm.at[c, pl.ds(s * RPT, RPT)])
        if with_deg:
            @pl.when(c == 0)
            def _():
                pltpu.sync_copy(deg_v, deg_hbm.at[s])

    return seg


_seg64_deg = _make_pass(DH, E64, K64, True, True)
_seg64 = _make_pass(DH, E64, K64, True, False)
_seg16 = _make_pass(16, E16, K16, False, False)


def _inv_deg(deg_ref):
    deg = jnp.sum(deg_ref[...], axis=0)[:, None]
    return 1.0 / jnp.maximum(deg, 1.0)


def _layer1_body(acc_ref, deg_ref, x_ref, wl_ref, wr_ref, b_ref, o_ref):
    inv = _inv_deg(deg_ref)
    agg = jnp.concatenate([acc_ref[0], acc_ref[1]], axis=1) * inv
    h = (jnp.dot(agg, wl_ref[...], preferred_element_type=jnp.float32)
         + jnp.dot(x_ref[...], wr_ref[...], preferred_element_type=jnp.float32)
         + b_ref[...])
    h = jnp.maximum(h, 0.0)
    o_ref[0] = h[:, :DH]
    o_ref[1] = h[:, DH:]


def _layer1(acc, deg, x, wl, wr, b):
    return pl.pallas_call(
        _layer1_body,
        out_shape=jax.ShapeDtypeStruct((2, NP, DH), jnp.float32),
    )(acc, deg, x, wl, wr, b)


def _layer2_body(acc_ref, deg_ref, h_ref, wl_ref, wr_ref, b_ref,
                 wl3_ref, wr3_ref, b3_ref, p_ref, q_ref):
    inv = _inv_deg(deg_ref)
    agg = jnp.concatenate([acc_ref[0], acc_ref[1]], axis=1) * inv
    h1 = jnp.concatenate([h_ref[0], h_ref[1]], axis=1)
    h = (jnp.dot(agg, wl_ref[...], preferred_element_type=jnp.float32)
         + jnp.dot(h1, wr_ref[...], preferred_element_type=jnp.float32)
         + b_ref[...])
    h = jnp.maximum(h, 0.0)
    p_ref[...] = jnp.dot(h, wl3_ref[...], preferred_element_type=jnp.float32)
    q_ref[...] = (jnp.dot(h, wr3_ref[...], preferred_element_type=jnp.float32)
                  + b3_ref[...])


def _layer2(acc, deg, h, wl, wr, b, wl3, wr3, b3):
    return pl.pallas_call(
        _layer2_body,
        out_shape=[jax.ShapeDtypeStruct((NP, 16), jnp.float32),
                   jax.ShapeDtypeStruct((NP, 16), jnp.float32)],
    )(acc, deg, h, wl, wr, b, wl3, wr3, b3)


def _final_body(acc_ref, deg_ref, q_ref, o_ref):
    inv = _inv_deg(deg_ref)
    z = (acc_ref[0] + acc_ref[1]) * inv + q_ref[...]
    z0 = z[:, 0:1]
    z1 = z[:, 1:2]
    m = jnp.maximum(z0, z1)
    lse = m + jnp.log(jnp.exp(z0 - m) + jnp.exp(z1 - m))
    o_ref[...] = jnp.concatenate([z0 - lse, z1 - lse], axis=1)


def _final(acc, deg, q):
    return pl.pallas_call(
        _final_body,
        out_shape=jax.ShapeDtypeStruct((NP, 2), jnp.float32),
    )(acc, deg, q)


def _pad_edges(a, per_tile, per_tile_pad, ntiles, fill):
    a = a.reshape(ntiles, per_tile)
    return jnp.pad(a, ((0, 0), (0, per_tile_pad - per_tile)),
                   constant_values=fill).reshape(-1)


def kernel(x, edge_index, Wl1, Wr1, b1, Wl2, Wr2, b2, Wl3, Wr3, b3):
    ei = edge_index.astype(jnp.int32)
    src = ei[0]
    dst = ei[1]

    ept64 = N_EDGES // NS
    src64 = _pad_edges(src, ept64, E64, NS, 0)
    src64_hi = src64 + NP
    dst64 = _pad_edges(dst, ept64, E64, NS, DUMP)
    ept16 = N_EDGES // NW
    src16 = _pad_edges(src, ept16, E16, NW, 0)
    dst16 = _pad_edges(dst, ept16, E16, NW, DUMP)

    x_p = jnp.pad(x.astype(jnp.float32), ((0, NP - N_NODES), (0, 0)))
    x_stack = jnp.concatenate([x_p[:, :DH], x_p[:, DH:]], axis=0)
    zeros64 = jnp.zeros((K64, CHUNK, DH), jnp.float32)
    zeros16 = jnp.zeros((K16, CHUNK, 16), jnp.float32)
    zeros_np = jnp.zeros((NP,), jnp.float32)

    s1, deg = _seg64_deg(x_stack, src64, src64_hi, dst64, zeros64, zeros_np)
    h1 = _layer1(s1, deg, x_p, Wl1, Wr1, b1.reshape(1, D))

    s2 = _seg64(h1.reshape(2 * NP, DH), src64, src64_hi, dst64, zeros64)
    wl3_16 = jnp.pad(Wl3, ((0, 0), (0, 14)))
    wr3_16 = jnp.pad(Wr3, ((0, 0), (0, 14)))
    b3_16 = jnp.pad(b3, (0, 14)).reshape(1, 16)
    p16, q16 = _layer2(s2, deg, h1, Wl2, Wr2, b2.reshape(1, D),
                       wl3_16, wr3_16, b3_16)

    s3 = _seg16(p16, src16, src16, dst16, zeros16)
    out = _final(s3, deg, q16)
    return out[:N_NODES]

# --- scband reference (transcript-rebuilt; emitter-appended) ---
"""Pipeline reference for scband-fraud-gnn-48223892799810 (READ-ONLY COPY).

The authoritative reference and input builder live on the scoring server;
editing this copy changes nothing except your own understanding.
"""

import jax, jax.numpy as jnp
import numpy as np

N_NODES = 10000
N_EDGES = 320000
D_IN = 128
D_HID = 128
D_OUT = 2


def _sage_conv(x, src, dst, Wl, Wr, b, n_nodes):
    # PyG SAGEConv (mean aggregation): out = lin_l(mean_j x_j) + lin_r(x_i)
    msg = x[src]
    agg = jax.ops.segment_sum(msg, dst, num_segments=n_nodes)
    deg = jax.ops.segment_sum(jnp.ones((src.shape[0],), dtype=x.dtype), dst, num_segments=n_nodes)
    agg = agg / jnp.maximum(deg, 1.0)[:, None]
    return agg @ Wl + x @ Wr + b


def setup_inputs(seed: int = 0) -> dict:
    key = jax.random.key(seed)
    ks = jax.random.split(key, 10)
    x = jax.random.normal(ks[0], (N_NODES, D_IN), dtype=jnp.float32)
    edge_index = jax.random.randint(ks[1], (2, N_EDGES), 0, N_NODES, dtype=jnp.int64)
    Wl1 = jax.random.normal(ks[2], (D_IN, D_HID), dtype=jnp.float32) * 0.05
    Wr1 = jax.random.normal(ks[3], (D_IN, D_HID), dtype=jnp.float32) * 0.05
    b1 = jnp.zeros((D_HID,), dtype=jnp.float32)
    Wl2 = jax.random.normal(ks[4], (D_HID, D_HID), dtype=jnp.float32) * 0.05
    Wr2 = jax.random.normal(ks[5], (D_HID, D_HID), dtype=jnp.float32) * 0.05
    b2 = jnp.zeros((D_HID,), dtype=jnp.float32)
    Wl3 = jax.random.normal(ks[6], (D_HID, D_OUT), dtype=jnp.float32) * 0.05
    Wr3 = jax.random.normal(ks[7], (D_HID, D_OUT), dtype=jnp.float32) * 0.05
    b3 = jnp.zeros((D_OUT,), dtype=jnp.float32)
    return {"x": x, "edge_index": edge_index, "Wl1": Wl1, "Wr1": Wr1, "b1": b1,
            "Wl2": Wl2, "Wr2": Wr2, "b2": b2, "Wl3": Wl3, "Wr3": Wr3, "b3": b3}


def reference(x, edge_index, Wl1, Wr1, b1, Wl2, Wr2, b2, Wl3, Wr3, b3):
    src = edge_index[0]
    dst = edge_index[1]
    n = x.shape[0]
    h = _sage_conv(x, src, dst, Wl1, Wr1, b1, n)
    h = jax.nn.relu(h)
    # dropout p=0.3 inactive in eval mode
    h = _sage_conv(h, src, dst, Wl2, Wr2, b2, n)
    h = jax.nn.relu(h)
    h = _sage_conv(h, src, dst, Wl3, Wr3, b3, n)
    return jax.nn.log_softmax(h, axis=1)

if __name__ == "__main__":
    import jax
    _d = setup_inputs()
    print(jax.jit(kernel)(*tuple(_d.values())))

</pallas_src>

<mosaic_0001>
#map = affine_map<(d0, d1) -> (0, 0)>
#map1 = affine_map<(d0, d1) -> (0)>
#map2 = affine_map<(d0, d1) -> (0, 0, 0)>
module attributes {stable_mosaic.version = 14 : i64} {
  func.func @seg(%arg0: i32, %arg1: i32, %arg2: memref<10016x16xf32, #tpu.memory_space<hbm>>, %arg3: memref<327680xi32, #tpu.memory_space<hbm>>, %arg4: memref<327680xi32, #tpu.memory_space<hbm>>, %arg5: memref<327680xi32, #tpu.memory_space<hbm>>, %arg6: memref<8x128x16xf32, #tpu.memory_space<hbm>>, %arg7: memref<2x10016x16xf32, #tpu.memory_space<hbm>>, %arg8: memref<10240xi32, #tpu.memory_space<vmem>>, %arg9: memref<10240xi32, #tpu.memory_space<vmem>>, %arg10: memref<8x128x16xf32, #tpu.memory_space<vmem>>, %arg11: memref<8x128x16xf32, #tpu.memory_space<vmem>>, %arg12: memref<10016x16xf32, #tpu.memory_space<vmem_shared>>, %arg13: memref<!tpu.dma_semaphore, #tpu.memory_space<semaphore_mem>>, %arg14: memref<!tpu.dma_semaphore, #tpu.memory_space<semaphore_mem>>, %arg15: memref<!tpu.dma_semaphore, #tpu.memory_space<semaphore_mem>>, %arg16: memref<!tpu.dma_semaphore, #tpu.memory_space<semaphore_mem>>) attributes {dimension_semantics = [#tpu.dimension_semantics<core_parallel>, #tpu.dimension_semantics<subcore_parallel>], iteration_bounds = array<i64: 2, 16>, scalar_prefetch = 0 : i64, scratch_operands = 9 : i64, tpu.core_type = #tpu.core_type<sc_vector_subcore>, window_params = [{transform_indices = #map}, {transform_indices = #map1}, {transform_indices = #map1}, {transform_indices = #map1}, {transform_indices = #map2}, {transform_indices = #map2}]} {
    %mul3A = arith.constant 2 : i32
    %mul3A_0 = arith.muli %arg1, %mul3A : i32
    %add3A = arith.addi %mul3A_0, %arg0 : i32
    %mul3A_1 = arith.constant 10240 : i32
    %mul3A_2 = arith.muli %add3A, %mul3A_1 : i32
    "tpu.region"() ({
      %run_scoped3A_116 = tpu.sem_alloc : memref<!tpu.dma_semaphore, #tpu.memory_space<semaphore_mem>>
      %dma_start3A_117 = tpu.memref_slice %arg3[%mul3A_2] : memref<327680xi32, #tpu.memory_space<hbm>> -> memref<10240xi32, #tpu.memory_space<hbm>>
      %dma_start3A_118 = tpu.memref_slice %arg3[%mul3A_2] : memref<327680xi32, #tpu.memory_space<hbm>> -> memref<10240xi32, #tpu.memory_space<hbm>>
      tpu.enqueue_dma source(%dma_start3A_118 : memref<10240xi32, #tpu.memory_space<hbm>>) target(%arg8 : memref<10240xi32, #tpu.memory_space<vmem>>) target_semaphore(%run_scoped3A_116 : memref<!tpu.dma_semaphore, #tpu.memory_space<semaphore_mem>>)
      %dma_wait3A = tpu.memref_slice %arg3[%mul3A_2] : memref<327680xi32, #tpu.memory_space<hbm>> -> memref<10240xi32, #tpu.memory_space<hbm>>
      %dma_wait3A_119 = tpu.memref_slice %arg3[%mul3A_2] : memref<327680xi32, #tpu.memory_space<hbm>> -> memref<10240xi32, #tpu.memory_space<hbm>>
      tpu.wait_dma2 semaphore(%run_scoped3A_116 : memref<!tpu.dma_semaphore, #tpu.memory_space<semaphore_mem>>) src(%dma_wait3A_119 : memref<10240xi32, #tpu.memory_space<hbm>>) dst(%arg8 : memref<10240xi32, #tpu.memory_space<vmem>>)
      tpu.yield
    }) : () -> ()
    "tpu.region"() ({
      %run_scoped3A_116 = tpu.sem_alloc : memref<!tpu.dma_semaphore, #tpu.memory_space<semaphore_mem>>
      %dma_start3A_117 = tpu.memref_slice %arg5[%mul3A_2] : memref<327680xi32, #tpu.memory_space<hbm>> -> memref<10240xi32, #tpu.memory_space<hbm>>
      %dma_start3A_118 = tpu.memref_slice %arg5[%mul3A_2] : memref<327680xi32, #tpu.memory_space<hbm>> -> memref<10240xi32, #tpu.memory_space<hbm>>
      tpu.enqueue_dma source(%dma_start3A_118 : memref<10240xi32, #tpu.memory_space<hbm>>) target(%arg9 : memref<10240xi32, #tpu.memory_space<vmem>>) target_semaphore(%run_scoped3A_116 : memref<!tpu.dma_semaphore, #tpu.memory_space<semaphore_mem>>)
      %dma_wait3A = tpu.memref_slice %arg5[%mul3A_2] : memref<327680xi32, #tpu.memory_space<hbm>> -> memref<10240xi32, #tpu.memory_space<hbm>>
      %dma_wait3A_119 = tpu.memref_slice %arg5[%mul3A_2] : memref<327680xi32, #tpu.memory_space<hbm>> -> memref<10240xi32, #tpu.memory_space<hbm>>
      tpu.wait_dma2 semaphore(%run_scoped3A_116 : memref<!tpu.dma_semaphore, #tpu.memory_space<semaphore_mem>>) src(%dma_wait3A_119 : memref<10240xi32, #tpu.memory_space<hbm>>) dst(%arg9 : memref<10240xi32, #tpu.memory_space<vmem>>)
      tpu.yield
    }) : () -> ()
    %dma_start3A = arith.constant 0 : i32
    %dma_start3A_3 = arith.constant 0 : i32
    %dma_start3A_4 = arith.constant 0 : i32
    %dma_start3A_5 = tpu.memref_slice %arg10[%dma_start3A, %dma_start3A_3, %dma_start3A_4] : memref<8x128x16xf32, #tpu.memory_space<vmem>> -> memref<1x128x16xf32, #tpu.memory_space<vmem>>
    %dma_start3A_6 = tpu.memref_squeeze %dma_start3A_5 : memref<1x128x16xf32, #tpu.memory_space<vmem>> -> memref<128x16xf32, #tpu.memory_space<vmem>>
    %dma_start3A_7 = arith.constant 0 : i32
    %dma_start3A_8 = tpu.memref_slice %arg8[%dma_start3A_7] : memref<10240xi32, #tpu.memory_space<vmem>> -> memref<128xi32, #tpu.memory_space<vmem>>
    %dma_start3A_9 = arith.constant 0 : i32
    %dma_start3A_10 = arith.constant 0 : i32
    %dma_start3A_11 = tpu.memref_slice %arg2[%dma_start3A_9, %dma_start3A_10] : memref<10016x16xf32, #tpu.memory_space<hbm>> -> memref<10016x16xf32, #tpu.memory_space<hbm>>
    tpu.enqueue_indirect_dma source(%dma_start3A_11 : memref<10016x16xf32, #tpu.memory_space<hbm>>) target(%dma_start3A_6 : memref<128x16xf32, #tpu.memory_space<vmem>>) offsets(%dma_start3A_8 : memref<128xi32, #tpu.memory_space<vmem>>) semaphore(%arg13 : memref<!tpu.dma_semaphore, #tpu.memory_space<semaphore_mem>>)
    %dma_start3A_12 = arith.constant 1 : i32
    %dma_start3A_13 = arith.constant 0 : i32
    %dma_start3A_14 = arith.constant 0 : i32
    %dma_start3A_15 = tpu.memref_slice %arg10[%dma_start3A_12, %dma_start3A_13, %dma_start3A_14] : memref<8x128x16xf32, #tpu.memory_space<vmem>> -> memref<1x128x16xf32, #tpu.memory_space<vmem>>
    %dma_start3A_16 = tpu.memref_squeeze %dma_start3A_15 : memref<1x128x16xf32, #tpu.memory_space<vmem>> -> memref<128x16xf32, #tpu.memory_space<vmem>>
    %dma_start3A_17 = arith.constant 128 : i32
    %dma_start3A_18 = tpu.memref_slice %arg8[%dma_start3A_17] : memref<10240xi32, #tpu.memory_space<vmem>> -> memref<128xi32, #tpu.memory_space<vmem>>
    %dma_start3A_19 = arith.constant 0 : i32
    %dma_start3A_20 = arith.constant 0 : i32
    %dma_start3A_21 = tpu.memref_slice %arg2[%dma_start3A_19, %dma_start3A_20] : memref<10016x16xf32, #tpu.memory_space<hbm>> -> memref<10016x16xf32, #tpu.memory_space<hbm>>
    tpu.enqueue_indirect_dma source(%dma_start3A_21 : memref<10016x16xf32, #tpu.memory_space<hbm>>) target(%dma_start3A_16 : memref<128x16xf32, #tpu.memory_space<vmem>>) offsets(%dma_start3A_18 : memref<128xi32, #tpu.memory_space<vmem>>) semaphore(%arg13 : memref<!tpu.dma_semaphore, #tpu.memory_space<semaphore_mem>>)
    %dma_start3A_22 = arith.constant 2 : i32
    %dma_start3A_23 = arith.constant 0 : i32
    %dma_start3A_24 = arith.constant 0 : i32
    %dma_start3A_25 = tpu.memref_slice %arg10[%dma_start3A_22, %dma_start3A_23, %dma_start3A_24] : memref<8x128x16xf32, #tpu.memory_space<vmem>> -> memref<1x128x16xf32, #tpu.memory_space<vmem>>
    %dma_start3A_26 = tpu.memref_squeeze %dma_start3A_25 : memref<1x128x16xf32, #tpu.memory_space<vmem>> -> memref<128x16xf32, #tpu.memory_space<vmem>>
    %dma_start3A_27 = arith.constant 256 : i32
    %dma_start3A_28 = tpu.memref_slice %arg8[%dma_start3A_27] : memref<10240xi32, #tpu.memory_space<vmem>> -> memref<128xi32, #tpu.memory_space<vmem>>
    %dma_start3A_29 = arith.constant 0 : i32
    %dma_start3A_30 = arith.constant 0 : i32
    %dma_start3A_31 = tpu.memref_slice %arg2[%dma_start3A_29, %dma_start3A_30] : memref<10016x16xf32, #tpu.memory_space<hbm>> -> memref<10016x16xf32, #tpu.memory_space<hbm>>
    tpu.enqueue_indirect_dma source(%dma_start3A_31 : memref<10016x16xf32, #tpu.memory_space<hbm>>) target(%dma_start3A_26 : memref<128x16xf32, #tpu.memory_space<vmem>>) offsets(%dma_start3A_28 : memref<128xi32, #tpu.memory_space<vmem>>) semaphore(%arg13 : memref<!tpu.dma_semaphore, #tpu.memory_space<semaphore_mem>>)
    %dma_start3A_32 = arith.constant 3 : i32
    %dma_start3A_33 = arith.constant 0 : i32
    %dma_start3A_34 = arith.constant 0 : i32
    %dma_start3A_35 = tpu.memref_slice %arg10[%dma_start3A_32, %dma_start3A_33, %dma_start3A_34] : memref<8x128x16xf32, #tpu.memory_space<vmem>> -> memref<1x128x16xf32, #tpu.memory_space<vmem>>
    %dma_start3A_36 = tpu.memref_squeeze %dma_start3A_35 : memref<1x128x16xf32, #tpu.memory_space<vmem>> -> memref<128x16xf32, #tpu.memory_space<vmem>>
    %dma_start3A_37 = arith.constant 384 : i32
    %dma_start3A_38 = tpu.memref_slice %arg8[%dma_start3A_37] : memref<10240xi32, #tpu.memory_space<vmem>> -> memref<128xi32, #tpu.memory_space<vmem>>
    %dma_start3A_39 = arith.constant 0 : i32
    %dma_start3A_40 = arith.constant 0 : i32
    %dma_start3A_41 = tpu.memref_slice %arg2[%dma_start3A_39, %dma_start3A_40] : memref<10016x16xf32, #tpu.memory_space<hbm>> -> memref<10016x16xf32, #tpu.memory_space<hbm>>
    tpu.enqueue_indirect_dma source(%dma_start3A_41 : memref<10016x16xf32, #tpu.memory_space<hbm>>) target(%dma_start3A_36 : memref<128x16xf32, #tpu.memory_space<vmem>>) offsets(%dma_start3A_38 : memref<128xi32, #tpu.memory_space<vmem>>) semaphore(%arg13 : memref<!tpu.dma_semaphore, #tpu.memory_space<semaphore_mem>>)
    %dma_start3A_42 = arith.constant 4 : i32
    %dma_start3A_43 = arith.constant 0 : i32
    %dma_start3A_44 = arith.constant 0 : i32
    %dma_start3A_45 = tpu.memref_slice %arg10[%dma_start3A_42, %dma_start3A_43, %dma_start3A_44] : memref<8x128x16xf32, #tpu.memory_space<vmem>> -> memref<1x128x16xf32, #tpu.memory_space<vmem>>
    %dma_start3A_46 = tpu.memref_squeeze %dma_start3A_45 : memref<1x128x16xf32, #tpu.memory_space<vmem>> -> memref<128x16xf32, #tpu.memory_space<vmem>>
    %dma_start3A_47 = arith.constant 512 : i32
    %dma_start3A_48 = tpu.memref_slice %arg8[%dma_start3A_47] : memref<10240xi32, #tpu.memory_space<vmem>> -> memref<128xi32, #tpu.memory_space<vmem>>
    %dma_start3A_49 = arith.constant 0 : i32
    %dma_start3A_50 = arith.constant 0 : i32
    %dma_start3A_51 = tpu.memref_slice %arg2[%dma_start3A_49, %dma_start3A_50] : memref<10016x16xf32, #tpu.memory_space<hbm>> -> memref<10016x16xf32, #tpu.memory_space<hbm>>
    tpu.enqueue_indirect_dma source(%dma_start3A_51 : memref<10016x16xf32, #tpu.memory_space<hbm>>) target(%dma_start3A_46 : memref<128x16xf32, #tpu.memory_space<vmem>>) offsets(%dma_start3A_48 : memref<128xi32, #tpu.memory_space<vmem>>) semaphore(%arg13 : memref<!tpu.dma_semaphore, #tpu.memory_space<semaphore_mem>>)
    %dma_start3A_52 = arith.constant 5 : i32
    %dma_start3A_53 = arith.constant 0 : i32
    %dma_start3A_54 = arith.constant 0 : i32
    %dma_start3A_55 = tpu.memref_slice %arg10[%dma_start3A_52, %dma_start3A_53, %dma_start3A_54] : memref<8x128x16xf32, #tpu.memory_space<vmem>> -> memref<1x128x16xf32, #tpu.memory_space<vmem>>
    %dma_start3A_56 = tpu.memref_squeeze %dma_start3A_55 : memref<1x128x16xf32, #tpu.memory_space<vmem>> -> memref<128x16xf32, #tpu.memory_space<vmem>>
    %dma_start3A_57 = arith.constant 640 : i32
    %dma_start3A_58 = tpu.memref_slice %arg8[%dma_start3A_57] : memref<10240xi32, #tpu.memory_space<vmem>> -> memref<128xi32, #tpu.memory_space<vmem>>
    %dma_start3A_59 = arith.constant 0 : i32
    %dma_start3A_60 = arith.constant 0 : i32
    %dma_start3A_61 = tpu.memref_slice %arg2[%dma_start3A_59, %dma_start3A_60] : memref<10016x16xf32, #tpu.memory_space<hbm>> -> memref<10016x16xf32, #tpu.memory_space<hbm>>
    tpu.enqueue_indirect_dma source(%dma_start3A_61 : memref<10016x16xf32, #tpu.memory_space<hbm>>) target(%dma_start3A_56 : memref<128x16xf32, #tpu.memory_space<vmem>>) offsets(%dma_start3A_58 : memref<128xi32, #tpu.memory_space<vmem>>) semaphore(%arg13 : memref<!tpu.dma_semaphore, #tpu.memory_space<semaphore_mem>>)
    %dma_start3A_62 = arith.constant 6 : i32
    %dma_start3A_63 = arith.constant 0 : i32
    %dma_start3A_64 = arith.constant 0 : i32
    %dma_start3A_65 = tpu.memref_slice %arg10[%dma_start3A_62, %dma_start3A_63, %dma_start3A_64] : memref<8x128x16xf32, #tpu.memory_space<vmem>> -> memref<1x128x16xf32, #tpu.memory_space<vmem>>
    %dma_start3A_66 = tpu.memref_squeeze %dma_start3A_65 : memref<1x128x16xf32, #tpu.memory_space<vmem>> -> memref<128x16xf32, #tpu.memory_space<vmem>>
    %dma_start3A_67 = arith.constant 768 : i32
    %dma_start3A_68 = tpu.memref_slice %arg8[%dma_start3A_67] : memref<10240xi32, #tpu.memory_space<vmem>> -> memref<128xi32, #tpu.memory_space<vmem>>
    %dma_start3A_69 = arith.constant 0 : i32
    %dma_start3A_70 = arith.constant 0 : i32
    %dma_start3A_71 = tpu.memref_slice %arg2[%dma_start3A_69, %dma_start3A_70] : memref<10016x16xf32, #tpu.memory_space<hbm>> -> memref<10016x16xf32, #tpu.memory_space<hbm>>
    tpu.enqueue_indirect_dma source(%dma_start3A_71 : memref<10016x16xf32, #tpu.memory_space<hbm>>) target(%dma_start3A_66 : memref<128x16xf32, #tpu.memory_space<vmem>>) offsets(%dma_start3A_68 : memref<128xi32, #tpu.memory_space<vmem>>) semaphore(%arg13 : memref<!tpu.dma_semaphore, #tpu.memory_space<semaphore_mem>>)
    %dma_start3A_72 = arith.constant 7 : i32
    %dma_start3A_73 = arith.constant 0 : i32
    %dma_start3A_74 = arith.constant 0 : i32
    %dma_start3A_75 = tpu.memref_slice %arg10[%dma_start3A_72, %dma_start3A_73, %dma_start3A_74] : memref<8x128x16xf32, #tpu.memory_space<vmem>> -> memref<1x128x16xf32, #tpu.memory_space<vmem>>
    %dma_start3A_76 = tpu.memref_squeeze %dma_start3A_75 : memref<1x128x16xf32, #tpu.memory_space<vmem>> -> memref<128x16xf32, #tpu.memory_space<vmem>>
    %dma_start3A_77 = arith.constant 896 : i32
    %dma_start3A_78 = tpu.memref_slice %arg8[%dma_start3A_77] : memref<10240xi32, #tpu.memory_space<vmem>> -> memref<128xi32, #tpu.memory_space<vmem>>
    %dma_start3A_79 = arith.constant 0 : i32
    %dma_start3A_80 = arith.constant 0 : i32
    %dma_start3A_81 = tpu.memref_slice %arg2[%dma_start3A_79, %dma_start3A_80] : memref<10016x16xf32, #tpu.memory_space<hbm>> -> memref<10016x16xf32, #tpu.memory_space<hbm>>
    tpu.enqueue_indirect_dma source(%dma_start3A_81 : memref<10016x16xf32, #tpu.memory_space<hbm>>) target(%dma_start3A_76 : memref<128x16xf32, #tpu.memory_space<vmem>>) offsets(%dma_start3A_78 : memref<128xi32, #tpu.memory_space<vmem>>) semaphore(%arg13 : memref<!tpu.dma_semaphore, #tpu.memory_space<semaphore_mem>>)
    "tpu.region"() ({
      %run_scoped3A_116 = tpu.sem_alloc : memref<!tpu.dma_semaphore, #tpu.memory_space<semaphore_mem>>
      tpu.enqueue_dma source(%arg6 : memref<8x128x16xf32, #tpu.memory_space<hbm>>) target(%arg11 : memref<8x128x16xf32, #tpu.memory_space<vmem>>) target_semaphore(%run_scoped3A_116 : memref<!tpu.dma_semaphore, #tpu.memory_space<semaphore_mem>>)
      tpu.wait_dma2 semaphore(%run_scoped3A_116 : memref<!tpu.dma_semaphore, #tpu.memory_space<semaphore_mem>>) src(%arg6 : memref<8x128x16xf32, #tpu.memory_space<hbm>>) dst(%arg11 : memref<8x128x16xf32, #tpu.memory_space<vmem>>)
      tpu.yield
    }) : () -> ()
    %mul3A_82 = arith.constant 626 : i32
    %mul3A_83 = arith.muli %arg1, %mul3A_82 : i32
    %add3A_84 = arith.constant 0 : i32
    %add3A_85 = arith.addi %mul3A_83, %add3A_84 : i32
    %run_scoped3A = arith.constant 0 : i32
    "tpu.region"() ({
      %run_scoped3A_116 = tpu.sem_alloc : memref<!tpu.dma_semaphore, #tpu.memory_space<semaphore_mem>>
      %dma_start3A_117 = arith.constant 0 : i32
      %dma_start3A_118 = arith.constant 0 : i32
      %dma_start3A_119 = tpu.memref_slice %arg11[%run_scoped3A, %dma_start3A_117, %dma_start3A_118] : memref<8x128x16xf32, #tpu.memory_space<vmem>> -> memref<1x128x16xf32, #tpu.memory_space<vmem>>
      %dma_start3A_120 = tpu.memref_squeeze %dma_start3A_119 : memref<1x128x16xf32, #tpu.memory_space<vmem>> -> memref<128x16xf32, #tpu.memory_space<vmem>>
      %dma_start3A_121 = arith.constant 0 : i32
      %dma_start3A_122 = tpu.memref_slice %arg12[%add3A_85, %dma_start3A_121] : memref<10016x16xf32, #tpu.memory_space<vmem_shared>> -> memref<128x16xf32, #tpu.memory_space<vmem_shared>>
      %dma_start3A_123 = arith.constant 0 : i32
      %dma_start3A_124 = tpu.memref_slice %arg12[%add3A_85, %dma_start3A_123] : memref<10016x16xf32, #tpu.memory_space<vmem_shared>> -> memref<128x16xf32, #tpu.memory_space<vmem_shared>>
      %dma_start3A_125 = arith.constant 0 : i32
      %dma_start3A_126 = arith.constant 0 : i32
      %dma_start3A_127 = tpu.memref_slice %arg11[%run_scoped3A, %dma_start3A_125, %dma_start3A_126] : memref<8x128x16xf32, #tpu.memory_space<vmem>> -> memref<1x128x16xf32, #tpu.memory_space<vmem>>
      %dma_start3A_128 = tpu.memref_squeeze %dma_start3A_127 : memref<1x128x16xf32, #tpu.memory_space<vmem>> -> memref<128x16xf32, #tpu.memory_space<vmem>>
      tpu.enqueue_dma source(%dma_start3A_128 : memref<128x16xf32, #tpu.memory_space<vmem>>) target(%dma_start3A_124 : memref<128x16xf32, #tpu.memory_space<vmem_shared>>) target_semaphore(%run_scoped3A_116 : memref<!tpu.dma_semaphore, #tpu.memory_space<semaphore_mem>>)
      %dma_wait3A = arith.constant 0 : i32
      %dma_wait3A_129 = arith.constant 0 : i32
      %dma_wait3A_130 = tpu.memref_slice %arg11[%run_scoped3A, %dma_wait3A, %dma_wait3A_129] : memref<8x128x16xf32, #tpu.memory_space<vmem>> -> memref<1x128x16xf32, #tpu.memory_space<vmem>>
      %dma_wait3A_131 = tpu.memref_squeeze %dma_wait3A_130 : memref<1x128x16xf32, #tpu.memory_space<vmem>> -> memref<128x16xf32, #tpu.memory_space<vmem>>
      %dma_wait3A_132 = arith.constant 0 : i32
      %dma_wait3A_133 = tpu.memref_slice %arg12[%add3A_85, %dma_wait3A_132] : memref<10016x16xf32, #tpu.memory_space<vmem_shared>> -> memref<128x16xf32, #tpu.memory_space<vmem_shared>>
      %dma_wait3A_134 = arith.constant 0 : i32
      %dma_wait3A_135 = tpu.memref_slice %arg12[%add3A_85, %dma_wait3A_134] : memref<10016x16xf32, #tpu.memory_space<vmem_shared>> -> memref<128x16xf32, #tpu.memory_space<vmem_shared>>
      %dma_wait3A_136 = arith.constant 0 : i32
      %dma_wait3A_137 = arith.constant 0 : i32
      %dma_wait3A_138 = tpu.memref_slice %arg11[%run_scoped3A, %dma_wait3A_136, %dma_wait3A_137] : memref<8x128x16xf32, #tpu.memory_space<vmem>> -> memref<1x128x16xf32, #tpu.memory_space<vmem>>
      %dma_wait3A_139 = tpu.memref_squeeze %dma_wait3A_138 : memref<1x128x16xf32, #tpu.memory_space<vmem>> -> memref<128x16xf32, #tpu.memory_space<vmem>>
      tpu.wait_dma2 semaphore(%run_scoped3A_116 : memref<!tpu.dma_semaphore, #tpu.memory_space<semaphore_mem>>) src(%dma_wait3A_139 : memref<128x16xf32, #tpu.memory_space<vmem>>) dst(%dma_wait3A_135 : memref<128x16xf32, #tpu.memory_space<vmem_shared>>)
      tpu.yield
    }) : () -> ()
    %mul3A_86 = arith.constant 626 : i32
    %mul3A_87 = arith.muli %arg1, %mul3A_86 : i32
    %add3A_88 = arith.constant 128 : i32
    %add3A_89 = arith.addi %mul3A_87, %add3A_88 : i32
    %run_scoped3A_90 = arith.constant 1 : i32
    "tpu.region"() ({
      %run_scoped3A_116 = tpu.sem_alloc : memref<!tpu.dma_semaphore, #tpu.memory_space<semaphore_mem>>
      %dma_start3A_117 = arith.constant 0 : i32
      %dma_start3A_118 = arith.constant 0 : i32
      %dma_start3A_119 = tpu.memref_slice %arg11[%run_scoped3A_90, %dma_start3A_117, %dma_start3A_118] : memref<8x128x16xf32, #tpu.memory_space<vmem>> -> memref<1x128x16xf32, #tpu.memory_space<vmem>>
      %dma_start3A_120 = tpu.memref_squeeze %dma_start3A_119 : memref<1x128x16xf32, #tpu.memory_space<vmem>> -> memref<128x16xf32, #tpu.memory_space<vmem>>
      %dma_start3A_121 = arith.constant 0 : i32
      %dma_start3A_122 = tpu.memref_slice %arg12[%add3A_89, %dma_start3A_121] : memref<10016x16xf32, #tpu.memory_space<vmem_shared>> -> memref<128x16xf32, #tpu.memory_space<vmem_shared>>
      %dma_start3A_123 = arith.constant 0 : i32
      %dma_start3A_124 = tpu.memref_slice %arg12[%add3A_89, %dma_start3A_123] : memref<10016x16xf32, #tpu.memory_space<vmem_shared>> -> memref<128x16xf32, #tpu.memory_space<vmem_shared>>
      %dma_start3A_125 = arith.constant 0 : i32
      %dma_start3A_126 = arith.constant 0 : i32
      %dma_start3A_127 = tpu.memref_slice %arg11[%run_scoped3A_90, %dma_start3A_125, %dma_start3A_126] : memref<8x128x16xf32, #tpu.memory_space<vmem>> -> memref<1x128x16xf32, #tpu.memory_space<vmem>>
      %dma_start3A_128 = tpu.memref_squeeze %dma_start3A_127 : memref<1x128x16xf32, #tpu.memory_space<vmem>> -> memref<128x16xf32, #tpu.memory_space<vmem>>
      tpu.enqueue_dma source(%dma_start3A_128 : memref<128x16xf32, #tpu.memory_space<vmem>>) target(%dma_start3A_124 : memref<128x16xf32, #tpu.memory_space<vmem_shared>>) target_semaphore(%run_scoped3A_116 : memref<!tpu.dma_semaphore, #tpu.memory_space<semaphore_mem>>)
      %dma_wait3A = arith.constant 0 : i32
      %dma_wait3A_129 = arith.constant 0 : i32
      %dma_wait3A_130 = tpu.memref_slice %arg11[%run_scoped3A_90, %dma_wait3A, %dma_wait3A_129] : memref<8x128x16xf32, #tpu.memory_space<vmem>> -> memref<1x128x16xf32, #tpu.memory_space<vmem>>
      %dma_wait3A_131 = tpu.memref_squeeze %dma_wait3A_130 : memref<1x128x16xf32, #tpu.memory_space<vmem>> -> memref<128x16xf32, #tpu.memory_space<vmem>>
      %dma_wait3A_132 = arith.constant 0 : i32
      %dma_wait3A_133 = tpu.memref_slice %arg12[%add3A_89, %dma_wait3A_132] : memref<10016x16xf32, #tpu.memory_space<vmem_shared>> -> memref<128x16xf32, #tpu.memory_space<vmem_shared>>
      %dma_wait3A_134 = arith.constant 0 : i32
      %dma_wait3A_135 = tpu.memref_slice %arg12[%add3A_89, %dma_wait3A_134] : memref<10016x16xf32, #tpu.memory_space<vmem_shared>> -> memref<128x16xf32, #tpu.memory_space<vmem_shared>>
      %dma_wait3A_136 = arith.constant 0 : i32
      %dma_wait3A_137 = arith.constant 0 : i32
      %dma_wait3A_138 = tpu.memref_slice %arg11[%run_scoped3A_90, %dma_wait3A_136, %dma_wait3A_137] : memref<8x128x16xf32, #tpu.memory_space<vmem>> -> memref<1x128x16xf32, #tpu.memory_space<vmem>>
      %dma_wait3A_139 = tpu.memref_squeeze %dma_wait3A_138 : memref<1x128x16xf32, #tpu.memory_space<vmem>> -> memref<128x16xf32, #tpu.memory_space<vmem>>
      tpu.wait_dma2 semaphore(%run_scoped3A_116 : memref<!tpu.dma_semaphore, #tpu.memory_space<semaphore_mem>>) src(%dma_wait3A_139 : memref<128x16xf32, #tpu.memory_space<vmem>>) dst(%dma_wait3A_135 : memref<128x16xf32, #tpu.memory_space<vmem_shared>>)
      tpu.yield
    }) : () -> ()
    %mul3A_91 = arith.constant 626 : i32
    %mul3A_92 = arith.muli %arg1, %mul3A_91 : i32
    %add3A_93 = arith.constant 256 : i32
    %add3A_94 = arith.addi %mul3A_92, %add3A_93 : i32
    %run_scoped3A_95 = arith.constant 2 : i32
    "tpu.region"() ({
      %run_scoped3A_116 = tpu.sem_alloc : memref<!tpu.dma_semaphore, #tpu.memory_space<semaphore_mem>>
      %dma_start3A_117 = arith.constant 0 : i32
      %dma_start3A_118 = arith.constant 0 : i32
      %dma_start3A_119 = tpu.memref_slice %arg11[%run_scoped3A_95, %dma_start3A_117, %dma_start3A_118] : memref<8x128x16xf32, #tpu.memory_space<vmem>> -> memref<1x128x16xf32, #tpu.memory_space<vmem>>
      %dma_start3A_120 = tpu.memref_squeeze %dma_start3A_119 : memref<1x128x16xf32, #tpu.memory_space<vmem>> -> memref<128x16xf32, #tpu.memory_space<vmem>>
      %dma_start3A_121 = arith.constant 0 : i32
      %dma_start3A_122 = tpu.memref_slice %arg12[%add3A_94, %dma_start3A_121] : memref<10016x16xf32, #tpu.memory_space<vmem_shared>> -> memref<128x16xf32, #tpu.memory_space<vmem_shared>>
      %dma_start3A_123 = arith.constant 0 : i32
      %dma_start3A_124 = tpu.memref_slice %arg12[%add3A_94, %dma_start3A_123] : memref<10016x16xf32, #tpu.memory_space<vmem_shared>> -> memref<128x16xf32, #tpu.memory_space<vmem_shared>>
      %dma_start3A_125 = arith.constant 0 : i32
      %dma_start3A_126 = arith.constant 0 : i32
      %dma_start3A_127 = tpu.memref_slice %arg11[%run_scoped3A_95, %dma_start3A_125, %dma_start3A_126] : memref<8x128x16xf32, #tpu.memory_space<vmem>> -> memref<1x128x16xf32, #tpu.memory_space<vmem>>
      %dma_start3A_128 = tpu.memref_squeeze %dma_start3A_127 : memref<1x128x16xf32, #tpu.memory_space<vmem>> -> memref<128x16xf32, #tpu.memory_space<vmem>>
      tpu.enqueue_dma source(%dma_start3A_128 : memref<128x16xf32, #tpu.memory_space<vmem>>) target(%dma_start3A_124 : memref<128x16xf32, #tpu.memory_space<vmem_shared>>) target_semaphore(%run_scoped3A_116 : memref<!tpu.dma_semaphore, #tpu.memory_space<semaphore_mem>>)
      %dma_wait3A = arith.constant 0 : i32
      %dma_wait3A_129 = arith.constant 0 : i32
      %dma_wait3A_130 = tpu.memref_slice %arg11[%run_scoped3A_95, %dma_wait3A, %dma_wait3A_129] : memref<8x128x16xf32, #tpu.memory_space<vmem>> -> memref<1x128x16xf32, #tpu.memory_space<vmem>>
      %dma_wait3A_131 = tpu.memref_squeeze %dma_wait3A_130 : memref<1x128x16xf32, #tpu.memory_space<vmem>> -> memref<128x16xf32, #tpu.memory_space<vmem>>
      %dma_wait3A_132 = arith.constant 0 : i32
      %dma_wait3A_133 = tpu.memref_slice %arg12[%add3A_94, %dma_wait3A_132] : memref<10016x16xf32, #tpu.memory_space<vmem_shared>> -> memref<128x16xf32, #tpu.memory_space<vmem_shared>>
      %dma_wait3A_134 = arith.constant 0 : i32
      %dma_wait3A_135 = tpu.memref_slice %arg12[%add3A_94, %dma_wait3A_134] : memref<10016x16xf32, #tpu.memory_space<vmem_shared>> -> memref<128x16xf32, #tpu.memory_space<vmem_shared>>
      %dma_wait3A_136 = arith.constant 0 : i32
      %dma_wait3A_137 = arith.constant 0 : i32
      %dma_wait3A_138 = tpu.memref_slice %arg11[%run_scoped3A_95, %dma_wait3A_136, %dma_wait3A_137] : memref<8x128x16xf32, #tpu.memory_space<vmem>> -> memref<1x128x16xf32, #tpu.memory_space<vmem>>
      %dma_wait3A_139 = tpu.memref_squeeze %dma_wait3A_138 : memref<1x128x16xf32, #tpu.memory_space<vmem>> -> memref<128x16xf32, #tpu.memory_space<vmem>>
      tpu.wait_dma2 semaphore(%run_scoped3A_116 : memref<!tpu.dma_semaphore, #tpu.memory_space<semaphore_mem>>) src(%dma_wait3A_139 : memref<128x16xf32, #tpu.memory_space<vmem>>) dst(%dma_wait3A_135 : memref<128x16xf32, #tpu.memory_space<vmem_shared>>)
      tpu.yield
    }) : () -> ()
    %mul3A_96 = arith.constant 626 : i32
    %mul3A_97 = arith.muli %arg1, %mul3A_96 : i32
    %add3A_98 = arith.constant 384 : i32
    %add3A_99 = arith.addi %mul3A_97, %add3A_98 : i32
    %run_scoped3A_100 = arith.constant 3 : i32
    "tpu.region"() ({
      %run_scoped3A_116 = tpu.sem_alloc : memref<!tpu.dma_semaphore, #tpu.memory_space<semaphore_mem>>
      %dma_start3A_117 = arith.constant 0 : i32
      %dma_start3A_118 = arith.constant 0 : i32
      %dma_start3A_119 = tpu.memref_slice %arg11[%run_scoped3A_100, %dma_start3A_117, %dma_start3A_118] : memref<8x128x16xf32, #tpu.memory_space<vmem>> -> memref<1x128x16xf32, #tpu.memory_space<vmem>>
      %dma_start3A_120 = tpu.memref_squeeze %dma_start3A_119 : memref<1x128x16xf32, #tpu.memory_space<vmem>> -> memref<128x16xf32, #tpu.memory_space<vmem>>
      %dma_start3A_121 = arith.constant 0 : i32
      %dma_start3A_122 = tpu.memref_slice %arg12[%add3A_99, %dma_start3A_121] : memref<10016x16xf32, #tpu.memory_space<vmem_shared>> -> memref<128x16xf32, #tpu.memory_space<vmem_shared>>
      %dma_start3A_123 = arith.constant 0 : i32
      %dma_start3A_124 = tpu.memref_slice %arg12[%add3A_99, %dma_start3A_123] : memref<10016x16xf32, #tpu.memory_space<vmem_shared>> -> memref<128x16xf32, #tpu.memory_space<vmem_shared>>
      %dma_start3A_125 = arith.constant 0 : i32
      %dma_start3A_126 = arith.constant 0 : i32
      %dma_start3A_127 = tpu.memref_slice %arg11[%run_scoped3A_100, %dma_start3A_125, %dma_start3A_126] : memref<8x128x16xf32, #tpu.memory_space<vmem>> -> memref<1x128x16xf32, #tpu.memory_space<vmem>>
      %dma_start3A_128 = tpu.memref_squeeze %dma_start3A_127 : memref<1x128x16xf32, #tpu.memory_space<vmem>> -> memref<128x16xf32, #tpu.memory_space<vmem>>
      tpu.enqueue_dma source(%dma_start3A_128 : memref<128x16xf32, #tpu.memory_space<vmem>>) target(%dma_start3A_124 : memref<128x16xf32, #tpu.memory_space<vmem_shared>>) target_semaphore(%run_scoped3A_116 : memref<!tpu.dma_semaphore, #tpu.memory_space<semaphore_mem>>)
      %dma_wait3A = arith.constant 0 : i32
      %dma_wait3A_129 = arith.constant 0 : i32
      %dma_wait3A_130 = tpu.memref_slice %arg11[%run_scoped3A_100, %dma_wait3A, %dma_wait3A_129] : memref<8x128x16xf32, #tpu.memory_space<vmem>> -> memref<1x128x16xf32, #tpu.memory_space<vmem>>
      %dma_wait3A_131 = tpu.memref_squeeze %dma_wait3A_130 : memref<1x128x16xf32, #tpu.memory_space<vmem>> -> memref<128x16xf32, #tpu.memory_space<vmem>>
      %dma_wait3A_132 = arith.constant 0 : i32
      %dma_wait3A_133 = tpu.memref_slice %arg12[%add3A_99, %dma_wait3A_132] : memref<10016x16xf32, #tpu.memory_space<vmem_shared>> -> memref<128x16xf32, #tpu.memory_space<vmem_shared>>
      %dma_wait3A_134 = arith.constant 0 : i32
      %dma_wait3A_135 = tpu.memref_slice %arg12[%add3A_99, %dma_wait3A_134] : memref<10016x16xf32, #tpu.memory_space<vmem_shared>> -> memref<128x16xf32, #tpu.memory_space<vmem_shared>>
      %dma_wait3A_136 = arith.constant 0 : i32
      %dma_wait3A_137 = arith.constant 0 : i32
      %dma_wait3A_138 = tpu.memref_slice %arg11[%run_scoped3A_100, %dma_wait3A_136, %dma_wait3A_137] : memref<8x128x16xf32, #tpu.memory_space<vmem>> -> memref<1x128x16xf32, #tpu.memory_space<vmem>>
      %dma_wait3A_139 = tpu.memref_squeeze %dma_wait3A_138 : memref<1x128x16xf32, #tpu.memory_space<vmem>> -> memref<128x16xf32, #tpu.memory_space<vmem>>
      tpu.wait_dma2 semaphore(%run_scoped3A_116 : memref<!tpu.dma_semaphore, #tpu.memory_space<semaphore_mem>>) src(%dma_wait3A_139 : memref<128x16xf32, #tpu.memory_space<vmem>>) dst(%dma_wait3A_135 : memref<128x16xf32, #tpu.memory_space<vmem_shared>>)
      tpu.yield
    }) : () -> ()
    %mul3A_101 = arith.constant 626 : i32
    %mul3A_102 = arith.muli %arg1, %mul3A_101 : i32
    %add3A_103 = arith.constant 512 : i32
    %add3A_104 = arith.addi %mul3A_102, %add3A_103 : i32
    %run_scoped3A_105 = arith.constant 0 : i32
    "tpu.region"() ({
      %run_scoped3A_116 = tpu.sem_alloc : memref<!tpu.dma_semaphore, #tpu.memory_space<semaphore_mem>>
      %dma_start3A_117 = arith.constant 0 : i32
      %dma_start3A_118 = arith.constant 0 : i32
      %dma_start3A_119 = tpu.memref_slice %arg11[%run_scoped3A_105, %dma_start3A_117, %dma_start3A_118] : memref<8x128x16xf32, #tpu.memory_space<vmem>> -> memref<1x128x16xf32, #tpu.memory_space<vmem>>
      %dma_start3A_120 = tpu.memref_squeeze %dma_start3A_119 : memref<1x128x16xf32, #tpu.memory_space<vmem>> -> memref<128x16xf32, #tpu.memory_space<vmem>>
      %dma_start3A_121 = arith.constant 0 : i32
      %dma_start3A_122 = arith.constant 0 : i32
      %dma_start3A_123 = tpu.memref_slice %dma_start3A_120[%dma_start3A_121, %dma_start3A_122] : memref<128x16xf32, #tpu.memory_space<vmem>> -> memref<114x16xf32, #tpu.memory_space<vmem>>
      %dma_start3A_124 = arith.constant 0 : i32
      %dma_start3A_125 = tpu.memref_slice %arg12[%add3A_104, %dma_start3A_124] : memref<10016x16xf32, #tpu.memory_space<vmem_shared>> -> memref<114x16xf32, #tpu.memory_space<vmem_shared>>
      %dma_start3A_126 = arith.constant 0 : i32
      %dma_start3A_127 = tpu.memref_slice %arg12[%add3A_104, %dma_start3A_126] : memref<10016x16xf32, #tpu.memory_space<vmem_shared>> -> memref<114x16xf32, #tpu.memory_space<vmem_shared>>
      %dma_start3A_128 = arith.constant 0 : i32
      %dma_start3A_129 = arith.constant 0 : i32
      %dma_start3A_130 = tpu.memref_slice %arg11[%run_scoped3A_105, %dma_start3A_128, %dma_start3A_129] : memref<8x128x16xf32, #tpu.memory_space<vmem>> -> memref<1x128x16xf32, #tpu.memory_space<vmem>>
      %dma_start3A_131 = tpu.memref_squeeze %dma_start3A_130 : memref<1x128x16xf32, #tpu.memory_space<vmem>> -> memref<128x16xf32, #tpu.memory_space<vmem>>
      %dma_start3A_132 = arith.constant 0 : i32
      %dma_start3A_133 = arith.constant 0 : i32
      %dma_start3A_134 = tpu.memref_slice %dma_start3A_131[%dma_start3A_132, %dma_start3A_133] : memref<128x16xf32, #tpu.memory_space<vmem>> -> memref<114x16xf32, #tpu.memory_space<vmem>>
      tpu.enqueue_dma source(%dma_start3A_134 : memref<114x16xf32, #tpu.memory_space<vmem>>) target(%dma_start3A_127 : memref<114x16xf32, #tpu.memory_space<vmem_shared>>) target_semaphore(%run_scoped3A_116 : memref<!tpu.dma_semaphore, #tpu.memory_space<semaphore_mem>>)
      %dma_wait3A = arith.constant 0 : i32
      %dma_wait3A_135 = arith.constant 0 : i32
      %dma_wait3A_136 = tpu.memref_slice %arg11[%run_scoped3A_105, %dma_wait3A, %dma_wait3A_135] : memref<8x128x16xf32, #tpu.memory_space<vmem>> -> memref<1x128x16xf32, #tpu.memory_space<vmem>>
      %dma_wait3A_137 = tpu.memref_squeeze %dma_wait3A_136 : memref<1x128x16xf32, #tpu.memory_space<vmem>> -> memref<128x16xf32, #tpu.memory_space<vmem>>
      %dma_wait3A_138 = arith.constant 0 : i32
      %dma_wait3A_139 = arith.constant 0 : i32
      %dma_wait3A_140 = tpu.memref_slice %dma_wait3A_137[%dma_wait3A_138, %dma_wait3A_139] : memref<128x16xf32, #tpu.memory_space<vmem>> -> memref<114x16xf32, #tpu.memory_space<vmem>>
      %dma_wait3A_141 = arith.constant 0 : i32
      %dma_wait3A_142 = tpu.memref_slice %arg12[%add3A_104, %dma_wait3A_141] : memref<10016x16xf32, #tpu.memory_space<vmem_shared>> -> memref<114x16xf32, #tpu.memory_space<vmem_shared>>
      %dma_wait3A_143 = arith.constant 0 : i32
      %dma_wait3A_144 = tpu.memref_slice %arg12[%add3A_104, %dma_wait3A_143] : memref<10016x16xf32, #tpu.memory_space<vmem_shared>> -> memref<114x16xf32, #tpu.memory_space<vmem_shared>>
      %dma_wait3A_145 = arith.constant 0 : i32
      %dma_wait3A_146 = arith.constant 0 : i32
      %dma_wait3A_147 = tpu.memref_slice %arg11[%run_scoped3A_105, %dma_wait3A_145, %dma_wait3A_146] : memref<8x128x16xf32, #tpu.memory_space<vmem>> -> memref<1x128x16xf32, #tpu.memory_space<vmem>>
      %dma_wait3A_148 = tpu.memref_squeeze %dma_wait3A_147 : memref<1x128x16xf32, #tpu.memory_space<vmem>> -> memref<128x16xf32, #tpu.memory_space<vmem>>
      %dma_wait3A_149 = arith.constant 0 : i32
      %dma_wait3A_150 = arith.constant 0 : i32
      %dma_wait3A_151 = tpu.memref_slice %dma_wait3A_148[%dma_wait3A_149, %dma_wait3A_150] : memref<128x16xf32, #tpu.memory_space<vmem>> -> memref<114x16xf32, #tpu.memory_space<vmem>>
      tpu.wait_dma2 semaphore(%run_scoped3A_116 : memref<!tpu.dma_semaphore, #tpu.memory_space<semaphore_mem>>) src(%dma_wait3A_151 : memref<114x16xf32, #tpu.memory_space<vmem>>) dst(%dma_wait3A_144 : memref<114x16xf32, #tpu.memory_space<vmem_shared>>)
      tpu.yield
    }) : () -> ()
    %barrier3A = arith.constant 0 : index
    tpu.barrier barrier_id(%barrier3A)
    %scan3A = arith.constant 0 : i32
    %scan3A_106 = arith.constant 0 : i32
    %scan3A_107 = arith.constant 5 : i32
    %scan3A_108 = arith.addi %scan3A_106, %scan3A_107 : i32
    %scan3A_109 = arith.constant 1 : i32
    scf.for %scan3A_116 = %scan3A_106 to %scan3A_108 step %scan3A_109  : i32 {
      %mul3A_117 = arith.constant 2 : i32
      %mul3A_118 = arith.muli %mul3A_117, %scan3A_116 : i32
      %add3A_119 = arith.constant 1 : i32
      %add3A_120 = arith.addi %mul3A_118, %add3A_119 : i32
      %mul3A_121 = arith.constant 8 : i32
      %mul3A_122 = arith.muli %add3A_120, %mul3A_121 : i32
      %add3A_123 = arith.constant 0 : i32
      %add3A_124 = arith.addi %mul3A_122, %add3A_123 : i32
      %mul3A_125 = arith.constant 128 : i32
      %mul3A_126 = arith.muli %add3A_124, %mul3A_125 : i32
      %dma_start3A_127 = arith.constant 0 : i32
      %dma_start3A_128 = arith.constant 0 : i32
      %dma_start3A_129 = arith.constant 0 : i32
      %dma_start3A_130 = tpu.memref_slice %arg11[%dma_start3A_127, %dma_start3A_128, %dma_start3A_129] : memref<8x128x16xf32, #tpu.memory_space<vmem>> -> memref<1x128x16xf32, #tpu.memory_space<vmem>>
      %dma_start3A_131 = tpu.memref_squeeze %dma_start3A_130 : memref<1x128x16xf32, #tpu.memory_space<vmem>> -> memref<128x16xf32, #tpu.memory_space<vmem>>
      %dma_start3A_132 = tpu.memref_slice %arg8[%mul3A_126] : memref<10240xi32, #tpu.memory_space<vmem>> -> memref<128xi32, #tpu.memory_space<vmem>>
      %dma_start3A_133 = arith.constant 0 : i32
      %dma_start3A_134 = arith.constant 0 : i32
      %dma_start3A_135 = tpu.memref_slice %arg2[%dma_start3A_133, %dma_start3A_134] : memref<10016x16xf32, #tpu.memory_space<hbm>> -> memref<10016x16xf32, #tpu.memory_space<hbm>>
      tpu.enqueue_indirect_dma source(%dma_start3A_135 : memref<10016x16xf32, #tpu.memory_space<hbm>>) target(%dma_start3A_131 : memref<128x16xf32, #tpu.memory_space<vmem>>) offsets(%dma_start3A_132 : memref<128xi32, #tpu.memory_space<vmem>>) semaphore(%arg14 : memref<!tpu.dma_semaphore, #tpu.memory_space<semaphore_mem>>)
      %mul3A_136 = arith.constant 8 : i32
      %mul3A_137 = arith.muli %add3A_120, %mul3A_136 : i32
      %add3A_138 = arith.constant 1 : i32
      %add3A_139 = arith.addi %mul3A_137, %add3A_138 : i32
      %mul3A_140 = arith.constant 128 : i32
      %mul3A_141 = arith.muli %add3A_139, %mul3A_140 : i32
      %dma_start3A_142 = arith.constant 1 : i32
      %dma_start3A_143 = arith.constant 0 : i32
      %dma_start3A_144 = arith.constant 0 : i32
      %dma_start3A_145 = tpu.memref_slice %arg11[%dma_start3A_142, %dma_start3A_143, %dma_start3A_144] : memref<8x128x16xf32, #tpu.memory_space<vmem>> -> memref<1x128x16xf32, #tpu.memory_space<vmem>>
      %dma_start3A_146 = tpu.memref_squeeze %dma_start3A_145 : memref<1x128x16xf32, #tpu.memory_space<vmem>> -> memref<128x16xf32, #tpu.memory_space<vmem>>
      %dma_start3A_147 = tpu.memref_slice %arg8[%mul3A_141] : memref<10240xi32, #tpu.memory_space<vmem>> -> memref<128xi32, #tpu.memory_space<vmem>>
      %dma_start3A_148 = arith.constant 0 : i32
      %dma_start3A_149 = arith.constant 0 : i32
      %dma_start3A_150 = tpu.memref_slice %arg2[%dma_start3A_148, %dma_start3A_149] : memref<10016x16xf32, #tpu.memory_space<hbm>> -> memref<10016x16xf32, #tpu.memory_space<hbm>>
      tpu.enqueue_indirect_dma source(%dma_start3A_150 : memref<10016x16xf32, #tpu.memory_space<hbm>>) target(%dma_start3A_146 : memref<128x16xf32, #tpu.memory_space<vmem>>) offsets(%dma_start3A_147 : memref<128xi32, #tpu.memory_space<vmem>>) semaphore(%arg14 : memref<!tpu.dma_semaphore, #tpu.memory_space<semaphore_mem>>)
      %mul3A_151 = arith.constant 8 : i32
      %mul3A_152 = arith.muli %add3A_120, %mul3A_151 : i32
      %add3A_153 = arith.constant 2 : i32
      %add3A_154 = arith.addi %mul3A_152, %add3A_153 : i32
      %mul3A_155 = arith.constant 128 : i32
      %mul3A_156 = arith.muli %add3A_154, %mul3A_155 : i32
      %dma_start3A_157 = arith.constant 2 : i32
      %dma_start3A_158 = arith.constant 0 : i32
      %dma_start3A_159 = arith.constant 0 : i32
      %dma_start3A_160 = tpu.memref_slice %arg11[%dma_start3A_157, %dma_start3A_158, %dma_start3A_159] : memref<8x128x16xf32, #tpu.memory_space<vmem>> -> memref<1x128x16xf32, #tpu.memory_space<vmem>>
      %dma_start3A_161 = tpu.memref_squeeze %dma_start3A_160 : memref<1x128x16xf32, #tpu.memory_space<vmem>> -> memref<128x16xf32, #tpu.memory_space<vmem>>
      %dma_start3A_162 = tpu.memref_slice %arg8[%mul3A_156] : memref<10240xi32, #tpu.memory_space<vmem>> -> memref<128xi32, #tpu.memory_space<vmem>>
      %dma_start3A_163 = arith.constant 0 : i32
      %dma_start3A_164 = arith.constant 0 : i32
      %dma_start3A_165 = tpu.memref_slice %arg2[%dma_start3A_163, %dma_start3A_164] : memref<10016x16xf32, #tpu.memory_space<hbm>> -> memref<10016x16xf32, #tpu.memory_space<hbm>>
      tpu.enqueue_indirect_dma source(%dma_start3A_165 : memref<10016x16xf32, #tpu.memory_space<hbm>>) target(%dma_start3A_161 : memref<128x16xf32, #tpu.memory_space<vmem>>) offsets(%dma_start3A_162 : memref<128xi32, #tpu.memory_space<vmem>>) semaphore(%arg14 : memref<!tpu.dma_semaphore, #tpu.memory_space<semaphore_mem>>)
      %mul3A_166 = arith.constant 8 : i32
      %mul3A_167 = arith.muli %add3A_120, %mul3A_166 : i32
      %add3A_168 = arith.constant 3 : i32
      %add3A_169 = arith.addi %mul3A_167, %add3A_168 : i32
      %mul3A_170 = arith.constant 128 : i32
      %mul3A_171 = arith.muli %add3A_169, %mul3A_170 : i32
      %dma_start3A_172 = arith.constant 3 : i32
      %dma_start3A_173 = arith.constant 0 : i32
      %dma_start3A_174 = arith.constant 0 : i32
      %dma_start3A_175 = tpu.memref_slice %arg11[%dma_start3A_172, %dma_start3A_173, %dma_start3A_174] : memref<8x128x16xf32, #tpu.memory_space<vmem>> -> memref<1x128x16xf32, #tpu.memory_space<vmem>>
      %dma_start3A_176 = tpu.memref_squeeze %dma_start3A_175 : memref<1x128x16xf32, #tpu.memory_space<vmem>> -> memref<128x16xf32, #tpu.memory_space<vmem>>
      %dma_start3A_177 = tpu.memref_slice %arg8[%mul3A_171] : memref<10240xi32, #tpu.memory_space<vmem>> -> memref<128xi32, #tpu.memory_space<vmem>>
      %dma_start3A_178 = arith.constant 0 : i32
      %dma_start3A_179 = arith.constant 0 : i32
      %dma_start3A_180 = tpu.memref_slice %arg2[%dma_start3A_178, %dma_start3A_179] : memref<10016x16xf32, #tpu.memory_space<hbm>> -> memref<10016x16xf32, #tpu.memory_space<hbm>>
      tpu.enqueue_indirect_dma source(%dma_start3A_180 : memref<10016x16xf32, #tpu.memory_space<hbm>>) target(%dma_start3A_176 : memref<128x16xf32, #tpu.memory_space<vmem>>) offsets(%dma_start3A_177 : memref<128xi32, #tpu.memory_space<vmem>>) semaphore(%arg14 : memref<!tpu.dma_semaphore, #tpu.memory_space<semaphore_mem>>)
      %mul3A_181 = arith.constant 8 : i32
      %mul3A_182 = arith.muli %add3A_120, %mul3A_181 : i32
      %add3A_183 = arith.constant 4 : i32
      %add3A_184 = arith.addi %mul3A_182, %add3A_183 : i32
      %mul3A_185 = arith.constant 128 : i32
      %mul3A_186 = arith.muli %add3A_184, %mul3A_185 : i32
      %dma_start3A_187 = arith.constant 4 : i32
      %dma_start3A_188 = arith.constant 0 : i32
      %dma_start3A_189 = arith.constant 0 : i32
      %dma_start3A_190 = tpu.memref_slice %arg11[%dma_start3A_187, %dma_start3A_188, %dma_start3A_189] : memref<8x128x16xf32, #tpu.memory_space<vmem>> -> memref<1x128x16xf32, #tpu.memory_space<vmem>>
      %dma_start3A_191 = tpu.memref_squeeze %dma_start3A_190 : memref<1x128x16xf32, #tpu.memory_space<vmem>> -> memref<128x16xf32, #tpu.memory_space<vmem>>
      %dma_start3A_192 = tpu.memref_slice %arg8[%mul3A_186] : memref<10240xi32, #tpu.memory_space<vmem>> -> memref<128xi32, #tpu.memory_space<vmem>>
      %dma_start3A_193 = arith.constant 0 : i32
      %dma_start3A_194 = arith.constant 0 : i32
      %dma_start3A_195 = tpu.memref_slice %arg2[%dma_start3A_193, %dma_start3A_194] : memref<10016x16xf32, #tpu.memory_space<hbm>> -> memref<10016x16xf32, #tpu.memory_space<hbm>>
      tpu.enqueue_indirect_dma source(%dma_start3A_195 : memref<10016x16xf32, #tpu.memory_space<hbm>>) target(%dma_start3A_191 : memref<128x16xf32, #tpu.memory_space<vmem>>) offsets(%dma_start3A_192 : memref<128xi32, #tpu.memory_space<vmem>>) semaphore(%arg14 : memref<!tpu.dma_semaphore, #tpu.memory_space<semaphore_mem>>)
      %mul3A_196 = arith.constant 8 : i32
      %mul3A_197 = arith.muli %add3A_120, %mul3A_196 : i32
      %add3A_198 = arith.constant 5 : i32
      %add3A_199 = arith.addi %mul3A_197, %add3A_198 : i32
      %mul3A_200 = arith.constant 128 : i32
      %mul3A_201 = arith.muli %add3A_199, %mul3A_200 : i32
      %dma_start3A_202 = arith.constant 5 : i32
      %dma_start3A_203 = arith.constant 0 : i32
      %dma_start3A_204 = arith.constant 0 : i32
      %dma_start3A_205 = tpu.memref_slice %arg11[%dma_start3A_202, %dma_start3A_203, %dma_start3A_204] : memref<8x128x16xf32, #tpu.memory_space<vmem>> -> memref<1x128x16xf32, #tpu.memory_space<vmem>>
      %dma_start3A_206 = tpu.memref_squeeze %dma_start3A_205 : memref<1x128x16xf32, #tpu.memory_space<vmem>> -> memref<128x16xf32, #tpu.memory_space<vmem>>
      %dma_start3A_207 = tpu.memref_slice %arg8[%mul3A_201] : memref<10240xi32, #tpu.memory_space<vmem>> -> memref<128xi32, #tpu.memory_space<vmem>>
      %dma_start3A_208 = arith.constant 0 : i32
      %dma_start3A_209 = arith.constant 0 : i32
      %dma_start3A_210 = tpu.memref_slice %arg2[%dma_start3A_208, %dma_start3A_209] : memref<10016x16xf32, #tpu.memory_space<hbm>> -> memref<10016x16xf32, #tpu.memory_space<hbm>>
      tpu.enqueue_indirect_dma source(%dma_start3A_210 : memref<10016x16xf32, #tpu.memory_space<hbm>>) target(%dma_start3A_206 : memref<128x16xf32, #tpu.memory_space<vmem>>) offsets(%dma_start3A_207 : memref<128xi32, #tpu.memory_space<vmem>>) semaphore(%arg14 : memref<!tpu.dma_semaphore, #tpu.memory_space<semaphore_mem>>)
      %mul3A_211 = arith.constant 8 : i32
      %mul3A_212 = arith.muli %add3A_120, %mul3A_211 : i32
      %add3A_213 = arith.constant 6 : i32
      %add3A_214 = arith.addi %mul3A_212, %add3A_213 : i32
      %mul3A_215 = arith.constant 128 : i32
      %mul3A_216 = arith.muli %add3A_214, %mul3A_215 : i32
      %dma_start3A_217 = arith.constant 6 : i32
      %dma_start3A_218 = arith.constant 0 : i32
      %dma_start3A_219 = arith.constant 0 : i32
      %dma_start3A_220 = tpu.memref_slice %arg11[%dma_start3A_217, %dma_start3A_218, %dma_start3A_219] : memref<8x128x16xf32, #tpu.memory_space<vmem>> -> memref<1x128x16xf32, #tpu.memory_space<vmem>>
      %dma_start3A_221 = tpu.memref_squeeze %dma_start3A_220 : memref<1x128x16xf32, #tpu.memory_space<vmem>> -> memref<128x16xf32, #tpu.memory_space<vmem>>
      %dma_start3A_222 = tpu.memref_slice %arg8[%mul3A_216] : memref<10240xi32, #tpu.memory_space<vmem>> -> memref<128xi32, #tpu.memory_space<vmem>>
      %dma_start3A_223 = arith.constant 0 : i32
      %dma_start3A_224 = arith.constant 0 : i32
      %dma_start3A_225 = tpu.memref_slice %arg2[%dma_start3A_223, %dma_start3A_224] : memref<10016x16xf32, #tpu.memory_space<hbm>> -> memref<10016x16xf32, #tpu.memory_space<hbm>>
      tpu.enqueue_indirect_dma source(%dma_start3A_225 : memref<10016x16xf32, #tpu.memory_space<hbm>>) target(%dma_start3A_221 : memref<128x16xf32, #tpu.memory_space<vmem>>) offsets(%dma_start3A_222 : memref<128xi32, #tpu.memory_space<vmem>>) semaphore(%arg14 : memref<!tpu.dma_semaphore, #tpu.memory_space<semaphore_mem>>)
      %mul3A_226 = arith.constant 8 : i32
      %mul3A_227 = arith.muli %add3A_120, %mul3A_226 : i32
      %add3A_228 = arith.constant 7 : i32
      %add3A_229 = arith.addi %mul3A_227, %add3A_228 : i32
      %mul3A_230 = arith.constant 128 : i32
      %mul3A_231 = arith.muli %add3A_229, %mul3A_230 : i32
      %dma_start3A_232 = arith.constant 7 : i32
      %dma_start3A_233 = arith.constant 0 : i32
      %dma_start3A_234 = arith.constant 0 : i32
      %dma_start3A_235 = tpu.memref_slice %arg11[%dma_start3A_232, %dma_start3A_233, %dma_start3A_234] : memref<8x128x16xf32, #tpu.memory_space<vmem>> -> memref<1x128x16xf32, #tpu.memory_space<vmem>>
      %dma_start3A_236 = tpu.memref_squeeze %dma_start3A_235 : memref<1x128x16xf32, #tpu.memory_space<vmem>> -> memref<128x16xf32, #tpu.memory_space<vmem>>
      %dma_start3A_237 = tpu.memref_slice %arg8[%mul3A_231] : memref<10240xi32, #tpu.memory_space<vmem>> -> memref<128xi32, #tpu.memory_space<vmem>>
      %dma_start3A_238 = arith.constant 0 : i32
      %dma_start3A_239 = arith.constant 0 : i32
      %dma_start3A_240 = tpu.memref_slice %arg2[%dma_start3A_238, %dma_start3A_239] : memref<10016x16xf32, #tpu.memory_space<hbm>> -> memref<10016x16xf32, #tpu.memory_space<hbm>>
      tpu.enqueue_indirect_dma source(%dma_start3A_240 : memref<10016x16xf32, #tpu.memory_space<hbm>>) target(%dma_start3A_236 : memref<128x16xf32, #tpu.memory_space<vmem>>) offsets(%dma_start3A_237 : memref<128xi32, #tpu.memory_space<vmem>>) semaphore(%arg14 : memref<!tpu.dma_semaphore, #tpu.memory_space<semaphore_mem>>)
      %dma_wait3A = arith.constant 0 : i32
      %dma_wait3A_241 = arith.constant 0 : i32
      %dma_wait3A_242 = arith.constant 0 : i32
      %dma_wait3A_243 = tpu.memref_slice %arg10[%dma_wait3A, %dma_wait3A_241, %dma_wait3A_242] : memref<8x128x16xf32, #tpu.memory_space<vmem>> -> memref<1x128x16xf32, #tpu.memory_space<vmem>>
      %dma_wait3A_244 = tpu.memref_squeeze %dma_wait3A_243 : memref<1x128x16xf32, #tpu.memory_space<vmem>> -> memref<128x16xf32, #tpu.memory_space<vmem>>
      %dma_wait3A_245 = arith.constant 0 : i32
      %dma_wait3A_246 = tpu.memref_slice %arg8[%dma_wait3A_245] : memref<10240xi32, #tpu.memory_space<vmem>> -> memref<128xi32, #tpu.memory_space<vmem>>
      %dma_wait3A_247 = arith.constant 0 : i32
      %dma_wait3A_248 = arith.constant 0 : i32
      %dma_wait3A_249 = tpu.memref_slice %arg2[%dma_wait3A_247, %dma_wait3A_248] : memref<10016x16xf32, #tpu.memory_space<hbm>> -> memref<10016x16xf32, #tpu.memory_space<hbm>>
      tpu.wait_indirect_dma semaphore(%arg13 : memref<!tpu.dma_semaphore, #tpu.memory_space<semaphore_mem>>) src(%dma_wait3A_249 : memref<10016x16xf32, #tpu.memory_space<hbm>>) dst(%dma_wait3A_244 : memref<128x16xf32, #tpu.memory_space<vmem>>)
      %dma_wait3A_250 = arith.constant 0 : i32
      %dma_wait3A_251 = arith.constant 0 : i32
      %dma_wait3A_252 = arith.constant 0 : i32
      %dma_wait3A_253 = tpu.memref_slice %arg10[%dma_wait3A_250, %dma_wait3A_251, %dma_wait3A_252] : memref<8x128x16xf32, #tpu.memory_space<vmem>> -> memref<1x128x16xf32, #tpu.memory_space<vmem>>
      %dma_wait3A_254 = tpu.memref_squeeze %dma_wait3A_253 : memref<1x128x16xf32, #tpu.memory_space<vmem>> -> memref<128x16xf32, #tpu.memory_space<vmem>>
      %dma_wait3A_255 = arith.constant 0 : i32
      %dma_wait3A_256 = tpu.memref_slice %arg8[%dma_wait3A_255] : memref<10240xi32, #tpu.memory_space<vmem>> -> memref<128xi32, #tpu.memory_space<vmem>>
      %dma_wait3A_257 = arith.constant 0 : i32
      %dma_wait3A_258 = arith.constant 0 : i32
      %dma_wait3A_259 = tpu.memref_slice %arg2[%dma_wait3A_257, %dma_wait3A_258] : memref<10016x16xf32, #tpu.memory_space<hbm>> -> memref<10016x16xf32, #tpu.memory_space<hbm>>
      tpu.wait_indirect_dma semaphore(%arg13 : memref<!tpu.dma_semaphore, #tpu.memory_space<semaphore_mem>>) src(%dma_wait3A_259 : memref<10016x16xf32, #tpu.memory_space<hbm>>) dst(%dma_wait3A_254 : memref<128x16xf32, #tpu.memory_space<vmem>>)
      %dma_wait3A_260 = arith.constant 0 : i32
      %dma_wait3A_261 = arith.constant 0 : i32
      %dma_wait3A_262 = arith.constant 0 : i32
      %dma_wait3A_263 = tpu.memref_slice %arg10[%dma_wait3A_260, %dma_wait3A_261, %dma_wait3A_262] : memref<8x128x16xf32, #tpu.memory_space<vmem>> -> memref<1x128x16xf32, #tpu.memory_space<vmem>>
      %dma_wait3A_264 = tpu.memref_squeeze %dma_wait3A_263 : memref<1x128x16xf32, #tpu.memory_space<vmem>> -> memref<128x16xf32, #tpu.memory_space<vmem>>
      %dma_wait3A_265 = arith.constant 0 : i32
      %dma_wait3A_266 = tpu.memref_slice %arg8[%dma_wait3A_265] : memref<10240xi32, #tpu.memory_space<vmem>> -> memref<128xi32, #tpu.memory_space<vmem>>
      %dma_wait3A_267 = arith.constant 0 : i32
      %dma_wait3A_268 = arith.constant 0 : i32
      %dma_wait3A_269 = tpu.memref_slice %arg2[%dma_wait3A_267, %dma_wait3A_268] : memref<10016x16xf32, #tpu.memory_space<hbm>> -> memref<10016x16xf32, #tpu.memory_space<hbm>>
      tpu.wait_indirect_dma semaphore(%arg13 : memref<!tpu.dma_semaphore, #tpu.memory_space<semaphore_mem>>) src(%dma_wait3A_269 : memref<10016x16xf32, #tpu.memory_space<hbm>>) dst(%dma_wait3A_264 : memref<128x16xf32, #tpu.memory_space<vmem>>)
      %dma_wait3A_270 = arith.constant 0 : i32
      %dma_wait3A_271 = arith.constant 0 : i32
      %dma_wait3A_272 = arith.constant 0 : i32
      %dma_wait3A_273 = tpu.memref_slice %arg10[%dma_wait3A_270, %dma_wait3A_271, %dma_wait3A_272] : memref<8x128x16xf32, #tpu.memory_space<vmem>> -> memref<1x128x16xf32, #tpu.memory_space<vmem>>
      %dma_wait3A_274 = tpu.memref_squeeze %dma_wait3A_273 : memref<1x128x16xf32, #tpu.memory_space<vmem>> -> memref<128x16xf32, #tpu.memory_space<vmem>>
      %dma_wait3A_275 = arith.constant 0 : i32
      %dma_wait3A_276 = tpu.memref_slice %arg8[%dma_wait3A_275] : memref<10240xi32, #tpu.memory_space<vmem>> -> memref<128xi32, #tpu.memory_space<vmem>>
      %dma_wait3A_277 = arith.constant 0 : i32
      %dma_wait3A_278 = arith.constant 0 : i32
      %dma_wait3A_279 = tpu.memref_slice %arg2[%dma_wait3A_277, %dma_wait3A_278] : memref<10016x16xf32, #tpu.memory_space<hbm>> -> memref<10016x16xf32, #tpu.memory_space<hbm>>
      tpu.wait_indirect_dma semaphore(%arg13 : memref<!tpu.dma_semaphore, #tpu.memory_space<semaphore_mem>>) src(%dma_wait3A_279 : memref<10016x16xf32, #tpu.memory_space<hbm>>) dst(%dma_wait3A_274 : memref<128x16xf32, #tpu.memory_space<vmem>>)
      %dma_wait3A_280 = arith.constant 0 : i32
      %dma_wait3A_281 = arith.constant 0 : i32
      %dma_wait3A_282 = arith.constant 0 : i32
      %dma_wait3A_283 = tpu.memref_slice %arg10[%dma_wait3A_280, %dma_wait3A_281, %dma_wait3A_282] : memref<8x128x16xf32, #tpu.memory_space<vmem>> -> memref<1x128x16xf32, #tpu.memory_space<vmem>>
      %dma_wait3A_284 = tpu.memref_squeeze %dma_wait3A_283 : memref<1x128x16xf32, #tpu.memory_space<vmem>> -> memref<128x16xf32, #tpu.memory_space<vmem>>
      %dma_wait3A_285 = arith.constant 0 : i32
      %dma_wait3A_286 = tpu.memref_slice %arg8[%dma_wait3A_285] : memref<10240xi32, #tpu.memory_space<vmem>> -> memref<128xi32, #tpu.memory_space<vmem>>
      %dma_wait3A_287 = arith.constant 0 : i32
      %dma_wait3A_288 = arith.constant 0 : i32
      %dma_wait3A_289 = tpu.memref_slice %arg2[%dma_wait3A_287, %dma_wait3A_288] : memref<10016x16xf32, #tpu.memory_space<hbm>> -> memref<10016x16xf32, #tpu.memory_space<hbm>>
      tpu.wait_indirect_dma semaphore(%arg13 : memref<!tpu.dma_semaphore, #tpu.memory_space<semaphore_mem>>) src(%dma_wait3A_289 : memref<10016x16xf32, #tpu.memory_space<hbm>>) dst(%dma_wait3A_284 : memref<128x16xf32, #tpu.memory_space<vmem>>)
      %dma_wait3A_290 = arith.constant 0 : i32
      %dma_wait3A_291 = arith.constant 0 : i32
      %dma_wait3A_292 = arith.constant 0 : i32
      %dma_wait3A_293 = tpu.memref_slice %arg10[%dma_wait3A_290, %dma_wait3A_291, %dma_wait3A_292] : memref<8x128x16xf32, #tpu.memory_space<vmem>> -> memref<1x128x16xf32, #tpu.memory_space<vmem>>
      %dma_wait3A_294 = tpu.memref_squeeze %dma_wait3A_293 : memref<1x128x16xf32, #tpu.memory_space<vmem>> -> memref<128x16xf32, #tpu.memory_space<vmem>>
      %dma_wait3A_295 = arith.constant 0 : i32
      %dma_wait3A_296 = tpu.memref_slice %arg8[%dma_wait3A_295] : memref<10240xi32, #tpu.memory_space<vmem>> -> memref<128xi32, #tpu.memory_space<vmem>>
      %dma_wait3A_297 = arith.constant 0 : i32
      %dma_wait3A_298 = arith.constant 0 : i32
      %dma_wait3A_299 = tpu.memref_slice %arg2[%dma_wait3A_297, %dma_wait3A_298] : memref<10016x16xf32, #tpu.memory_space<hbm>> -> memref<10016x16xf32, #tpu.memory_space<hbm>>
      tpu.wait_indirect_dma semaphore(%arg13 : memref<!tpu.dma_semaphore, #tpu.memory_space<semaphore_mem>>) src(%dma_wait3A_299 : memref<10016x16xf32, #tpu.memory_space<hbm>>) dst(%dma_wait3A_294 : memref<128x16xf32, #tpu.memory_space<vmem>>)
      %dma_wait3A_300 = arith.constant 0 : i32
      %dma_wait3A_301 = arith.constant 0 : i32
      %dma_wait3A_302 = arith.constant 0 : i32
      %dma_wait3A_303 = tpu.memref_slice %arg10[%dma_wait3A_300, %dma_wait3A_301, %dma_wait3A_302] : memref<8x128x16xf32, #tpu.memory_space<vmem>> -> memref<1x128x16xf32, #tpu.memory_space<vmem>>
      %dma_wait3A_304 = tpu.memref_squeeze %dma_wait3A_303 : memref<1x128x16xf32, #tpu.memory_space<vmem>> -> memref<128x16xf32, #tpu.memory_space<vmem>>
      %dma_wait3A_305 = arith.constant 0 : i32
      %dma_wait3A_306 = tpu.memref_slice %arg8[%dma_wait3A_305] : memref<10240xi32, #tpu.memory_space<vmem>> -> memref<128xi32, #tpu.memory_space<vmem>>
      %dma_wait3A_307 = arith.constant 0 : i32
      %dma_wait3A_308 = arith.constant 0 : i32
      %dma_wait3A_309 = tpu.memref_slice %arg2[%dma_wait3A_307, %dma_wait3A_308] : memref<10016x16xf32, #tpu.memory_space<hbm>> -> memref<10016x16xf32, #tpu.memory_space<hbm>>
      tpu.wait_indirect_dma semaphore(%arg13 : memref<!tpu.dma_semaphore, #tpu.memory_space<semaphore_mem>>) src(%dma_wait3A_309 : memref<10016x16xf32, #tpu.memory_space<hbm>>) dst(%dma_wait3A_304 : memref<128x16xf32, #tpu.memory_space<vmem>>)
      %dma_wait3A_310 = arith.constant 0 : i32
      %dma_wait3A_311 = arith.constant 0 : i32
      %dma_wait3A_312 = arith.constant 0 : i32
      %dma_wait3A_313 = tpu.memref_slice %arg10[%dma_wait3A_310, %dma_wait3A_311, %dma_wait3A_312] : memref<8x128x16xf32, #tpu.memory_space<vmem>> -> memref<1x128x16xf32, #tpu.memory_space<vmem>>
      %dma_wait3A_314 = tpu.memref_squeeze %dma_wait3A_313 : memref<1x128x16xf32, #tpu.memory_space<vmem>> -> memref<128x16xf32, #tpu.memory_space<vmem>>
      %dma_wait3A_315 = arith.constant 0 : i32
      %dma_wait3A_316 = tpu.memref_slice %arg8[%dma_wait3A_315] : memref<10240xi32, #tpu.memory_space<vmem>> -> memref<128xi32, #tpu.memory_space<vmem>>
      %dma_wait3A_317 = arith.constant 0 : i32
      %dma_wait3A_318 = arith.constant 0 : i32
      %dma_wait3A_319 = tpu.memref_slice %arg2[%dma_wait3A_317, %dma_wait3A_318] : memref<10016x16xf32, #tpu.memory_space<hbm>> -> memref<10016x16xf32, #tpu.memory_space<hbm>>
      tpu.wait_indirect_dma semaphore(%arg13 : memref<!tpu.dma_semaphore, #tpu.memory_space<semaphore_mem>>) src(%dma_wait3A_319 : memref<10016x16xf32, #tpu.memory_space<hbm>>) dst(%dma_wait3A_314 : memref<128x16xf32, #tpu.memory_space<vmem>>)
      %mul3A_320 = arith.constant 8 : i32
      %mul3A_321 = arith.muli %mul3A_118, %mul3A_320 : i32
      %add3A_322 = arith.constant 0 : i32
      %add3A_323 = arith.addi %mul3A_321, %add3A_322 : i32
      %mul3A_324 = arith.constant 128 : i32
      %mul3A_325 = arith.muli %add3A_323, %mul3A_324 : i32
      %dma_start3A_326 = arith.constant 0 : i32
      %dma_start3A_327 = arith.constant 0 : i32
      %dma_start3A_328 = arith.constant 0 : i32
      %dma_start3A_329 = tpu.memref_slice %arg10[%dma_start3A_326, %dma_start3A_327, %dma_start3A_328] : memref<8x128x16xf32, #tpu.memory_space<vmem>> -> memref<1x128x16xf32, #tpu.memory_space<vmem>>
      %dma_start3A_330 = tpu.memref_squeeze %dma_start3A_329 : memref<1x128x16xf32, #tpu.memory_space<vmem>> -> memref<128x16xf32, #tpu.memory_space<vmem>>
      %dma_start3A_331 = tpu.memref_slice %arg9[%mul3A_325] : memref<10240xi32, #tpu.memory_space<vmem>> -> memref<128xi32, #tpu.memory_space<vmem>>
      %dma_start3A_332 = arith.constant 0 : i32
      %dma_start3A_333 = arith.constant 0 : i32
      %dma_start3A_334 = tpu.memref_slice %arg12[%dma_start3A_332, %dma_start3A_333] : memref<10016x16xf32, #tpu.memory_space<vmem_shared>> -> memref<10016x16xf32, #tpu.memory_space<vmem_shared>>
      tpu.enqueue_indirect_dma source(%dma_start3A_330 : memref<128x16xf32, #tpu.memory_space<vmem>>) target(%dma_start3A_334 : memref<10016x16xf32, #tpu.memory_space<vmem_shared>>) offsets(%dma_start3A_331 : memref<128xi32, #tpu.memory_space<vmem>>) semaphore(%arg15 : memref<!tpu.dma_semaphore, #tpu.memory_space<semaphore_mem>>) {add = true}
      %mul3A_335 = arith.constant 8 : i32
      %mul3A_336 = arith.muli %mul3A_118, %mul3A_335 : i32
      %add3A_337 = arith.constant 1 : i32
      %add3A_338 = arith.addi %mul3A_336, %add3A_337 : i32
      %mul3A_339 = arith.constant 128 : i32
      %mul3A_340 = arith.muli %add3A_338, %mul3A_339 : i32
      %dma_start3A_341 = arith.constant 1 : i32
      %dma_start3A_342 = arith.constant 0 : i32
      %dma_start3A_343 = arith.constant 0 : i32
      %dma_start3A_344 = tpu.memref_slice %arg10[%dma_start3A_341, %dma_start3A_342, %dma_start3A_343] : memref<8x128x16xf32, #tpu.memory_space<vmem>> -> memref<1x128x16xf32, #tpu.memory_space<vmem>>
      %dma_start3A_345 = tpu.memref_squeeze %dma_start3A_344 : memref<1x128x16xf32, #tpu.memory_space<vmem>> -> memref<128x16xf32, #tpu.memory_space<vmem>>
      %dma_start3A_346 = tpu.memref_slice %arg9[%mul3A_340] : memref<10240xi32, #tpu.memory_space<vmem>> -> memref<128xi32, #tpu.memory_space<vmem>>
      %dma_start3A_347 = arith.constant 0 : i32
      %dma_start3A_348 = arith.constant 0 : i32
      %dma_start3A_349 = tpu.memref_slice %arg12[%dma_start3A_347, %dma_start3A_348] : memref<10016x16xf32, #tpu.memory_space<vmem_shared>> -> memref<10016x16xf32, #tpu.memory_space<vmem_shared>>
      tpu.enqueue_indirect_dma source(%dma_start3A_345 : memref<128x16xf32, #tpu.memory_space<vmem>>) target(%dma_start3A_349 : memref<10016x16xf32, #tpu.memory_space<vmem_shared>>) offsets(%dma_start3A_346 : memref<128xi32, #tpu.memory_space<vmem>>) semaphore(%arg15 : memref<!tpu.dma_semaphore, #tpu.memory_space<semaphore_mem>>) {add = true}
      %mul3A_350 = arith.constant 8 : i32
      %mul3A_351 = arith.muli %mul3A_118, %mul3A_350 : i32
      %add3A_352 = arith.constant 2 : i32
      %add3A_353 = arith.addi %mul3A_351, %add3A_352 : i32
      %mul3A_354 = arith.constant 128 : i32
      %mul3A_355 = arith.muli %add3A_353, %mul3A_354 : i32
      %dma_start3A_356 = arith.constant 2 : i32
      %dma_start3A_357 = arith.constant 0 : i32
      %dma_start3A_358 = arith.constant 0 : i32
      %dma_start3A_359 = tpu.memref_slice %arg10[%dma_start3A_356, %dma_start3A_357, %dma_start3A_358] : memref<8x128x16xf32, #tpu.memory_space<vmem>> -> memref<1x128x16xf32, #tpu.memory_space<vmem>>
      %dma_start3A_360 = tpu.memref_squeeze %dma_start3A_359 : memref<1x128x16xf32, #tpu.memory_space<vmem>> -> memref<128x16xf32, #tpu.memory_space<vmem>>
      %dma_start3A_361 = tpu.memref_slice %arg9[%mul3A_355] : memref<10240xi32, #tpu.memory_space<vmem>> -> memref<128xi32, #tpu.memory_space<vmem>>
      %dma_start3A_362 = arith.constant 0 : i32
      %dma_start3A_363 = arith.constant 0 : i32
      %dma_start3A_364 = tpu.memref_slice %arg12[%dma_start3A_362, %dma_start3A_363] : memref<10016x16xf32, #tpu.memory_space<vmem_shared>> -> memref<10016x16xf32, #tpu.memory_space<vmem_shared>>
      tpu.enqueue_indirect_dma source(%dma_start3A_360 : memref<128x16xf32, #tpu.memory_space<vmem>>) target(%dma_start3A_364 : memref<10016x16xf32, #tpu.memory_space<vmem_shared>>) offsets(%dma_start3A_361 : memref<128xi32, #tpu.memory_space<vmem>>) semaphore(%arg15 : memref<!tpu.dma_semaphore, #tpu.memory_space<semaphore_mem>>) {add = true}
      %mul3A_365 = arith.constant 8 : i32
      %mul3A_366 = arith.muli %mul3A_118, %mul3A_365 : i32
      %add3A_367 = arith.constant 3 : i32
      %add3A_368 = arith.addi %mul3A_366, %add3A_367 : i32
      %mul3A_369 = arith.constant 128 : i32
      %mul3A_370 = arith.muli %add3A_368, %mul3A_369 : i32
      %dma_start3A_371 = arith.constant 3 : i32
      %dma_start3A_372 = arith.constant 0 : i32
      %dma_start3A_373 = arith.constant 0 : i32
      %dma_start3A_374 = tpu.memref_slice %arg10[%dma_start3A_371, %dma_start3A_372, %dma_start3A_373] : memref<8x128x16xf32, #tpu.memory_space<vmem>> -> memref<1x128x16xf32, #tpu.memory_space<vmem>>
      %dma_start3A_375 = tpu.memref_squeeze %dma_start3A_374 : memref<1x128x16xf32, #tpu.memory_space<vmem>> -> memref<128x16xf32, #tpu.memory_space<vmem>>
      %dma_start3A_376 = tpu.memref_slice %arg9[%mul3A_370] : memref<10240xi32, #tpu.memory_space<vmem>> -> memref<128xi32, #tpu.memory_space<vmem>>
      %dma_start3A_377 = arith.constant 0 : i32
      %dma_start3A_378 = arith.constant 0 : i32
      %dma_start3A_379 = tpu.memref_slice %arg12[%dma_start3A_377, %dma_start3A_378] : memref<10016x16xf32, #tpu.memory_space<vmem_shared>> -> memref<10016x16xf32, #tpu.memory_space<vmem_shared>>
      tpu.enqueue_indirect_dma source(%dma_start3A_375 : memref<128x16xf32, #tpu.memory_space<vmem>>) target(%dma_start3A_379 : memref<10016x16xf32, #tpu.memory_space<vmem_shared>>) offsets(%dma_start3A_376 : memref<128xi32, #tpu.memory_space<vmem>>) semaphore(%arg15 : memref<!tpu.dma_semaphore, #tpu.memory_space<semaphore_mem>>) {add = true}
      %mul3A_380 = arith.constant 8 : i32
      %mul3A_381 = arith.muli %mul3A_118, %mul3A_380 : i32
      %add3A_382 = arith.constant 4 : i32
      %add3A_383 = arith.addi %mul3A_381, %add3A_382 : i32
      %mul3A_384 = arith.constant 128 : i32
      %mul3A_385 = arith.muli %add3A_383, %mul3A_384 : i32
      %dma_start3A_386 = arith.constant 4 : i32
      %dma_start3A_387 = arith.constant 0 : i32
      %dma_start3A_388 = arith.constant 0 : i32
      %dma_start3A_389 = tpu.memref_slice %arg10[%dma_start3A_386, %dma_start3A_387, %dma_start3A_388] : memref<8x128x16xf32, #tpu.memory_space<vmem>> -> memref<1x128x16xf32, #tpu.memory_space<vmem>>
      %dma_start3A_390 = tpu.memref_squeeze %dma_start3A_389 : memref<1x128x16xf32, #tpu.memory_space<vmem>> -> memref<128x16xf32, #tpu.memory_space<vmem>>
      %dma_start3A_391 = tpu.memref_slice %arg9[%mul3A_385] : memref<10240xi32, #tpu.memory_space<vmem>> -> memref<128xi32, #tpu.memory_space<vmem>>
      %dma_start3A_392 = arith.constant 0 : i32
      %dma_start3A_393 = arith.constant 0 : i32
      %dma_start3A_394 = tpu.memref_slice %arg12[%dma_start3A_392, %dma_start3A_393] : memref<10016x16xf32, #tpu.memory_space<vmem_shared>> -> memref<10016x16xf32, #tpu.memory_space<vmem_shared>>
      tpu.enqueue_indirect_dma source(%dma_start3A_390 : memref<128x16xf32, #tpu.memory_space<vmem>>) target(%dma_start3A_394 : memref<10016x16xf32, #tpu.memory_space<vmem_shared>>) offsets(%dma_start3A_391 : memref<128xi32, #tpu.memory_space<vmem>>) semaphore(%arg15 : memref<!tpu.dma_semaphore, #tpu.memory_space<semaphore_mem>>) {add = true}
      %mul3A_395 = arith.constant 8 : i32
      %mul3A_396 = arith.muli %mul3A_118, %mul3A_395 : i32
      %add3A_397 = arith.constant 5 : i32
      %add3A_398 = arith.addi %mul3A_396, %add3A_397 : i32
      %mul3A_399 = arith.constant 128 : i32
      %mul3A_400 = arith.muli %add3A_398, %mul3A_399 : i32
      %dma_start3A_401 = arith.constant 5 : i32
      %dma_start3A_402 = arith.constant 0 : i32
      %dma_start3A_403 = arith.constant 0 : i32
      %dma_start3A_404 = tpu.memref_slice %arg10[%dma_start3A_401, %dma_start3A_402, %dma_start3A_403] : memref<8x128x16xf32, #tpu.memory_space<vmem>> -> memref<1x128x16xf32, #tpu.memory_space<vmem>>
      %dma_start3A_405 = tpu.memref_squeeze %dma_start3A_404 : memref<1x128x16xf32, #tpu.memory_space<vmem>> -> memref<128x16xf32, #tpu.memory_space<vmem>>
      %dma_start3A_406 = tpu.memref_slice %arg9[%mul3A_400] : memref<10240xi32, #tpu.memory_space<vmem>> -> memref<128xi32, #tpu.memory_space<vmem>>
      %dma_start3A_407 = arith.constant 0 : i32
      %dma_start3A_408 = arith.constant 0 : i32
      %dma_start3A_409 = tpu.memref_slice %arg12[%dma_start3A_407, %dma_start3A_408] : memref<10016x16xf32, #tpu.memory_space<vmem_shared>> -> memref<10016x16xf32, #tpu.memory_space<vmem_shared>>
      tpu.enqueue_indirect_dma source(%dma_start3A_405 : memref<128x16xf32, #tpu.memory_space<vmem>>) target(%dma_start3A_409 : memref<10016x16xf32, #tpu.memory_space<vmem_shared>>) offsets(%dma_start3A_406 : memref<128xi32, #tpu.memory_space<vmem>>) semaphore(%arg15 : memref<!tpu.dma_semaphore, #tpu.memory_space<semaphore_mem>>) {add = true}
      %mul3A_410 = arith.constant 8 : i32
      %mul3A_411 = arith.muli %mul3A_118, %mul3A_410 : i32
      %add3A_412 = arith.constant 6 : i32
      %add3A_413 = arith.addi %mul3A_411, %add3A_412 : i32
      %mul3A_414 = arith.constant 128 : i32
      %mul3A_415 = arith.muli %add3A_413, %mul3A_414 : i32
      %dma_start3A_416 = arith.constant 6 : i32
      %dma_start3A_417 = arith.constant 0 : i32
      %dma_start3A_418 = arith.constant 0 : i32
      %dma_start3A_419 = tpu.memref_slice %arg10[%dma_start3A_416, %dma_start3A_417, %dma_start3A_418] : memref<8x128x16xf32, #tpu.memory_space<vmem>> -> memref<1x128x16xf32, #tpu.memory_space<vmem>>
      %dma_start3A_420 = tpu.memref_squeeze %dma_start3A_419 : memref<1x128x16xf32, #tpu.memory_space<vmem>> -> memref<128x16xf32, #tpu.memory_space<vmem>>
      %dma_start3A_421 = tpu.memref_slice %arg9[%mul3A_415] : memref<10240xi32, #tpu.memory_space<vmem>> -> memref<128xi32, #tpu.memory_space<vmem>>
      %dma_start3A_422 = arith.constant 0 : i32
      %dma_start3A_423 = arith.constant 0 : i32
      %dma_start3A_424 = tpu.memref_slice %arg12[%dma_start3A_422, %dma_start3A_423] : memref<10016x16xf32, #tpu.memory_space<vmem_shared>> -> memref<10016x16xf32, #tpu.memory_space<vmem_shared>>
      tpu.enqueue_indirect_dma source(%dma_start3A_420 : memref<128x16xf32, #tpu.memory_space<vmem>>) target(%dma_start3A_424 : memref<10016x16xf32, #tpu.memory_space<vmem_shared>>) offsets(%dma_start3A_421 : memref<128xi32, #tpu.memory_space<vmem>>) semaphore(%arg15 : memref<!tpu.dma_semaphore, #tpu.memory_space<semaphore_mem>>) {add = true}
      %mul3A_425 = arith.constant 8 : i32
      %mul3A_426 = arith.muli %mul3A_118, %mul3A_425 : i32
      %add3A_427 = arith.constant 7 : i32
      %add3A_428 = arith.addi %mul3A_426, %add3A_427 : i32
      %mul3A_429 = arith.constant 128 : i32
      %mul3A_430 = arith.muli %add3A_428, %mul3A_429 : i32
      %dma_start3A_431 = arith.constant 7 : i32
      %dma_start3A_432 = arith.constant 0 : i32
      %dma_start3A_433 = arith.constant 0 : i32
      %dma_start3A_434 = tpu.memref_slice %arg10[%dma_start3A_431, %dma_start3A_432, %dma_start3A_433] : memref<8x128x16xf32, #tpu.memory_space<vmem>> -> memref<1x128x16xf32, #tpu.memory_space<vmem>>
      %dma_start3A_435 = tpu.memref_squeeze %dma_start3A_434 : memref<1x128x16xf32, #tpu.memory_space<vmem>> -> memref<128x16xf32, #tpu.memory_space<vmem>>
      %dma_start3A_436 = tpu.memref_slice %arg9[%mul3A_430] : memref<10240xi32, #tpu.memory_space<vmem>> -> memref<128xi32, #tpu.memory_space<vmem>>
      %dma_start3A_437 = arith.constant 0 : i32
      %dma_start3A_438 = arith.constant 0 : i32
      %dma_start3A_439 = tpu.memref_slice %arg12[%dma_start3A_437, %dma_start3A_438] : memref<10016x16xf32, #tpu.memory_space<vmem_shared>> -> memref<10016x16xf32, #tpu.memory_space<vmem_shared>>
      tpu.enqueue_indirect_dma source(%dma_start3A_435 : memref<128x16xf32, #tpu.memory_space<vmem>>) target(%dma_start3A_439 : memref<10016x16xf32, #tpu.memory_space<vmem_shared>>) offsets(%dma_start3A_436 : memref<128xi32, #tpu.memory_space<vmem>>) semaphore(%arg15 : memref<!tpu.dma_semaphore, #tpu.memory_space<semaphore_mem>>) {add = true}
      %dma_wait3A_440 = arith.constant 0 : i32
      %dma_wait3A_441 = arith.constant 0 : i32
      %dma_wait3A_442 = arith.constant 0 : i32
      %dma_wait3A_443 = tpu.memref_slice %arg11[%dma_wait3A_440, %dma_wait3A_441, %dma_wait3A_442] : memref<8x128x16xf32, #tpu.memory_space<vmem>> -> memref<1x128x16xf32, #tpu.memory_space<vmem>>
      %dma_wait3A_444 = tpu.memref_squeeze %dma_wait3A_443 : memref<1x128x16xf32, #tpu.memory_space<vmem>> -> memref<128x16xf32, #tpu.memory_space<vmem>>
      %dma_wait3A_445 = arith.constant 0 : i32
      %dma_wait3A_446 = tpu.memref_slice %arg8[%dma_wait3A_445] : memref<10240xi32, #tpu.memory_space<vmem>> -> memref<128xi32, #tpu.memory_space<vmem>>
      %dma_wait3A_447 = arith.constant 0 : i32
      %dma_wait3A_448 = arith.constant 0 : i32
      %dma_wait3A_449 = tpu.memref_slice %arg2[%dma_wait3A_447, %dma_wait3A_448] : memref<10016x16xf32, #tpu.memory_space<hbm>> -> memref<10016x16xf32, #tpu.memory_space<hbm>>
      tpu.wait_indirect_dma semaphore(%arg14 : memref<!tpu.dma_semaphore, #tpu.memory_space<semaphore_mem>>) src(%dma_wait3A_449 : memref<10016x16xf32, #tpu.memory_space<hbm>>) dst(%dma_wait3A_444 : memref<128x16xf32, #tpu.memory_space<vmem>>)
      %dma_wait3A_450 = arith.constant 0 : i32
      %dma_wait3A_451 = arith.constant 0 : i32
      %dma_wait3A_452 = arith.constant 0 : i32
      %dma_wait3A_453 = tpu.memref_slice %arg11[%dma_wait3A_450, %dma_wait3A_451, %dma_wait3A_452] : memref<8x128x16xf32, #tpu.memory_space<vmem>> -> memref<1x128x16xf32, #tpu.memory_space<vmem>>
      %dma_wait3A_454 = tpu.memref_squeeze %dma_wait3A_453 : memref<1x128x16xf32, #tpu.memory_space<vmem>> -> memref<128x16xf32, #tpu.memory_space<vmem>>
      %dma_wait3A_455 = arith.constant 0 : i32
      %dma_wait3A_456 = tpu.memref_slice %arg8[%dma_wait3A_455] : memref<10240xi32, #tpu.memory_space<vmem>> -> memref<128xi32, #tpu.memory_space<vmem>>
      %dma_wait3A_457 = arith.constant 0 : i32
      %dma_wait3A_458 = arith.constant 0 : i32
      %dma_wait3A_459 = tpu.memref_slice %arg2[%dma_wait3A_457, %dma_wait3A_458] : memref<10016x16xf32, #tpu.memory_space<hbm>> -> memref<10016x16xf32, #tpu.memory_space<hbm>>
      tpu.wait_indirect_dma semaphore(%arg14 : memref<!tpu.dma_semaphore, #tpu.memory_space<semaphore_mem>>) src(%dma_wait3A_459 : memref<10016x16xf32, #tpu.memory_space<hbm>>) dst(%dma_wait3A_454 : memref<128x16xf32, #tpu.memory_space<vmem>>)
      %dma_wait3A_460 = arith.constant 0 : i32
      %dma_wait3A_461 = arith.constant 0 : i32
      %dma_wait3A_462 = arith.constant 0 : i32
      %dma_wait3A_463 = tpu.memref_slice %arg11[%dma_wait3A_460, %dma_wait3A_461, %dma_wait3A_462] : memref<8x128x16xf32, #tpu.memory_space<vmem>> -> memref<1x128x16xf32, #tpu.memory_space<vmem>>
      %dma_wait3A_464 = tpu.memref_squeeze %dma_wait3A_463 : memref<1x128x16xf32, #tpu.memory_space<vmem>> -> memref<128x16xf32, #tpu.memory_space<vmem>>
      %dma_wait3A_465 = arith.constant 0 : i32
      %dma_wait3A_466 = tpu.memref_slice %arg8[%dma_wait3A_465] : memref<10240xi32, #tpu.memory_space<vmem>> -> memref<128xi32, #tpu.memory_space<vmem>>
      %dma_wait3A_467 = arith.constant 0 : i32
      %dma_wait3A_468 = arith.constant 0 : i32
      %dma_wait3A_469 = tpu.memref_slice %arg2[%dma_wait3A_467, %dma_wait3A_468] : memref<10016x16xf32, #tpu.memory_space<hbm>> -> memref<10016x16xf32, #tpu.memory_space<hbm>>
      tpu.wait_indirect_dma semaphore(%arg14 : memref<!tpu.dma_semaphore, #tpu.memory_space<semaphore_mem>>) src(%dma_wait3A_469 : memref<10016x16xf32, #tpu.memory_space<hbm>>) dst(%dma_wait3A_464 : memref<128x16xf32, #tpu.memory_space<vmem>>)
      %dma_wait3A_470 = arith.constant 0 : i32
      %dma_wait3A_471 = arith.constant 0 : i32
      %dma_wait3A_472 = arith.constant 0 : i32
      %dma_wait3A_473 = tpu.memref_slice %arg11[%dma_wait3A_470, %dma_wait3A_471, %dma_wait3A_472] : memref<8x128x16xf32, #tpu.memory_space<vmem>> -> memref<1x128x16xf32, #tpu.memory_space<vmem>>
      %dma_wait3A_474 = tpu.memref_squeeze %dma_wait3A_473 : memref<1x128x16xf32, #tpu.memory_space<vmem>> -> memref<128x16xf32, #tpu.memory_space<vmem>>
      %dma_wait3A_475 = arith.constant 0 : i32
      %dma_wait3A_476 = tpu.memref_slice %arg8[%dma_wait3A_475] : memref<10240xi32, #tpu.memory_space<vmem>> -> memref<128xi32, #tpu.memory_space<vmem>>
      %dma_wait3A_477 = arith.constant 0 : i32
      %dma_wait3A_478 = arith.constant 0 : i32
      %dma_wait3A_479 = tpu.memref_slice %arg2[%dma_wait3A_477, %dma_wait3A_478] : memref<10016x16xf32, #tpu.memory_space<hbm>> -> memref<10016x16xf32, #tpu.memory_space<hbm>>
      tpu.wait_indirect_dma semaphore(%arg14 : memref<!tpu.dma_semaphore, #tpu.memory_space<semaphore_mem>>) src(%dma_wait3A_479 : memref<10016x16xf32, #tpu.memory_space<hbm>>) dst(%dma_wait3A_474 : memref<128x16xf32, #tpu.memory_space<vmem>>)
      %dma_wait3A_480 = arith.constant 0 : i32
      %dma_wait3A_481 = arith.constant 0 : i32
      %dma_wait3A_482 = arith.constant 0 : i32
      %dma_wait3A_483 = tpu.memref_slice %arg11[%dma_wait3A_480, %dma_wait3A_481, %dma_wait3A_482] : memref<8x128x16xf32, #tpu.memory_space<vmem>> -> memref<1x128x16xf32, #tpu.memory_space<vmem>>
      %dma_wait3A_484 = tpu.memref_squeeze %dma_wait3A_483 : memref<1x128x16xf32, #tpu.memory_space<vmem>> -> memref<128x16xf32, #tpu.memory_space<vmem>>
      %dma_wait3A_485 = arith.constant 0 : i32
      %dma_wait3A_486 = tpu.memref_slice %arg8[%dma_wait3A_485] : memref<10240xi32, #tpu.memory_space<vmem>> -> memref<128xi32, #tpu.memory_space<vmem>>
      %dma_wait3A_487 = arith.constant 0 : i32
      %dma_wait3A_488 = arith.constant 0 : i32
      %dma_wait3A_489 = tpu.memref_slice %arg2[%dma_wait3A_487, %dma_wait3A_488] : memref<10016x16xf32, #tpu.memory_space<hbm>> -> memref<10016x16xf32, #tpu.memory_space<hbm>>
      tpu.wait_indirect_dma semaphore(%arg14 : memref<!tpu.dma_semaphore, #tpu.memory_space<semaphore_mem>>) src(%dma_wait3A_489 : memref<10016x16xf32, #tpu.memory_space<hbm>>) dst(%dma_wait3A_484 : memref<128x16xf32, #tpu.memory_space<vmem>>)
      %dma_wait3A_490 = arith.constant 0 : i32
      %dma_wait3A_491 = arith.constant 0 : i32
      %dma_wait3A_492 = arith.constant 0 : i32
      %dma_wait3A_493 = tpu.memref_slice %arg11[%dma_wait3A_490, %dma_wait3A_491, %dma_wait3A_492] : memref<8x128x16xf32, #tpu.memory_space<vmem>> -> memref<1x128x16xf32, #tpu.memory_space<vmem>>
      %dma_wait3A_494 = tpu.memref_squeeze %dma_wait3A_493 : memref<1x128x16xf32, #tpu.memory_space<vmem>> -> memref<128x16xf32, #tpu.memory_space<vmem>>
      %dma_wait3A_495 = arith.constant 0 : i32
      %dma_wait3A_496 = tpu.memref_slice %arg8[%dma_wait3A_495] : memref<10240xi32, #tpu.memory_space<vmem>> -> memref<128xi32, #tpu.memory_space<vmem>>
      %dma_wait3A_497 = arith.constant 0 : i32
      %dma_wait3A_498 = arith.constant 0 : i32
      %dma_wait3A_499 = tpu.memref_slice %arg2[%dma_wait3A_497, %dma_wait3A_498] : memref<10016x16xf32, #tpu.memory_space<hbm>> -> memref<10016x16xf32, #tpu.memory_space<hbm>>
      tpu.wait_indirect_dma semaphore(%arg14 : memref<!tpu.dma_semaphore, #tpu.memory_space<semaphore_mem>>) src(%dma_wait3A_499 : memref<10016x16xf32, #tpu.memory_space<hbm>>) dst(%dma_wait3A_494 : memref<128x16xf32, #tpu.memory_space<vmem>>)
      %dma_wait3A_500 = arith.constant 0 : i32
      %dma_wait3A_501 = arith.constant 0 : i32
      %dma_wait3A_502 = arith.constant 0 : i32
      %dma_wait3A_503 = tpu.memref_slice %arg11[%dma_wait3A_500, %dma_wait3A_501, %dma_wait3A_502] : memref<8x128x16xf32, #tpu.memory_space<vmem>> -> memref<1x128x16xf32, #tpu.memory_space<vmem>>
      %dma_wait3A_504 = tpu.memref_squeeze %dma_wait3A_503 : memref<1x128x16xf32, #tpu.memory_space<vmem>> -> memref<128x16xf32, #tpu.memory_space<vmem>>
      %dma_wait3A_505 = arith.constant 0 : i32
      %dma_wait3A_506 = tpu.memref_slice %arg8[%dma_wait3A_505] : memref<10240xi32, #tpu.memory_space<vmem>> -> memref<128xi32, #tpu.memory_space<vmem>>
      %dma_wait3A_507 = arith.constant 0 : i32
      %dma_wait3A_508 = arith.constant 0 : i32
      %dma_wait3A_509 = tpu.memref_slice %arg2[%dma_wait3A_507, %dma_wait3A_508] : memref<10016x16xf32, #tpu.memory_space<hbm>> -> memref<10016x16xf32, #tpu.memory_space<hbm>>
      tpu.wait_indirect_dma semaphore(%arg14 : memref<!tpu.dma_semaphore, #tpu.memory_space<semaphore_mem>>) src(%dma_wait3A_509 : memref<10016x16xf32, #tpu.memory_space<hbm>>) dst(%dma_wait3A_504 : memref<128x16xf32, #tpu.memory_space<vmem>>)
      %dma_wait3A_510 = arith.constant 0 : i32
      %dma_wait3A_511 = arith.constant 0 : i32
      %dma_wait3A_512 = arith.constant 0 : i32
      %dma_wait3A_513 = tpu.memref_slice %arg11[%dma_wait3A_510, %dma_wait3A_511, %dma_wait3A_512] : memref<8x128x16xf32, #tpu.memory_space<vmem>> -> memref<1x128x16xf32, #tpu.memory_space<vmem>>
      %dma_wait3A_514 = tpu.memref_squeeze %dma_wait3A_513 : memref<1x128x16xf32, #tpu.memory_space<vmem>> -> memref<128x16xf32, #tpu.memory_space<vmem>>
      %dma_wait3A_515 = arith.constant 0 : i32
      %dma_wait3A_516 = tpu.memref_slice %arg8[%dma_wait3A_515] : memref<10240xi32, #tpu.memory_space<vmem>> -> memref<128xi32, #tpu.memory_space<vmem>>
      %dma_wait3A_517 = arith.constant 0 : i32
      %dma_wait3A_518 = arith.constant 0 : i32
      %dma_wait3A_519 = tpu.memref_slice %arg2[%dma_wait3A_517, %dma_wait3A_518] : memref<10016x16xf32, #tpu.memory_space<hbm>> -> memref<10016x16xf32, #tpu.memory_space<hbm>>
      tpu.wait_indirect_dma semaphore(%arg14 : memref<!tpu.dma_semaphore, #tpu.memory_space<semaphore_mem>>) src(%dma_wait3A_519 : memref<10016x16xf32, #tpu.memory_space<hbm>>) dst(%dma_wait3A_514 : memref<128x16xf32, #tpu.memory_space<vmem>>)
      %mul3A_520 = arith.constant 8 : i32
      %mul3A_521 = arith.muli %add3A_120, %mul3A_520 : i32
      %add3A_522 = arith.constant 0 : i32
      %add3A_523 = arith.addi %mul3A_521, %add3A_522 : i32
      %mul3A_524 = arith.constant 128 : i32
      %mul3A_525 = arith.muli %add3A_523, %mul3A_524 : i32
      %dma_start3A_526 = arith.constant 0 : i32
      %dma_start3A_527 = arith.constant 0 : i32
      %dma_start3A_528 = arith.constant 0 : i32
      %dma_start3A_529 = tpu.memref_slice %arg11[%dma_start3A_526, %dma_start3A_527, %dma_start3A_528] : memref<8x128x16xf32, #tpu.memory_space<vmem>> -> memref<1x128x16xf32, #tpu.memory_space<vmem>>
      %dma_start3A_530 = tpu.memref_squeeze %dma_start3A_529 : memref<1x128x16xf32, #tpu.memory_space<vmem>> -> memref<128x16xf32, #tpu.memory_space<vmem>>
      %dma_start3A_531 = tpu.memref_slice %arg9[%mul3A_525] : memref<10240xi32, #tpu.memory_space<vmem>> -> memref<128xi32, #tpu.memory_space<vmem>>
      %dma_start3A_532 = arith.constant 0 : i32
      %dma_start3A_533 = arith.constant 0 : i32
      %dma_start3A_534 = tpu.memref_slice %arg12[%dma_start3A_532, %dma_start3A_533] : memref<10016x16xf32, #tpu.memory_space<vmem_shared>> -> memref<10016x16xf32, #tpu.memory_space<vmem_shared>>
      tpu.enqueue_indirect_dma source(%dma_start3A_530 : memref<128x16xf32, #tpu.memory_space<vmem>>) target(%dma_start3A_534 : memref<10016x16xf32, #tpu.memory_space<vmem_shared>>) offsets(%dma_start3A_531 : memref<128xi32, #tpu.memory_space<vmem>>) semaphore(%arg16 : memref<!tpu.dma_semaphore, #tpu.memory_space<semaphore_mem>>) {add = true}
      %mul3A_535 = arith.constant 8 : i32
      %mul3A_536 = arith.muli %add3A_120, %mul3A_535 : i32
      %add3A_537 = arith.constant 1 : i32
      %add3A_538 = arith.addi %mul3A_536, %add3A_537 : i32
      %mul3A_539 = arith.constant 128 : i32
      %mul3A_540 = arith.muli %add3A_538, %mul3A_539 : i32
      %dma_start3A_541 = arith.constant 1 : i32
      %dma_start3A_542 = arith.constant 0 : i32
      %dma_start3A_543 = arith.constant 0 : i32
      %dma_start3A_544 = tpu.memref_slice %arg11[%dma_start3A_541, %dma_start3A_542, %dma_start3A_543] : memref<8x128x16xf32, #tpu.memory_space<vmem>> -> memref<1x128x16xf32, #tpu.memory_space<vmem>>
      %dma_start3A_545 = tpu.memref_squeeze %dma_start3A_544 : memref<1x128x16xf32, #tpu.memory_space<vmem>> -> memref<128x16xf32, #tpu.memory_space<vmem>>
      %dma_start3A_546 = tpu.memref_slice %arg9[%mul3A_540] : memref<10240xi32, #tpu.memory_space<vmem>> -> memref<128xi32, #tpu.memory_space<vmem>>
      %dma_start3A_547 = arith.constant 0 : i32
      %dma_start3A_548 = arith.constant 0 : i32
      %dma_start3A_549 = tpu.memref_slice %arg12[%dma_start3A_547, %dma_start3A_548] : memref<10016x16xf32, #tpu.memory_space<vmem_shared>> -> memref<10016x16xf32, #tpu.memory_space<vmem_shared>>
      tpu.enqueue_indirect_dma source(%dma_start3A_545 : memref<128x16xf32, #tpu.memory_space<vmem>>) target(%dma_start3A_549 : memref<10016x16xf32, #tpu.memory_space<vmem_shared>>) offsets(%dma_start3A_546 : memref<128xi32, #tpu.memory_space<vmem>>) semaphore(%arg16 : memref<!tpu.dma_semaphore, #tpu.memory_space<semaphore_mem>>) {add = true}
      %mul3A_550 = arith.constant 8 : i32
      %mul3A_551 = arith.muli %add3A_120, %mul3A_550 : i32
      %add3A_552 = arith.constant 2 : i32
      %add3A_553 = arith.addi %mul3A_551, %add3A_552 : i32
      %mul3A_554 = arith.constant 128 : i32
      %mul3A_555 = arith.muli %add3A_553, %mul3A_554 : i32
      %dma_start3A_556 = arith.constant 2 : i32
      %dma_start3A_557 = arith.constant 0 : i32
      %dma_start3A_558 = arith.constant 0 : i32
      %dma_start3A_559 = tpu.memref_slice %arg11[%dma_start3A_556, %dma_start3A_557, %dma_start3A_558] : memref<8x128x16xf32, #tpu.memory_space<vmem>> -> memref<1x128x16xf32, #tpu.memory_space<vmem>>
      %dma_start3A_560 = tpu.memref_squeeze %dma_start3A_559 : memref<1x128x16xf32, #tpu.memory_space<vmem>> -> memref<128x16xf32, #tpu.memory_space<vmem>>
      %dma_start3A_561 = tpu.memref_slice %arg9[%mul3A_555] : memref<10240xi32, #tpu.memory_space<vmem>> -> memref<128xi32, #tpu.memory_space<vmem>>
      %dma_start3A_562 = arith.constant 0 : i32
      %dma_start3A_563 = arith.constant 0 : i32
      %dma_start3A_564 = tpu.memref_slice %arg12[%dma_start3A_562, %dma_start3A_563] : memref<10016x16xf32, #tpu.memory_space<vmem_shared>> -> memref<10016x16xf32, #tpu.memory_space<vmem_shared>>
      tpu.enqueue_indirect_dma source(%dma_start3A_560 : memref<128x16xf32, #tpu.memory_space<vmem>>) target(%dma_start3A_564 : memref<10016x16xf32, #tpu.memory_space<vmem_shared>>) offsets(%dma_start3A_561 : memref<128xi32, #tpu.memory_space<vmem>>) semaphore(%arg16 : memref<!tpu.dma_semaphore, #tpu.memory_space<semaphore_mem>>) {add = true}
      %mul3A_565 = arith.constant 8 : i32
      %mul3A_566 = arith.muli %add3A_120, %mul3A_565 : i32
      %add3A_567 = arith.constant 3 : i32
      %add3A_568 = arith.addi %mul3A_566, %add3A_567 : i32
      %mul3A_569 = arith.constant 128 : i32
      %mul3A_570 = arith.muli %add3A_568, %mul3A_569 : i32
      %dma_start3A_571 = arith.constant 3 : i32
      %dma_start3A_572 = arith.constant 0 : i32
      %dma_start3A_573 = arith.constant 0 : i32
      %dma_start3A_574 = tpu.memref_slice %arg11[%dma_start3A_571, %dma_start3A_572, %dma_start3A_573] : memref<8x128x16xf32, #tpu.memory_space<vmem>> -> memref<1x128x16xf32, #tpu.memory_space<vmem>>
      %dma_start3A_575 = tpu.memref_squeeze %dma_start3A_574 : memref<1x128x16xf32, #tpu.memory_space<vmem>> -> memref<128x16xf32, #tpu.memory_space<vmem>>
      %dma_start3A_576 = tpu.memref_slice %arg9[%mul3A_570] : memref<10240xi32, #tpu.memory_space<vmem>> -> memref<128xi32, #tpu.memory_space<vmem>>
      %dma_start3A_577 = arith.constant 0 : i32
      %dma_start3A_578 = arith.constant 0 : i32
      %dma_start3A_579 = tpu.memref_slice %arg12[%dma_start3A_577, %dma_start3A_578] : memref<10016x16xf32, #tpu.memory_space<vmem_shared>> -> memref<10016x16xf32, #tpu.memory_space<vmem_shared>>
      tpu.enqueue_indirect_dma source(%dma_start3A_575 : memref<128x16xf32, #tpu.memory_space<vmem>>) target(%dma_start3A_579 : memref<10016x16xf32, #tpu.memory_space<vmem_shared>>) offsets(%dma_start3A_576 : memref<128xi32, #tpu.memory_space<vmem>>) semaphore(%arg16 : memref<!tpu.dma_semaphore, #tpu.memory_space<semaphore_mem>>) {add = true}
      %mul3A_580 = arith.constant 8 : i32
      %mul3A_581 = arith.muli %add3A_120, %mul3A_580 : i32
      %add3A_582 = arith.constant 4 : i32
      %add3A_583 = arith.addi %mul3A_581, %add3A_582 : i32
      %mul3A_584 = arith.constant 128 : i32
      %mul3A_585 = arith.muli %add3A_583, %mul3A_584 : i32
      %dma_start3A_586 = arith.constant 4 : i32
      %dma_start3A_587 = arith.constant 0 : i32
      %dma_start3A_588 = arith.constant 0 : i32
      %dma_start3A_589 = tpu.memref_slice %arg11[%dma_start3A_586, %dma_start3A_587, %dma_start3A_588] : memref<8x128x16xf32, #tpu.memory_space<vmem>> -> memref<1x128x16xf32, #tpu.memory_space<vmem>>
      %dma_start3A_590 = tpu.memref_squeeze %dma_start3A_589 : memref<1x128x16xf32, #tpu.memory_space<vmem>> -> memref<128x16xf32, #tpu.memory_space<vmem>>
      %dma_start3A_591 = tpu.memref_slice %arg9[%mul3A_585] : memref<10240xi32, #tpu.memory_space<vmem>> -> memref<128xi32, #tpu.memory_space<vmem>>
      %dma_start3A_592 = arith.constant 0 : i32
      %dma_start3A_593 = arith.constant 0 : i32
      %dma_start3A_594 = tpu.memref_slice %arg12[%dma_start3A_592, %dma_start3A_593] : memref<10016x16xf32, #tpu.memory_space<vmem_shared>> -> memref<10016x16xf32, #tpu.memory_space<vmem_shared>>
      tpu.enqueue_indirect_dma source(%dma_start3A_590 : memref<128x16xf32, #tpu.memory_space<vmem>>) target(%dma_start3A_594 : memref<10016x16xf32, #tpu.memory_space<vmem_shared>>) offsets(%dma_start3A_591 : memref<128xi32, #tpu.memory_space<vmem>>) semaphore(%arg16 : memref<!tpu.dma_semaphore, #tpu.memory_space<semaphore_mem>>) {add = true}
      %mul3A_595 = arith.constant 8 : i32
      %mul3A_596 = arith.muli %add3A_120, %mul3A_595 : i32
      %add3A_597 = arith.constant 5 : i32
      %add3A_598 = arith.addi %mul3A_596, %add3A_597 : i32
      %mul3A_599 = arith.constant 128 : i32
      %mul3A_600 = arith.muli %add3A_598, %mul3A_599 : i32
      %dma_start3A_601 = arith.constant 5 : i32
      %dma_start3A_602 = arith.constant 0 : i32
      %dma_start3A_603 = arith.constant 0 : i32
      %dma_start3A_604 = tpu.memref_slice %arg11[%dma_start3A_601, %dma_start3A_602, %dma_start3A_603] : memref<8x128x16xf32, #tpu.memory_space<vmem>> -> memref<1x128x16xf32, #tpu.memory_space<vmem>>
      %dma_start3A_605 = tpu.memref_squeeze %dma_start3A_604 : memref<1x128x16xf32, #tpu.memory_space<vmem>> -> memref<128x16xf32, #tpu.memory_space<vmem>>
      %dma_start3A_606 = tpu.memref_slice %arg9[%mul3A_600] : memref<10240xi32, #tpu.memory_space<vmem>> -> memref<128xi32, #tpu.memory_space<vmem>>
      %dma_start3A_607 = arith.constant 0 : i32
      %dma_start3A_608 = arith.constant 0 : i32
      %dma_start3A_609 = tpu.memref_slice %arg12[%dma_start3A_607, %dma_start3A_608] : memref<10016x16xf32, #tpu.memory_space<vmem_shared>> -> memref<10016x16xf32, #tpu.memory_space<vmem_shared>>
      tpu.enqueue_indirect_dma source(%dma_start3A_605 : memref<128x16xf32, #tpu.memory_space<vmem>>) target(%dma_start3A_609 : memref<10016x16xf32, #tpu.memory_space<vmem_shared>>) offsets(%dma_start3A_606 : memref<128xi32, #tpu.memory_space<vmem>>) semaphore(%arg16 : memref<!tpu.dma_semaphore, #tpu.memory_space<semaphore_mem>>) {add = true}
      %mul3A_610 = arith.constant 8 : i32
      %mul3A_611 = arith.muli %add3A_120, %mul3A_610 : i32
      %add3A_612 = arith.constant 6 : i32
      %add3A_613 = arith.addi %mul3A_611, %add3A_612 : i32
      %mul3A_614 = arith.constant 128 : i32
      %mul3A_615 = arith.muli %add3A_613, %mul3A_614 : i32
      %dma_start3A_616 = arith.constant 6 : i32
      %dma_start3A_617 = arith.constant 0 : i32
      %dma_start3A_618 = arith.constant 0 : i32
      %dma_start3A_619 = tpu.memref_slice %arg11[%dma_start3A_616, %dma_start3A_617, %dma_start3A_618] : memref<8x128x16xf32, #tpu.memory_space<vmem>> -> memref<1x128x16xf32, #tpu.memory_space<vmem>>
      %dma_start3A_620 = tpu.memref_squeeze %dma_start3A_619 : memref<1x128x16xf32, #tpu.memory_space<vmem>> -> memref<128x16xf32, #tpu.memory_space<vmem>>
      %dma_start3A_621 = tpu.memref_slice %arg9[%mul3A_615] : memref<10240xi32, #tpu.memory_space<vmem>> -> memref<128xi32, #tpu.memory_space<vmem>>
      %dma_start3A_622 = arith.constant 0 : i32
      %dma_start3A_623 = arith.constant 0 : i32
      %dma_start3A_624 = tpu.memref_slice %arg12[%dma_start3A_622, %dma_start3A_623] : memref<10016x16xf32, #tpu.memory_space<vmem_shared>> -> memref<10016x16xf32, #tpu.memory_space<vmem_shared>>
      tpu.enqueue_indirect_dma source(%dma_start3A_620 : memref<128x16xf32, #tpu.memory_space<vmem>>) target(%dma_start3A_624 : memref<10016x16xf32, #tpu.memory_space<vmem_shared>>) offsets(%dma_start3A_621 : memref<128xi32, #tpu.memory_space<vmem>>) semaphore(%arg16 : memref<!tpu.dma_semaphore, #tpu.memory_space<semaphore_mem>>) {add = true}
      %mul3A_625 = arith.constant 8 : i32
      %mul3A_626 = arith.muli %add3A_120, %mul3A_625 : i32
      %add3A_627 = arith.constant 7 : i32
      %add3A_628 = arith.addi %mul3A_626, %add3A_627 : i32
      %mul3A_629 = arith.constant 128 : i32
      %mul3A_630 = arith.muli %add3A_628, %mul3A_629 : i32
      %dma_start3A_631 = arith.constant 7 : i32
      %dma_start3A_632 = arith.constant 0 : i32
      %dma_start3A_633 = arith.constant 0 : i32
      %dma_start3A_634 = tpu.memref_slice %arg11[%dma_start3A_631, %dma_start3A_632, %dma_start3A_633] : memref<8x128x16xf32, #tpu.memory_space<vmem>> -> memref<1x128x16xf32, #tpu.memory_space<vmem>>
      %dma_start3A_635 = tpu.memref_squeeze %dma_start3A_634 : memref<1x128x16xf32, #tpu.memory_space<vmem>> -> memref<128x16xf32, #tpu.memory_space<vmem>>
      %dma_start3A_636 = tpu.memref_slice %arg9[%mul3A_630] : memref<10240xi32, #tpu.memory_space<vmem>> -> memref<128xi32, #tpu.memory_space<vmem>>
      %dma_start3A_637 = arith.constant 0 : i32
      %dma_start3A_638 = arith.constant 0 : i32
      %dma_start3A_639 = tpu.memref_slice %arg12[%dma_start3A_637, %dma_start3A_638] : memref<10016x16xf32, #tpu.memory_space<vmem_shared>> -> memref<10016x16xf32, #tpu.memory_space<vmem_shared>>
      tpu.enqueue_indirect_dma source(%dma_start3A_635 : memref<128x16xf32, #tpu.memory_space<vmem>>) target(%dma_start3A_639 : memref<10016x16xf32, #tpu.memory_space<vmem_shared>>) offsets(%dma_start3A_636 : memref<128xi32, #tpu.memory_space<vmem>>) semaphore(%arg16 : memref<!tpu.dma_semaphore, #tpu.memory_space<semaphore_mem>>) {add = true}
      %dma_wait3A_640 = arith.constant 0 : i32
      %dma_wait3A_641 = arith.constant 0 : i32
      %dma_wait3A_642 = arith.constant 0 : i32
      %dma_wait3A_643 = tpu.memref_slice %arg10[%dma_wait3A_640, %dma_wait3A_641, %dma_wait3A_642] : memref<8x128x16xf32, #tpu.memory_space<vmem>> -> memref<1x128x16xf32, #tpu.memory_space<vmem>>
      %dma_wait3A_644 = tpu.memref_squeeze %dma_wait3A_643 : memref<1x128x16xf32, #tpu.memory_space<vmem>> -> memref<128x16xf32, #tpu.memory_space<vmem>>
      %dma_wait3A_645 = arith.constant 0 : i32
      %dma_wait3A_646 = tpu.memref_slice %arg9[%dma_wait3A_645] : memref<10240xi32, #tpu.memory_space<vmem>> -> memref<128xi32, #tpu.memory_space<vmem>>
      %dma_wait3A_647 = arith.constant 0 : i32
      %dma_wait3A_648 = arith.constant 0 : i32
      %dma_wait3A_649 = tpu.memref_slice %arg12[%dma_wait3A_647, %dma_wait3A_648] : memref<10016x16xf32, #tpu.memory_space<vmem_shared>> -> memref<10016x16xf32, #tpu.memory_space<vmem_shared>>
      tpu.wait_indirect_dma semaphore(%arg15 : memref<!tpu.dma_semaphore, #tpu.memory_space<semaphore_mem>>) src(%dma_wait3A_644 : memref<128x16xf32, #tpu.memory_space<vmem>>) dst(%dma_wait3A_649 : memref<10016x16xf32, #tpu.memory_space<vmem_shared>>)
      %dma_wait3A_650 = arith.constant 0 : i32
      %dma_wait3A_651 = arith.constant 0 : i32
      %dma_wait3A_652 = arith.constant 0 : i32
      %dma_wait3A_653 = tpu.memref_slice %arg10[%dma_wait3A_650, %dma_wait3A_651, %dma_wait3A_652] : memref<8x128x16xf32, #tpu.memory_space<vmem>> -> memref<1x128x16xf32, #tpu.memory_space<vmem>>
      %dma_wait3A_654 = tpu.memref_squeeze %dma_wait3A_653 : memref<1x128x16xf32, #tpu.memory_space<vmem>> -> memref<128x16xf32, #tpu.memory_space<vmem>>
      %dma_wait3A_655 = arith.constant 0 : i32
      %dma_wait3A_656 = tpu.memref_slice %arg9[%dma_wait3A_655] : memref<10240xi32, #tpu.memory_space<vmem>> -> memref<128xi32, #tpu.memory_space<vmem>>
      %dma_wait3A_657 = arith.constant 0 : i32
      %dma_wait3A_658 = arith.constant 0 : i32
      %dma_wait3A_659 = tpu.memref_slice %arg12[%dma_wait3A_657, %dma_wait3A_658] : memref<10016x16xf32, #tpu.memory_space<vmem_shared>> -> memref<10016x16xf32, #tpu.memory_space<vmem_shared>>
      tpu.wait_indirect_dma semaphore(%arg15 : memref<!tpu.dma_semaphore, #tpu.memory_space<semaphore_mem>>) src(%dma_wait3A_654 : memref<128x16xf32, #tpu.memory_space<vmem>>) dst(%dma_wait3A_659 : memref<10016x16xf32, #tpu.memory_space<vmem_shared>>)
      %dma_wait3A_660 = arith.constant 0 : i32
      %dma_wait3A_661 = arith.constant 0 : i32
      %dma_wait3A_662 = arith.constant 0 : i32
      %dma_wait3A_663 = tpu.memref_slice %arg10[%dma_wait3A_660, %dma_wait3A_661, %dma_wait3A_662] : memref<8x128x16xf32, #tpu.memory_space<vmem>> -> memref<1x128x16xf32, #tpu.memory_space<vmem>>
      %dma_wait3A_664 = tpu.memref_squeeze %dma_wait3A_663 : memref<1x128x16xf32, #tpu.memory_space<vmem>> -> memref<128x16xf32, #tpu.memory_space<vmem>>
      %dma_wait3A_665 = arith.constant 0 : i32
      %dma_wait3A_666 = tpu.memref_slice %arg9[%dma_wait3A_665] : memref<10240xi32, #tpu.memory_space<vmem>> -> memref<128xi32, #tpu.memory_space<vmem>>
      %dma_wait3A_667 = arith.constant 0 : i32
      %dma_wait3A_668 = arith.constant 0 : i32
      %dma_wait3A_669 = tpu.memref_slice %arg12[%dma_wait3A_667, %dma_wait3A_668] : memref<10016x16xf32, #tpu.memory_space<vmem_shared>> -> memref<10016x16xf32, #tpu.memory_space<vmem_shared>>
      tpu.wait_indirect_dma semaphore(%arg15 : memref<!tpu.dma_semaphore, #tpu.memory_space<semaphore_mem>>) src(%dma_wait3A_664 : memref<128x16xf32, #tpu.memory_space<vmem>>) dst(%dma_wait3A_669 : memref<10016x16xf32, #tpu.memory_space<vmem_shared>>)
      %dma_wait3A_670 = arith.constant 0 : i32
      %dma_wait3A_671 = arith.constant 0 : i32
      %dma_wait3A_672 = arith.constant 0 : i32
      %dma_wait3A_673 = tpu.memref_slice %arg10[%dma_wait3A_670, %dma_wait3A_671, %dma_wait3A_672] : memref<8x128x16xf32, #tpu.memory_space<vmem>> -> memref<1x128x16xf32, #tpu.memory_space<vmem>>
      %dma_wait3A_674 = tpu.memref_squeeze %dma_wait3A_673 : memref<1x128x16xf32, #tpu.memory_space<vmem>> -> memref<128x16xf32, #tpu.memory_space<vmem>>
      %dma_wait3A_675 = arith.constant 0 : i32
      %dma_wait3A_676 = tpu.memref_slice %arg9[%dma_wait3A_675] : memref<10240xi32, #tpu.memory_space<vmem>> -> memref<128xi32, #tpu.memory_space<vmem>>
      %dma_wait3A_677 = arith.constant 0 : i32
      %dma_wait3A_678 = arith.constant 0 : i32
      %dma_wait3A_679 = tpu.memref_slice %arg12[%dma_wait3A_677, %dma_wait3A_678] : memref<10016x16xf32, #tpu.memory_space<vmem_shared>> -> memref<10016x16xf32, #tpu.memory_space<vmem_shared>>
      tpu.wait_indirect_dma semaphore(%arg15 : memref<!tpu.dma_semaphore, #tpu.memory_space<semaphore_mem>>) src(%dma_wait3A_674 : memref<128x16xf32, #tpu.memory_space<vmem>>) dst(%dma_wait3A_679 : memref<10016x16xf32, #tpu.memory_space<vmem_shared>>)
      %dma_wait3A_680 = arith.constant 0 : i32
      %dma_wait3A_681 = arith.constant 0 : i32
      %dma_wait3A_682 = arith.constant 0 : i32
      %dma_wait3A_683 = tpu.memref_slice %arg10[%dma_wait3A_680, %dma_wait3A_681, %dma_wait3A_682] : memref<8x128x16xf32, #tpu.memory_space<vmem>> -> memref<1x128x16xf32, #tpu.memory_space<vmem>>
      %dma_wait3A_684 = tpu.memref_squeeze %dma_wait3A_683 : memref<1x128x16xf32, #tpu.memory_space<vmem>> -> memref<128x16xf32, #tpu.memory_space<vmem>>
      %dma_wait3A_685 = arith.constant 0 : i32
      %dma_wait3A_686 = tpu.memref_slice %arg9[%dma_wait3A_685] : memref<10240xi32, #tpu.memory_space<vmem>> -> memref<128xi32, #tpu.memory_space<vmem>>
      %dma_wait3A_687 = arith.constant 0 : i32
      %dma_wait3A_688 = arith.constant 0 : i32
      %dma_wait3A_689 = tpu.memref_slice %arg12[%dma_wait3A_687, %dma_wait3A_688] : memref<10016x16xf32, #tpu.memory_space<vmem_shared>> -> memref<10016x16xf32, #tpu.memory_space<vmem_shared>>
      tpu.wait_indirect_dma semaphore(%arg15 : memref<!tpu.dma_semaphore, #tpu.memory_space<semaphore_mem>>) src(%dma_wait3A_684 : memref<128x16xf32, #tpu.memory_space<vmem>>) dst(%dma_wait3A_689 : memref<10016x16xf32, #tpu.memory_space<vmem_shared>>)
      %dma_wait3A_690 = arith.constant 0 : i32
      %dma_wait3A_691 = arith.constant 0 : i32
      %dma_wait3A_692 = arith.constant 0 : i32
      %dma_wait3A_693 = tpu.memref_slice %arg10[%dma_wait3A_690, %dma_wait3A_691, %dma_wait3A_692] : memref<8x128x16xf32, #tpu.memory_space<vmem>> -> memref<1x128x16xf32, #tpu.memory_space<vmem>>
      %dma_wait3A_694 = tpu.memref_squeeze %dma_wait3A_693 : memref<1x128x16xf32, #tpu.memory_space<vmem>> -> memref<128x16xf32, #tpu.memory_space<vmem>>
      %dma_wait3A_695 = arith.constant 0 : i32
      %dma_wait3A_696 = tpu.memref_slice %arg9[%dma_wait3A_695] : memref<10240xi32, #tpu.memory_space<vmem>> -> memref<128xi32, #tpu.memory_space<vmem>>
      %dma_wait3A_697 = arith.constant 0 : i32
      %dma_wait3A_698 = arith.constant 0 : i32
      %dma_wait3A_699 = tpu.memref_slice %arg12[%dma_wait3A_697, %dma_wait3A_698] : memref<10016x16xf32, #tpu.memory_space<vmem_shared>> -> memref<10016x16xf32, #tpu.memory_space<vmem_shared>>
      tpu.wait_indirect_dma semaphore(%arg15 : memref<!tpu.dma_semaphore, #tpu.memory_space<semaphore_mem>>) src(%dma_wait3A_694 : memref<128x16xf32, #tpu.memory_space<vmem>>) dst(%dma_wait3A_699 : memref<10016x16xf32, #tpu.memory_space<vmem_shared>>)
      %dma_wait3A_700 = arith.constant 0 : i32
      %dma_wait3A_701 = arith.constant 0 : i32
      %dma_wait3A_702 = arith.constant 0 : i32
      %dma_wait3A_703 = tpu.memref_slice %arg10[%dma_wait3A_700, %dma_wait3A_701, %dma_wait3A_702] : memref<8x128x16xf32, #tpu.memory_space<vmem>> -> memref<1x128x16xf32, #tpu.memory_space<vmem>>
      %dma_wait3A_704 = tpu.memref_squeeze %dma_wait3A_703 : memref<1x128x16xf32, #tpu.memory_space<vmem>> -> memref<128x16xf32, #tpu.memory_space<vmem>>
      %dma_wait3A_705 = arith.constant 0 : i32
      %dma_wait3A_706 = tpu.memref_slice %arg9[%dma_wait3A_705] : memref<10240xi32, #tpu.memory_space<vmem>> -> memref<128xi32, #tpu.memory_space<vmem>>
      %dma_wait3A_707 = arith.constant 0 : i32
      %dma_wait3A_708 = arith.constant 0 : i32
      %dma_wait3A_709 = tpu.memref_slice %arg12[%dma_wait3A_707, %dma_wait3A_708] : memref<10016x16xf32, #tpu.memory_space<vmem_shared>> -> memref<10016x16xf32, #tpu.memory_space<vmem_shared>>
      tpu.wait_indirect_dma semaphore(%arg15 : memref<!tpu.dma_semaphore, #tpu.memory_space<semaphore_mem>>) src(%dma_wait3A_704 : memref<128x16xf32, #tpu.memory_space<vmem>>) dst(%dma_wait3A_709 : memref<10016x16xf32, #tpu.memory_space<vmem_shared>>)
      %dma_wait3A_710 = arith.constant 0 : i32
      %dma_wait3A_711 = arith.constant 0 : i32
      %dma_wait3A_712 = arith.constant 0 : i32
      %dma_wait3A_713 = tpu.memref_slice %arg10[%dma_wait3A_710, %dma_wait3A_711, %dma_wait3A_712] : memref<8x128x16xf32, #tpu.memory_space<vmem>> -> memref<1x128x16xf32, #tpu.memory_space<vmem>>
      %dma_wait3A_714 = tpu.memref_squeeze %dma_wait3A_713 : memref<1x128x16xf32, #tpu.memory_space<vmem>> -> memref<128x16xf32, #tpu.memory_space<vmem>>
      %dma_wait3A_715 = arith.constant 0 : i32
      %dma_wait3A_716 = tpu.memref_slice %arg9[%dma_wait3A_715] : memref<10240xi32, #tpu.memory_space<vmem>> -> memref<128xi32, #tpu.memory_space<vmem>>
      %dma_wait3A_717 = arith.constant 0 : i32
      %dma_wait3A_718 = arith.constant 0 : i32
      %dma_wait3A_719 = tpu.memref_slice %arg12[%dma_wait3A_717, %dma_wait3A_718] : memref<10016x16xf32, #tpu.memory_space<vmem_shared>> -> memref<10016x16xf32, #tpu.memory_space<vmem_shared>>
      tpu.wait_indirect_dma semaphore(%arg15 : memref<!tpu.dma_semaphore, #tpu.memory_space<semaphore_mem>>) src(%dma_wait3A_714 : memref<128x16xf32, #tpu.memory_space<vmem>>) dst(%dma_wait3A_719 : memref<10016x16xf32, #tpu.memory_space<vmem_shared>>)
      %add3A_720 = arith.constant 1 : i32
      %add3A_721 = arith.addi %scan3A_116, %add3A_720 : i32
      %lt3A = arith.constant 5 : i32
      %lt3A_722 = arith.cmpi slt, %add3A_721, %lt3A : i32
      %convert_element_type3A = arith.extui %lt3A_722 : i1 to i32
      %cond3A = arith.constant 0 : i32
      %cond3A_723 = arith.cmpi ne, %convert_element_type3A, %cond3A : i32
      scf.if %cond3A_723 {
        %add3A_804 = arith.constant 2 : i32
        %add3A_805 = arith.addi %mul3A_118, %add3A_804 : i32
        %mul3A_806 = arith.constant 8 : i32
        %mul3A_807 = arith.muli %add3A_805, %mul3A_806 : i32
        %add3A_808 = arith.constant 0 : i32
        %add3A_809 = arith.addi %mul3A_807, %add3A_808 : i32
        %mul3A_810 = arith.constant 128 : i32
        %mul3A_811 = arith.muli %add3A_809, %mul3A_810 : i32
        %dma_start3A_812 = arith.constant 0 : i32
        %dma_start3A_813 = arith.constant 0 : i32
        %dma_start3A_814 = arith.constant 0 : i32
        %dma_start3A_815 = tpu.memref_slice %arg10[%dma_start3A_812, %dma_start3A_813, %dma_start3A_814] : memref<8x128x16xf32, #tpu.memory_space<vmem>> -> memref<1x128x16xf32, #tpu.memory_space<vmem>>
        %dma_start3A_816 = tpu.memref_squeeze %dma_start3A_815 : memref<1x128x16xf32, #tpu.memory_space<vmem>> -> memref<128x16xf32, #tpu.memory_space<vmem>>
        %dma_start3A_817 = tpu.memref_slice %arg8[%mul3A_811] : memref<10240xi32, #tpu.memory_space<vmem>> -> memref<128xi32, #tpu.memory_space<vmem>>
        %dma_start3A_818 = arith.constant 0 : i32
        %dma_start3A_819 = arith.constant 0 : i32
        %dma_start3A_820 = tpu.memref_slice %arg2[%dma_start3A_818, %dma_start3A_819] : memref<10016x16xf32, #tpu.memory_space<hbm>> -> memref<10016x16xf32, #tpu.memory_space<hbm>>
        tpu.enqueue_indirect_dma source(%dma_start3A_820 : memref<10016x16xf32, #tpu.memory_space<hbm>>) target(%dma_start3A_816 : memref<128x16xf32, #tpu.memory_space<vmem>>) offsets(%dma_start3A_817 : memref<128xi32, #tpu.memory_space<vmem>>) semaphore(%arg13 : memref<!tpu.dma_semaphore, #tpu.memory_space<semaphore_mem>>)
        %mul3A_821 = arith.constant 8 : i32
        %mul3A_822 = arith.muli %add3A_805, %mul3A_821 : i32
        %add3A_823 = arith.constant 1 : i32
        %add3A_824 = arith.addi %mul3A_822, %add3A_823 : i32
        %mul3A_825 = arith.constant 128 : i32
        %mul3A_826 = arith.muli %add3A_824, %mul3A_825 : i32
        %dma_start3A_827 = arith.constant 1 : i32
        %dma_start3A_828 = arith.constant 0 : i32
        %dma_start3A_829 = arith.constant 0 : i32
        %dma_start3A_830 = tpu.memref_slice %arg10[%dma_start3A_827, %dma_start3A_828, %dma_start3A_829] : memref<8x128x16xf32, #tpu.memory_space<vmem>> -> memref<1x128x16xf32, #tpu.memory_space<vmem>>
        %dma_start3A_831 = tpu.memref_squeeze %dma_start3A_830 : memref<1x128x16xf32, #tpu.memory_space<vmem>> -> memref<128x16xf32, #tpu.memory_space<vmem>>
        %dma_start3A_832 = tpu.memref_slice %arg8[%mul3A_826] : memref<10240xi32, #tpu.memory_space<vmem>> -> memref<128xi32, #tpu.memory_space<vmem>>
        %dma_start3A_833 = arith.constant 0 : i32
        %dma_start3A_834 = arith.constant 0 : i32
        %dma_start3A_835 = tpu.memref_slice %arg2[%dma_start3A_833, %dma_start3A_834] : memref<10016x16xf32, #tpu.memory_space<hbm>> -> memref<10016x16xf32, #tpu.memory_space<hbm>>
        tpu.enqueue_indirect_dma source(%dma_start3A_835 : memref<10016x16xf32, #tpu.memory_space<hbm>>) target(%dma_start3A_831 : memref<128x16xf32, #tpu.memory_space<vmem>>) offsets(%dma_start3A_832 : memref<128xi32, #tpu.memory_space<vmem>>) semaphore(%arg13 : memref<!tpu.dma_semaphore, #tpu.memory_space<semaphore_mem>>)
        %mul3A_836 = arith.constant 8 : i32
        %mul3A_837 = arith.muli %add3A_805, %mul3A_836 : i32
        %add3A_838 = arith.constant 2 : i32
        %add3A_839 = arith.addi %mul3A_837, %add3A_838 : i32
        %mul3A_840 = arith.constant 128 : i32
        %mul3A_841 = arith.muli %add3A_839, %mul3A_840 : i32
        %dma_start3A_842 = arith.constant 2 : i32
        %dma_start3A_843 = arith.constant 0 : i32
        %dma_start3A_844 = arith.constant 0 : i32
        %dma_start3A_845 = tpu.memref_slice %arg10[%dma_start3A_842, %dma_start3A_843, %dma_start3A_844] : memref<8x128x16xf32, #tpu.memory_space<vmem>> -> memref<1x128x16xf32, #tpu.memory_space<vmem>>
        %dma_start3A_846 = tpu.memref_squeeze %dma_start3A_845 : memref<1x128x16xf32, #tpu.memory_space<vmem>> -> memref<128x16xf32, #tpu.memory_space<vmem>>
        %dma_start3A_847 = tpu.memref_slice %arg8[%mul3A_841] : memref<10240xi32, #tpu.memory_space<vmem>> -> memref<128xi32, #tpu.memory_space<vmem>>
        %dma_start3A_848 = arith.constant 0 : i32
        %dma_start3A_849 = arith.constant 0 : i32
        %dma_start3A_850 = tpu.memref_slice %arg2[%dma_start3A_848, %dma_start3A_849] : memref<10016x16xf32, #tpu.memory_space<hbm>> -> memref<10016x16xf32, #tpu.memory_space<hbm>>
        tpu.enqueue_indirect_dma source(%dma_start3A_850 : memref<10016x16xf32, #tpu.memory_space<hbm>>) target(%dma_start3A_846 : memref<128x16xf32, #tpu.memory_space<vmem>>) offsets(%dma_start3A_847 : memref<128xi32, #tpu.memory_space<vmem>>) semaphore(%arg13 : memref<!tpu.dma_semaphore, #tpu.memory_space<semaphore_mem>>)
        %mul3A_851 = arith.constant 8 : i32
        %mul3A_852 = arith.muli %add3A_805, %mul3A_851 : i32
        %add3A_853 = arith.constant 3 : i32
        %add3A_854 = arith.addi %mul3A_852, %add3A_853 : i32
        %mul3A_855 = arith.constant 128 : i32
        %mul3A_856 = arith.muli %add3A_854, %mul3A_855 : i32
        %dma_start3A_857 = arith.constant 3 : i32
        %dma_start3A_858 = arith.constant 0 : i32
        %dma_start3A_859 = arith.constant 0 : i32
        %dma_start3A_860 = tpu.memref_slice %arg10[%dma_start3A_857, %dma_start3A_858, %dma_start3A_859] : memref<8x128x16xf32, #tpu.memory_space<vmem>> -> memref<1x128x16xf32, #tpu.memory_space<vmem>>
        %dma_start3A_861 = tpu.memref_squeeze %dma_start3A_860 : memref<1x128x16xf32, #tpu.memory_space<vmem>> -> memref<128x16xf32, #tpu.memory_space<vmem>>
        %dma_start3A_862 = tpu.memref_slice %arg8[%mul3A_856] : memref<10240xi32, #tpu.memory_space<vmem>> -> memref<128xi32, #tpu.memory_space<vmem>>
        %dma_start3A_863 = arith.constant 0 : i32
        %dma_start3A_864 = arith.constant 0 : i32
        %dma_start3A_865 = tpu.memref_slice %arg2[%dma_start3A_863, %dma_start3A_864] : memref<10016x16xf32, #tpu.memory_space<hbm>> -> memref<10016x16xf32, #tpu.memory_space<hbm>>
        tpu.enqueue_indirect_dma source(%dma_start3A_865 : memref<10016x16xf32, #tpu.memory_space<hbm>>) target(%dma_start3A_861 : memref<128x16xf32, #tpu.memory_space<vmem>>) offsets(%dma_start3A_862 : memref<128xi32, #tpu.memory_space<vmem>>) semaphore(%arg13 : memref<!tpu.dma_semaphore, #tpu.memory_space<semaphore_mem>>)
        %mul3A_866 = arith.constant 8 : i32
        %mul3A_867 = arith.muli %add3A_805, %mul3A_866 : i32
        %add3A_868 = arith.constant 4 : i32
        %add3A_869 = arith.addi %mul3A_867, %add3A_868 : i32
        %mul3A_870 = arith.constant 128 : i32
        %mul3A_871 = arith.muli %add3A_869, %mul3A_870 : i32
        %dma_start3A_872 = arith.constant 4 : i32
        %dma_start3A_873 = arith.constant 0 : i32
        %dma_start3A_874 = arith.constant 0 : i32
        %dma_start3A_875 = tpu.memref_slice %arg10[%dma_start3A_872, %dma_start3A_873, %dma_start3A_874] : memref<8x128x16xf32, #tpu.memory_space<vmem>> -> memref<1x128x16xf32, #tpu.memory_space<vmem>>
        %dma_start3A_876 = tpu.memref_squeeze %dma_start3A_875 : memref<1x128x16xf32, #tpu.memory_space<vmem>> -> memref<128x16xf32, #tpu.memory_space<vmem>>
        %dma_start3A_877 = tpu.memref_slice %arg8[%mul3A_871] : memref<10240xi32, #tpu.memory_space<vmem>> -> memref<128xi32, #tpu.memory_space<vmem>>
        %dma_start3A_878 = arith.constant 0 : i32
        %dma_start3A_879 = arith.constant 0 : i32
        %dma_start3A_880 = tpu.memref_slice %arg2[%dma_start3A_878, %dma_start3A_879] : memref<10016x16xf32, #tpu.memory_space<hbm>> -> memref<10016x16xf32, #tpu.memory_space<hbm>>
        tpu.enqueue_indirect_dma source(%dma_start3A_880 : memref<10016x16xf32, #tpu.memory_space<hbm>>) target(%dma_start3A_876 : memref<128x16xf32, #tpu.memory_space<vmem>>) offsets(%dma_start3A_877 : memref<128xi32, #tpu.memory_space<vmem>>) semaphore(%arg13 : memref<!tpu.dma_semaphore, #tpu.memory_space<semaphore_mem>>)
        %mul3A_881 = arith.constant 8 : i32
        %mul3A_882 = arith.muli %add3A_805, %mul3A_881 : i32
        %add3A_883 = arith.constant 5 : i32
        %add3A_884 = arith.addi %mul3A_882, %add3A_883 : i32
        %mul3A_885 = arith.constant 128 : i32
        %mul3A_886 = arith.muli %add3A_884, %mul3A_885 : i32
        %dma_start3A_887 = arith.constant 5 : i32
        %dma_start3A_888 = arith.constant 0 : i32
        %dma_start3A_889 = arith.constant 0 : i32
        %dma_start3A_890 = tpu.memref_slice %arg10[%dma_start3A_887, %dma_start3A_888, %dma_start3A_889] : memref<8x128x16xf32, #tpu.memory_space<vmem>> -> memref<1x128x16xf32, #tpu.memory_space<vmem>>
        %dma_start3A_891 = tpu.memref_squeeze %dma_start3A_890 : memref<1x128x16xf32, #tpu.memory_space<vmem>> -> memref<128x16xf32, #tpu.memory_space<vmem>>
        %dma_start3A_892 = tpu.memref_slice %arg8[%mul3A_886] : memref<10240xi32, #tpu.memory_space<vmem>> -> memref<128xi32, #tpu.memory_space<vmem>>
        %dma_start3A_893 = arith.constant 0 : i32
        %dma_start3A_894 = arith.constant 0 : i32
        %dma_start3A_895 = tpu.memref_slice %arg2[%dma_start3A_893, %dma_start3A_894] : memref<10016x16xf32, #tpu.memory_space<hbm>> -> memref<10016x16xf32, #tpu.memory_space<hbm>>
        tpu.enqueue_indirect_dma source(%dma_start3A_895 : memref<10016x16xf32, #tpu.memory_space<hbm>>) target(%dma_start3A_891 : memref<128x16xf32, #tpu.memory_space<vmem>>) offsets(%dma_start3A_892 : memref<128xi32, #tpu.memory_space<vmem>>) semaphore(%arg13 : memref<!tpu.dma_semaphore, #tpu.memory_space<semaphore_mem>>)
        %mul3A_896 = arith.constant 8 : i32
        %mul3A_897 = arith.muli %add3A_805, %mul3A_896 : i32
        %add3A_898 = arith.constant 6 : i32
        %add3A_899 = arith.addi %mul3A_897, %add3A_898 : i32
        %mul3A_900 = arith.constant 128 : i32
        %mul3A_901 = arith.muli %add3A_899, %mul3A_900 : i32
        %dma_start3A_902 = arith.constant 6 : i32
        %dma_start3A_903 = arith.constant 0 : i32
        %dma_start3A_904 = arith.constant 0 : i32
        %dma_start3A_905 = tpu.memref_slice %arg10[%dma_start3A_902, %dma_start3A_903, %dma_start3A_904] : memref<8x128x16xf32, #tpu.memory_space<vmem>> -> memref<1x128x16xf32, #tpu.memory_space<vmem>>
        %dma_start3A_906 = tpu.memref_squeeze %dma_start3A_905 : memref<1x128x16xf32, #tpu.memory_space<vmem>> -> memref<128x16xf32, #tpu.memory_space<vmem>>
        %dma_start3A_907 = tpu.memref_slice %arg8[%mul3A_901] : memref<10240xi32, #tpu.memory_space<vmem>> -> memref<128xi32, #tpu.memory_space<vmem>>
        %dma_start3A_908 = arith.constant 0 : i32
        %dma_start3A_909 = arith.constant 0 : i32
        %dma_start3A_910 = tpu.memref_slice %arg2[%dma_start3A_908, %dma_start3A_909] : memref<10016x16xf32, #tpu.memory_space<hbm>> -> memref<10016x16xf32, #tpu.memory_space<hbm>>
        tpu.enqueue_indirect_dma source(%dma_start3A_910 : memref<10016x16xf32, #tpu.memory_space<hbm>>) target(%dma_start3A_906 : memref<128x16xf32, #tpu.memory_space<vmem>>) offsets(%dma_start3A_907 : memref<128xi32, #tpu.memory_space<vmem>>) semaphore(%arg13 : memref<!tpu.dma_semaphore, #tpu.memory_space<semaphore_mem>>)
        %mul3A_911 = arith.constant 8 : i32
        %mul3A_912 = arith.muli %add3A_805, %mul3A_911 : i32
        %add3A_913 = arith.constant 7 : i32
        %add3A_914 = arith.addi %mul3A_912, %add3A_913 : i32
        %mul3A_915 = arith.constant 128 : i32
        %mul3A_916 = arith.muli %add3A_914, %mul3A_915 : i32
        %dma_start3A_917 = arith.constant 7 : i32
        %dma_start3A_918 = arith.constant 0 : i32
        %dma_start3A_919 = arith.constant 0 : i32
        %dma_start3A_920 = tpu.memref_slice %arg10[%dma_start3A_917, %dma_start3A_918, %dma_start3A_919] : memref<8x128x16xf32, #tpu.memory_space<vmem>> -> memref<1x128x16xf32, #tpu.memory_space<vmem>>
        %dma_start3A_921 = tpu.memref_squeeze %dma_start3A_920 : memref<1x128x16xf32, #tpu.memory_space<vmem>> -> memref<128x16xf32, #tpu.memory_space<vmem>>
        %dma_start3A_922 = tpu.memref_slice %arg8[%mul3A_916] : memref<10240xi32, #tpu.memory_space<vmem>> -> memref<128xi32, #tpu.memory_space<vmem>>
        %dma_start3A_923 = arith.constant 0 : i32
        %dma_start3A_924 = arith.constant 0 : i32
        %dma_start3A_925 = tpu.memref_slice %arg2[%dma_start3A_923, %dma_start3A_924] : memref<10016x16xf32, #tpu.memory_space<hbm>> -> memref<10016x16xf32, #tpu.memory_space<hbm>>
        tpu.enqueue_indirect_dma source(%dma_start3A_925 : memref<10016x16xf32, #tpu.memory_space<hbm>>) target(%dma_start3A_921 : memref<128x16xf32, #tpu.memory_space<vmem>>) offsets(%dma_start3A_922 : memref<128xi32, #tpu.memory_space<vmem>>) semaphore(%arg13 : memref<!tpu.dma_semaphore, #tpu.memory_space<semaphore_mem>>)
      } else {
      }
      %dma_wait3A_724 = arith.constant 0 : i32
      %dma_wait3A_725 = arith.constant 0 : i32
      %dma_wait3A_726 = arith.constant 0 : i32
      %dma_wait3A_727 = tpu.memref_slice %arg11[%dma_wait3A_724, %dma_wait3A_725, %dma_wait3A_726] : memref<8x128x16xf32, #tpu.memory_space<vmem>> -> memref<1x128x16xf32, #tpu.memory_space<vmem>>
      %dma_wait3A_728 = tpu.memref_squeeze %dma_wait3A_727 : memref<1x128x16xf32, #tpu.memory_space<vmem>> -> memref<128x16xf32, #tpu.memory_space<vmem>>
      %dma_wait3A_729 = arith.constant 0 : i32
      %dma_wait3A_730 = tpu.memref_slice %arg9[%dma_wait3A_729] : memref<10240xi32, #tpu.memory_space<vmem>> -> memref<128xi32, #tpu.memory_space<vmem>>
      %dma_wait3A_731 = arith.constant 0 : i32
      %dma_wait3A_732 = arith.constant 0 : i32
      %dma_wait3A_733 = tpu.memref_slice %arg12[%dma_wait3A_731, %dma_wait3A_732] : memref<10016x16xf32, #tpu.memory_space<vmem_shared>> -> memref<10016x16xf32, #tpu.memory_space<vmem_shared>>
      tpu.wait_indirect_dma semaphore(%arg16 : memref<!tpu.dma_semaphore, #tpu.memory_space<semaphore_mem>>) src(%dma_wait3A_728 : memref<128x16xf32, #tpu.memory_space<vmem>>) dst(%dma_wait3A_733 : memref<10016x16xf32, #tpu.memory_space<vmem_shared>>)
      %dma_wait3A_734 = arith.constant 0 : i32
      %dma_wait3A_735 = arith.constant 0 : i32
      %dma_wait3A_736 = arith.constant 0 : i32
      %dma_wait3A_737 = tpu.memref_slice %arg11[%dma_wait3A_734, %dma_wait3A_735, %dma_wait3A_736] : memref<8x128x16xf32, #tpu.memory_space<vmem>> -> memref<1x128x16xf32, #tpu.memory_space<vmem>>
      %dma_wait3A_738 = tpu.memref_squeeze %dma_wait3A_737 : memref<1x128x16xf32, #tpu.memory_space<vmem>> -> memref<128x16xf32, #tpu.memory_space<vmem>>
      %dma_wait3A_739 = arith.constant 0 : i32
      %dma_wait3A_740 = tpu.memref_slice %arg9[%dma_wait3A_739] : memref<10240xi32, #tpu.memory_space<vmem>> -> memref<128xi32, #tpu.memory_space<vmem>>
      %dma_wait3A_741 = arith.constant 0 : i32
      %dma_wait3A_742 = arith.constant 0 : i32
      %dma_wait3A_743 = tpu.memref_slice %arg12[%dma_wait3A_741, %dma_wait3A_742] : memref<10016x16xf32, #tpu.memory_space<vmem_shared>> -> memref<10016x16xf32, #tpu.memory_space<vmem_shared>>
      tpu.wait_indirect_dma semaphore(%arg16 : memref<!tpu.dma_semaphore, #tpu.memory_space<semaphore_mem>>) src(%dma_wait3A_738 : memref<128x16xf32, #tpu.memory_space<vmem>>) dst(%dma_wait3A_743 : memref<10016x16xf32, #tpu.memory_space<vmem_shared>>)
      %dma_wait3A_744 = arith.constant 0 : i32
      %dma_wait3A_745 = arith.constant 0 : i32
      %dma_wait3A_746 = arith.constant 0 : i32
      %dma_wait3A_747 = tpu.memref_slice %arg11[%dma_wait3A_744, %dma_wait3A_745, %dma_wait3A_746] : memref<8x128x16xf32, #tpu.memory_space<vmem>> -> memref<1x128x16xf32, #tpu.memory_space<vmem>>
      %dma_wait3A_748 = tpu.memref_squeeze %dma_wait3A_747 : memref<1x128x16xf32, #tpu.memory_space<vmem>> -> memref<128x16xf32, #tpu.memory_space<vmem>>
      %dma_wait3A_749 = arith.constant 0 : i32
      %dma_wait3A_750 = tpu.memref_slice %arg9[%dma_wait3A_749] : memref<10240xi32, #tpu.memory_space<vmem>> -> memref<128xi32, #tpu.memory_space<vmem>>
      %dma_wait3A_751 = arith.constant 0 : i32
      %dma_wait3A_752 = arith.constant 0 : i32
      %dma_wait3A_753 = tpu.memref_slice %arg12[%dma_wait3A_751, %dma_wait3A_752] : memref<10016x16xf32, #tpu.memory_space<vmem_shared>> -> memref<10016x16xf32, #tpu.memory_space<vmem_shared>>
      tpu.wait_indirect_dma semaphore(%arg16 : memref<!tpu.dma_semaphore, #tpu.memory_space<semaphore_mem>>) src(%dma_wait3A_748 : memref<128x16xf32, #tpu.memory_space<vmem>>) dst(%dma_wait3A_753 : memref<10016x16xf32, #tpu.memory_space<vmem_shared>>)
      %dma_wait3A_754 = arith.constant 0 : i32
      %dma_wait3A_755 = arith.constant 0 : i32
      %dma_wait3A_756 = arith.constant 0 : i32
      %dma_wait3A_757 = tpu.memref_slice %arg11[%dma_wait3A_754, %dma_wait3A_755, %dma_wait3A_756] : memref<8x128x16xf32, #tpu.memory_space<vmem>> -> memref<1x128x16xf32, #tpu.memory_space<vmem>>
      %dma_wait3A_758 = tpu.memref_squeeze %dma_wait3A_757 : memref<1x128x16xf32, #tpu.memory_space<vmem>> -> memref<128x16xf32, #tpu.memory_space<vmem>>
      %dma_wait3A_759 = arith.constant 0 : i32
      %dma_wait3A_760 = tpu.memref_slice %arg9[%dma_wait3A_759] : memref<10240xi32, #tpu.memory_space<vmem>> -> memref<128xi32, #tpu.memory_space<vmem>>
      %dma_wait3A_761 = arith.constant 0 : i32
      %dma_wait3A_762 = arith.constant 0 : i32
      %dma_wait3A_763 = tpu.memref_slice %arg12[%dma_wait3A_761, %dma_wait3A_762] : memref<10016x16xf32, #tpu.memory_space<vmem_shared>> -> memref<10016x16xf32, #tpu.memory_space<vmem_shared>>
      tpu.wait_indirect_dma semaphore(%arg16 : memref<!tpu.dma_semaphore, #tpu.memory_space<semaphore_mem>>) src(%dma_wait3A_758 : memref<128x16xf32, #tpu.memory_space<vmem>>) dst(%dma_wait3A_763 : memref<10016x16xf32, #tpu.memory_space<vmem_shared>>)
      %dma_wait3A_764 = arith.constant 0 : i32
      %dma_wait3A_765 = arith.constant 0 : i32
      %dma_wait3A_766 = arith.constant 0 : i32
      %dma_wait3A_767 = tpu.memref_slice %arg11[%dma_wait3A_764, %dma_wait3A_765, %dma_wait3A_766] : memref<8x128x16xf32, #tpu.memory_space<vmem>> -> memref<1x128x16xf32, #tpu.memory_space<vmem>>
      %dma_wait3A_768 = tpu.memref_squeeze %dma_wait3A_767 : memref<1x128x16xf32, #tpu.memory_space<vmem>> -> memref<128x16xf32, #tpu.memory_space<vmem>>
      %dma_wait3A_769 = arith.constant 0 : i32
      %dma_wait3A_770 = tpu.memref_slice %arg9[%dma_wait3A_769] : memref<10240xi32, #tpu.memory_space<vmem>> -> memref<128xi32, #tpu.memory_space<vmem>>
      %dma_wait3A_771 = arith.constant 0 : i32
      %dma_wait3A_772 = arith.constant 0 : i32
      %dma_wait3A_773 = tpu.memref_slice %arg12[%dma_wait3A_771, %dma_wait3A_772] : memref<10016x16xf32, #tpu.memory_space<vmem_shared>> -> memref<10016x16xf32, #tpu.memory_space<vmem_shared>>
      tpu.wait_indirect_dma semaphore(%arg16 : memref<!tpu.dma_semaphore, #tpu.memory_space<semaphore_mem>>) src(%dma_wait3A_768 : memref<128x16xf32, #tpu.memory_space<vmem>>) dst(%dma_wait3A_773 : memref<10016x16xf32, #tpu.memory_space<vmem_shared>>)
      %dma_wait3A_774 = arith.constant 0 : i32
      %dma_wait3A_775 = arith.constant 0 : i32
      %dma_wait3A_776 = arith.constant 0 : i32
      %dma_wait3A_777 = tpu.memref_slice %arg11[%dma_wait3A_774, %dma_wait3A_775, %dma_wait3A_776] : memref<8x128x16xf32, #tpu.memory_space<vmem>> -> memref<1x128x16xf32, #tpu.memory_space<vmem>>
      %dma_wait3A_778 = tpu.memref_squeeze %dma_wait3A_777 : memref<1x128x16xf32, #tpu.memory_space<vmem>> -> memref<128x16xf32, #tpu.memory_space<vmem>>
      %dma_wait3A_779 = arith.constant 0 : i32
      %dma_wait3A_780 = tpu.memref_slice %arg9[%dma_wait3A_779] : memref<10240xi32, #tpu.memory_space<vmem>> -> memref<128xi32, #tpu.memory_space<vmem>>
      %dma_wait3A_781 = arith.constant 0 : i32
      %dma_wait3A_782 = arith.constant 0 : i32
      %dma_wait3A_783 = tpu.memref_slice %arg12[%dma_wait3A_781, %dma_wait3A_782] : memref<10016x16xf32, #tpu.memory_space<vmem_shared>> -> memref<10016x16xf32, #tpu.memory_space<vmem_shared>>
      tpu.wait_indirect_dma semaphore(%arg16 : memref<!tpu.dma_semaphore, #tpu.memory_space<semaphore_mem>>) src(%dma_wait3A_778 : memref<128x16xf32, #tpu.memory_space<vmem>>) dst(%dma_wait3A_783 : memref<10016x16xf32, #tpu.memory_space<vmem_shared>>)
      %dma_wait3A_784 = arith.constant 0 : i32
      %dma_wait3A_785 = arith.constant 0 : i32
      %dma_wait3A_786 = arith.constant 0 : i32
      %dma_wait3A_787 = tpu.memref_slice %arg11[%dma_wait3A_784, %dma_wait3A_785, %dma_wait3A_786] : memref<8x128x16xf32, #tpu.memory_space<vmem>> -> memref<1x128x16xf32, #tpu.memory_space<vmem>>
      %dma_wait3A_788 = tpu.memref_squeeze %dma_wait3A_787 : memref<1x128x16xf32, #tpu.memory_space<vmem>> -> memref<128x16xf32, #tpu.memory_space<vmem>>
      %dma_wait3A_789 = arith.constant 0 : i32
      %dma_wait3A_790 = tpu.memref_slice %arg9[%dma_wait3A_789] : memref<10240xi32, #tpu.memory_space<vmem>> -> memref<128xi32, #tpu.memory_space<vmem>>
      %dma_wait3A_791 = arith.constant 0 : i32
      %dma_wait3A_792 = arith.constant 0 : i32
      %dma_wait3A_793 = tpu.memref_slice %arg12[%dma_wait3A_791, %dma_wait3A_792] : memref<10016x16xf32, #tpu.memory_space<vmem_shared>> -> memref<10016x16xf32, #tpu.memory_space<vmem_shared>>
      tpu.wait_indirect_dma semaphore(%arg16 : memref<!tpu.dma_semaphore, #tpu.memory_space<semaphore_mem>>) src(%dma_wait3A_788 : memref<128x16xf32, #tpu.memory_space<vmem>>) dst(%dma_wait3A_793 : memref<10016x16xf32, #tpu.memory_space<vmem_shared>>)
      %dma_wait3A_794 = arith.constant 0 : i32
      %dma_wait3A_795 = arith.constant 0 : i32
      %dma_wait3A_796 = arith.constant 0 : i32
      %dma_wait3A_797 = tpu.memref_slice %arg11[%dma_wait3A_794, %dma_wait3A_795, %dma_wait3A_796] : memref<8x128x16xf32, #tpu.memory_space<vmem>> -> memref<1x128x16xf32, #tpu.memory_space<vmem>>
      %dma_wait3A_798 = tpu.memref_squeeze %dma_wait3A_797 : memref<1x128x16xf32, #tpu.memory_space<vmem>> -> memref<128x16xf32, #tpu.memory_space<vmem>>
      %dma_wait3A_799 = arith.constant 0 : i32
      %dma_wait3A_800 = tpu.memref_slice %arg9[%dma_wait3A_799] : memref<10240xi32, #tpu.memory_space<vmem>> -> memref<128xi32, #tpu.memory_space<vmem>>
      %dma_wait3A_801 = arith.constant 0 : i32
      %dma_wait3A_802 = arith.constant 0 : i32
      %dma_wait3A_803 = tpu.memref_slice %arg12[%dma_wait3A_801, %dma_wait3A_802] : memref<10016x16xf32, #tpu.memory_space<vmem_shared>> -> memref<10016x16xf32, #tpu.memory_space<vmem_shared>>
      tpu.wait_indirect_dma semaphore(%arg16 : memref<!tpu.dma_semaphore, #tpu.memory_space<semaphore_mem>>) src(%dma_wait3A_798 : memref<128x16xf32, #tpu.memory_space<vmem>>) dst(%dma_wait3A_803 : memref<10016x16xf32, #tpu.memory_space<vmem_shared>>)
    }
    %scan3A_110 = arith.constant 5 : i32
    %barrier3A_111 = arith.constant 0 : index
    tpu.barrier barrier_id(%barrier3A_111)
    %mul3A_112 = arith.constant 626 : i32
    %mul3A_113 = arith.muli %arg1, %mul3A_112 : i32
    %mul3A_114 = arith.constant 626 : i32
    %mul3A_115 = arith.muli %arg1, %mul3A_114 : i32
    "tpu.region"() ({
      %run_scoped3A_116 = tpu.sem_alloc : memref<!tpu.dma_semaphore, #tpu.memory_space<semaphore_mem>>
      %dma_start3A_117 = arith.constant 0 : i32
      %dma_start3A_118 = tpu.memref_slice %arg7[%arg0, %mul3A_115, %dma_start3A_117] : memref<2x10016x16xf32, #tpu.memory_space<hbm>> -> memref<1x626x16xf32, #tpu.memory_space<hbm>>
      %dma_start3A_119 = tpu.memref_squeeze %dma_start3A_118 : memref<1x626x16xf32, #tpu.memory_space<hbm>> -> memref<626x16xf32, #tpu.memory_space<hbm>>
      %dma_start3A_120 = arith.constant 0 : i32
      %dma_start3A_121 = tpu.memref_slice %arg12[%mul3A_113, %dma_start3A_120] : memref<10016x16xf32, #tpu.memory_space<vmem_shared>> -> memref<626x16xf32, #tpu.memory_space<vmem_shared>>
      tpu.enqueue_dma source(%dma_start3A_121 : memref<626x16xf32, #tpu.memory_space<vmem_shared>>) target(%dma_start3A_119 : memref<626x16xf32, #tpu.memory_space<hbm>>) target_semaphore(%run_scoped3A_116 : memref<!tpu.dma_semaphore, #tpu.memory_space<semaphore_mem>>)
      %dma_wait3A = arith.constant 0 : i32
      %dma_wait3A_122 = tpu.memref_slice %arg7[%arg0, %mul3A_115, %dma_wait3A] : memref<2x10016x16xf32, #tpu.memory_space<hbm>> -> memref<1x626x16xf32, #tpu.memory_space<hbm>>
      %dma_wait3A_123 = tpu.memref_squeeze %dma_wait3A_122 : memref<1x626x16xf32, #tpu.memory_space<hbm>> -> memref<626x16xf32, #tpu.memory_space<hbm>>
      %dma_wait3A_124 = arith.constant 0 : i32
      %dma_wait3A_125 = tpu.memref_slice %arg12[%mul3A_113, %dma_wait3A_124] : memref<10016x16xf32, #tpu.memory_space<vmem_shared>> -> memref<626x16xf32, #tpu.memory_space<vmem_shared>>
      tpu.wait_dma2 semaphore(%run_scoped3A_116 : memref<!tpu.dma_semaphore, #tpu.memory_space<semaphore_mem>>) src(%dma_wait3A_125 : memref<626x16xf32, #tpu.memory_space<vmem_shared>>) dst(%dma_wait3A_123 : memref<626x16xf32, #tpu.memory_space<hbm>>)
      tpu.yield
    }) : () -> ()
    return
  }
}

#map = affine_map<(d0, d1) -> (0, 0)>
#map1 = affine_map<(d0, d1) -> (0)>
#map2 = affine_map<(d0, d1) -> (0, 0, 0)>
module attributes {stable_mosaic.version = 14 : i64} {
  func.func @seg(%arg0: i32, %arg1: i32, %arg2: memref<20032x64xf32, #tpu.memory_space<hbm>>, %arg3: memref<327680xi32, #tpu.memory_space<hbm>>, %arg4: memref<327680xi32, #tpu.memory_space<hbm>>, %arg5: memref<327680xi32, #tpu.memory_space<hbm>>, %arg6: memref<2x128x64xf32, #tpu.memory_space<hbm>>, %arg7: memref<10016xf32, #tpu.memory_space<hbm>>, %arg8: memref<2x10016x64xf32, #tpu.memory_space<hbm>>, %arg9: memref<16x10016xf32, #tpu.memory_space<hbm>>, %arg10: memref<20480xi32, #tpu.memory_space<vmem>>, %arg11: memref<20480xi32, #tpu.memory_space<vmem>>, %arg12: memref<2x128x64xf32, #tpu.memory_space<vmem>>, %arg13: memref<2x128x64xf32, #tpu.memory_space<vmem>>, %arg14: memref<10016xf32, #tpu.memory_space<vmem>>, %arg15: memref<10016x64xf32, #tpu.memory_space<vmem_shared>>, %arg16: memref<!tpu.dma_semaphore, #tpu.memory_space<semaphore_mem>>, %arg17: memref<!tpu.dma_semaphore, #tpu.memory_space<semaphore_mem>>, %arg18: memref<!tpu.dma_semaphore, #tpu.memory_space<semaphore_mem>>, %arg19: memref<!tpu.dma_semaphore, #tpu.memory_space<semaphore_mem>>) attributes {dimension_semantics = [#tpu.dimension_semantics<core_parallel>, #tpu.dimension_semantics<subcore_parallel>], iteration_bounds = array<i64: 2, 16>, scalar_prefetch = 0 : i64, scratch_operands = 10 : i64, tpu.core_type = #tpu.core_type<sc_vector_subcore>, window_params = [{transform_indices = #map}, {transform_indices = #map1}, {transform_indices = #map1}, {transform_indices = #map1}, {transform_indices = #map2}, {transform_indices = #map1}, {transform_indices = #map2}, {transform_indices = #map}]} {
    %mul3A = arith.constant 20480 : i32
    %mul3A_0 = arith.muli %arg1, %mul3A : i32
    %eq3A = arith.constant 0 : i32
    %eq3A_1 = arith.cmpi eq, %arg0, %eq3A : i32
    %convert_element_type3A = arith.extui %eq3A_1 : i1 to i32
    %cond3A = arith.constant 0 : i32
    %cond3A_2 = arith.cmpi ne, %convert_element_type3A, %cond3A : i32
    scf.if %cond3A_2 {
      "tpu.region"() ({
        %run_scoped3A_65 = tpu.sem_alloc : memref<!tpu.dma_semaphore, #tpu.memory_space<semaphore_mem>>
        %dma_start3A_66 = tpu.memref_slice %arg3[%mul3A_0] : memref<327680xi32, #tpu.memory_space<hbm>> -> memref<20480xi32, #tpu.memory_space<hbm>>
        %dma_start3A_67 = tpu.memref_slice %arg3[%mul3A_0] : memref<327680xi32, #tpu.memory_space<hbm>> -> memref<20480xi32, #tpu.memory_space<hbm>>
        tpu.enqueue_dma source(%dma_start3A_67 : memref<20480xi32, #tpu.memory_space<hbm>>) target(%arg10 : memref<20480xi32, #tpu.memory_space<vmem>>) target_semaphore(%run_scoped3A_65 : memref<!tpu.dma_semaphore, #tpu.memory_space<semaphore_mem>>)
        %dma_wait3A = tpu.memref_slice %arg3[%mul3A_0] : memref<327680xi32, #tpu.memory_space<hbm>> -> memref<20480xi32, #tpu.memory_space<hbm>>
        %dma_wait3A_68 = tpu.memref_slice %arg3[%mul3A_0] : memref<327680xi32, #tpu.memory_space<hbm>> -> memref<20480xi32, #tpu.memory_space<hbm>>
        tpu.wait_dma2 semaphore(%run_scoped3A_65 : memref<!tpu.dma_semaphore, #tpu.memory_space<semaphore_mem>>) src(%dma_wait3A_68 : memref<20480xi32, #tpu.memory_space<hbm>>) dst(%arg10 : memref<20480xi32, #tpu.memory_space<vmem>>)
        tpu.yield
      }) : () -> ()
    } else {
    }
    %eq3A_3 = arith.constant 1 : i32
    %eq3A_4 = arith.cmpi eq, %arg0, %eq3A_3 : i32
    %convert_element_type3A_5 = arith.extui %eq3A_4 : i1 to i32
    %cond3A_6 = arith.constant 0 : i32
    %cond3A_7 = arith.cmpi ne, %convert_element_type3A_5, %cond3A_6 : i32
    scf.if %cond3A_7 {
      "tpu.region"() ({
        %run_scoped3A_65 = tpu.sem_alloc : memref<!tpu.dma_semaphore, #tpu.memory_space<semaphore_mem>>
        %dma_start3A_66 = tpu.memref_slice %arg4[%mul3A_0] : memref<327680xi32, #tpu.memory_space<hbm>> -> memref<20480xi32, #tpu.memory_space<hbm>>
        %dma_start3A_67 = tpu.memref_slice %arg4[%mul3A_0] : memref<327680xi32, #tpu.memory_space<hbm>> -> memref<20480xi32, #tpu.memory_space<hbm>>
        tpu.enqueue_dma source(%dma_start3A_67 : memref<20480xi32, #tpu.memory_space<hbm>>) target(%arg10 : memref<20480xi32, #tpu.memory_space<vmem>>) target_semaphore(%run_scoped3A_65 : memref<!tpu.dma_semaphore, #tpu.memory_space<semaphore_mem>>)
        %dma_wait3A = tpu.memref_slice %arg4[%mul3A_0] : memref<327680xi32, #tpu.memory_space<hbm>> -> memref<20480xi32, #tpu.memory_space<hbm>>
        %dma_wait3A_68 = tpu.memref_slice %arg4[%mul3A_0] : memref<327680xi32, #tpu.memory_space<hbm>> -> memref<20480xi32, #tpu.memory_space<hbm>>
        tpu.wait_dma2 semaphore(%run_scoped3A_65 : memref<!tpu.dma_semaphore, #tpu.memory_space<semaphore_mem>>) src(%dma_wait3A_68 : memref<20480xi32, #tpu.memory_space<hbm>>) dst(%arg10 : memref<20480xi32, #tpu.memory_space<vmem>>)
        tpu.yield
      }) : () -> ()
    } else {
    }
    "tpu.region"() ({
      %run_scoped3A_65 = tpu.sem_alloc : memref<!tpu.dma_semaphore, #tpu.memory_space<semaphore_mem>>
      %dma_start3A_66 = tpu.memref_slice %arg5[%mul3A_0] : memref<327680xi32, #tpu.memory_space<hbm>> -> memref<20480xi32, #tpu.memory_space<hbm>>
      %dma_start3A_67 = tpu.memref_slice %arg5[%mul3A_0] : memref<327680xi32, #tpu.memory_space<hbm>> -> memref<20480xi32, #tpu.memory_space<hbm>>
      tpu.enqueue_dma source(%dma_start3A_67 : memref<20480xi32, #tpu.memory_space<hbm>>) target(%arg11 : memref<20480xi32, #tpu.memory_space<vmem>>) target_semaphore(%run_scoped3A_65 : memref<!tpu.dma_semaphore, #tpu.memory_space<semaphore_mem>>)
      %dma_wait3A = tpu.memref_slice %arg5[%mul3A_0] : memref<327680xi32, #tpu.memory_space<hbm>> -> memref<20480xi32, #tpu.memory_space<hbm>>
      %dma_wait3A_68 = tpu.memref_slice %arg5[%mul3A_0] : memref<327680xi32, #tpu.memory_space<hbm>> -> memref<20480xi32, #tpu.memory_space<hbm>>
      tpu.wait_dma2 semaphore(%run_scoped3A_65 : memref<!tpu.dma_semaphore, #tpu.memory_space<semaphore_mem>>) src(%dma_wait3A_68 : memref<20480xi32, #tpu.memory_space<hbm>>) dst(%arg11 : memref<20480xi32, #tpu.memory_space<vmem>>)
      tpu.yield
    }) : () -> ()
    "tpu.region"() ({
      %run_scoped3A_65 = tpu.sem_alloc : memref<!tpu.dma_semaphore, #tpu.memory_space<semaphore_mem>>
      tpu.enqueue_dma source(%arg7 : memref<10016xf32, #tpu.memory_space<hbm>>) target(%arg14 : memref<10016xf32, #tpu.memory_space<vmem>>) target_semaphore(%run_scoped3A_65 : memref<!tpu.dma_semaphore, #tpu.memory_space<semaphore_mem>>)
      tpu.wait_dma2 semaphore(%run_scoped3A_65 : memref<!tpu.dma_semaphore, #tpu.memory_space<semaphore_mem>>) src(%arg7 : memref<10016xf32, #tpu.memory_space<hbm>>) dst(%arg14 : memref<10016xf32, #tpu.memory_space<vmem>>)
      tpu.yield
    }) : () -> ()
    %dma_start3A = arith.constant 0 : i32
    %dma_start3A_8 = arith.constant 0 : i32
    %dma_start3A_9 = arith.constant 0 : i32
    %dma_start3A_10 = tpu.memref_slice %arg12[%dma_start3A, %dma_start3A_8, %dma_start3A_9] : memref<2x128x64xf32, #tpu.memory_space<vmem>> -> memref<1x128x64xf32, #tpu.memory_space<vmem>>
    %dma_start3A_11 = tpu.memref_squeeze %dma_start3A_10 : memref<1x128x64xf32, #tpu.memory_space<vmem>> -> memref<128x64xf32, #tpu.memory_space<vmem>>
    %dma_start3A_12 = arith.constant 0 : i32
    %dma_start3A_13 = tpu.memref_slice %arg10[%dma_start3A_12] : memref<20480xi32, #tpu.memory_space<vmem>> -> memref<128xi32, #tpu.memory_space<vmem>>
    %dma_start3A_14 = arith.constant 0 : i32
    %dma_start3A_15 = arith.constant 0 : i32
    %dma_start3A_16 = tpu.memref_slice %arg2[%dma_start3A_14, %dma_start3A_15] : memref<20032x64xf32, #tpu.memory_space<hbm>> -> memref<20032x64xf32, #tpu.memory_space<hbm>>
    tpu.enqueue_indirect_dma source(%dma_start3A_16 : memref<20032x64xf32, #tpu.memory_space<hbm>>) target(%dma_start3A_11 : memref<128x64xf32, #tpu.memory_space<vmem>>) offsets(%dma_start3A_13 : memref<128xi32, #tpu.memory_space<vmem>>) semaphore(%arg16 : memref<!tpu.dma_semaphore, #tpu.memory_space<semaphore_mem>>)
    %dma_start3A_17 = arith.constant 1 : i32
    %dma_start3A_18 = arith.constant 0 : i32
    %dma_start3A_19 = arith.constant 0 : i32
    %dma_start3A_20 = tpu.memref_slice %arg12[%dma_start3A_17, %dma_start3A_18, %dma_start3A_19] : memref<2x128x64xf32, #tpu.memory_space<vmem>> -> memref<1x128x64xf32, #tpu.memory_space<vmem>>
    %dma_start3A_21 = tpu.memref_squeeze %dma_start3A_20 : memref<1x128x64xf32, #tpu.memory_space<vmem>> -> memref<128x64xf32, #tpu.memory_space<vmem>>
    %dma_start3A_22 = arith.constant 128 : i32
    %dma_start3A_23 = tpu.memref_slice %arg10[%dma_start3A_22] : memref<20480xi32, #tpu.memory_space<vmem>> -> memref<128xi32, #tpu.memory_space<vmem>>
    %dma_start3A_24 = arith.constant 0 : i32
    %dma_start3A_25 = arith.constant 0 : i32
    %dma_start3A_26 = tpu.memref_slice %arg2[%dma_start3A_24, %dma_start3A_25] : memref<20032x64xf32, #tpu.memory_space<hbm>> -> memref<20032x64xf32, #tpu.memory_space<hbm>>
    tpu.enqueue_indirect_dma source(%dma_start3A_26 : memref<20032x64xf32, #tpu.memory_space<hbm>>) target(%dma_start3A_21 : memref<128x64xf32, #tpu.memory_space<vmem>>) offsets(%dma_start3A_23 : memref<128xi32, #tpu.memory_space<vmem>>) semaphore(%arg16 : memref<!tpu.dma_semaphore, #tpu.memory_space<semaphore_mem>>)
    "tpu.region"() ({
      %run_scoped3A_65 = tpu.sem_alloc : memref<!tpu.dma_semaphore, #tpu.memory_space<semaphore_mem>>
      tpu.enqueue_dma source(%arg6 : memref<2x128x64xf32, #tpu.memory_space<hbm>>) target(%arg13 : memref<2x128x64xf32, #tpu.memory_space<vmem>>) target_semaphore(%run_scoped3A_65 : memref<!tpu.dma_semaphore, #tpu.memory_space<semaphore_mem>>)
      tpu.wait_dma2 semaphore(%run_scoped3A_65 : memref<!tpu.dma_semaphore, #tpu.memory_space<semaphore_mem>>) src(%arg6 : memref<2x128x64xf32, #tpu.memory_space<hbm>>) dst(%arg13 : memref<2x128x64xf32, #tpu.memory_space<vmem>>)
      tpu.yield
    }) : () -> ()
    %mul3A_27 = arith.constant 626 : i32
    %mul3A_28 = arith.muli %arg1, %mul3A_27 : i32
    %add3A = arith.constant 0 : i32
    %add3A_29 = arith.addi %mul3A_28, %add3A : i32
    %run_scoped3A = arith.constant 0 : i32
    "tpu.region"() ({
      %run_scoped3A_65 = tpu.sem_alloc : memref<!tpu.dma_semaphore, #tpu.memory_space<semaphore_mem>>
      %dma_start3A_66 = arith.constant 0 : i32
      %dma_start3A_67 = arith.constant 0 : i32
      %dma_start3A_68 = tpu.memref_slice %arg13[%run_scoped3A, %dma_start3A_66, %dma_start3A_67] : memref<2x128x64xf32, #tpu.memory_space<vmem>> -> memref<1x128x64xf32, #tpu.memory_space<vmem>>
      %dma_start3A_69 = tpu.memref_squeeze %dma_start3A_68 : memref<1x128x64xf32, #tpu.memory_space<vmem>> -> memref<128x64xf32, #tpu.memory_space<vmem>>
      %dma_start3A_70 = arith.constant 0 : i32
      %dma_start3A_71 = tpu.memref_slice %arg15[%add3A_29, %dma_start3A_70] : memref<10016x64xf32, #tpu.memory_space<vmem_shared>> -> memref<128x64xf32, #tpu.memory_space<vmem_shared>>
      %dma_start3A_72 = arith.constant 0 : i32
      %dma_start3A_73 = tpu.memref_slice %arg15[%add3A_29, %dma_start3A_72] : memref<10016x64xf32, #tpu.memory_space<vmem_shared>> -> memref<128x64xf32, #tpu.memory_space<vmem_shared>>
      %dma_start3A_74 = arith.constant 0 : i32
      %dma_start3A_75 = arith.constant 0 : i32
      %dma_start3A_76 = tpu.memref_slice %arg13[%run_scoped3A, %dma_start3A_74, %dma_start3A_75] : memref<2x128x64xf32, #tpu.memory_space<vmem>> -> memref<1x128x64xf32, #tpu.memory_space<vmem>>
      %dma_start3A_77 = tpu.memref_squeeze %dma_start3A_76 : memref<1x128x64xf32, #tpu.memory_space<vmem>> -> memref<128x64xf32, #tpu.memory_space<vmem>>
      tpu.enqueue_dma source(%dma_start3A_77 : memref<128x64xf32, #tpu.memory_space<vmem>>) target(%dma_start3A_73 : memref<128x64xf32, #tpu.memory_space<vmem_shared>>) target_semaphore(%run_scoped3A_65 : memref<!tpu.dma_semaphore, #tpu.memory_space<semaphore_mem>>)
      %dma_wait3A = arith.constant 0 : i32
      %dma_wait3A_78 = arith.constant 0 : i32
      %dma_wait3A_79 = tpu.memref_slice %arg13[%run_scoped3A, %dma_wait3A, %dma_wait3A_78] : memref<2x128x64xf32, #tpu.memory_space<vmem>> -> memref<1x128x64xf32, #tpu.memory_space<vmem>>
      %dma_wait3A_80 = tpu.memref_squeeze %dma_wait3A_79 : memref<1x128x64xf32, #tpu.memory_space<vmem>> -> memref<128x64xf32, #tpu.memory_space<vmem>>
      %dma_wait3A_81 = arith.constant 0 : i32
      %dma_wait3A_82 = tpu.memref_slice %arg15[%add3A_29, %dma_wait3A_81] : memref<10016x64xf32, #tpu.memory_space<vmem_shared>> -> memref<128x64xf32, #tpu.memory_space<vmem_shared>>
      %dma_wait3A_83 = arith.constant 0 : i32
      %dma_wait3A_84 = tpu.memref_slice %arg15[%add3A_29, %dma_wait3A_83] : memref<10016x64xf32, #tpu.memory_space<vmem_shared>> -> memref<128x64xf32, #tpu.memory_space<vmem_shared>>
      %dma_wait3A_85 = arith.constant 0 : i32
      %dma_wait3A_86 = arith.constant 0 : i32
      %dma_wait3A_87 = tpu.memref_slice %arg13[%run_scoped3A, %dma_wait3A_85, %dma_wait3A_86] : memref<2x128x64xf32, #tpu.memory_space<vmem>> -> memref<1x128x64xf32, #tpu.memory_space<vmem>>
      %dma_wait3A_88 = tpu.memref_squeeze %dma_wait3A_87 : memref<1x128x64xf32, #tpu.memory_space<vmem>> -> memref<128x64xf32, #tpu.memory_space<vmem>>
      tpu.wait_dma2 semaphore(%run_scoped3A_65 : memref<!tpu.dma_semaphore, #tpu.memory_space<semaphore_mem>>) src(%dma_wait3A_88 : memref<128x64xf32, #tpu.memory_space<vmem>>) dst(%dma_wait3A_84 : memref<128x64xf32, #tpu.memory_space<vmem_shared>>)
      tpu.yield
    }) : () -> ()
    %mul3A_30 = arith.constant 626 : i32
    %mul3A_31 = arith.muli %arg1, %mul3A_30 : i32
    %add3A_32 = arith.constant 128 : i32
    %add3A_33 = arith.addi %mul3A_31, %add3A_32 : i32
    %run_scoped3A_34 = arith.constant 1 : i32
    "tpu.region"() ({
      %run_scoped3A_65 = tpu.sem_alloc : memref<!tpu.dma_semaphore, #tpu.memory_space<semaphore_mem>>
      %dma_start3A_66 = arith.constant 0 : i32
      %dma_start3A_67 = arith.constant 0 : i32
      %dma_start3A_68 = tpu.memref_slice %arg13[%run_scoped3A_34, %dma_start3A_66, %dma_start3A_67] : memref<2x128x64xf32, #tpu.memory_space<vmem>> -> memref<1x128x64xf32, #tpu.memory_space<vmem>>
      %dma_start3A_69 = tpu.memref_squeeze %dma_start3A_68 : memref<1x128x64xf32, #tpu.memory_space<vmem>> -> memref<128x64xf32, #tpu.memory_space<vmem>>
      %dma_start3A_70 = arith.constant 0 : i32
      %dma_start3A_71 = tpu.memref_slice %arg15[%add3A_33, %dma_start3A_70] : memref<10016x64xf32, #tpu.memory_space<vmem_shared>> -> memref<128x64xf32, #tpu.memory_space<vmem_shared>>
      %dma_start3A_72 = arith.constant 0 : i32
      %dma_start3A_73 = tpu.memref_slice %arg15[%add3A_33, %dma_start3A_72] : memref<10016x64xf32, #tpu.memory_space<vmem_shared>> -> memref<128x64xf32, #tpu.memory_space<vmem_shared>>
      %dma_start3A_74 = arith.constant 0 : i32
      %dma_start3A_75 = arith.constant 0 : i32
      %dma_start3A_76 = tpu.memref_slice %arg13[%run_scoped3A_34, %dma_start3A_74, %dma_start3A_75] : memref<2x128x64xf32, #tpu.memory_space<vmem>> -> memref<1x128x64xf32, #tpu.memory_space<vmem>>
      %dma_start3A_77 = tpu.memref_squeeze %dma_start3A_76 : memref<1x128x64xf32, #tpu.memory_space<vmem>> -> memref<128x64xf32, #tpu.memory_space<vmem>>
      tpu.enqueue_dma source(%dma_start3A_77 : memref<128x64xf32, #tpu.memory_space<vmem>>) target(%dma_start3A_73 : memref<128x64xf32, #tpu.memory_space<vmem_shared>>) target_semaphore(%run_scoped3A_65 : memref<!tpu.dma_semaphore, #tpu.memory_space<semaphore_mem>>)
      %dma_wait3A = arith.constant 0 : i32
      %dma_wait3A_78 = arith.constant 0 : i32
      %dma_wait3A_79 = tpu.memref_slice %arg13[%run_scoped3A_34, %dma_wait3A, %dma_wait3A_78] : memref<2x128x64xf32, #tpu.memory_space<vmem>> -> memref<1x128x64xf32, #tpu.memory_space<vmem>>
      %dma_wait3A_80 = tpu.memref_squeeze %dma_wait3A_79 : memref<1x128x64xf32, #tpu.memory_space<vmem>> -> memref<128x64xf32, #tpu.memory_space<vmem>>
      %dma_wait3A_81 = arith.constant 0 : i32
      %dma_wait3A_82 = tpu.memref_slice %arg15[%add3A_33, %dma_wait3A_81] : memref<10016x64xf32, #tpu.memory_space<vmem_shared>> -> memref<128x64xf32, #tpu.memory_space<vmem_shared>>
      %dma_wait3A_83 = arith.constant 0 : i32
      %dma_wait3A_84 = tpu.memref_slice %arg15[%add3A_33, %dma_wait3A_83] : memref<10016x64xf32, #tpu.memory_space<vmem_shared>> -> memref<128x64xf32, #tpu.memory_space<vmem_shared>>
      %dma_wait3A_85 = arith.constant 0 : i32
      %dma_wait3A_86 = arith.constant 0 : i32
      %dma_wait3A_87 = tpu.memref_slice %arg13[%run_scoped3A_34, %dma_wait3A_85, %dma_wait3A_86] : memref<2x128x64xf32, #tpu.memory_space<vmem>> -> memref<1x128x64xf32, #tpu.memory_space<vmem>>
      %dma_wait3A_88 = tpu.memref_squeeze %dma_wait3A_87 : memref<1x128x64xf32, #tpu.memory_space<vmem>> -> memref<128x64xf32, #tpu.memory_space<vmem>>
      tpu.wait_dma2 semaphore(%run_scoped3A_65 : memref<!tpu.dma_semaphore, #tpu.memory_space<semaphore_mem>>) src(%dma_wait3A_88 : memref<128x64xf32, #tpu.memory_space<vmem>>) dst(%dma_wait3A_84 : memref<128x64xf32, #tpu.memory_space<vmem_shared>>)
      tpu.yield
    }) : () -> ()
    %mul3A_35 = arith.constant 626 : i32
    %mul3A_36 = arith.muli %arg1, %mul3A_35 : i32
    %add3A_37 = arith.constant 256 : i32
    %add3A_38 = arith.addi %mul3A_36, %add3A_37 : i32
    %run_scoped3A_39 = arith.constant 0 : i32
    "tpu.region"() ({
      %run_scoped3A_65 = tpu.sem_alloc : memref<!tpu.dma_semaphore, #tpu.memory_space<semaphore_mem>>
      %dma_start3A_66 = arith.constant 0 : i32
      %dma_start3A_67 = arith.constant 0 : i32
      %dma_start3A_68 = tpu.memref_slice %arg13[%run_scoped3A_39, %dma_start3A_66, %dma_start3A_67] : memref<2x128x64xf32, #tpu.memory_space<vmem>> -> memref<1x128x64xf32, #tpu.memory_space<vmem>>
      %dma_start3A_69 = tpu.memref_squeeze %dma_start3A_68 : memref<1x128x64xf32, #tpu.memory_space<vmem>> -> memref<128x64xf32, #tpu.memory_space<vmem>>
      %dma_start3A_70 = arith.constant 0 : i32
      %dma_start3A_71 = tpu.memref_slice %arg15[%add3A_38, %dma_start3A_70] : memref<10016x64xf32, #tpu.memory_space<vmem_shared>> -> memref<128x64xf32, #tpu.memory_space<vmem_shared>>
      %dma_start3A_72 = arith.constant 0 : i32
      %dma_start3A_73 = tpu.memref_slice %arg15[%add3A_38, %dma_start3A_72] : memref<10016x64xf32, #tpu.memory_space<vmem_shared>> -> memref<128x64xf32, #tpu.memory_space<vmem_shared>>
      %dma_start3A_74 = arith.constant 0 : i32
      %dma_start3A_75 = arith.constant 0 : i32
      %dma_start3A_76 = tpu.memref_slice %arg13[%run_scoped3A_39, %dma_start3A_74, %dma_start3A_75] : memref<2x128x64xf32, #tpu.memory_space<vmem>> -> memref<1x128x64xf32, #tpu.memory_space<vmem>>
      %dma_start3A_77 = tpu.memref_squeeze %dma_start3A_76 : memref<1x128x64xf32, #tpu.memory_space<vmem>> -> memref<128x64xf32, #tpu.memory_space<vmem>>
      tpu.enqueue_dma source(%dma_start3A_77 : memref<128x64xf32, #tpu.memory_space<vmem>>) target(%dma_start3A_73 : memref<128x64xf32, #tpu.memory_space<vmem_shared>>) target_semaphore(%run_scoped3A_65 : memref<!tpu.dma_semaphore, #tpu.memory_space<semaphore_mem>>)
      %dma_wait3A = arith.constant 0 : i32
      %dma_wait3A_78 = arith.constant 0 : i32
      %dma_wait3A_79 = tpu.memref_slice %arg13[%run_scoped3A_39, %dma_wait3A, %dma_wait3A_78] : memref<2x128x64xf32, #tpu.memory_space<vmem>> -> memref<1x128x64xf32, #tpu.memory_space<vmem>>
      %dma_wait3A_80 = tpu.memref_squeeze %dma_wait3A_79 : memref<1x128x64xf32, #tpu.memory_space<vmem>> -> memref<128x64xf32, #tpu.memory_space<vmem>>
      %dma_wait3A_81 = arith.constant 0 : i32
      %dma_wait3A_82 = tpu.memref_slice %arg15[%add3A_38, %dma_wait3A_81] : memref<10016x64xf32, #tpu.memory_space<vmem_shared>> -> memref<128x64xf32, #tpu.memory_space<vmem_shared>>
      %dma_wait3A_83 = arith.constant 0 : i32
      %dma_wait3A_84 = tpu.memref_slice %arg15[%add3A_38, %dma_wait3A_83] : memref<10016x64xf32, #tpu.memory_space<vmem_shared>> -> memref<128x64xf32, #tpu.memory_space<vmem_shared>>
      %dma_wait3A_85 = arith.constant 0 : i32
      %dma_wait3A_86 = arith.constant 0 : i32
      %dma_wait3A_87 = tpu.memref_slice %arg13[%run_scoped3A_39, %dma_wait3A_85, %dma_wait3A_86] : memref<2x128x64xf32, #tpu.memory_space<vmem>> -> memref<1x128x64xf32, #tpu.memory_space<vmem>>
      %dma_wait3A_88 = tpu.memref_squeeze %dma_wait3A_87 : memref<1x128x64xf32, #tpu.memory_space<vmem>> -> memref<128x64xf32, #tpu.memory_space<vmem>>
      tpu.wait_dma2 semaphore(%run_scoped3A_65 : memref<!tpu.dma_semaphore, #tpu.memory_space<semaphore_mem>>) src(%dma_wait3A_88 : memref<128x64xf32, #tpu.memory_space<vmem>>) dst(%dma_wait3A_84 : memref<128x64xf32, #tpu.memory_space<vmem_shared>>)
      tpu.yield
    }) : () -> ()
    %mul3A_40 = arith.constant 626 : i32
    %mul3A_41 = arith.muli %arg1, %mul3A_40 : i32
    %add3A_42 = arith.constant 384 : i32
    %add3A_43 = arith.addi %mul3A_41, %add3A_42 : i32
    %run_scoped3A_44 = arith.constant 1 : i32
    "tpu.region"() ({
      %run_scoped3A_65 = tpu.sem_alloc : memref<!tpu.dma_semaphore, #tpu.memory_space<semaphore_mem>>
      %dma_start3A_66 = arith.constant 0 : i32
      %dma_start3A_67 = arith.constant 0 : i32
      %dma_start3A_68 = tpu.memref_slice %arg13[%run_scoped3A_44, %dma_start3A_66, %dma_start3A_67] : memref<2x128x64xf32, #tpu.memory_space<vmem>> -> memref<1x128x64xf32, #tpu.memory_space<vmem>>
      %dma_start3A_69 = tpu.memref_squeeze %dma_start3A_68 : memref<1x128x64xf32, #tpu.memory_space<vmem>> -> memref<128x64xf32, #tpu.memory_space<vmem>>
      %dma_start3A_70 = arith.constant 0 : i32
      %dma_start3A_71 = tpu.memref_slice %arg15[%add3A_43, %dma_start3A_70] : memref<10016x64xf32, #tpu.memory_space<vmem_shared>> -> memref<128x64xf32, #tpu.memory_space<vmem_shared>>
      %dma_start3A_72 = arith.constant 0 : i32
      %dma_start3A_73 = tpu.memref_slice %arg15[%add3A_43, %dma_start3A_72] : memref<10016x64xf32, #tpu.memory_space<vmem_shared>> -> memref<128x64xf32, #tpu.memory_space<vmem_shared>>
      %dma_start3A_74 = arith.constant 0 : i32
      %dma_start3A_75 = arith.constant 0 : i32
      %dma_start3A_76 = tpu.memref_slice %arg13[%run_scoped3A_44, %dma_start3A_74, %dma_start3A_75] : memref<2x128x64xf32, #tpu.memory_space<vmem>> -> memref<1x128x64xf32, #tpu.memory_space<vmem>>
      %dma_start3A_77 = tpu.memref_squeeze %dma_start3A_76 : memref<1x128x64xf32, #tpu.memory_space<vmem>> -> memref<128x64xf32, #tpu.memory_space<vmem>>
      tpu.enqueue_dma source(%dma_start3A_77 : memref<128x64xf32, #tpu.memory_space<vmem>>) target(%dma_start3A_73 : memref<128x64xf32, #tpu.memory_space<vmem_shared>>) target_semaphore(%run_scoped3A_65 : memref<!tpu.dma_semaphore, #tpu.memory_space<semaphore_mem>>)
      %dma_wait3A = arith.constant 0 : i32
      %dma_wait3A_78 = arith.constant 0 : i32
      %dma_wait3A_79 = tpu.memref_slice %arg13[%run_scoped3A_44, %dma_wait3A, %dma_wait3A_78] : memref<2x128x64xf32, #tpu.memory_space<vmem>> -> memref<1x128x64xf32, #tpu.memory_space<vmem>>
      %dma_wait3A_80 = tpu.memref_squeeze %dma_wait3A_79 : memref<1x128x64xf32, #tpu.memory_space<vmem>> -> memref<128x64xf32, #tpu.memory_space<vmem>>
      %dma_wait3A_81 = arith.constant 0 : i32
      %dma_wait3A_82 = tpu.memref_slice %arg15[%add3A_43, %dma_wait3A_81] : memref<10016x64xf32, #tpu.memory_space<vmem_shared>> -> memref<128x64xf32, #tpu.memory_space<vmem_shared>>
      %dma_wait3A_83 = arith.constant 0 : i32
      %dma_wait3A_84 = tpu.memref_slice %arg15[%add3A_43, %dma_wait3A_83] : memref<10016x64xf32, #tpu.memory_space<vmem_shared>> -> memref<128x64xf32, #tpu.memory_space<vmem_shared>>
      %dma_wait3A_85 = arith.constant 0 : i32
      %dma_wait3A_86 = arith.constant 0 : i32
      %dma_wait3A_87 = tpu.memref_slice %arg13[%run_scoped3A_44, %dma_wait3A_85, %dma_wait3A_86] : memref<2x128x64xf32, #tpu.memory_space<vmem>> -> memref<1x128x64xf32, #tpu.memory_space<vmem>>
      %dma_wait3A_88 = tpu.memref_squeeze %dma_wait3A_87 : memref<1x128x64xf32, #tpu.memory_space<vmem>> -> memref<128x64xf32, #tpu.memory_space<vmem>>
      tpu.wait_dma2 semaphore(%run_scoped3A_65 : memref<!tpu.dma_semaphore, #tpu.memory_space<semaphore_mem>>) src(%dma_wait3A_88 : memref<128x64xf32, #tpu.memory_space<vmem>>) dst(%dma_wait3A_84 : memref<128x64xf32, #tpu.memory_space<vmem_shared>>)
      tpu.yield
    }) : () -> ()
    %mul3A_45 = arith.constant 626 : i32
    %mul3A_46 = arith.muli %arg1, %mul3A_45 : i32
    %add3A_47 = arith.constant 512 : i32
    %add3A_48 = arith.addi %mul3A_46, %add3A_47 : i32
    %run_scoped3A_49 = arith.constant 0 : i32
    "tpu.region"() ({
      %run_scoped3A_65 = tpu.sem_alloc : memref<!tpu.dma_semaphore, #tpu.memory_space<semaphore_mem>>
      %dma_start3A_66 = arith.constant 0 : i32
      %dma_start3A_67 = arith.constant 0 : i32
      %dma_start3A_68 = tpu.memref_slice %arg13[%run_scoped3A_49, %dma_start3A_66, %dma_start3A_67] : memref<2x128x64xf32, #tpu.memory_space<vmem>> -> memref<1x128x64xf32, #tpu.memory_space<vmem>>
      %dma_start3A_69 = tpu.memref_squeeze %dma_start3A_68 : memref<1x128x64xf32, #tpu.memory_space<vmem>> -> memref<128x64xf32, #tpu.memory_space<vmem>>
      %dma_start3A_70 = arith.constant 0 : i32
      %dma_start3A_71 = arith.constant 0 : i32
      %dma_start3A_72 = tpu.memref_slice %dma_start3A_69[%dma_start3A_70, %dma_start3A_71] : memref<128x64xf32, #tpu.memory_space<vmem>> -> memref<114x64xf32, #tpu.memory_space<vmem>>
      %dma_start3A_73 = arith.constant 0 : i32
      %dma_start3A_74 = tpu.memref_slice %arg15[%add3A_48, %dma_start3A_73] : memref<10016x64xf32, #tpu.memory_space<vmem_shared>> -> memref<114x64xf32, #tpu.memory_space<vmem_shared>>
      %dma_start3A_75 = arith.constant 0 : i32
      %dma_start3A_76 = tpu.memref_slice %arg15[%add3A_48, %dma_start3A_75] : memref<10016x64xf32, #tpu.memory_space<vmem_shared>> -> memref<114x64xf32, #tpu.memory_space<vmem_shared>>
      %dma_start3A_77 = arith.constant 0 : i32
      %dma_start3A_78 = arith.constant 0 : i32
      %dma_start3A_79 = tpu.memref_slice %arg13[%run_scoped3A_49, %dma_start3A_77, %dma_start3A_78] : memref<2x128x64xf32, #tpu.memory_space<vmem>> -> memref<1x128x64xf32, #tpu.memory_space<vmem>>
      %dma_start3A_80 = tpu.memref_squeeze %dma_start3A_79 : memref<1x128x64xf32, #tpu.memory_space<vmem>> -> memref<128x64xf32, #tpu.memory_space<vmem>>
      %dma_start3A_81 = arith.constant 0 : i32
      %dma_start3A_82 = arith.constant 0 : i32
      %dma_start3A_83 = tpu.memref_slice %dma_start3A_80[%dma_start3A_81, %dma_start3A_82] : memref<128x64xf32, #tpu.memory_space<vmem>> -> memref<114x64xf32, #tpu.memory_space<vmem>>
      tpu.enqueue_dma source(%dma_start3A_83 : memref<114x64xf32, #tpu.memory_space<vmem>>) target(%dma_start3A_76 : memref<114x64xf32, #tpu.memory_space<vmem_shared>>) target_semaphore(%run_scoped3A_65 : memref<!tpu.dma_semaphore, #tpu.memory_space<semaphore_mem>>)
      %dma_wait3A = arith.constant 0 : i32
      %dma_wait3A_84 = arith.constant 0 : i32
      %dma_wait3A_85 = tpu.memref_slice %arg13[%run_scoped3A_49, %dma_wait3A, %dma_wait3A_84] : memref<2x128x64xf32, #tpu.memory_space<vmem>> -> memref<1x128x64xf32, #tpu.memory_space<vmem>>
      %dma_wait3A_86 = tpu.memref_squeeze %dma_wait3A_85 : memref<1x128x64xf32, #tpu.memory_space<vmem>> -> memref<128x64xf32, #tpu.memory_space<vmem>>
      %dma_wait3A_87 = arith.constant 0 : i32
      %dma_wait3A_88 = arith.constant 0 : i32
      %dma_wait3A_89 = tpu.memref_slice %dma_wait3A_86[%dma_wait3A_87, %dma_wait3A_88] : memref<128x64xf32, #tpu.memory_space<vmem>> -> memref<114x64xf32, #tpu.memory_space<vmem>>
      %dma_wait3A_90 = arith.constant 0 : i32
      %dma_wait3A_91 = tpu.memref_slice %arg15[%add3A_48, %dma_wait3A_90] : memref<10016x64xf32, #tpu.memory_space<vmem_shared>> -> memref<114x64xf32, #tpu.memory_space<vmem_shared>>
      %dma_wait3A_92 = arith.constant 0 : i32
      %dma_wait3A_93 = tpu.memref_slice %arg15[%add3A_48, %dma_wait3A_92] : memref<10016x64xf32, #tpu.memory_space<vmem_shared>> -> memref<114x64xf32, #tpu.memory_space<vmem_shared>>
      %dma_wait3A_94 = arith.constant 0 : i32
      %dma_wait3A_95 = arith.constant 0 : i32
      %dma_wait3A_96 = tpu.memref_slice %arg13[%run_scoped3A_49, %dma_wait3A_94, %dma_wait3A_95] : memref<2x128x64xf32, #tpu.memory_space<vmem>> -> memref<1x128x64xf32, #tpu.memory_space<vmem>>
      %dma_wait3A_97 = tpu.memref_squeeze %dma_wait3A_96 : memref<1x128x64xf32, #tpu.memory_space<vmem>> -> memref<128x64xf32, #tpu.memory_space<vmem>>
      %dma_wait3A_98 = arith.constant 0 : i32
      %dma_wait3A_99 = arith.constant 0 : i32
      %dma_wait3A_100 = tpu.memref_slice %dma_wait3A_97[%dma_wait3A_98, %dma_wait3A_99] : memref<128x64xf32, #tpu.memory_space<vmem>> -> memref<114x64xf32, #tpu.memory_space<vmem>>
      tpu.wait_dma2 semaphore(%run_scoped3A_65 : memref<!tpu.dma_semaphore, #tpu.memory_space<semaphore_mem>>) src(%dma_wait3A_100 : memref<114x64xf32, #tpu.memory_space<vmem>>) dst(%dma_wait3A_93 : memref<114x64xf32, #tpu.memory_space<vmem_shared>>)
      tpu.yield
    }) : () -> ()
    %barrier3A = arith.constant 0 : index
    tpu.barrier barrier_id(%barrier3A)
    %scan3A = arith.constant 0 : i32
    %scan3A_50 = arith.constant 0 : i32
    %scan3A_51 = arith.constant 40 : i32
    %scan3A_52 = arith.addi %scan3A_50, %scan3A_51 : i32
    %scan3A_53 = arith.constant 1 : i32
    scf.for %scan3A_65 = %scan3A_50 to %scan3A_52 step %scan3A_53  : i32 {
      %mul3A_66 = arith.constant 2 : i32
      %mul3A_67 = arith.muli %mul3A_66, %scan3A_65 : i32
      %add3A_68 = arith.constant 1 : i32
      %add3A_69 = arith.addi %mul3A_67, %add3A_68 : i32
      %mul3A_70 = arith.constant 2 : i32
      %mul3A_71 = arith.muli %add3A_69, %mul3A_70 : i32
      %add3A_72 = arith.constant 0 : i32
      %add3A_73 = arith.addi %mul3A_71, %add3A_72 : i32
      %mul3A_74 = arith.constant 128 : i32
      %mul3A_75 = arith.muli %add3A_73, %mul3A_74 : i32
      %dma_start3A_76 = arith.constant 0 : i32
      %dma_start3A_77 = arith.constant 0 : i32
      %dma_start3A_78 = arith.constant 0 : i32
      %dma_start3A_79 = tpu.memref_slice %arg13[%dma_start3A_76, %dma_start3A_77, %dma_start3A_78] : memref<2x128x64xf32, #tpu.memory_space<vmem>> -> memref<1x128x64xf32, #tpu.memory_space<vmem>>
      %dma_start3A_80 = tpu.memref_squeeze %dma_start3A_79 : memref<1x128x64xf32, #tpu.memory_space<vmem>> -> memref<128x64xf32, #tpu.memory_space<vmem>>
      %dma_start3A_81 = tpu.memref_slice %arg10[%mul3A_75] : memref<20480xi32, #tpu.memory_space<vmem>> -> memref<128xi32, #tpu.memory_space<vmem>>
      %dma_start3A_82 = arith.constant 0 : i32
      %dma_start3A_83 = arith.constant 0 : i32
      %dma_start3A_84 = tpu.memref_slice %arg2[%dma_start3A_82, %dma_start3A_83] : memref<20032x64xf32, #tpu.memory_space<hbm>> -> memref<20032x64xf32, #tpu.memory_space<hbm>>
      tpu.enqueue_indirect_dma source(%dma_start3A_84 : memref<20032x64xf32, #tpu.memory_space<hbm>>) target(%dma_start3A_80 : memref<128x64xf32, #tpu.memory_space<vmem>>) offsets(%dma_start3A_81 : memref<128xi32, #tpu.memory_space<vmem>>) semaphore(%arg17 : memref<!tpu.dma_semaphore, #tpu.memory_space<semaphore_mem>>)
      %mul3A_85 = arith.constant 2 : i32
      %mul3A_86 = arith.muli %add3A_69, %mul3A_85 : i32
      %add3A_87 = arith.constant 1 : i32
      %add3A_88 = arith.addi %mul3A_86, %add3A_87 : i32
      %mul3A_89 = arith.constant 128 : i32
      %mul3A_90 = arith.muli %add3A_88, %mul3A_89 : i32
      %dma_start3A_91 = arith.constant 1 : i32
      %dma_start3A_92 = arith.constant 0 : i32
      %dma_start3A_93 = arith.constant 0 : i32
      %dma_start3A_94 = tpu.memref_slice %arg13[%dma_start3A_91, %dma_start3A_92, %dma_start3A_93] : memref<2x128x64xf32, #tpu.memory_space<vmem>> -> memref<1x128x64xf32, #tpu.memory_space<vmem>>
      %dma_start3A_95 = tpu.memref_squeeze %dma_start3A_94 : memref<1x128x64xf32, #tpu.memory_space<vmem>> -> memref<128x64xf32, #tpu.memory_space<vmem>>
      %dma_start3A_96 = tpu.memref_slice %arg10[%mul3A_90] : memref<20480xi32, #tpu.memory_space<vmem>> -> memref<128xi32, #tpu.memory_space<vmem>>
      %dma_start3A_97 = arith.constant 0 : i32
      %dma_start3A_98 = arith.constant 0 : i32
      %dma_start3A_99 = tpu.memref_slice %arg2[%dma_start3A_97, %dma_start3A_98] : memref<20032x64xf32, #tpu.memory_space<hbm>> -> memref<20032x64xf32, #tpu.memory_space<hbm>>
      tpu.enqueue_indirect_dma source(%dma_start3A_99 : memref<20032x64xf32, #tpu.memory_space<hbm>>) target(%dma_start3A_95 : memref<128x64xf32, #tpu.memory_space<vmem>>) offsets(%dma_start3A_96 : memref<128xi32, #tpu.memory_space<vmem>>) semaphore(%arg17 : memref<!tpu.dma_semaphore, #tpu.memory_space<semaphore_mem>>)
      %dma_wait3A = arith.constant 0 : i32
      %dma_wait3A_100 = arith.constant 0 : i32
      %dma_wait3A_101 = arith.constant 0 : i32
      %dma_wait3A_102 = tpu.memref_slice %arg12[%dma_wait3A, %dma_wait3A_100, %dma_wait3A_101] : memref<2x128x64xf32, #tpu.memory_space<vmem>> -> memref<1x128x64xf32, #tpu.memory_space<vmem>>
      %dma_wait3A_103 = tpu.memref_squeeze %dma_wait3A_102 : memref<1x128x64xf32, #tpu.memory_space<vmem>> -> memref<128x64xf32, #tpu.memory_space<vmem>>
      %dma_wait3A_104 = arith.constant 0 : i32
      %dma_wait3A_105 = tpu.memref_slice %arg10[%dma_wait3A_104] : memref<20480xi32, #tpu.memory_space<vmem>> -> memref<128xi32, #tpu.memory_space<vmem>>
      %dma_wait3A_106 = arith.constant 0 : i32
      %dma_wait3A_107 = arith.constant 0 : i32
      %dma_wait3A_108 = tpu.memref_slice %arg2[%dma_wait3A_106, %dma_wait3A_107] : memref<20032x64xf32, #tpu.memory_space<hbm>> -> memref<20032x64xf32, #tpu.memory_space<hbm>>
      tpu.wait_indirect_dma semaphore(%arg16 : memref<!tpu.dma_semaphore, #tpu.memory_space<semaphore_mem>>) src(%dma_wait3A_108 : memref<20032x64xf32, #tpu.memory_space<hbm>>) dst(%dma_wait3A_103 : memref<128x64xf32, #tpu.memory_space<vmem>>)
      %dma_wait3A_109 = arith.constant 0 : i32
      %dma_wait3A_110 = arith.constant 0 : i32
      %dma_wait3A_111 = arith.constant 0 : i32
      %dma_wait3A_112 = tpu.memref_slice %arg12[%dma_wait3A_109, %dma_wait3A_110, %dma_wait3A_111] : memref<2x128x64xf32, #tpu.memory_space<vmem>> -> memref<1x128x64xf32, #tpu.memory_space<vmem>>
      %dma_wait3A_113 = tpu.memref_squeeze %dma_wait3A_112 : memref<1x128x64xf32, #tpu.memory_space<vmem>> -> memref<128x64xf32, #tpu.memory_space<vmem>>
      %dma_wait3A_114 = arith.constant 0 : i32
      %dma_wait3A_115 = tpu.memref_slice %arg10[%dma_wait3A_114] : memref<20480xi32, #tpu.memory_space<vmem>> -> memref<128xi32, #tpu.memory_space<vmem>>
      %dma_wait3A_116 = arith.constant 0 : i32
      %dma_wait3A_117 = arith.constant 0 : i32
      %dma_wait3A_118 = tpu.memref_slice %arg2[%dma_wait3A_116, %dma_wait3A_117] : memref<20032x64xf32, #tpu.memory_space<hbm>> -> memref<20032x64xf32, #tpu.memory_space<hbm>>
      tpu.wait_indirect_dma semaphore(%arg16 : memref<!tpu.dma_semaphore, #tpu.memory_space<semaphore_mem>>) src(%dma_wait3A_118 : memref<20032x64xf32, #tpu.memory_space<hbm>>) dst(%dma_wait3A_113 : memref<128x64xf32, #tpu.memory_space<vmem>>)
      %mul3A_119 = arith.constant 2 : i32
      %mul3A_120 = arith.muli %mul3A_67, %mul3A_119 : i32
      %add3A_121 = arith.constant 0 : i32
      %add3A_122 = arith.addi %mul3A_120, %add3A_121 : i32
      %mul3A_123 = arith.constant 128 : i32
      %mul3A_124 = arith.muli %add3A_122, %mul3A_123 : i32
      %dma_start3A_125 = arith.constant 0 : i32
      %dma_start3A_126 = arith.constant 0 : i32
      %dma_start3A_127 = arith.constant 0 : i32
      %dma_start3A_128 = tpu.memref_slice %arg12[%dma_start3A_125, %dma_start3A_126, %dma_start3A_127] : memref<2x128x64xf32, #tpu.memory_space<vmem>> -> memref<1x128x64xf32, #tpu.memory_space<vmem>>
      %dma_start3A_129 = tpu.memref_squeeze %dma_start3A_128 : memref<1x128x64xf32, #tpu.memory_space<vmem>> -> memref<128x64xf32, #tpu.memory_space<vmem>>
      %dma_start3A_130 = tpu.memref_slice %arg11[%mul3A_124] : memref<20480xi32, #tpu.memory_space<vmem>> -> memref<128xi32, #tpu.memory_space<vmem>>
      %dma_start3A_131 = arith.constant 0 : i32
      %dma_start3A_132 = arith.constant 0 : i32
      %dma_start3A_133 = tpu.memref_slice %arg15[%dma_start3A_131, %dma_start3A_132] : memref<10016x64xf32, #tpu.memory_space<vmem_shared>> -> memref<10016x64xf32, #tpu.memory_space<vmem_shared>>
      tpu.enqueue_indirect_dma source(%dma_start3A_129 : memref<128x64xf32, #tpu.memory_space<vmem>>) target(%dma_start3A_133 : memref<10016x64xf32, #tpu.memory_space<vmem_shared>>) offsets(%dma_start3A_130 : memref<128xi32, #tpu.memory_space<vmem>>) semaphore(%arg18 : memref<!tpu.dma_semaphore, #tpu.memory_space<semaphore_mem>>) {add = true}
      %mul3A_134 = arith.constant 2 : i32
      %mul3A_135 = arith.muli %mul3A_67, %mul3A_134 : i32
      %add3A_136 = arith.constant 1 : i32
      %add3A_137 = arith.addi %mul3A_135, %add3A_136 : i32
      %mul3A_138 = arith.constant 128 : i32
      %mul3A_139 = arith.muli %add3A_137, %mul3A_138 : i32
      %dma_start3A_140 = arith.constant 1 : i32
      %dma_start3A_141 = arith.constant 0 : i32
      %dma_start3A_142 = arith.constant 0 : i32
      %dma_start3A_143 = tpu.memref_slice %arg12[%dma_start3A_140, %dma_start3A_141, %dma_start3A_142] : memref<2x128x64xf32, #tpu.memory_space<vmem>> -> memref<1x128x64xf32, #tpu.memory_space<vmem>>
      %dma_start3A_144 = tpu.memref_squeeze %dma_start3A_143 : memref<1x128x64xf32, #tpu.memory_space<vmem>> -> memref<128x64xf32, #tpu.memory_space<vmem>>
      %dma_start3A_145 = tpu.memref_slice %arg11[%mul3A_139] : memref<20480xi32, #tpu.memory_space<vmem>> -> memref<128xi32, #tpu.memory_space<vmem>>
      %dma_start3A_146 = arith.constant 0 : i32
      %dma_start3A_147 = arith.constant 0 : i32
      %dma_start3A_148 = tpu.memref_slice %arg15[%dma_start3A_146, %dma_start3A_147] : memref<10016x64xf32, #tpu.memory_space<vmem_shared>> -> memref<10016x64xf32, #tpu.memory_space<vmem_shared>>
      tpu.enqueue_indirect_dma source(%dma_start3A_144 : memref<128x64xf32, #tpu.memory_space<vmem>>) target(%dma_start3A_148 : memref<10016x64xf32, #tpu.memory_space<vmem_shared>>) offsets(%dma_start3A_145 : memref<128xi32, #tpu.memory_space<vmem>>) semaphore(%arg18 : memref<!tpu.dma_semaphore, #tpu.memory_space<semaphore_mem>>) {add = true}
      %dma_wait3A_149 = arith.constant 0 : i32
      %dma_wait3A_150 = arith.constant 0 : i32
      %dma_wait3A_151 = arith.constant 0 : i32
      %dma_wait3A_152 = tpu.memref_slice %arg13[%dma_wait3A_149, %dma_wait3A_150, %dma_wait3A_151] : memref<2x128x64xf32, #tpu.memory_space<vmem>> -> memref<1x128x64xf32, #tpu.memory_space<vmem>>
      %dma_wait3A_153 = tpu.memref_squeeze %dma_wait3A_152 : memref<1x128x64xf32, #tpu.memory_space<vmem>> -> memref<128x64xf32, #tpu.memory_space<vmem>>
      %dma_wait3A_154 = arith.constant 0 : i32
      %dma_wait3A_155 = tpu.memref_slice %arg10[%dma_wait3A_154] : memref<20480xi32, #tpu.memory_space<vmem>> -> memref<128xi32, #tpu.memory_space<vmem>>
      %dma_wait3A_156 = arith.constant 0 : i32
      %dma_wait3A_157 = arith.constant 0 : i32
      %dma_wait3A_158 = tpu.memref_slice %arg2[%dma_wait3A_156, %dma_wait3A_157] : memref<20032x64xf32, #tpu.memory_space<hbm>> -> memref<20032x64xf32, #tpu.memory_space<hbm>>
      tpu.wait_indirect_dma semaphore(%arg17 : memref<!tpu.dma_semaphore, #tpu.memory_space<semaphore_mem>>) src(%dma_wait3A_158 : memref<20032x64xf32, #tpu.memory_space<hbm>>) dst(%dma_wait3A_153 : memref<128x64xf32, #tpu.memory_space<vmem>>)
      %dma_wait3A_159 = arith.constant 0 : i32
      %dma_wait3A_160 = arith.constant 0 : i32
      %dma_wait3A_161 = arith.constant 0 : i32
      %dma_wait3A_162 = tpu.memref_slice %arg13[%dma_wait3A_159, %dma_wait3A_160, %dma_wait3A_161] : memref<2x128x64xf32, #tpu.memory_space<vmem>> -> memref<1x128x64xf32, #tpu.memory_space<vmem>>
      %dma_wait3A_163 = tpu.memref_squeeze %dma_wait3A_162 : memref<1x128x64xf32, #tpu.memory_space<vmem>> -> memref<128x64xf32, #tpu.memory_space<vmem>>
      %dma_wait3A_164 = arith.constant 0 : i32
      %dma_wait3A_165 = tpu.memref_slice %arg10[%dma_wait3A_164] : memref<20480xi32, #tpu.memory_space<vmem>> -> memref<128xi32, #tpu.memory_space<vmem>>
      %dma_wait3A_166 = arith.constant 0 : i32
      %dma_wait3A_167 = arith.constant 0 : i32
      %dma_wait3A_168 = tpu.memref_slice %arg2[%dma_wait3A_166, %dma_wait3A_167] : memref<20032x64xf32, #tpu.memory_space<hbm>> -> memref<20032x64xf32, #tpu.memory_space<hbm>>
      tpu.wait_indirect_dma semaphore(%arg17 : memref<!tpu.dma_semaphore, #tpu.memory_space<semaphore_mem>>) src(%dma_wait3A_168 : memref<20032x64xf32, #tpu.memory_space<hbm>>) dst(%dma_wait3A_163 : memref<128x64xf32, #tpu.memory_space<vmem>>)
      %mul3A_169 = arith.constant 2 : i32
      %mul3A_170 = arith.muli %add3A_69, %mul3A_169 : i32
      %add3A_171 = arith.constant 0 : i32
      %add3A_172 = arith.addi %mul3A_170, %add3A_171 : i32
      %mul3A_173 = arith.constant 128 : i32
      %mul3A_174 = arith.muli %add3A_172, %mul3A_173 : i32
      %dma_start3A_175 = arith.constant 0 : i32
      %dma_start3A_176 = arith.constant 0 : i32
      %dma_start3A_177 = arith.constant 0 : i32
      %dma_start3A_178 = tpu.memref_slice %arg13[%dma_start3A_175, %dma_start3A_176, %dma_start3A_177] : memref<2x128x64xf32, #tpu.memory_space<vmem>> -> memref<1x128x64xf32, #tpu.memory_space<vmem>>
      %dma_start3A_179 = tpu.memref_squeeze %dma_start3A_178 : memref<1x128x64xf32, #tpu.memory_space<vmem>> -> memref<128x64xf32, #tpu.memory_space<vmem>>
      %dma_start3A_180 = tpu.memref_slice %arg11[%mul3A_174] : memref<20480xi32, #tpu.memory_space<vmem>> -> memref<128xi32, #tpu.memory_space<vmem>>
      %dma_start3A_181 = arith.constant 0 : i32
      %dma_start3A_182 = arith.constant 0 : i32
      %dma_start3A_183 = tpu.memref_slice %arg15[%dma_start3A_181, %dma_start3A_182] : memref<10016x64xf32, #tpu.memory_space<vmem_shared>> -> memref<10016x64xf32, #tpu.memory_space<vmem_shared>>
      tpu.enqueue_indirect_dma source(%dma_start3A_179 : memref<128x64xf32, #tpu.memory_space<vmem>>) target(%dma_start3A_183 : memref<10016x64xf32, #tpu.memory_space<vmem_shared>>) offsets(%dma_start3A_180 : memref<128xi32, #tpu.memory_space<vmem>>) semaphore(%arg19 : memref<!tpu.dma_semaphore, #tpu.memory_space<semaphore_mem>>) {add = true}
      %mul3A_184 = arith.constant 2 : i32
      %mul3A_185 = arith.muli %add3A_69, %mul3A_184 : i32
      %add3A_186 = arith.constant 1 : i32
      %add3A_187 = arith.addi %mul3A_185, %add3A_186 : i32
      %mul3A_188 = arith.constant 128 : i32
      %mul3A_189 = arith.muli %add3A_187, %mul3A_188 : i32
      %dma_start3A_190 = arith.constant 1 : i32
      %dma_start3A_191 = arith.constant 0 : i32
      %dma_start3A_192 = arith.constant 0 : i32
      %dma_start3A_193 = tpu.memref_slice %arg13[%dma_start3A_190, %dma_start3A_191, %dma_start3A_192] : memref<2x128x64xf32, #tpu.memory_space<vmem>> -> memref<1x128x64xf32, #tpu.memory_space<vmem>>
      %dma_start3A_194 = tpu.memref_squeeze %dma_start3A_193 : memref<1x128x64xf32, #tpu.memory_space<vmem>> -> memref<128x64xf32, #tpu.memory_space<vmem>>
      %dma_start3A_195 = tpu.memref_slice %arg11[%mul3A_189] : memref<20480xi32, #tpu.memory_space<vmem>> -> memref<128xi32, #tpu.memory_space<vmem>>
      %dma_start3A_196 = arith.constant 0 : i32
      %dma_start3A_197 = arith.constant 0 : i32
      %dma_start3A_198 = tpu.memref_slice %arg15[%dma_start3A_196, %dma_start3A_197] : memref<10016x64xf32, #tpu.memory_space<vmem_shared>> -> memref<10016x64xf32, #tpu.memory_space<vmem_shared>>
      tpu.enqueue_indirect_dma source(%dma_start3A_194 : memref<128x64xf32, #tpu.memory_space<vmem>>) target(%dma_start3A_198 : memref<10016x64xf32, #tpu.memory_space<vmem_shared>>) offsets(%dma_start3A_195 : memref<128xi32, #tpu.memory_space<vmem>>) semaphore(%arg19 : memref<!tpu.dma_semaphore, #tpu.memory_space<semaphore_mem>>) {add = true}
      %eq3A_199 = arith.constant 0 : i32
      %eq3A_200 = arith.cmpi eq, %arg0, %eq3A_199 : i32
      %convert_element_type3A_201 = arith.extui %eq3A_200 : i1 to i32
      %cond3A_202 = arith.constant 0 : i32
      %cond3A_203 = arith.cmpi ne, %convert_element_type3A_201, %cond3A_202 : i32
      scf.if %cond3A_203 {
        %broadcast_in_dim3A = arith.constant 1.000000e+00 : f32
        %broadcast_in_dim3A_250 = vector.broadcast %broadcast_in_dim3A : f32 to vector<16xf32>
        %scan3A_251 = arith.constant 0 : i32
        %scan3A_252 = arith.constant 0 : i32
        %scan3A_253 = arith.constant 32 : i32
        %scan3A_254 = arith.addi %scan3A_252, %scan3A_253 : i32
        %scan3A_255 = arith.constant 1 : i32
        scf.for %scan3A_257 = %scan3A_252 to %scan3A_254 step %scan3A_255  : i32 {
          %mul3A_258 = arith.constant 512 : i32
          %mul3A_259 = arith.muli %scan3A_65, %mul3A_258 : i32
          %mul3A_260 = arith.constant 16 : i32
          %mul3A_261 = arith.muli %scan3A_257, %mul3A_260 : i32
          %add3A_262 = arith.addi %mul3A_259, %mul3A_261 : i32
          %get3A = arith.index_cast %add3A_262 : i32 to index
          %get3A_263 = tpu.vector_load %arg11[%get3A] {strides = array<i32>} : memref<20480xi32, #tpu.memory_space<vmem>>, vector<16xi32>,
          tpu.vector_store_idx %arg14[%get3A_263], %broadcast_in_dim3A_250 {add = true} : memref<10016xf32, #tpu.memory_space<vmem>>[vector<16xi32>], vector<16xf32>,
        }
        %scan3A_256 = arith.constant 32 : i32
      } else {
      }
      %dma_wait3A_204 = arith.constant 0 : i32
      %dma_wait3A_205 = arith.constant 0 : i32
      %dma_wait3A_206 = arith.constant 0 : i32
      %dma_wait3A_207 = tpu.memref_slice %arg12[%dma_wait3A_204, %dma_wait3A_205, %dma_wait3A_206] : memref<2x128x64xf32, #tpu.memory_space<vmem>> -> memref<1x128x64xf32, #tpu.memory_space<vmem>>
      %dma_wait3A_208 = tpu.memref_squeeze %dma_wait3A_207 : memref<1x128x64xf32, #tpu.memory_space<vmem>> -> memref<128x64xf32, #tpu.memory_space<vmem>>
      %dma_wait3A_209 = arith.constant 0 : i32
      %dma_wait3A_210 = tpu.memref_slice %arg11[%dma_wait3A_209] : memref<20480xi32, #tpu.memory_space<vmem>> -> memref<128xi32, #tpu.memory_space<vmem>>
      %dma_wait3A_211 = arith.constant 0 : i32
      %dma_wait3A_212 = arith.constant 0 : i32
      %dma_wait3A_213 = tpu.memref_slice %arg15[%dma_wait3A_211, %dma_wait3A_212] : memref<10016x64xf32, #tpu.memory_space<vmem_shared>> -> memref<10016x64xf32, #tpu.memory_space<vmem_shared>>
      tpu.wait_indirect_dma semaphore(%arg18 : memref<!tpu.dma_semaphore, #tpu.memory_space<semaphore_mem>>) src(%dma_wait3A_208 : memref<128x64xf32, #tpu.memory_space<vmem>>) dst(%dma_wait3A_213 : memref<10016x64xf32, #tpu.memory_space<vmem_shared>>)
      %dma_wait3A_214 = arith.constant 0 : i32
      %dma_wait3A_215 = arith.constant 0 : i32
      %dma_wait3A_216 = arith.constant 0 : i32
      %dma_wait3A_217 = tpu.memref_slice %arg12[%dma_wait3A_214, %dma_wait3A_215, %dma_wait3A_216] : memref<2x128x64xf32, #tpu.memory_space<vmem>> -> memref<1x128x64xf32, #tpu.memory_space<vmem>>
      %dma_wait3A_218 = tpu.memref_squeeze %dma_wait3A_217 : memref<1x128x64xf32, #tpu.memory_space<vmem>> -> memref<128x64xf32, #tpu.memory_space<vmem>>
      %dma_wait3A_219 = arith.constant 0 : i32
      %dma_wait3A_220 = tpu.memref_slice %arg11[%dma_wait3A_219] : memref<20480xi32, #tpu.memory_space<vmem>> -> memref<128xi32, #tpu.memory_space<vmem>>
      %dma_wait3A_221 = arith.constant 0 : i32
      %dma_wait3A_222 = arith.constant 0 : i32
      %dma_wait3A_223 = tpu.memref_slice %arg15[%dma_wait3A_221, %dma_wait3A_222] : memref<10016x64xf32, #tpu.memory_space<vmem_shared>> -> memref<10016x64xf32, #tpu.memory_space<vmem_shared>>
      tpu.wait_indirect_dma semaphore(%arg18 : memref<!tpu.dma_semaphore, #tpu.memory_space<semaphore_mem>>) src(%dma_wait3A_218 : memref<128x64xf32, #tpu.memory_space<vmem>>) dst(%dma_wait3A_223 : memref<10016x64xf32, #tpu.memory_space<vmem_shared>>)
      %add3A_224 = arith.constant 1 : i32
      %add3A_225 = arith.addi %scan3A_65, %add3A_224 : i32
      %lt3A = arith.constant 40 : i32
      %lt3A_226 = arith.cmpi slt, %add3A_225, %lt3A : i32
      %convert_element_type3A_227 = arith.extui %lt3A_226 : i1 to i32
      %cond3A_228 = arith.constant 0 : i32
      %cond3A_229 = arith.cmpi ne, %convert_element_type3A_227, %cond3A_228 : i32
      scf.if %cond3A_229 {
        %add3A_250 = arith.constant 2 : i32
        %add3A_251 = arith.addi %mul3A_67, %add3A_250 : i32
        %mul3A_252 = arith.constant 2 : i32
        %mul3A_253 = arith.muli %add3A_251, %mul3A_252 : i32
        %add3A_254 = arith.constant 0 : i32
        %add3A_255 = arith.addi %mul3A_253, %add3A_254 : i32
        %mul3A_256 = arith.constant 128 : i32
        %mul3A_257 = arith.muli %add3A_255, %mul3A_256 : i32
        %dma_start3A_258 = arith.constant 0 : i32
        %dma_start3A_259 = arith.constant 0 : i32
        %dma_start3A_260 = arith.constant 0 : i32
        %dma_start3A_261 = tpu.memref_slice %arg12[%dma_start3A_258, %dma_start3A_259, %dma_start3A_260] : memref<2x128x64xf32, #tpu.memory_space<vmem>> -> memref<1x128x64xf32, #tpu.memory_space<vmem>>
        %dma_start3A_262 = tpu.memref_squeeze %dma_start3A_261 : memref<1x128x64xf32, #tpu.memory_space<vmem>> -> memref<128x64xf32, #tpu.memory_space<vmem>>
        %dma_start3A_263 = tpu.memref_slice %arg10[%mul3A_257] : memref<20480xi32, #tpu.memory_space<vmem>> -> memref<128xi32, #tpu.memory_space<vmem>>
        %dma_start3A_264 = arith.constant 0 : i32
        %dma_start3A_265 = arith.constant 0 : i32
        %dma_start3A_266 = tpu.memref_slice %arg2[%dma_start3A_264, %dma_start3A_265] : memref<20032x64xf32, #tpu.memory_space<hbm>> -> memref<20032x64xf32, #tpu.memory_space<hbm>>
        tpu.enqueue_indirect_dma source(%dma_start3A_266 : memref<20032x64xf32, #tpu.memory_space<hbm>>) target(%dma_start3A_262 : memref<128x64xf32, #tpu.memory_space<vmem>>) offsets(%dma_start3A_263 : memref<128xi32, #tpu.memory_space<vmem>>) semaphore(%arg16 : memref<!tpu.dma_semaphore, #tpu.memory_space<semaphore_mem>>)
        %mul3A_267 = arith.constant 2 : i32
        %mul3A_268 = arith.muli %add3A_251, %mul3A_267 : i32
        %add3A_269 = arith.constant 1 : i32
        %add3A_270 = arith.addi %mul3A_268, %add3A_269 : i32
        %mul3A_271 = arith.constant 128 : i32
        %mul3A_272 = arith.muli %add3A_270, %mul3A_271 : i32
        %dma_start3A_273 = arith.constant 1 : i32
        %dma_start3A_274 = arith.constant 0 : i32
        %dma_start3A_275 = arith.constant 0 : i32
        %dma_start3A_276 = tpu.memref_slice %arg12[%dma_start3A_273, %dma_start3A_274, %dma_start3A_275] : memref<2x128x64xf32, #tpu.memory_space<vmem>> -> memref<1x128x64xf32, #tpu.memory_space<vmem>>
        %dma_start3A_277 = tpu.memref_squeeze %dma_start3A_276 : memref<1x128x64xf32, #tpu.memory_space<vmem>> -> memref<128x64xf32, #tpu.memory_space<vmem>>
        %dma_start3A_278 = tpu.memref_slice %arg10[%mul3A_272] : memref<20480xi32, #tpu.memory_space<vmem>> -> memref<128xi32, #tpu.memory_space<vmem>>
        %dma_start3A_279 = arith.constant 0 : i32
        %dma_start3A_280 = arith.constant 0 : i32
        %dma_start3A_281 = tpu.memref_slice %arg2[%dma_start3A_279, %dma_start3A_280] : memref<20032x64xf32, #tpu.memory_space<hbm>> -> memref<20032x64xf32, #tpu.memory_space<hbm>>
        tpu.enqueue_indirect_dma source(%dma_start3A_281 : memref<20032x64xf32, #tpu.memory_space<hbm>>) target(%dma_start3A_277 : memref<128x64xf32, #tpu.memory_space<vmem>>) offsets(%dma_start3A_278 : memref<128xi32, #tpu.memory_space<vmem>>) semaphore(%arg16 : memref<!tpu.dma_semaphore, #tpu.memory_space<semaphore_mem>>)
      } else {
      }
      %dma_wait3A_230 = arith.constant 0 : i32
      %dma_wait3A_231 = arith.constant 0 : i32
      %dma_wait3A_232 = arith.constant 0 : i32
      %dma_wait3A_233 = tpu.memref_slice %arg13[%dma_wait3A_230, %dma_wait3A_231, %dma_wait3A_232] : memref<2x128x64xf32, #tpu.memory_space<vmem>> -> memref<1x128x64xf32, #tpu.memory_space<vmem>>
      %dma_wait3A_234 = tpu.memref_squeeze %dma_wait3A_233 : memref<1x128x64xf32, #tpu.memory_space<vmem>> -> memref<128x64xf32, #tpu.memory_space<vmem>>
      %dma_wait3A_235 = arith.constant 0 : i32
      %dma_wait3A_236 = tpu.memref_slice %arg11[%dma_wait3A_235] : memref<20480xi32, #tpu.memory_space<vmem>> -> memref<128xi32, #tpu.memory_space<vmem>>
      %dma_wait3A_237 = arith.constant 0 : i32
      %dma_wait3A_238 = arith.constant 0 : i32
      %dma_wait3A_239 = tpu.memref_slice %arg15[%dma_wait3A_237, %dma_wait3A_238] : memref<10016x64xf32, #tpu.memory_space<vmem_shared>> -> memref<10016x64xf32, #tpu.memory_space<vmem_shared>>
      tpu.wait_indirect_dma semaphore(%arg19 : memref<!tpu.dma_semaphore, #tpu.memory_space<semaphore_mem>>) src(%dma_wait3A_234 : memref<128x64xf32, #tpu.memory_space<vmem>>) dst(%dma_wait3A_239 : memref<10016x64xf32, #tpu.memory_space<vmem_shared>>)
      %dma_wait3A_240 = arith.constant 0 : i32
      %dma_wait3A_241 = arith.constant 0 : i32
      %dma_wait3A_242 = arith.constant 0 : i32
      %dma_wait3A_243 = tpu.memref_slice %arg13[%dma_wait3A_240, %dma_wait3A_241, %dma_wait3A_242] : memref<2x128x64xf32, #tpu.memory_space<vmem>> -> memref<1x128x64xf32, #tpu.memory_space<vmem>>
      %dma_wait3A_244 = tpu.memref_squeeze %dma_wait3A_243 : memref<1x128x64xf32, #tpu.memory_space<vmem>> -> memref<128x64xf32, #tpu.memory_space<vmem>>
      %dma_wait3A_245 = arith.constant 0 : i32
      %dma_wait3A_246 = tpu.memref_slice %arg11[%dma_wait3A_245] : memref<20480xi32, #tpu.memory_space<vmem>> -> memref<128xi32, #tpu.memory_space<vmem>>
      %dma_wait3A_247 = arith.constant 0 : i32
      %dma_wait3A_248 = arith.constant 0 : i32
      %dma_wait3A_249 = tpu.memref_slice %arg15[%dma_wait3A_247, %dma_wait3A_248] : memref<10016x64xf32, #tpu.memory_space<vmem_shared>> -> memref<10016x64xf32, #tpu.memory_space<vmem_shared>>
      tpu.wait_indirect_dma semaphore(%arg19 : memref<!tpu.dma_semaphore, #tpu.memory_space<semaphore_mem>>) src(%dma_wait3A_244 : memref<128x64xf32, #tpu.memory_space<vmem>>) dst(%dma_wait3A_249 : memref<10016x64xf32, #tpu.memory_space<vmem_shared>>)
    }
    %scan3A_54 = arith.constant 40 : i32
    %barrier3A_55 = arith.constant 0 : index
    tpu.barrier barrier_id(%barrier3A_55)
    %mul3A_56 = arith.constant 626 : i32
    %mul3A_57 = arith.muli %arg1, %mul3A_56 : i32
    %mul3A_58 = arith.constant 626 : i32
    %mul3A_59 = arith.muli %arg1, %mul3A_58 : i32
    "tpu.region"() ({
      %run_scoped3A_65 = tpu.sem_alloc : memref<!tpu.dma_semaphore, #tpu.memory_space<semaphore_mem>>
      %dma_start3A_66 = arith.constant 0 : i32
      %dma_start3A_67 = tpu.memref_slice %arg8[%arg0, %mul3A_59, %dma_start3A_66] : memref<2x10016x64xf32, #tpu.memory_space<hbm>> -> memref<1x626x64xf32, #tpu.memory_space<hbm>>
      %dma_start3A_68 = tpu.memref_squeeze %dma_start3A_67 : memref<1x626x64xf32, #tpu.memory_space<hbm>> -> memref<626x64xf32, #tpu.memory_space<hbm>>
      %dma_start3A_69 = arith.constant 0 : i32
      %dma_start3A_70 = tpu.memref_slice %arg15[%mul3A_57, %dma_start3A_69] : memref<10016x64xf32, #tpu.memory_space<vmem_shared>> -> memref<626x64xf32, #tpu.memory_space<vmem_shared>>
      tpu.enqueue_dma source(%dma_start3A_70 : memref<626x64xf32, #tpu.memory_space<vmem_shared>>) target(%dma_start3A_68 : memref<626x64xf32, #tpu.memory_space<hbm>>) target_semaphore(%run_scoped3A_65 : memref<!tpu.dma_semaphore, #tpu.memory_space<semaphore_mem>>)
      %dma_wait3A = arith.constant 0 : i32
      %dma_wait3A_71 = tpu.memref_slice %arg8[%arg0, %mul3A_59, %dma_wait3A] : memref<2x10016x64xf32, #tpu.memory_space<hbm>> -> memref<1x626x64xf32, #tpu.memory_space<hbm>>
      %dma_wait3A_72 = tpu.memref_squeeze %dma_wait3A_71 : memref<1x626x64xf32, #tpu.memory_space<hbm>> -> memref<626x64xf32, #tpu.memory_space<hbm>>
      %dma_wait3A_73 = arith.constant 0 : i32
      %dma_wait3A_74 = tpu.memref_slice %arg15[%mul3A_57, %dma_wait3A_73] : memref<10016x64xf32, #tpu.memory_space<vmem_shared>> -> memref<626x64xf32, #tpu.memory_space<vmem_shared>>
      tpu.wait_dma2 semaphore(%run_scoped3A_65 : memref<!tpu.dma_semaphore, #tpu.memory_space<semaphore_mem>>) src(%dma_wait3A_74 : memref<626x64xf32, #tpu.memory_space<vmem_shared>>) dst(%dma_wait3A_72 : memref<626x64xf32, #tpu.memory_space<hbm>>)
      tpu.yield
    }) : () -> ()
    %eq3A_60 = arith.constant 0 : i32
    %eq3A_61 = arith.cmpi eq, %arg0, %eq3A_60 : i32
    %convert_element_type3A_62 = arith.extui %eq3A_61 : i1 to i32
    %cond3A_63 = arith.constant 0 : i32
    %cond3A_64 = arith.cmpi ne, %convert_element_type3A_62, %cond3A_63 : i32
    scf.if %cond3A_64 {
      "tpu.region"() ({
        %run_scoped3A_65 = tpu.sem_alloc : memref<!tpu.dma_semaphore, #tpu.memory_space<semaphore_mem>>
        %dma_start3A_66 = arith.constant 0 : i32
        %dma_start3A_67 = tpu.memref_slice %arg9[%arg1, %dma_start3A_66] : memref<16x10016xf32, #tpu.memory_space<hbm>> -> memref<1x10016xf32, #tpu.memory_space<hbm>>
        %dma_start3A_68 = tpu.memref_squeeze %dma_start3A_67 : memref<1x10016xf32, #tpu.memory_space<hbm>> -> memref<10016xf32, #tpu.memory_space<hbm>>
        %dma_start3A_69 = arith.constant 0 : i32
        %dma_start3A_70 = tpu.memref_slice %arg9[%arg1, %dma_start3A_69] : memref<16x10016xf32, #tpu.memory_space<hbm>> -> memref<1x10016xf32, #tpu.memory_space<hbm>>
        %dma_start3A_71 = tpu.memref_squeeze %dma_start3A_70 : memref<1x10016xf32, #tpu.memory_space<hbm>> -> memref<10016xf32, #tpu.memory_space<hbm>>
        tpu.enqueue_dma source(%arg14 : memref<10016xf32, #tpu.memory_space<vmem>>) target(%dma_start3A_71 : memref<10016xf32, #tpu.memory_space<hbm>>) target_semaphore(%run_scoped3A_65 : memref<!tpu.dma_semaphore, #tpu.memory_space<semaphore_mem>>)
        %dma_wait3A = arith.constant 0 : i32
        %dma_wait3A_72 = tpu.memref_slice %arg9[%arg1, %dma_wait3A] : memref<16x10016xf32, #tpu.memory_space<hbm>> -> memref<1x10016xf32, #tpu.memory_space<hbm>>
        %dma_wait3A_73 = tpu.memref_squeeze %dma_wait3A_72 : memref<1x10016xf32, #tpu.memory_space<hbm>> -> memref<10016xf32, #tpu.memory_space<hbm>>
        %dma_wait3A_74 = arith.constant 0 : i32
        %dma_wait3A_75 = tpu.memref_slice %arg9[%arg1, %dma_wait3A_74] : memref<16x10016xf32, #tpu.memory_space<hbm>> -> memref<1x10016xf32, #tpu.memory_space<hbm>>
        %dma_wait3A_76 = tpu.memref_squeeze %dma_wait3A_75 : memref<1x10016xf32, #tpu.memory_space<hbm>> -> memref<10016xf32, #tpu.memory_space<hbm>>
        tpu.wait_dma2 semaphore(%run_scoped3A_65 : memref<!tpu.dma_semaphore, #tpu.memory_space<semaphore_mem>>) src(%arg14 : memref<10016xf32, #tpu.memory_space<vmem>>) dst(%dma_wait3A_76 : memref<10016xf32, #tpu.memory_space<hbm>>)
        tpu.yield
      }) : () -> ()
    } else {
    }
    return
  }
}

#map = affine_map<(d0, d1) -> (0, 0)>
#map1 = affine_map<(d0, d1) -> (0)>
#map2 = affine_map<(d0, d1) -> (0, 0, 0)>
module attributes {stable_mosaic.version = 14 : i64} {
  func.func @seg(%arg0: i32, %arg1: i32, %arg2: memref<20032x64xf32, #tpu.memory_space<hbm>>, %arg3: memref<327680xi32, #tpu.memory_space<hbm>>, %arg4: memref<327680xi32, #tpu.memory_space<hbm>>, %arg5: memref<327680xi32, #tpu.memory_space<hbm>>, %arg6: memref<2x128x64xf32, #tpu.memory_space<hbm>>, %arg7: memref<2x10016x64xf32, #tpu.memory_space<hbm>>, %arg8: memref<20480xi32, #tpu.memory_space<vmem>>, %arg9: memref<20480xi32, #tpu.memory_space<vmem>>, %arg10: memref<2x128x64xf32, #tpu.memory_space<vmem>>, %arg11: memref<2x128x64xf32, #tpu.memory_space<vmem>>, %arg12: memref<10016x64xf32, #tpu.memory_space<vmem_shared>>, %arg13: memref<!tpu.dma_semaphore, #tpu.memory_space<semaphore_mem>>, %arg14: memref<!tpu.dma_semaphore, #tpu.memory_space<semaphore_mem>>, %arg15: memref<!tpu.dma_semaphore, #tpu.memory_space<semaphore_mem>>, %arg16: memref<!tpu.dma_semaphore, #tpu.memory_space<semaphore_mem>>) attributes {dimension_semantics = [#tpu.dimension_semantics<core_parallel>, #tpu.dimension_semantics<subcore_parallel>], iteration_bounds = array<i64: 2, 16>, scalar_prefetch = 0 : i64, scratch_operands = 9 : i64, tpu.core_type = #tpu.core_type<sc_vector_subcore>, window_params = [{transform_indices = #map}, {transform_indices = #map1}, {transform_indices = #map1}, {transform_indices = #map1}, {transform_indices = #map2}, {transform_indices = #map2}]} {
    %mul3A = arith.constant 20480 : i32
    %mul3A_0 = arith.muli %arg1, %mul3A : i32
    %eq3A = arith.constant 0 : i32
    %eq3A_1 = arith.cmpi eq, %arg0, %eq3A : i32
    %convert_element_type3A = arith.extui %eq3A_1 : i1 to i32
    %cond3A = arith.constant 0 : i32
    %cond3A_2 = arith.cmpi ne, %convert_element_type3A, %cond3A : i32
    scf.if %cond3A_2 {
      "tpu.region"() ({
        %run_scoped3A_60 = tpu.sem_alloc : memref<!tpu.dma_semaphore, #tpu.memory_space<semaphore_mem>>
        %dma_start3A_61 = tpu.memref_slice %arg3[%mul3A_0] : memref<327680xi32, #tpu.memory_space<hbm>> -> memref<20480xi32, #tpu.memory_space<hbm>>
        %dma_start3A_62 = tpu.memref_slice %arg3[%mul3A_0] : memref<327680xi32, #tpu.memory_space<hbm>> -> memref<20480xi32, #tpu.memory_space<hbm>>
        tpu.enqueue_dma source(%dma_start3A_62 : memref<20480xi32, #tpu.memory_space<hbm>>) target(%arg8 : memref<20480xi32, #tpu.memory_space<vmem>>) target_semaphore(%run_scoped3A_60 : memref<!tpu.dma_semaphore, #tpu.memory_space<semaphore_mem>>)
        %dma_wait3A = tpu.memref_slice %arg3[%mul3A_0] : memref<327680xi32, #tpu.memory_space<hbm>> -> memref<20480xi32, #tpu.memory_space<hbm>>
        %dma_wait3A_63 = tpu.memref_slice %arg3[%mul3A_0] : memref<327680xi32, #tpu.memory_space<hbm>> -> memref<20480xi32, #tpu.memory_space<hbm>>
        tpu.wait_dma2 semaphore(%run_scoped3A_60 : memref<!tpu.dma_semaphore, #tpu.memory_space<semaphore_mem>>) src(%dma_wait3A_63 : memref<20480xi32, #tpu.memory_space<hbm>>) dst(%arg8 : memref<20480xi32, #tpu.memory_space<vmem>>)
        tpu.yield
      }) : () -> ()
    } else {
    }
    %eq3A_3 = arith.constant 1 : i32
    %eq3A_4 = arith.cmpi eq, %arg0, %eq3A_3 : i32
    %convert_element_type3A_5 = arith.extui %eq3A_4 : i1 to i32
    %cond3A_6 = arith.constant 0 : i32
    %cond3A_7 = arith.cmpi ne, %convert_element_type3A_5, %cond3A_6 : i32
    scf.if %cond3A_7 {
      "tpu.region"() ({
        %run_scoped3A_60 = tpu.sem_alloc : memref<!tpu.dma_semaphore, #tpu.memory_space<semaphore_mem>>
        %dma_start3A_61 = tpu.memref_slice %arg4[%mul3A_0] : memref<327680xi32, #tpu.memory_space<hbm>> -> memref<20480xi32, #tpu.memory_space<hbm>>
        %dma_start3A_62 = tpu.memref_slice %arg4[%mul3A_0] : memref<327680xi32, #tpu.memory_space<hbm>> -> memref<20480xi32, #tpu.memory_space<hbm>>
        tpu.enqueue_dma source(%dma_start3A_62 : memref<20480xi32, #tpu.memory_space<hbm>>) target(%arg8 : memref<20480xi32, #tpu.memory_space<vmem>>) target_semaphore(%run_scoped3A_60 : memref<!tpu.dma_semaphore, #tpu.memory_space<semaphore_mem>>)
        %dma_wait3A = tpu.memref_slice %arg4[%mul3A_0] : memref<327680xi32, #tpu.memory_space<hbm>> -> memref<20480xi32, #tpu.memory_space<hbm>>
        %dma_wait3A_63 = tpu.memref_slice %arg4[%mul3A_0] : memref<327680xi32, #tpu.memory_space<hbm>> -> memref<20480xi32, #tpu.memory_space<hbm>>
        tpu.wait_dma2 semaphore(%run_scoped3A_60 : memref<!tpu.dma_semaphore, #tpu.memory_space<semaphore_mem>>) src(%dma_wait3A_63 : memref<20480xi32, #tpu.memory_space<hbm>>) dst(%arg8 : memref<20480xi32, #tpu.memory_space<vmem>>)
        tpu.yield
      }) : () -> ()
    } else {
    }
    "tpu.region"() ({
      %run_scoped3A_60 = tpu.sem_alloc : memref<!tpu.dma_semaphore, #tpu.memory_space<semaphore_mem>>
      %dma_start3A_61 = tpu.memref_slice %arg5[%mul3A_0] : memref<327680xi32, #tpu.memory_space<hbm>> -> memref<20480xi32, #tpu.memory_space<hbm>>
      %dma_start3A_62 = tpu.memref_slice %arg5[%mul3A_0] : memref<327680xi32, #tpu.memory_space<hbm>> -> memref<20480xi32, #tpu.memory_space<hbm>>
      tpu.enqueue_dma source(%dma_start3A_62 : memref<20480xi32, #tpu.memory_space<hbm>>) target(%arg9 : memref<20480xi32, #tpu.memory_space<vmem>>) target_semaphore(%run_scoped3A_60 : memref<!tpu.dma_semaphore, #tpu.memory_space<semaphore_mem>>)
      %dma_wait3A = tpu.memref_slice %arg5[%mul3A_0] : memref<327680xi32, #tpu.memory_space<hbm>> -> memref<20480xi32, #tpu.memory_space<hbm>>
      %dma_wait3A_63 = tpu.memref_slice %arg5[%mul3A_0] : memref<327680xi32, #tpu.memory_space<hbm>> -> memref<20480xi32, #tpu.memory_space<hbm>>
      tpu.wait_dma2 semaphore(%run_scoped3A_60 : memref<!tpu.dma_semaphore, #tpu.memory_space<semaphore_mem>>) src(%dma_wait3A_63 : memref<20480xi32, #tpu.memory_space<hbm>>) dst(%arg9 : memref<20480xi32, #tpu.memory_space<vmem>>)
      tpu.yield
    }) : () -> ()
    %dma_start3A = arith.constant 0 : i32
    %dma_start3A_8 = arith.constant 0 : i32
    %dma_start3A_9 = arith.constant 0 : i32
    %dma_start3A_10 = tpu.memref_slice %arg10[%dma_start3A, %dma_start3A_8, %dma_start3A_9] : memref<2x128x64xf32, #tpu.memory_space<vmem>> -> memref<1x128x64xf32, #tpu.memory_space<vmem>>
    %dma_start3A_11 = tpu.memref_squeeze %dma_start3A_10 : memref<1x128x64xf32, #tpu.memory_space<vmem>> -> memref<128x64xf32, #tpu.memory_space<vmem>>
    %dma_start3A_12 = arith.constant 0 : i32
    %dma_start3A_13 = tpu.memref_slice %arg8[%dma_start3A_12] : memref<20480xi32, #tpu.memory_space<vmem>> -> memref<128xi32, #tpu.memory_space<vmem>>
    %dma_start3A_14 = arith.constant 0 : i32
    %dma_start3A_15 = arith.constant 0 : i32
    %dma_start3A_16 = tpu.memref_slice %arg2[%dma_start3A_14, %dma_start3A_15] : memref<20032x64xf32, #tpu.memory_space<hbm>> -> memref<20032x64xf32, #tpu.memory_space<hbm>>
    tpu.enqueue_indirect_dma source(%dma_start3A_16 : memref<20032x64xf32, #tpu.memory_space<hbm>>) target(%dma_start3A_11 : memref<128x64xf32, #tpu.memory_space<vmem>>) offsets(%dma_start3A_13 : memref<128xi32, #tpu.memory_space<vmem>>) semaphore(%arg13 : memref<!tpu.dma_semaphore, #tpu.memory_space<semaphore_mem>>)
    %dma_start3A_17 = arith.constant 1 : i32
    %dma_start3A_18 = arith.constant 0 : i32
    %dma_start3A_19 = arith.constant 0 : i32
    %dma_start3A_20 = tpu.memref_slice %arg10[%dma_start3A_17, %dma_start3A_18, %dma_start3A_19] : memref<2x128x64xf32, #tpu.memory_space<vmem>> -> memref<1x128x64xf32, #tpu.memory_space<vmem>>
    %dma_start3A_21 = tpu.memref_squeeze %dma_start3A_20 : memref<1x128x64xf32, #tpu.memory_space<vmem>> -> memref<128x64xf32, #tpu.memory_space<vmem>>
    %dma_start3A_22 = arith.constant 128 : i32
    %dma_start3A_23 = tpu.memref_slice %arg8[%dma_start3A_22] : memref<20480xi32, #tpu.memory_space<vmem>> -> memref<128xi32, #tpu.memory_space<vmem>>
    %dma_start3A_24 = arith.constant 0 : i32
    %dma_start3A_25 = arith.constant 0 : i32
    %dma_start3A_26 = tpu.memref_slice %arg2[%dma_start3A_24, %dma_start3A_25] : memref<20032x64xf32, #tpu.memory_space<hbm>> -> memref<20032x64xf32, #tpu.memory_space<hbm>>
    tpu.enqueue_indirect_dma source(%dma_start3A_26 : memref<20032x64xf32, #tpu.memory_space<hbm>>) target(%dma_start3A_21 : memref<128x64xf32, #tpu.memory_space<vmem>>) offsets(%dma_start3A_23 : memref<128xi32, #tpu.memory_space<vmem>>) semaphore(%arg13 : memref<!tpu.dma_semaphore, #tpu.memory_space<semaphore_mem>>)
    "tpu.region"() ({
      %run_scoped3A_60 = tpu.sem_alloc : memref<!tpu.dma_semaphore, #tpu.memory_space<semaphore_mem>>
      tpu.enqueue_dma source(%arg6 : memref<2x128x64xf32, #tpu.memory_space<hbm>>) target(%arg11 : memref<2x128x64xf32, #tpu.memory_space<vmem>>) target_semaphore(%run_scoped3A_60 : memref<!tpu.dma_semaphore, #tpu.memory_space<semaphore_mem>>)
      tpu.wait_dma2 semaphore(%run_scoped3A_60 : memref<!tpu.dma_semaphore, #tpu.memory_space<semaphore_mem>>) src(%arg6 : memref<2x128x64xf32, #tpu.memory_space<hbm>>) dst(%arg11 : memref<2x128x64xf32, #tpu.memory_space<vmem>>)
      tpu.yield
    }) : () -> ()
    %mul3A_27 = arith.constant 626 : i32
    %mul3A_28 = arith.muli %arg1, %mul3A_27 : i32
    %add3A = arith.constant 0 : i32
    %add3A_29 = arith.addi %mul3A_28, %add3A : i32
    %run_scoped3A = arith.constant 0 : i32
    "tpu.region"() ({
      %run_scoped3A_60 = tpu.sem_alloc : memref<!tpu.dma_semaphore, #tpu.memory_space<semaphore_mem>>
      %dma_start3A_61 = arith.constant 0 : i32
      %dma_start3A_62 = arith.constant 0 : i32
      %dma_start3A_63 = tpu.memref_slice %arg11[%run_scoped3A, %dma_start3A_61, %dma_start3A_62] : memref<2x128x64xf32, #tpu.memory_space<vmem>> -> memref<1x128x64xf32, #tpu.memory_space<vmem>>
      %dma_start3A_64 = tpu.memref_squeeze %dma_start3A_63 : memref<1x128x64xf32, #tpu.memory_space<vmem>> -> memref<128x64xf32, #tpu.memory_space<vmem>>
      %dma_start3A_65 = arith.constant 0 : i32
      %dma_start3A_66 = tpu.memref_slice %arg12[%add3A_29, %dma_start3A_65] : memref<10016x64xf32, #tpu.memory_space<vmem_shared>> -> memref<128x64xf32, #tpu.memory_space<vmem_shared>>
      %dma_start3A_67 = arith.constant 0 : i32
      %dma_start3A_68 = tpu.memref_slice %arg12[%add3A_29, %dma_start3A_67] : memref<10016x64xf32, #tpu.memory_space<vmem_shared>> -> memref<128x64xf32, #tpu.memory_space<vmem_shared>>
      %dma_start3A_69 = arith.constant 0 : i32
      %dma_start3A_70 = arith.constant 0 : i32
      %dma_start3A_71 = tpu.memref_slice %arg11[%run_scoped3A, %dma_start3A_69, %dma_start3A_70] : memref<2x128x64xf32, #tpu.memory_space<vmem>> -> memref<1x128x64xf32, #tpu.memory_space<vmem>>
      %dma_start3A_72 = tpu.memref_squeeze %dma_start3A_71 : memref<1x128x64xf32, #tpu.memory_space<vmem>> -> memref<128x64xf32, #tpu.memory_space<vmem>>
      tpu.enqueue_dma source(%dma_start3A_72 : memref<128x64xf32, #tpu.memory_space<vmem>>) target(%dma_start3A_68 : memref<128x64xf32, #tpu.memory_space<vmem_shared>>) target_semaphore(%run_scoped3A_60 : memref<!tpu.dma_semaphore, #tpu.memory_space<semaphore_mem>>)
      %dma_wait3A = arith.constant 0 : i32
      %dma_wait3A_73 = arith.constant 0 : i32
      %dma_wait3A_74 = tpu.memref_slice %arg11[%run_scoped3A, %dma_wait3A, %dma_wait3A_73] : memref<2x128x64xf32, #tpu.memory_space<vmem>> -> memref<1x128x64xf32, #tpu.memory_space<vmem>>
      %dma_wait3A_75 = tpu.memref_squeeze %dma_wait3A_74 : memref<1x128x64xf32, #tpu.memory_space<vmem>> -> memref<128x64xf32, #tpu.memory_space<vmem>>
      %dma_wait3A_76 = arith.constant 0 : i32
      %dma_wait3A_77 = tpu.memref_slice %arg12[%add3A_29, %dma_wait3A_76] : memref<10016x64xf32, #tpu.memory_space<vmem_shared>> -> memref<128x64xf32, #tpu.memory_space<vmem_shared>>
      %dma_wait3A_78 = arith.constant 0 : i32
      %dma_wait3A_79 = tpu.memref_slice %arg12[%add3A_29, %dma_wait3A_78] : memref<10016x64xf32, #tpu.memory_space<vmem_shared>> -> memref<128x64xf32, #tpu.memory_space<vmem_shared>>
      %dma_wait3A_80 = arith.constant 0 : i32
      %dma_wait3A_81 = arith.constant 0 : i32
      %dma_wait3A_82 = tpu.memref_slice %arg11[%run_scoped3A, %dma_wait3A_80, %dma_wait3A_81] : memref<2x128x64xf32, #tpu.memory_space<vmem>> -> memref<1x128x64xf32, #tpu.memory_space<vmem>>
      %dma_wait3A_83 = tpu.memref_squeeze %dma_wait3A_82 : memref<1x128x64xf32, #tpu.memory_space<vmem>> -> memref<128x64xf32, #tpu.memory_space<vmem>>
      tpu.wait_dma2 semaphore(%run_scoped3A_60 : memref<!tpu.dma_semaphore, #tpu.memory_space<semaphore_mem>>) src(%dma_wait3A_83 : memref<128x64xf32, #tpu.memory_space<vmem>>) dst(%dma_wait3A_79 : memref<128x64xf32, #tpu.memory_space<vmem_shared>>)
      tpu.yield
    }) : () -> ()
    %mul3A_30 = arith.constant 626 : i32
    %mul3A_31 = arith.muli %arg1, %mul3A_30 : i32
    %add3A_32 = arith.constant 128 : i32
    %add3A_33 = arith.addi %mul3A_31, %add3A_32 : i32
    %run_scoped3A_34 = arith.constant 1 : i32
    "tpu.region"() ({
      %run_scoped3A_60 = tpu.sem_alloc : memref<!tpu.dma_semaphore, #tpu.memory_space<semaphore_mem>>
      %dma_start3A_61 = arith.constant 0 : i32
      %dma_start3A_62 = arith.constant 0 : i32
      %dma_start3A_63 = tpu.memref_slice %arg11[%run_scoped3A_34, %dma_start3A_61, %dma_start3A_62] : memref<2x128x64xf32, #tpu.memory_space<vmem>> -> memref<1x128x64xf32, #tpu.memory_space<vmem>>
      %dma_start3A_64 = tpu.memref_squeeze %dma_start3A_63 : memref<1x128x64xf32, #tpu.memory_space<vmem>> -> memref<128x64xf32, #tpu.memory_space<vmem>>
      %dma_start3A_65 = arith.constant 0 : i32
      %dma_start3A_66 = tpu.memref_slice %arg12[%add3A_33, %dma_start3A_65] : memref<10016x64xf32, #tpu.memory_space<vmem_shared>> -> memref<128x64xf32, #tpu.memory_space<vmem_shared>>
      %dma_start3A_67 = arith.constant 0 : i32
      %dma_start3A_68 = tpu.memref_slice %arg12[%add3A_33, %dma_start3A_67] : memref<10016x64xf32, #tpu.memory_space<vmem_shared>> -> memref<128x64xf32, #tpu.memory_space<vmem_shared>>
      %dma_start3A_69 = arith.constant 0 : i32
      %dma_start3A_70 = arith.constant 0 : i32
      %dma_start3A_71 = tpu.memref_slice %arg11[%run_scoped3A_34, %dma_start3A_69, %dma_start3A_70] : memref<2x128x64xf32, #tpu.memory_space<vmem>> -> memref<1x128x64xf32, #tpu.memory_space<vmem>>
      %dma_start3A_72 = tpu.memref_squeeze %dma_start3A_71 : memref<1x128x64xf32, #tpu.memory_space<vmem>> -> memref<128x64xf32, #tpu.memory_space<vmem>>
      tpu.enqueue_dma source(%dma_start3A_72 : memref<128x64xf32, #tpu.memory_space<vmem>>) target(%dma_start3A_68 : memref<128x64xf32, #tpu.memory_space<vmem_shared>>) target_semaphore(%run_scoped3A_60 : memref<!tpu.dma_semaphore, #tpu.memory_space<semaphore_mem>>)
      %dma_wait3A = arith.constant 0 : i32
      %dma_wait3A_73 = arith.constant 0 : i32
      %dma_wait3A_74 = tpu.memref_slice %arg11[%run_scoped3A_34, %dma_wait3A, %dma_wait3A_73] : memref<2x128x64xf32, #tpu.memory_space<vmem>> -> memref<1x128x64xf32, #tpu.memory_space<vmem>>
      %dma_wait3A_75 = tpu.memref_squeeze %dma_wait3A_74 : memref<1x128x64xf32, #tpu.memory_space<vmem>> -> memref<128x64xf32, #tpu.memory_space<vmem>>
      %dma_wait3A_76 = arith.constant 0 : i32
      %dma_wait3A_77 = tpu.memref_slice %arg12[%add3A_33, %dma_wait3A_76] : memref<10016x64xf32, #tpu.memory_space<vmem_shared>> -> memref<128x64xf32, #tpu.memory_space<vmem_shared>>
      %dma_wait3A_78 = arith.constant 0 : i32
      %dma_wait3A_79 = tpu.memref_slice %arg12[%add3A_33, %dma_wait3A_78] : memref<10016x64xf32, #tpu.memory_space<vmem_shared>> -> memref<128x64xf32, #tpu.memory_space<vmem_shared>>
      %dma_wait3A_80 = arith.constant 0 : i32
      %dma_wait3A_81 = arith.constant 0 : i32
      %dma_wait3A_82 = tpu.memref_slice %arg11[%run_scoped3A_34, %dma_wait3A_80, %dma_wait3A_81] : memref<2x128x64xf32, #tpu.memory_space<vmem>> -> memref<1x128x64xf32, #tpu.memory_space<vmem>>
      %dma_wait3A_83 = tpu.memref_squeeze %dma_wait3A_82 : memref<1x128x64xf32, #tpu.memory_space<vmem>> -> memref<128x64xf32, #tpu.memory_space<vmem>>
      tpu.wait_dma2 semaphore(%run_scoped3A_60 : memref<!tpu.dma_semaphore, #tpu.memory_space<semaphore_mem>>) src(%dma_wait3A_83 : memref<128x64xf32, #tpu.memory_space<vmem>>) dst(%dma_wait3A_79 : memref<128x64xf32, #tpu.memory_space<vmem_shared>>)
      tpu.yield
    }) : () -> ()
    %mul3A_35 = arith.constant 626 : i32
    %mul3A_36 = arith.muli %arg1, %mul3A_35 : i32
    %add3A_37 = arith.constant 256 : i32
    %add3A_38 = arith.addi %mul3A_36, %add3A_37 : i32
    %run_scoped3A_39 = arith.constant 0 : i32
    "tpu.region"() ({
      %run_scoped3A_60 = tpu.sem_alloc : memref<!tpu.dma_semaphore, #tpu.memory_space<semaphore_mem>>
      %dma_start3A_61 = arith.constant 0 : i32
      %dma_start3A_62 = arith.constant 0 : i32
      %dma_start3A_63 = tpu.memref_slice %arg11[%run_scoped3A_39, %dma_start3A_61, %dma_start3A_62] : memref<2x128x64xf32, #tpu.memory_space<vmem>> -> memref<1x128x64xf32, #tpu.memory_space<vmem>>
      %dma_start3A_64 = tpu.memref_squeeze %dma_start3A_63 : memref<1x128x64xf32, #tpu.memory_space<vmem>> -> memref<128x64xf32, #tpu.memory_space<vmem>>
      %dma_start3A_65 = arith.constant 0 : i32
      %dma_start3A_66 = tpu.memref_slice %arg12[%add3A_38, %dma_start3A_65] : memref<10016x64xf32, #tpu.memory_space<vmem_shared>> -> memref<128x64xf32, #tpu.memory_space<vmem_shared>>
      %dma_start3A_67 = arith.constant 0 : i32
      %dma_start3A_68 = tpu.memref_slice %arg12[%add3A_38, %dma_start3A_67] : memref<10016x64xf32, #tpu.memory_space<vmem_shared>> -> memref<128x64xf32, #tpu.memory_space<vmem_shared>>
      %dma_start3A_69 = arith.constant 0 : i32
      %dma_start3A_70 = arith.constant 0 : i32
      %dma_start3A_71 = tpu.memref_slice %arg11[%run_scoped3A_39, %dma_start3A_69, %dma_start3A_70] : memref<2x128x64xf32, #tpu.memory_space<vmem>> -> memref<1x128x64xf32, #tpu.memory_space<vmem>>
      %dma_start3A_72 = tpu.memref_squeeze %dma_start3A_71 : memref<1x128x64xf32, #tpu.memory_space<vmem>> -> memref<128x64xf32, #tpu.memory_space<vmem>>
      tpu.enqueue_dma source(%dma_start3A_72 : memref<128x64xf32, #tpu.memory_space<vmem>>) target(%dma_start3A_68 : memref<128x64xf32, #tpu.memory_space<vmem_shared>>) target_semaphore(%run_scoped3A_60 : memref<!tpu.dma_semaphore, #tpu.memory_space<semaphore_mem>>)
      %dma_wait3A = arith.constant 0 : i32
      %dma_wait3A_73 = arith.constant 0 : i32
      %dma_wait3A_74 = tpu.memref_slice %arg11[%run_scoped3A_39, %dma_wait3A, %dma_wait3A_73] : memref<2x128x64xf32, #tpu.memory_space<vmem>> -> memref<1x128x64xf32, #tpu.memory_space<vmem>>
      %dma_wait3A_75 = tpu.memref_squeeze %dma_wait3A_74 : memref<1x128x64xf32, #tpu.memory_space<vmem>> -> memref<128x64xf32, #tpu.memory_space<vmem>>
      %dma_wait3A_76 = arith.constant 0 : i32
      %dma_wait3A_77 = tpu.memref_slice %arg12[%add3A_38, %dma_wait3A_76] : memref<10016x64xf32, #tpu.memory_space<vmem_shared>> -> memref<128x64xf32, #tpu.memory_space<vmem_shared>>
      %dma_wait3A_78 = arith.constant 0 : i32
      %dma_wait3A_79 = tpu.memref_slice %arg12[%add3A_38, %dma_wait3A_78] : memref<10016x64xf32, #tpu.memory_space<vmem_shared>> -> memref<128x64xf32, #tpu.memory_space<vmem_shared>>
      %dma_wait3A_80 = arith.constant 0 : i32
      %dma_wait3A_81 = arith.constant 0 : i32
      %dma_wait3A_82 = tpu.memref_slice %arg11[%run_scoped3A_39, %dma_wait3A_80, %dma_wait3A_81] : memref<2x128x64xf32, #tpu.memory_space<vmem>> -> memref<1x128x64xf32, #tpu.memory_space<vmem>>
      %dma_wait3A_83 = tpu.memref_squeeze %dma_wait3A_82 : memref<1x128x64xf32, #tpu.memory_space<vmem>> -> memref<128x64xf32, #tpu.memory_space<vmem>>
      tpu.wait_dma2 semaphore(%run_scoped3A_60 : memref<!tpu.dma_semaphore, #tpu.memory_space<semaphore_mem>>) src(%dma_wait3A_83 : memref<128x64xf32, #tpu.memory_space<vmem>>) dst(%dma_wait3A_79 : memref<128x64xf32, #tpu.memory_space<vmem_shared>>)
      tpu.yield
    }) : () -> ()
    %mul3A_40 = arith.constant 626 : i32
    %mul3A_41 = arith.muli %arg1, %mul3A_40 : i32
    %add3A_42 = arith.constant 384 : i32
    %add3A_43 = arith.addi %mul3A_41, %add3A_42 : i32
    %run_scoped3A_44 = arith.constant 1 : i32
    "tpu.region"() ({
      %run_scoped3A_60 = tpu.sem_alloc : memref<!tpu.dma_semaphore, #tpu.memory_space<semaphore_mem>>
      %dma_start3A_61 = arith.constant 0 : i32
      %dma_start3A_62 = arith.constant 0 : i32
      %dma_start3A_63 = tpu.memref_slice %arg11[%run_scoped3A_44, %dma_start3A_61, %dma_start3A_62] : memref<2x128x64xf32, #tpu.memory_space<vmem>> -> memref<1x128x64xf32, #tpu.memory_space<vmem>>
      %dma_start3A_64 = tpu.memref_squeeze %dma_start3A_63 : memref<1x128x64xf32, #tpu.memory_space<vmem>> -> memref<128x64xf32, #tpu.memory_space<vmem>>
      %dma_start3A_65 = arith.constant 0 : i32
      %dma_start3A_66 = tpu.memref_slice %arg12[%add3A_43, %dma_start3A_65] : memref<10016x64xf32, #tpu.memory_space<vmem_shared>> -> memref<128x64xf32, #tpu.memory_space<vmem_shared>>
      %dma_start3A_67 = arith.constant 0 : i32
      %dma_start3A_68 = tpu.memref_slice %arg12[%add3A_43, %dma_start3A_67] : memref<10016x64xf32, #tpu.memory_space<vmem_shared>> -> memref<128x64xf32, #tpu.memory_space<vmem_shared>>
      %dma_start3A_69 = arith.constant 0 : i32
      %dma_start3A_70 = arith.constant 0 : i32
      %dma_start3A_71 = tpu.memref_slice %arg11[%run_scoped3A_44, %dma_start3A_69, %dma_start3A_70] : memref<2x128x64xf32, #tpu.memory_space<vmem>> -> memref<1x128x64xf32, #tpu.memory_space<vmem>>
      %dma_start3A_72 = tpu.memref_squeeze %dma_start3A_71 : memref<1x128x64xf32, #tpu.memory_space<vmem>> -> memref<128x64xf32, #tpu.memory_space<vmem>>
      tpu.enqueue_dma source(%dma_start3A_72 : memref<128x64xf32, #tpu.memory_space<vmem>>) target(%dma_start3A_68 : memref<128x64xf32, #tpu.memory_space<vmem_shared>>) target_semaphore(%run_scoped3A_60 : memref<!tpu.dma_semaphore, #tpu.memory_space<semaphore_mem>>)
      %dma_wait3A = arith.constant 0 : i32
      %dma_wait3A_73 = arith.constant 0 : i32
      %dma_wait3A_74 = tpu.memref_slice %arg11[%run_scoped3A_44, %dma_wait3A, %dma_wait3A_73] : memref<2x128x64xf32, #tpu.memory_space<vmem>> -> memref<1x128x64xf32, #tpu.memory_space<vmem>>
      %dma_wait3A_75 = tpu.memref_squeeze %dma_wait3A_74 : memref<1x128x64xf32, #tpu.memory_space<vmem>> -> memref<128x64xf32, #tpu.memory_space<vmem>>
      %dma_wait3A_76 = arith.constant 0 : i32
      %dma_wait3A_77 = tpu.memref_slice %arg12[%add3A_43, %dma_wait3A_76] : memref<10016x64xf32, #tpu.memory_space<vmem_shared>> -> memref<128x64xf32, #tpu.memory_space<vmem_shared>>
      %dma_wait3A_78 = arith.constant 0 : i32
      %dma_wait3A_79 = tpu.memref_slice %arg12[%add3A_43, %dma_wait3A_78] : memref<10016x64xf32, #tpu.memory_space<vmem_shared>> -> memref<128x64xf32, #tpu.memory_space<vmem_shared>>
      %dma_wait3A_80 = arith.constant 0 : i32
      %dma_wait3A_81 = arith.constant 0 : i32
      %dma_wait3A_82 = tpu.memref_slice %arg11[%run_scoped3A_44, %dma_wait3A_80, %dma_wait3A_81] : memref<2x128x64xf32, #tpu.memory_space<vmem>> -> memref<1x128x64xf32, #tpu.memory_space<vmem>>
      %dma_wait3A_83 = tpu.memref_squeeze %dma_wait3A_82 : memref<1x128x64xf32, #tpu.memory_space<vmem>> -> memref<128x64xf32, #tpu.memory_space<vmem>>
      tpu.wait_dma2 semaphore(%run_scoped3A_60 : memref<!tpu.dma_semaphore, #tpu.memory_space<semaphore_mem>>) src(%dma_wait3A_83 : memref<128x64xf32, #tpu.memory_space<vmem>>) dst(%dma_wait3A_79 : memref<128x64xf32, #tpu.memory_space<vmem_shared>>)
      tpu.yield
    }) : () -> ()
    %mul3A_45 = arith.constant 626 : i32
    %mul3A_46 = arith.muli %arg1, %mul3A_45 : i32
    %add3A_47 = arith.constant 512 : i32
    %add3A_48 = arith.addi %mul3A_46, %add3A_47 : i32
    %run_scoped3A_49 = arith.constant 0 : i32
    "tpu.region"() ({
      %run_scoped3A_60 = tpu.sem_alloc : memref<!tpu.dma_semaphore, #tpu.memory_space<semaphore_mem>>
      %dma_start3A_61 = arith.constant 0 : i32
      %dma_start3A_62 = arith.constant 0 : i32
      %dma_start3A_63 = tpu.memref_slice %arg11[%run_scoped3A_49, %dma_start3A_61, %dma_start3A_62] : memref<2x128x64xf32, #tpu.memory_space<vmem>> -> memref<1x128x64xf32, #tpu.memory_space<vmem>>
      %dma_start3A_64 = tpu.memref_squeeze %dma_start3A_63 : memref<1x128x64xf32, #tpu.memory_space<vmem>> -> memref<128x64xf32, #tpu.memory_space<vmem>>
      %dma_start3A_65 = arith.constant 0 : i32
      %dma_start3A_66 = arith.constant 0 : i32
      %dma_start3A_67 = tpu.memref_slice %dma_start3A_64[%dma_start3A_65, %dma_start3A_66] : memref<128x64xf32, #tpu.memory_space<vmem>> -> memref<114x64xf32, #tpu.memory_space<vmem>>
      %dma_start3A_68 = arith.constant 0 : i32
      %dma_start3A_69 = tpu.memref_slice %arg12[%add3A_48, %dma_start3A_68] : memref<10016x64xf32, #tpu.memory_space<vmem_shared>> -> memref<114x64xf32, #tpu.memory_space<vmem_shared>>
      %dma_start3A_70 = arith.constant 0 : i32
      %dma_start3A_71 = tpu.memref_slice %arg12[%add3A_48, %dma_start3A_70] : memref<10016x64xf32, #tpu.memory_space<vmem_shared>> -> memref<114x64xf32, #tpu.memory_space<vmem_shared>>
      %dma_start3A_72 = arith.constant 0 : i32
      %dma_start3A_73 = arith.constant 0 : i32
      %dma_start3A_74 = tpu.memref_slice %arg11[%run_scoped3A_49, %dma_start3A_72, %dma_start3A_73] : memref<2x128x64xf32, #tpu.memory_space<vmem>> -> memref<1x128x64xf32, #tpu.memory_space<vmem>>
      %dma_start3A_75 = tpu.memref_squeeze %dma_start3A_74 : memref<1x128x64xf32, #tpu.memory_space<vmem>> -> memref<128x64xf32, #tpu.memory_space<vmem>>
      %dma_start3A_76 = arith.constant 0 : i32
      %dma_start3A_77 = arith.constant 0 : i32
      %dma_start3A_78 = tpu.memref_slice %dma_start3A_75[%dma_start3A_76, %dma_start3A_77] : memref<128x64xf32, #tpu.memory_space<vmem>> -> memref<114x64xf32, #tpu.memory_space<vmem>>
      tpu.enqueue_dma source(%dma_start3A_78 : memref<114x64xf32, #tpu.memory_space<vmem>>) target(%dma_start3A_71 : memref<114x64xf32, #tpu.memory_space<vmem_shared>>) target_semaphore(%run_scoped3A_60 : memref<!tpu.dma_semaphore, #tpu.memory_space<semaphore_mem>>)
      %dma_wait3A = arith.constant 0 : i32
      %dma_wait3A_79 = arith.constant 0 : i32
      %dma_wait3A_80 = tpu.memref_slice %arg11[%run_scoped3A_49, %dma_wait3A, %dma_wait3A_79] : memref<2x128x64xf32, #tpu.memory_space<vmem>> -> memref<1x128x64xf32, #tpu.memory_space<vmem>>
      %dma_wait3A_81 = tpu.memref_squeeze %dma_wait3A_80 : memref<1x128x64xf32, #tpu.memory_space<vmem>> -> memref<128x64xf32, #tpu.memory_space<vmem>>
      %dma_wait3A_82 = arith.constant 0 : i32
      %dma_wait3A_83 = arith.constant 0 : i32
      %dma_wait3A_84 = tpu.memref_slice %dma_wait3A_81[%dma_wait3A_82, %dma_wait3A_83] : memref<128x64xf32, #tpu.memory_space<vmem>> -> memref<114x64xf32, #tpu.memory_space<vmem>>
      %dma_wait3A_85 = arith.constant 0 : i32
      %dma_wait3A_86 = tpu.memref_slice %arg12[%add3A_48, %dma_wait3A_85] : memref<10016x64xf32, #tpu.memory_space<vmem_shared>> -> memref<114x64xf32, #tpu.memory_space<vmem_shared>>
      %dma_wait3A_87 = arith.constant 0 : i32
      %dma_wait3A_88 = tpu.memref_slice %arg12[%add3A_48, %dma_wait3A_87] : memref<10016x64xf32, #tpu.memory_space<vmem_shared>> -> memref<114x64xf32, #tpu.memory_space<vmem_shared>>
      %dma_wait3A_89 = arith.constant 0 : i32
      %dma_wait3A_90 = arith.constant 0 : i32
      %dma_wait3A_91 = tpu.memref_slice %arg11[%run_scoped3A_49, %dma_wait3A_89, %dma_wait3A_90] : memref<2x128x64xf32, #tpu.memory_space<vmem>> -> memref<1x128x64xf32, #tpu.memory_space<vmem>>
      %dma_wait3A_92 = tpu.memref_squeeze %dma_wait3A_91 : memref<1x128x64xf32, #tpu.memory_space<vmem>> -> memref<128x64xf32, #tpu.memory_space<vmem>>
      %dma_wait3A_93 = arith.constant 0 : i32
      %dma_wait3A_94 = arith.constant 0 : i32
      %dma_wait3A_95 = tpu.memref_slice %dma_wait3A_92[%dma_wait3A_93, %dma_wait3A_94] : memref<128x64xf32, #tpu.memory_space<vmem>> -> memref<114x64xf32, #tpu.memory_space<vmem>>
      tpu.wait_dma2 semaphore(%run_scoped3A_60 : memref<!tpu.dma_semaphore, #tpu.memory_space<semaphore_mem>>) src(%dma_wait3A_95 : memref<114x64xf32, #tpu.memory_space<vmem>>) dst(%dma_wait3A_88 : memref<114x64xf32, #tpu.memory_space<vmem_shared>>)
      tpu.yield
    }) : () -> ()
    %barrier3A = arith.constant 0 : index
    tpu.barrier barrier_id(%barrier3A)
    %scan3A = arith.constant 0 : i32
    %scan3A_50 = arith.constant 0 : i32
    %scan3A_51 = arith.constant 40 : i32
    %scan3A_52 = arith.addi %scan3A_50, %scan3A_51 : i32
    %scan3A_53 = arith.constant 1 : i32
    scf.for %scan3A_60 = %scan3A_50 to %scan3A_52 step %scan3A_53  : i32 {
      %mul3A_61 = arith.constant 2 : i32
      %mul3A_62 = arith.muli %mul3A_61, %scan3A_60 : i32
      %add3A_63 = arith.constant 1 : i32
      %add3A_64 = arith.addi %mul3A_62, %add3A_63 : i32
      %mul3A_65 = arith.constant 2 : i32
      %mul3A_66 = arith.muli %add3A_64, %mul3A_65 : i32
      %add3A_67 = arith.constant 0 : i32
      %add3A_68 = arith.addi %mul3A_66, %add3A_67 : i32
      %mul3A_69 = arith.constant 128 : i32
      %mul3A_70 = arith.muli %add3A_68, %mul3A_69 : i32
      %dma_start3A_71 = arith.constant 0 : i32
      %dma_start3A_72 = arith.constant 0 : i32
      %dma_start3A_73 = arith.constant 0 : i32
      %dma_start3A_74 = tpu.memref_slice %arg11[%dma_start3A_71, %dma_start3A_72, %dma_start3A_73] : memref<2x128x64xf32, #tpu.memory_space<vmem>> -> memref<1x128x64xf32, #tpu.memory_space<vmem>>
      %dma_start3A_75 = tpu.memref_squeeze %dma_start3A_74 : memref<1x128x64xf32, #tpu.memory_space<vmem>> -> memref<128x64xf32, #tpu.memory_space<vmem>>
      %dma_start3A_76 = tpu.memref_slice %arg8[%mul3A_70] : memref<20480xi32, #tpu.memory_space<vmem>> -> memref<128xi32, #tpu.memory_space<vmem>>
      %dma_start3A_77 = arith.constant 0 : i32
      %dma_start3A_78 = arith.constant 0 : i32
      %dma_start3A_79 = tpu.memref_slice %arg2[%dma_start3A_77, %dma_start3A_78] : memref<20032x64xf32, #tpu.memory_space<hbm>> -> memref<20032x64xf32, #tpu.memory_space<hbm>>
      tpu.enqueue_indirect_dma source(%dma_start3A_79 : memref<20032x64xf32, #tpu.memory_space<hbm>>) target(%dma_start3A_75 : memref<128x64xf32, #tpu.memory_space<vmem>>) offsets(%dma_start3A_76 : memref<128xi32, #tpu.memory_space<vmem>>) semaphore(%arg14 : memref<!tpu.dma_semaphore, #tpu.memory_space<semaphore_mem>>)
      %mul3A_80 = arith.constant 2 : i32
      %mul3A_81 = arith.muli %add3A_64, %mul3A_80 : i32
      %add3A_82 = arith.constant 1 : i32
      %add3A_83 = arith.addi %mul3A_81, %add3A_82 : i32
      %mul3A_84 = arith.constant 128 : i32
      %mul3A_85 = arith.muli %add3A_83, %mul3A_84 : i32
      %dma_start3A_86 = arith.constant 1 : i32
      %dma_start3A_87 = arith.constant 0 : i32
      %dma_start3A_88 = arith.constant 0 : i32
      %dma_start3A_89 = tpu.memref_slice %arg11[%dma_start3A_86, %dma_start3A_87, %dma_start3A_88] : memref<2x128x64xf32, #tpu.memory_space<vmem>> -> memref<1x128x64xf32, #tpu.memory_space<vmem>>
      %dma_start3A_90 = tpu.memref_squeeze %dma_start3A_89 : memref<1x128x64xf32, #tpu.memory_space<vmem>> -> memref<128x64xf32, #tpu.memory_space<vmem>>
      %dma_start3A_91 = tpu.memref_slice %arg8[%mul3A_85] : memref<20480xi32, #tpu.memory_space<vmem>> -> memref<128xi32, #tpu.memory_space<vmem>>
      %dma_start3A_92 = arith.constant 0 : i32
      %dma_start3A_93 = arith.constant 0 : i32
      %dma_start3A_94 = tpu.memref_slice %arg2[%dma_start3A_92, %dma_start3A_93] : memref<20032x64xf32, #tpu.memory_space<hbm>> -> memref<20032x64xf32, #tpu.memory_space<hbm>>
      tpu.enqueue_indirect_dma source(%dma_start3A_94 : memref<20032x64xf32, #tpu.memory_space<hbm>>) target(%dma_start3A_90 : memref<128x64xf32, #tpu.memory_space<vmem>>) offsets(%dma_start3A_91 : memref<128xi32, #tpu.memory_space<vmem>>) semaphore(%arg14 : memref<!tpu.dma_semaphore, #tpu.memory_space<semaphore_mem>>)
      %dma_wait3A = arith.constant 0 : i32
      %dma_wait3A_95 = arith.constant 0 : i32
      %dma_wait3A_96 = arith.constant 0 : i32
      %dma_wait3A_97 = tpu.memref_slice %arg10[%dma_wait3A, %dma_wait3A_95, %dma_wait3A_96] : memref<2x128x64xf32, #tpu.memory_space<vmem>> -> memref<1x128x64xf32, #tpu.memory_space<vmem>>
      %dma_wait3A_98 = tpu.memref_squeeze %dma_wait3A_97 : memref<1x128x64xf32, #tpu.memory_space<vmem>> -> memref<128x64xf32, #tpu.memory_space<vmem>>
      %dma_wait3A_99 = arith.constant 0 : i32
      %dma_wait3A_100 = tpu.memref_slice %arg8[%dma_wait3A_99] : memref<20480xi32, #tpu.memory_space<vmem>> -> memref<128xi32, #tpu.memory_space<vmem>>
      %dma_wait3A_101 = arith.constant 0 : i32
      %dma_wait3A_102 = arith.constant 0 : i32
      %dma_wait3A_103 = tpu.memref_slice %arg2[%dma_wait3A_101, %dma_wait3A_102] : memref<20032x64xf32, #tpu.memory_space<hbm>> -> memref<20032x64xf32, #tpu.memory_space<hbm>>
      tpu.wait_indirect_dma semaphore(%arg13 : memref<!tpu.dma_semaphore, #tpu.memory_space<semaphore_mem>>) src(%dma_wait3A_103 : memref<20032x64xf32, #tpu.memory_space<hbm>>) dst(%dma_wait3A_98 : memref<128x64xf32, #tpu.memory_space<vmem>>)
      %dma_wait3A_104 = arith.constant 0 : i32
      %dma_wait3A_105 = arith.constant 0 : i32
      %dma_wait3A_106 = arith.constant 0 : i32
      %dma_wait3A_107 = tpu.memref_slice %arg10[%dma_wait3A_104, %dma_wait3A_105, %dma_wait3A_106] : memref<2x128x64xf32, #tpu.memory_space<vmem>> -> memref<1x128x64xf32, #tpu.memory_space<vmem>>
      %dma_wait3A_108 = tpu.memref_squeeze %dma_wait3A_107 : memref<1x128x64xf32, #tpu.memory_space<vmem>> -> memref<128x64xf32, #tpu.memory_space<vmem>>
      %dma_wait3A_109 = arith.constant 0 : i32
      %dma_wait3A_110 = tpu.memref_slice %arg8[%dma_wait3A_109] : memref<20480xi32, #tpu.memory_space<vmem>> -> memref<128xi32, #tpu.memory_space<vmem>>
      %dma_wait3A_111 = arith.constant 0 : i32
      %dma_wait3A_112 = arith.constant 0 : i32
      %dma_wait3A_113 = tpu.memref_slice %arg2[%dma_wait3A_111, %dma_wait3A_112] : memref<20032x64xf32, #tpu.memory_space<hbm>> -> memref<20032x64xf32, #tpu.memory_space<hbm>>
      tpu.wait_indirect_dma semaphore(%arg13 : memref<!tpu.dma_semaphore, #tpu.memory_space<semaphore_mem>>) src(%dma_wait3A_113 : memref<20032x64xf32, #tpu.memory_space<hbm>>) dst(%dma_wait3A_108 : memref<128x64xf32, #tpu.memory_space<vmem>>)
      %mul3A_114 = arith.constant 2 : i32
      %mul3A_115 = arith.muli %mul3A_62, %mul3A_114 : i32
      %add3A_116 = arith.constant 0 : i32
      %add3A_117 = arith.addi %mul3A_115, %add3A_116 : i32
      %mul3A_118 = arith.constant 128 : i32
      %mul3A_119 = arith.muli %add3A_117, %mul3A_118 : i32
      %dma_start3A_120 = arith.constant 0 : i32
      %dma_start3A_121 = arith.constant 0 : i32
      %dma_start3A_122 = arith.constant 0 : i32
      %dma_start3A_123 = tpu.memref_slice %arg10[%dma_start3A_120, %dma_start3A_121, %dma_start3A_122] : memref<2x128x64xf32, #tpu.memory_space<vmem>> -> memref<1x128x64xf32, #tpu.memory_space<vmem>>
      %dma_start3A_124 = tpu.memref_squeeze %dma_start3A_123 : memref<1x128x64xf32, #tpu.memory_space<vmem>> -> memref<128x64xf32, #tpu.memory_space<vmem>>
      %dma_start3A_125 = tpu.memref_slice %arg9[%mul3A_119] : memref<20480xi32, #tpu.memory_space<vmem>> -> memref<128xi32, #tpu.memory_space<vmem>>
      %dma_start3A_126 = arith.constant 0 : i32
      %dma_start3A_127 = arith.constant 0 : i32
      %dma_start3A_128 = tpu.memref_slice %arg12[%dma_start3A_126, %dma_start3A_127] : memref<10016x64xf32, #tpu.memory_space<vmem_shared>> -> memref<10016x64xf32, #tpu.memory_space<vmem_shared>>
      tpu.enqueue_indirect_dma source(%dma_start3A_124 : memref<128x64xf32, #tpu.memory_space<vmem>>) target(%dma_start3A_128 : memref<10016x64xf32, #tpu.memory_space<vmem_shared>>) offsets(%dma_start3A_125 : memref<128xi32, #tpu.memory_space<vmem>>) semaphore(%arg15 : memref<!tpu.dma_semaphore, #tpu.memory_space<semaphore_mem>>) {add = true}
      %mul3A_129 = arith.constant 2 : i32
      %mul3A_130 = arith.muli %mul3A_62, %mul3A_129 : i32
      %add3A_131 = arith.constant 1 : i32
      %add3A_132 = arith.addi %mul3A_130, %add3A_131 : i32
      %mul3A_133 = arith.constant 128 : i32
      %mul3A_134 = arith.muli %add3A_132, %mul3A_133 : i32
      %dma_start3A_135 = arith.constant 1 : i32
      %dma_start3A_136 = arith.constant 0 : i32
      %dma_start3A_137 = arith.constant 0 : i32
      %dma_start3A_138 = tpu.memref_slice %arg10[%dma_start3A_135, %dma_start3A_136, %dma_start3A_137] : memref<2x128x64xf32, #tpu.memory_space<vmem>> -> memref<1x128x64xf32, #tpu.memory_space<vmem>>
      %dma_start3A_139 = tpu.memref_squeeze %dma_start3A_138 : memref<1x128x64xf32, #tpu.memory_space<vmem>> -> memref<128x64xf32, #tpu.memory_space<vmem>>
      %dma_start3A_140 = tpu.memref_slice %arg9[%mul3A_134] : memref<20480xi32, #tpu.memory_space<vmem>> -> memref<128xi32, #tpu.memory_space<vmem>>
      %dma_start3A_141 = arith.constant 0 : i32
      %dma_start3A_142 = arith.constant 0 : i32
      %dma_start3A_143 = tpu.memref_slice %arg12[%dma_start3A_141, %dma_start3A_142] : memref<10016x64xf32, #tpu.memory_space<vmem_shared>> -> memref<10016x64xf32, #tpu.memory_space<vmem_shared>>
      tpu.enqueue_indirect_dma source(%dma_start3A_139 : memref<128x64xf32, #tpu.memory_space<vmem>>) target(%dma_start3A_143 : memref<10016x64xf32, #tpu.memory_space<vmem_shared>>) offsets(%dma_start3A_140 : memref<128xi32, #tpu.memory_space<vmem>>) semaphore(%arg15 : memref<!tpu.dma_semaphore, #tpu.memory_space<semaphore_mem>>) {add = true}
      %dma_wait3A_144 = arith.constant 0 : i32
      %dma_wait3A_145 = arith.constant 0 : i32
      %dma_wait3A_146 = arith.constant 0 : i32
      %dma_wait3A_147 = tpu.memref_slice %arg11[%dma_wait3A_144, %dma_wait3A_145, %dma_wait3A_146] : memref<2x128x64xf32, #tpu.memory_space<vmem>> -> memref<1x128x64xf32, #tpu.memory_space<vmem>>
      %dma_wait3A_148 = tpu.memref_squeeze %dma_wait3A_147 : memref<1x128x64xf32, #tpu.memory_space<vmem>> -> memref<128x64xf32, #tpu.memory_space<vmem>>
      %dma_wait3A_149 = arith.constant 0 : i32
      %dma_wait3A_150 = tpu.memref_slice %arg8[%dma_wait3A_149] : memref<20480xi32, #tpu.memory_space<vmem>> -> memref<128xi32, #tpu.memory_space<vmem>>
      %dma_wait3A_151 = arith.constant 0 : i32
      %dma_wait3A_152 = arith.constant 0 : i32
      %dma_wait3A_153 = tpu.memref_slice %arg2[%dma_wait3A_151, %dma_wait3A_152] : memref<20032x64xf32, #tpu.memory_space<hbm>> -> memref<20032x64xf32, #tpu.memory_space<hbm>>
      tpu.wait_indirect_dma semaphore(%arg14 : memref<!tpu.dma_semaphore, #tpu.memory_space<semaphore_mem>>) src(%dma_wait3A_153 : memref<20032x64xf32, #tpu.memory_space<hbm>>) dst(%dma_wait3A_148 : memref<128x64xf32, #tpu.memory_space<vmem>>)
      %dma_wait3A_154 = arith.constant 0 : i32
      %dma_wait3A_155 = arith.constant 0 : i32
      %dma_wait3A_156 = arith.constant 0 : i32
      %dma_wait3A_157 = tpu.memref_slice %arg11[%dma_wait3A_154, %dma_wait3A_155, %dma_wait3A_156] : memref<2x128x64xf32, #tpu.memory_space<vmem>> -> memref<1x128x64xf32, #tpu.memory_space<vmem>>
      %dma_wait3A_158 = tpu.memref_squeeze %dma_wait3A_157 : memref<1x128x64xf32, #tpu.memory_space<vmem>> -> memref<128x64xf32, #tpu.memory_space<vmem>>
      %dma_wait3A_159 = arith.constant 0 : i32
      %dma_wait3A_160 = tpu.memref_slice %arg8[%dma_wait3A_159] : memref<20480xi32, #tpu.memory_space<vmem>> -> memref<128xi32, #tpu.memory_space<vmem>>
      %dma_wait3A_161 = arith.constant 0 : i32
      %dma_wait3A_162 = arith.constant 0 : i32
      %dma_wait3A_163 = tpu.memref_slice %arg2[%dma_wait3A_161, %dma_wait3A_162] : memref<20032x64xf32, #tpu.memory_space<hbm>> -> memref<20032x64xf32, #tpu.memory_space<hbm>>
      tpu.wait_indirect_dma semaphore(%arg14 : memref<!tpu.dma_semaphore, #tpu.memory_space<semaphore_mem>>) src(%dma_wait3A_163 : memref<20032x64xf32, #tpu.memory_space<hbm>>) dst(%dma_wait3A_158 : memref<128x64xf32, #tpu.memory_space<vmem>>)
      %mul3A_164 = arith.constant 2 : i32
      %mul3A_165 = arith.muli %add3A_64, %mul3A_164 : i32
      %add3A_166 = arith.constant 0 : i32
      %add3A_167 = arith.addi %mul3A_165, %add3A_166 : i32
      %mul3A_168 = arith.constant 128 : i32
      %mul3A_169 = arith.muli %add3A_167, %mul3A_168 : i32
      %dma_start3A_170 = arith.constant 0 : i32
      %dma_start3A_171 = arith.constant 0 : i32
      %dma_start3A_172 = arith.constant 0 : i32
      %dma_start3A_173 = tpu.memref_slice %arg11[%dma_start3A_170, %dma_start3A_171, %dma_start3A_172] : memref<2x128x64xf32, #tpu.memory_space<vmem>> -> memref<1x128x64xf32, #tpu.memory_space<vmem>>
      %dma_start3A_174 = tpu.memref_squeeze %dma_start3A_173 : memref<1x128x64xf32, #tpu.memory_space<vmem>> -> memref<128x64xf32, #tpu.memory_space<vmem>>
      %dma_start3A_175 = tpu.memref_slice %arg9[%mul3A_169] : memref<20480xi32, #tpu.memory_space<vmem>> -> memref<128xi32, #tpu.memory_space<vmem>>
      %dma_start3A_176 = arith.constant 0 : i32
      %dma_start3A_177 = arith.constant 0 : i32
      %dma_start3A_178 = tpu.memref_slice %arg12[%dma_start3A_176, %dma_start3A_177] : memref<10016x64xf32, #tpu.memory_space<vmem_shared>> -> memref<10016x64xf32, #tpu.memory_space<vmem_shared>>
      tpu.enqueue_indirect_dma source(%dma_start3A_174 : memref<128x64xf32, #tpu.memory_space<vmem>>) target(%dma_start3A_178 : memref<10016x64xf32, #tpu.memory_space<vmem_shared>>) offsets(%dma_start3A_175 : memref<128xi32, #tpu.memory_space<vmem>>) semaphore(%arg16 : memref<!tpu.dma_semaphore, #tpu.memory_space<semaphore_mem>>) {add = true}
      %mul3A_179 = arith.constant 2 : i32
      %mul3A_180 = arith.muli %add3A_64, %mul3A_179 : i32
      %add3A_181 = arith.constant 1 : i32
      %add3A_182 = arith.addi %mul3A_180, %add3A_181 : i32
      %mul3A_183 = arith.constant 128 : i32
      %mul3A_184 = arith.muli %add3A_182, %mul3A_183 : i32
      %dma_start3A_185 = arith.constant 1 : i32
      %dma_start3A_186 = arith.constant 0 : i32
      %dma_start3A_187 = arith.constant 0 : i32
      %dma_start3A_188 = tpu.memref_slice %arg11[%dma_start3A_185, %dma_start3A_186, %dma_start3A_187] : memref<2x128x64xf32, #tpu.memory_space<vmem>> -> memref<1x128x64xf32, #tpu.memory_space<vmem>>
      %dma_start3A_189 = tpu.memref_squeeze %dma_start3A_188 : memref<1x128x64xf32, #tpu.memory_space<vmem>> -> memref<128x64xf32, #tpu.memory_space<vmem>>
      %dma_start3A_190 = tpu.memref_slice %arg9[%mul3A_184] : memref<20480xi32, #tpu.memory_space<vmem>> -> memref<128xi32, #tpu.memory_space<vmem>>
      %dma_start3A_191 = arith.constant 0 : i32
      %dma_start3A_192 = arith.constant 0 : i32
      %dma_start3A_193 = tpu.memref_slice %arg12[%dma_start3A_191, %dma_start3A_192] : memref<10016x64xf32, #tpu.memory_space<vmem_shared>> -> memref<10016x64xf32, #tpu.memory_space<vmem_shared>>
      tpu.enqueue_indirect_dma source(%dma_start3A_189 : memref<128x64xf32, #tpu.memory_space<vmem>>) target(%dma_start3A_193 : memref<10016x64xf32, #tpu.memory_space<vmem_shared>>) offsets(%dma_start3A_190 : memref<128xi32, #tpu.memory_space<vmem>>) semaphore(%arg16 : memref<!tpu.dma_semaphore, #tpu.memory_space<semaphore_mem>>) {add = true}
      %dma_wait3A_194 = arith.constant 0 : i32
      %dma_wait3A_195 = arith.constant 0 : i32
      %dma_wait3A_196 = arith.constant 0 : i32
      %dma_wait3A_197 = tpu.memref_slice %arg10[%dma_wait3A_194, %dma_wait3A_195, %dma_wait3A_196] : memref<2x128x64xf32, #tpu.memory_space<vmem>> -> memref<1x128x64xf32, #tpu.memory_space<vmem>>
      %dma_wait3A_198 = tpu.memref_squeeze %dma_wait3A_197 : memref<1x128x64xf32, #tpu.memory_space<vmem>> -> memref<128x64xf32, #tpu.memory_space<vmem>>
      %dma_wait3A_199 = arith.constant 0 : i32
      %dma_wait3A_200 = tpu.memref_slice %arg9[%dma_wait3A_199] : memref<20480xi32, #tpu.memory_space<vmem>> -> memref<128xi32, #tpu.memory_space<vmem>>
      %dma_wait3A_201 = arith.constant 0 : i32
      %dma_wait3A_202 = arith.constant 0 : i32
      %dma_wait3A_203 = tpu.memref_slice %arg12[%dma_wait3A_201, %dma_wait3A_202] : memref<10016x64xf32, #tpu.memory_space<vmem_shared>> -> memref<10016x64xf32, #tpu.memory_space<vmem_shared>>
      tpu.wait_indirect_dma semaphore(%arg15 : memref<!tpu.dma_semaphore, #tpu.memory_space<semaphore_mem>>) src(%dma_wait3A_198 : memref<128x64xf32, #tpu.memory_space<vmem>>) dst(%dma_wait3A_203 : memref<10016x64xf32, #tpu.memory_space<vmem_shared>>)
      %dma_wait3A_204 = arith.constant 0 : i32
      %dma_wait3A_205 = arith.constant 0 : i32
      %dma_wait3A_206 = arith.constant 0 : i32
      %dma_wait3A_207 = tpu.memref_slice %arg10[%dma_wait3A_204, %dma_wait3A_205, %dma_wait3A_206] : memref<2x128x64xf32, #tpu.memory_space<vmem>> -> memref<1x128x64xf32, #tpu.memory_space<vmem>>
      %dma_wait3A_208 = tpu.memref_squeeze %dma_wait3A_207 : memref<1x128x64xf32, #tpu.memory_space<vmem>> -> memref<128x64xf32, #tpu.memory_space<vmem>>
      %dma_wait3A_209 = arith.constant 0 : i32
      %dma_wait3A_210 = tpu.memref_slice %arg9[%dma_wait3A_209] : memref<20480xi32, #tpu.memory_space<vmem>> -> memref<128xi32, #tpu.memory_space<vmem>>
      %dma_wait3A_211 = arith.constant 0 : i32
      %dma_wait3A_212 = arith.constant 0 : i32
      %dma_wait3A_213 = tpu.memref_slice %arg12[%dma_wait3A_211, %dma_wait3A_212] : memref<10016x64xf32, #tpu.memory_space<vmem_shared>> -> memref<10016x64xf32, #tpu.memory_space<vmem_shared>>
      tpu.wait_indirect_dma semaphore(%arg15 : memref<!tpu.dma_semaphore, #tpu.memory_space<semaphore_mem>>) src(%dma_wait3A_208 : memref<128x64xf32, #tpu.memory_space<vmem>>) dst(%dma_wait3A_213 : memref<10016x64xf32, #tpu.memory_space<vmem_shared>>)
      %add3A_214 = arith.constant 1 : i32
      %add3A_215 = arith.addi %scan3A_60, %add3A_214 : i32
      %lt3A = arith.constant 40 : i32
      %lt3A_216 = arith.cmpi slt, %add3A_215, %lt3A : i32
      %convert_element_type3A_217 = arith.extui %lt3A_216 : i1 to i32
      %cond3A_218 = arith.constant 0 : i32
      %cond3A_219 = arith.cmpi ne, %convert_element_type3A_217, %cond3A_218 : i32
      scf.if %cond3A_219 {
        %add3A_240 = arith.constant 2 : i32
        %add3A_241 = arith.addi %mul3A_62, %add3A_240 : i32
        %mul3A_242 = arith.constant 2 : i32
        %mul3A_243 = arith.muli %add3A_241, %mul3A_242 : i32
        %add3A_244 = arith.constant 0 : i32
        %add3A_245 = arith.addi %mul3A_243, %add3A_244 : i32
        %mul3A_246 = arith.constant 128 : i32
        %mul3A_247 = arith.muli %add3A_245, %mul3A_246 : i32
        %dma_start3A_248 = arith.constant 0 : i32
        %dma_start3A_249 = arith.constant 0 : i32
        %dma_start3A_250 = arith.constant 0 : i32
        %dma_start3A_251 = tpu.memref_slice %arg10[%dma_start3A_248, %dma_start3A_249, %dma_start3A_250] : memref<2x128x64xf32, #tpu.memory_space<vmem>> -> memref<1x128x64xf32, #tpu.memory_space<vmem>>
        %dma_start3A_252 = tpu.memref_squeeze %dma_start3A_251 : memref<1x128x64xf32, #tpu.memory_space<vmem>> -> memref<128x64xf32, #tpu.memory_space<vmem>>
        %dma_start3A_253 = tpu.memref_slice %arg8[%mul3A_247] : memref<20480xi32, #tpu.memory_space<vmem>> -> memref<128xi32, #tpu.memory_space<vmem>>
        %dma_start3A_254 = arith.constant 0 : i32
        %dma_start3A_255 = arith.constant 0 : i32
        %dma_start3A_256 = tpu.memref_slice %arg2[%dma_start3A_254, %dma_start3A_255] : memref<20032x64xf32, #tpu.memory_space<hbm>> -> memref<20032x64xf32, #tpu.memory_space<hbm>>
        tpu.enqueue_indirect_dma source(%dma_start3A_256 : memref<20032x64xf32, #tpu.memory_space<hbm>>) target(%dma_start3A_252 : memref<128x64xf32, #tpu.memory_space<vmem>>) offsets(%dma_start3A_253 : memref<128xi32, #tpu.memory_space<vmem>>) semaphore(%arg13 : memref<!tpu.dma_semaphore, #tpu.memory_space<semaphore_mem>>)
        %mul3A_257 = arith.constant 2 : i32
        %mul3A_258 = arith.muli %add3A_241, %mul3A_257 : i32
        %add3A_259 = arith.constant 1 : i32
        %add3A_260 = arith.addi %mul3A_258, %add3A_259 : i32
        %mul3A_261 = arith.constant 128 : i32
        %mul3A_262 = arith.muli %add3A_260, %mul3A_261 : i32
        %dma_start3A_263 = arith.constant 1 : i32
        %dma_start3A_264 = arith.constant 0 : i32
        %dma_start3A_265 = arith.constant 0 : i32
        %dma_start3A_266 = tpu.memref_slice %arg10[%dma_start3A_263, %dma_start3A_264, %dma_start3A_265] : memref<2x128x64xf32, #tpu.memory_space<vmem>> -> memref<1x128x64xf32, #tpu.memory_space<vmem>>
        %dma_start3A_267 = tpu.memref_squeeze %dma_start3A_266 : memref<1x128x64xf32, #tpu.memory_space<vmem>> -> memref<128x64xf32, #tpu.memory_space<vmem>>
        %dma_start3A_268 = tpu.memref_slice %arg8[%mul3A_262] : memref<20480xi32, #tpu.memory_space<vmem>> -> memref<128xi32, #tpu.memory_space<vmem>>
        %dma_start3A_269 = arith.constant 0 : i32
        %dma_start3A_270 = arith.constant 0 : i32
        %dma_start3A_271 = tpu.memref_slice %arg2[%dma_start3A_269, %dma_start3A_270] : memref<20032x64xf32, #tpu.memory_space<hbm>> -> memref<20032x64xf32, #tpu.memory_space<hbm>>
        tpu.enqueue_indirect_dma source(%dma_start3A_271 : memref<20032x64xf32, #tpu.memory_space<hbm>>) target(%dma_start3A_267 : memref<128x64xf32, #tpu.memory_space<vmem>>) offsets(%dma_start3A_268 : memref<128xi32, #tpu.memory_space<vmem>>) semaphore(%arg13 : memref<!tpu.dma_semaphore, #tpu.memory_space<semaphore_mem>>)
      } else {
      }
      %dma_wait3A_220 = arith.constant 0 : i32
      %dma_wait3A_221 = arith.constant 0 : i32
      %dma_wait3A_222 = arith.constant 0 : i32
      %dma_wait3A_223 = tpu.memref_slice %arg11[%dma_wait3A_220, %dma_wait3A_221, %dma_wait3A_222] : memref<2x128x64xf32, #tpu.memory_space<vmem>> -> memref<1x128x64xf32, #tpu.memory_space<vmem>>
      %dma_wait3A_224 = tpu.memref_squeeze %dma_wait3A_223 : memref<1x128x64xf32, #tpu.memory_space<vmem>> -> memref<128x64xf32, #tpu.memory_space<vmem>>
      %dma_wait3A_225 = arith.constant 0 : i32
      %dma_wait3A_226 = tpu.memref_slice %arg9[%dma_wait3A_225] : memref<20480xi32, #tpu.memory_space<vmem>> -> memref<128xi32, #tpu.memory_space<vmem>>
      %dma_wait3A_227 = arith.constant 0 : i32
      %dma_wait3A_228 = arith.constant 0 : i32
      %dma_wait3A_229 = tpu.memref_slice %arg12[%dma_wait3A_227, %dma_wait3A_228] : memref<10016x64xf32, #tpu.memory_space<vmem_shared>> -> memref<10016x64xf32, #tpu.memory_space<vmem_shared>>
      tpu.wait_indirect_dma semaphore(%arg16 : memref<!tpu.dma_semaphore, #tpu.memory_space<semaphore_mem>>) src(%dma_wait3A_224 : memref<128x64xf32, #tpu.memory_space<vmem>>) dst(%dma_wait3A_229 : memref<10016x64xf32, #tpu.memory_space<vmem_shared>>)
      %dma_wait3A_230 = arith.constant 0 : i32
      %dma_wait3A_231 = arith.constant 0 : i32
      %dma_wait3A_232 = arith.constant 0 : i32
      %dma_wait3A_233 = tpu.memref_slice %arg11[%dma_wait3A_230, %dma_wait3A_231, %dma_wait3A_232] : memref<2x128x64xf32, #tpu.memory_space<vmem>> -> memref<1x128x64xf32, #tpu.memory_space<vmem>>
      %dma_wait3A_234 = tpu.memref_squeeze %dma_wait3A_233 : memref<1x128x64xf32, #tpu.memory_space<vmem>> -> memref<128x64xf32, #tpu.memory_space<vmem>>
      %dma_wait3A_235 = arith.constant 0 : i32
      %dma_wait3A_236 = tpu.memref_slice %arg9[%dma_wait3A_235] : memref<20480xi32, #tpu.memory_space<vmem>> -> memref<128xi32, #tpu.memory_space<vmem>>
      %dma_wait3A_237 = arith.constant 0 : i32
      %dma_wait3A_238 = arith.constant 0 : i32
      %dma_wait3A_239 = tpu.memref_slice %arg12[%dma_wait3A_237, %dma_wait3A_238] : memref<10016x64xf32, #tpu.memory_space<vmem_shared>> -> memref<10016x64xf32, #tpu.memory_space<vmem_shared>>
      tpu.wait_indirect_dma semaphore(%arg16 : memref<!tpu.dma_semaphore, #tpu.memory_space<semaphore_mem>>) src(%dma_wait3A_234 : memref<128x64xf32, #tpu.memory_space<vmem>>) dst(%dma_wait3A_239 : memref<10016x64xf32, #tpu.memory_space<vmem_shared>>)
    }
    %scan3A_54 = arith.constant 40 : i32
    %barrier3A_55 = arith.constant 0 : index
    tpu.barrier barrier_id(%barrier3A_55)
    %mul3A_56 = arith.constant 626 : i32
    %mul3A_57 = arith.muli %arg1, %mul3A_56 : i32
    %mul3A_58 = arith.constant 626 : i32
    %mul3A_59 = arith.muli %arg1, %mul3A_58 : i32
    "tpu.region"() ({
      %run_scoped3A_60 = tpu.sem_alloc : memref<!tpu.dma_semaphore, #tpu.memory_space<semaphore_mem>>
      %dma_start3A_61 = arith.constant 0 : i32
      %dma_start3A_62 = tpu.memref_slice %arg7[%arg0, %mul3A_59, %dma_start3A_61] : memref<2x10016x64xf32, #tpu.memory_space<hbm>> -> memref<1x626x64xf32, #tpu.memory_space<hbm>>
      %dma_start3A_63 = tpu.memref_squeeze %dma_start3A_62 : memref<1x626x64xf32, #tpu.memory_space<hbm>> -> memref<626x64xf32, #tpu.memory_space<hbm>>
      %dma_start3A_64 = arith.constant 0 : i32
      %dma_start3A_65 = tpu.memref_slice %arg12[%mul3A_57, %dma_start3A_64] : memref<10016x64xf32, #tpu.memory_space<vmem_shared>> -> memref<626x64xf32, #tpu.memory_space<vmem_shared>>
      tpu.enqueue_dma source(%dma_start3A_65 : memref<626x64xf32, #tpu.memory_space<vmem_shared>>) target(%dma_start3A_63 : memref<626x64xf32, #tpu.memory_space<hbm>>) target_semaphore(%run_scoped3A_60 : memref<!tpu.dma_semaphore, #tpu.memory_space<semaphore_mem>>)
      %dma_wait3A = arith.constant 0 : i32
      %dma_wait3A_66 = tpu.memref_slice %arg7[%arg0, %mul3A_59, %dma_wait3A] : memref<2x10016x64xf32, #tpu.memory_space<hbm>> -> memref<1x626x64xf32, #tpu.memory_space<hbm>>
      %dma_wait3A_67 = tpu.memref_squeeze %dma_wait3A_66 : memref<1x626x64xf32, #tpu.memory_space<hbm>> -> memref<626x64xf32, #tpu.memory_space<hbm>>
      %dma_wait3A_68 = arith.constant 0 : i32
      %dma_wait3A_69 = tpu.memref_slice %arg12[%mul3A_57, %dma_wait3A_68] : memref<10016x64xf32, #tpu.memory_space<vmem_shared>> -> memref<626x64xf32, #tpu.memory_space<vmem_shared>>
      tpu.wait_dma2 semaphore(%run_scoped3A_60 : memref<!tpu.dma_semaphore, #tpu.memory_space<semaphore_mem>>) src(%dma_wait3A_69 : memref<626x64xf32, #tpu.memory_space<vmem_shared>>) dst(%dma_wait3A_67 : memref<626x64xf32, #tpu.memory_space<hbm>>)
      tpu.yield
    }) : () -> ()
    return
  }
}

module attributes {stable_mosaic.version = 14 : i64} {
  func.func @_layer1_body(%arg0: memref<2x10016x64xf32, #tpu.memory_space<vmem>>, %arg1: memref<16x10016xf32, #tpu.memory_space<vmem>>, %arg2: memref<10016x128xf32, #tpu.memory_space<vmem>>, %arg3: memref<128x128xf32, #tpu.memory_space<vmem>>, %arg4: memref<128x128xf32, #tpu.memory_space<vmem>>, %arg5: memref<1x128xf32, #tpu.memory_space<vmem>>, %arg6: memref<2x10016x64xf32, #tpu.memory_space<vmem>>) attributes {dimension_semantics = [], scalar_prefetch = 0 : i64, scratch_operands = 0 : i64, tpu.core_type = #tpu.core_type<tc>} {
    %get3A = arith.constant 0 : index
    %get3A_0 = arith.constant 0 : index
    %get3A_1 = vector.load %arg1[%get3A, %get3A_0] : memref<16x10016xf32, #tpu.memory_space<vmem>>, vector<16x10016xf32>
    %reduce_sum3A = arith.constant dense<0.000000e+00> : vector<10016xf32>
    %reduce_sum3A_2 = vector.multi_reduction <add>, %get3A_1, %reduce_sum3A [0] : vector<16x10016xf32> to vector<10016xf32>
    %broadcast_in_dim3A = vector.shape_cast %reduce_sum3A_2 : vector<10016xf32> to vector<10016x1xf32>
    %max3A = arith.constant 1.000000e+00 : f32
    %max3A_3 = vector.broadcast %max3A : f32 to vector<10016x1xf32>
    %max3A_4 = arith.maximumf %broadcast_in_dim3A, %max3A_3 : vector<10016x1xf32>
    %div3A = arith.constant 1.000000e+00 : f32
    %div3A_5 = vector.broadcast %div3A : f32 to vector<10016x1xf32>
    %div3A_6 = arith.divf %div3A_5, %max3A_4 : vector<10016x1xf32>
    %get3A_7 = arith.constant 0 : index
    %get3A_8 = arith.constant 0 : index
    %get3A_9 = arith.constant 0 : index
    %get3A_10 = vector.load %arg0[%get3A_7, %get3A_8, %get3A_9] : memref<2x10016x64xf32, #tpu.memory_space<vmem>>, vector<1x10016x64xf32>
    %get3A_11 = vector.shape_cast %get3A_10 : vector<1x10016x64xf32> to vector<10016x64xf32>
    %get3A_12 = arith.constant 1 : index
    %get3A_13 = arith.constant 0 : index
    %get3A_14 = arith.constant 0 : index
    %get3A_15 = vector.load %arg0[%get3A_12, %get3A_13, %get3A_14] : memref<2x10016x64xf32, #tpu.memory_space<vmem>>, vector<1x10016x64xf32>
    %get3A_16 = vector.shape_cast %get3A_15 : vector<1x10016x64xf32> to vector<10016x64xf32>
    %concatenate3A = tpu.concatenate %get3A_11, %get3A_16 in 1 : vector<10016x64xf32>, vector<10016x64xf32> -> vector<10016x128xf32>
    %mul3A = vector.broadcast %div3A_6 : vector<10016x1xf32> to vector<10016x128xf32>
    %mul3A_17 = arith.mulf %concatenate3A, %mul3A : vector<10016x128xf32>
    %get3A_18 = arith.constant 0 : index
    %get3A_19 = arith.constant 0 : index
    %get3A_20 = vector.load %arg3[%get3A_18, %get3A_19] : memref<128x128xf32, #tpu.memory_space<vmem>>, vector<128x128xf32>
    %dot_general3A = arith.constant dense<0.000000e+00> : vector<10016x128xf32>
    %dot_general3A_21 = tpu.matmul %mul3A_17, %get3A_20, %dot_general3A {dimension_numbers = #tpu.dot_dimension_numbers<[1], [0], [0], [1], [0, 0, 1, 1], [], []>, transpose_lhs_hint = false} : vector<10016x128xf32>, vector<128x128xf32>, vector<10016x128xf32> -> vector<10016x128xf32>
    %get3A_22 = arith.constant 0 : index
    %get3A_23 = arith.constant 0 : index
    %get3A_24 = vector.load %arg2[%get3A_22, %get3A_23] : memref<10016x128xf32, #tpu.memory_space<vmem>>, vector<10016x128xf32>
    %get3A_25 = arith.constant 0 : index
    %get3A_26 = arith.constant 0 : index
    %get3A_27 = vector.load %arg4[%get3A_25, %get3A_26] : memref<128x128xf32, #tpu.memory_space<vmem>>, vector<128x128xf32>
    %dot_general3A_28 = arith.constant dense<0.000000e+00> : vector<10016x128xf32>
    %dot_general3A_29 = tpu.matmul %get3A_24, %get3A_27, %dot_general3A_28 {dimension_numbers = #tpu.dot_dimension_numbers<[1], [0], [0], [1], [0, 0, 1, 1], [], []>, transpose_lhs_hint = false} : vector<10016x128xf32>, vector<128x128xf32>, vector<10016x128xf32> -> vector<10016x128xf32>
    %add3A = arith.addf %dot_general3A_21, %dot_general3A_29 : vector<10016x128xf32>
    %get3A_30 = arith.constant 0 : index
    %get3A_31 = arith.constant 0 : index
    %get3A_32 = vector.load %arg5[%get3A_30, %get3A_31] : memref<1x128xf32, #tpu.memory_space<vmem>>, vector<1x128xf32>
    %add3A_33 = vector.broadcast %get3A_32 : vector<1x128xf32> to vector<10016x128xf32>
    %add3A_34 = arith.addf %add3A, %add3A_33 : vector<10016x128xf32>
    %max3A_35 = arith.constant 0.000000e+00 : f32
    %max3A_36 = vector.broadcast %max3A_35 : f32 to vector<10016x128xf32>
    %max3A_37 = arith.maximumf %add3A_34, %max3A_36 : vector<10016x128xf32>
    %slice3A = vector.extract_strided_slice %max3A_37 {offsets = [0, 0], sizes = [10016, 64], strides = [1, 1]} : vector<10016x128xf32> to vector<10016x64xf32>
    %swap3A = arith.constant 0 : index
    %swap3A_38 = arith.constant 0 : index
    %swap3A_39 = arith.constant 0 : index
    %swap3A_40 = vector.load %arg6[%swap3A, %swap3A_38, %swap3A_39] : memref<2x10016x64xf32, #tpu.memory_space<vmem>>, vector<1x10016x64xf32>
    %swap3A_41 = vector.shape_cast %swap3A_40 : vector<1x10016x64xf32> to vector<10016x64xf32>
    %swap3A_42 = vector.shape_cast %slice3A : vector<10016x64xf32> to vector<1x10016x64xf32>
    tpu.vector_store %arg6[%swap3A, %swap3A_38, %swap3A_39], %swap3A_42 {strides = array<i32>} : memref<2x10016x64xf32, #tpu.memory_space<vmem>>, vector<1x10016x64xf32>,
    %slice3A_43 = vector.extract_strided_slice %max3A_37 {offsets = [0, 64], sizes = [10016, 64], strides = [1, 1]} : vector<10016x128xf32> to vector<10016x64xf32>
    %swap3A_44 = arith.constant 1 : index
    %swap3A_45 = arith.constant 0 : index
    %swap3A_46 = arith.constant 0 : index
    %swap3A_47 = vector.load %arg6[%swap3A_44, %swap3A_45, %swap3A_46] : memref<2x10016x64xf32, #tpu.memory_space<vmem>>, vector<1x10016x64xf32>
    %swap3A_48 = vector.shape_cast %swap3A_47 : vector<1x10016x64xf32> to vector<10016x64xf32>
    %swap3A_49 = vector.shape_cast %slice3A_43 : vector<10016x64xf32> to vector<1x10016x64xf32>
    tpu.vector_store %arg6[%swap3A_44, %swap3A_45, %swap3A_46], %swap3A_49 {strides = array<i32>} : memref<2x10016x64xf32, #tpu.memory_space<vmem>>, vector<1x10016x64xf32>,
    return
  }
}

module attributes {stable_mosaic.version = 14 : i64} {
  func.func @_layer2_body(%arg0: memref<2x10016x64xf32, #tpu.memory_space<vmem>>, %arg1: memref<16x10016xf32, #tpu.memory_space<vmem>>, %arg2: memref<2x10016x64xf32, #tpu.memory_space<vmem>>, %arg3: memref<128x128xf32, #tpu.memory_space<vmem>>, %arg4: memref<128x128xf32, #tpu.memory_space<vmem>>, %arg5: memref<1x128xf32, #tpu.memory_space<vmem>>, %arg6: memref<128x16xf32, #tpu.memory_space<vmem>>, %arg7: memref<128x16xf32, #tpu.memory_space<vmem>>, %arg8: memref<1x16xf32, #tpu.memory_space<vmem>>, %arg9: memref<10016x16xf32, #tpu.memory_space<vmem>>, %arg10: memref<10016x16xf32, #tpu.memory_space<vmem>>) attributes {dimension_semantics = [], scalar_prefetch = 0 : i64, scratch_operands = 0 : i64, tpu.core_type = #tpu.core_type<tc>} {
    %get3A = arith.constant 0 : index
    %get3A_0 = arith.constant 0 : index
    %get3A_1 = vector.load %arg1[%get3A, %get3A_0] : memref<16x10016xf32, #tpu.memory_space<vmem>>, vector<16x10016xf32>
    %reduce_sum3A = arith.constant dense<0.000000e+00> : vector<10016xf32>
    %reduce_sum3A_2 = vector.multi_reduction <add>, %get3A_1, %reduce_sum3A [0] : vector<16x10016xf32> to vector<10016xf32>
    %broadcast_in_dim3A = vector.shape_cast %reduce_sum3A_2 : vector<10016xf32> to vector<10016x1xf32>
    %max3A = arith.constant 1.000000e+00 : f32
    %max3A_3 = vector.broadcast %max3A : f32 to vector<10016x1xf32>
    %max3A_4 = arith.maximumf %broadcast_in_dim3A, %max3A_3 : vector<10016x1xf32>
    %div3A = arith.constant 1.000000e+00 : f32
    %div3A_5 = vector.broadcast %div3A : f32 to vector<10016x1xf32>
    %div3A_6 = arith.divf %div3A_5, %max3A_4 : vector<10016x1xf32>
    %get3A_7 = arith.constant 0 : index
    %get3A_8 = arith.constant 0 : index
    %get3A_9 = arith.constant 0 : index
    %get3A_10 = vector.load %arg0[%get3A_7, %get3A_8, %get3A_9] : memref<2x10016x64xf32, #tpu.memory_space<vmem>>, vector<1x10016x64xf32>
    %get3A_11 = vector.shape_cast %get3A_10 : vector<1x10016x64xf32> to vector<10016x64xf32>
    %get3A_12 = arith.constant 1 : index
    %get3A_13 = arith.constant 0 : index
    %get3A_14 = arith.constant 0 : index
    %get3A_15 = vector.load %arg0[%get3A_12, %get3A_13, %get3A_14] : memref<2x10016x64xf32, #tpu.memory_space<vmem>>, vector<1x10016x64xf32>
    %get3A_16 = vector.shape_cast %get3A_15 : vector<1x10016x64xf32> to vector<10016x64xf32>
    %concatenate3A = tpu.concatenate %get3A_11, %get3A_16 in 1 : vector<10016x64xf32>, vector<10016x64xf32> -> vector<10016x128xf32>
    %mul3A = vector.broadcast %div3A_6 : vector<10016x1xf32> to vector<10016x128xf32>
    %mul3A_17 = arith.mulf %concatenate3A, %mul3A : vector<10016x128xf32>
    %get3A_18 = arith.constant 0 : index
    %get3A_19 = arith.constant 0 : index
    %get3A_20 = arith.constant 0 : index
    %get3A_21 = vector.load %arg2[%get3A_18, %get3A_19, %get3A_20] : memref<2x10016x64xf32, #tpu.memory_space<vmem>>, vector<1x10016x64xf32>
    %get3A_22 = vector.shape_cast %get3A_21 : vector<1x10016x64xf32> to vector<10016x64xf32>
    %get3A_23 = arith.constant 1 : index
    %get3A_24 = arith.constant 0 : index
    %get3A_25 = arith.constant 0 : index
    %get3A_26 = vector.load %arg2[%get3A_23, %get3A_24, %get3A_25] : memref<2x10016x64xf32, #tpu.memory_space<vmem>>, vector<1x10016x64xf32>
    %get3A_27 = vector.shape_cast %get3A_26 : vector<1x10016x64xf32> to vector<10016x64xf32>
    %concatenate3A_28 = tpu.concatenate %get3A_22, %get3A_27 in 1 : vector<10016x64xf32>, vector<10016x64xf32> -> vector<10016x128xf32>
    %get3A_29 = arith.constant 0 : index
    %get3A_30 = arith.constant 0 : index
    %get3A_31 = vector.load %arg3[%get3A_29, %get3A_30] : memref<128x128xf32, #tpu.memory_space<vmem>>, vector<128x128xf32>
    %dot_general3A = arith.constant dense<0.000000e+00> : vector<10016x128xf32>
    %dot_general3A_32 = tpu.matmul %mul3A_17, %get3A_31, %dot_general3A {dimension_numbers = #tpu.dot_dimension_numbers<[1], [0], [0], [1], [0, 0, 1, 1], [], []>, transpose_lhs_hint = false} : vector<10016x128xf32>, vector<128x128xf32>, vector<10016x128xf32> -> vector<10016x128xf32>
    %get3A_33 = arith.constant 0 : index
    %get3A_34 = arith.constant 0 : index
    %get3A_35 = vector.load %arg4[%get3A_33, %get3A_34] : memref<128x128xf32, #tpu.memory_space<vmem>>, vector<128x128xf32>
    %dot_general3A_36 = arith.constant dense<0.000000e+00> : vector<10016x128xf32>
    %dot_general3A_37 = tpu.matmul %concatenate3A_28, %get3A_35, %dot_general3A_36 {dimension_numbers = #tpu.dot_dimension_numbers<[1], [0], [0], [1], [0, 0, 1, 1], [], []>, transpose_lhs_hint = false} : vector<10016x128xf32>, vector<128x128xf32>, vector<10016x128xf32> -> vector<10016x128xf32>
    %add3A = arith.addf %dot_general3A_32, %dot_general3A_37 : vector<10016x128xf32>
    %get3A_38 = arith.constant 0 : index
    %get3A_39 = arith.constant 0 : index
    %get3A_40 = vector.load %arg5[%get3A_38, %get3A_39] : memref<1x128xf32, #tpu.memory_space<vmem>>, vector<1x128xf32>
    %add3A_41 = vector.broadcast %get3A_40 : vector<1x128xf32> to vector<10016x128xf32>
    %add3A_42 = arith.addf %add3A, %add3A_41 : vector<10016x128xf32>
    %max3A_43 = arith.constant 0.000000e+00 : f32
    %max3A_44 = vector.broadcast %max3A_43 : f32 to vector<10016x128xf32>
    %max3A_45 = arith.maximumf %add3A_42, %max3A_44 : vector<10016x128xf32>
    %get3A_46 = arith.constant 0 : index
    %get3A_47 = arith.constant 0 : index
    %get3A_48 = vector.load %arg6[%get3A_46, %get3A_47] : memref<128x16xf32, #tpu.memory_space<vmem>>, vector<128x16xf32>
    %dot_general3A_49 = arith.constant dense<0.000000e+00> : vector<10016x16xf32>
    %dot_general3A_50 = tpu.matmul %max3A_45, %get3A_48, %dot_general3A_49 {dimension_numbers = #tpu.dot_dimension_numbers<[1], [0], [0], [1], [0, 0, 1, 1], [], []>, transpose_lhs_hint = false} : vector<10016x128xf32>, vector<128x16xf32>, vector<10016x16xf32> -> vector<10016x16xf32>
    %swap3A = arith.constant 0 : index
    %swap3A_51 = arith.constant 0 : index
    %swap3A_52 = vector.load %arg9[%swap3A, %swap3A_51] : memref<10016x16xf32, #tpu.memory_space<vmem>>, vector<10016x16xf32>
    tpu.vector_store %arg9[%swap3A, %swap3A_51], %dot_general3A_50 {strides = array<i32>} : memref<10016x16xf32, #tpu.memory_space<vmem>>, vector<10016x16xf32>,
    %get3A_53 = arith.constant 0 : index
    %get3A_54 = arith.constant 0 : index
    %get3A_55 = vector.load %arg7[%get3A_53, %get3A_54] : memref<128x16xf32, #tpu.memory_space<vmem>>, vector<128x16xf32>
    %dot_general3A_56 = arith.constant dense<0.000000e+00> : vector<10016x16xf32>
    %dot_general3A_57 = tpu.matmul %max3A_45, %get3A_55, %dot_general3A_56 {dimension_numbers = #tpu.dot_dimension_numbers<[1], [0], [0], [1], [0, 0, 1, 1], [], []>, transpose_lhs_hint = false} : vector<10016x128xf32>, vector<128x16xf32>, vector<10016x16xf32> -> vector<10016x16xf32>
    %get3A_58 = arith.constant 0 : index
    %get3A_59 = arith.constant 0 : index
    %get3A_60 = vector.load %arg8[%get3A_58, %get3A_59] : memref<1x16xf32, #tpu.memory_space<vmem>>, vector<1x16xf32>
    %add3A_61 = vector.broadcast %get3A_60 : vector<1x16xf32> to vector<10016x16xf32>
    %add3A_62 = arith.addf %dot_general3A_57, %add3A_61 : vector<10016x16xf32>
    %swap3A_63 = arith.constant 0 : index
    %swap3A_64 = arith.constant 0 : index
    %swap3A_65 = vector.load %arg10[%swap3A_63, %swap3A_64] : memref<10016x16xf32, #tpu.memory_space<vmem>>, vector<10016x16xf32>
    tpu.vector_store %arg10[%swap3A_63, %swap3A_64], %add3A_62 {strides = array<i32>} : memref<10016x16xf32, #tpu.memory_space<vmem>>, vector<10016x16xf32>,
    return
  }
}

module attributes {stable_mosaic.version = 14 : i64} {
  func.func @_final_body(%arg0: memref<2x10016x16xf32, #tpu.memory_space<vmem>>, %arg1: memref<16x10016xf32, #tpu.memory_space<vmem>>, %arg2: memref<10016x16xf32, #tpu.memory_space<vmem>>, %arg3: memref<10016x2xf32, #tpu.memory_space<vmem>>) attributes {dimension_semantics = [], scalar_prefetch = 0 : i64, scratch_operands = 0 : i64, tpu.core_type = #tpu.core_type<tc>} {
    %get3A = arith.constant 0 : index
    %get3A_0 = arith.constant 0 : index
    %get3A_1 = vector.load %arg1[%get3A, %get3A_0] : memref<16x10016xf32, #tpu.memory_space<vmem>>, vector<16x10016xf32>
    %reduce_sum3A = arith.constant dense<0.000000e+00> : vector<10016xf32>
    %reduce_sum3A_2 = vector.multi_reduction <add>, %get3A_1, %reduce_sum3A [0] : vector<16x10016xf32> to vector<10016xf32>
    %broadcast_in_dim3A = vector.shape_cast %reduce_sum3A_2 : vector<10016xf32> to vector<10016x1xf32>
    %max3A = arith.constant 1.000000e+00 : f32
    %max3A_3 = vector.broadcast %max3A : f32 to vector<10016x1xf32>
    %max3A_4 = arith.maximumf %broadcast_in_dim3A, %max3A_3 : vector<10016x1xf32>
    %div3A = arith.constant 1.000000e+00 : f32
    %div3A_5 = vector.broadcast %div3A : f32 to vector<10016x1xf32>
    %div3A_6 = arith.divf %div3A_5, %max3A_4 : vector<10016x1xf32>
    %get3A_7 = arith.constant 0 : index
    %get3A_8 = arith.constant 0 : index
    %get3A_9 = arith.constant 0 : index
    %get3A_10 = vector.load %arg0[%get3A_7, %get3A_8, %get3A_9] : memref<2x10016x16xf32, #tpu.memory_space<vmem>>, vector<1x10016x16xf32>
    %get3A_11 = vector.shape_cast %get3A_10 : vector<1x10016x16xf32> to vector<10016x16xf32>
    %get3A_12 = arith.constant 1 : index
    %get3A_13 = arith.constant 0 : index
    %get3A_14 = arith.constant 0 : index
    %get3A_15 = vector.load %arg0[%get3A_12, %get3A_13, %get3A_14] : memref<2x10016x16xf32, #tpu.memory_space<vmem>>, vector<1x10016x16xf32>
    %get3A_16 = vector.shape_cast %get3A_15 : vector<1x10016x16xf32> to vector<10016x16xf32>
    %add3A = arith.addf %get3A_11, %get3A_16 : vector<10016x16xf32>
    %mul3A = vector.broadcast %div3A_6 : vector<10016x1xf32> to vector<10016x16xf32>
    %mul3A_17 = arith.mulf %add3A, %mul3A : vector<10016x16xf32>
    %get3A_18 = arith.constant 0 : index
    %get3A_19 = arith.constant 0 : index
    %get3A_20 = vector.load %arg2[%get3A_18, %get3A_19] : memref<10016x16xf32, #tpu.memory_space<vmem>>, vector<10016x16xf32>
    %add3A_21 = arith.addf %mul3A_17, %get3A_20 : vector<10016x16xf32>
    %slice3A = vector.extract_strided_slice %add3A_21 {offsets = [0, 0], sizes = [10016, 1], strides = [1, 1]} : vector<10016x16xf32> to vector<10016x1xf32>
    %slice3A_22 = vector.extract_strided_slice %add3A_21 {offsets = [0, 1], sizes = [10016, 1], strides = [1, 1]} : vector<10016x16xf32> to vector<10016x1xf32>
    %max3A_23 = arith.maximumf %slice3A, %slice3A_22 : vector<10016x1xf32>
    %sub3A = arith.subf %slice3A, %max3A_23 : vector<10016x1xf32>
    %exp3A = math.exp %sub3A : vector<10016x1xf32>
    %sub3A_24 = arith.subf %slice3A_22, %max3A_23 : vector<10016x1xf32>
    %exp3A_25 = math.exp %sub3A_24 : vector<10016x1xf32>
    %add3A_26 = arith.addf %exp3A, %exp3A_25 : vector<10016x1xf32>
    %log3A = math.log %add3A_26 : vector<10016x1xf32>
    %add3A_27 = arith.addf %max3A_23, %log3A : vector<10016x1xf32>
    %sub3A_28 = arith.subf %slice3A, %add3A_27 : vector<10016x1xf32>
    %sub3A_29 = arith.subf %slice3A_22, %add3A_27 : vector<10016x1xf32>
    %concatenate3A = tpu.concatenate %sub3A_28, %sub3A_29 in 1 : vector<10016x1xf32>, vector<10016x1xf32> -> vector<10016x2xf32>
    %swap3A = arith.constant 0 : index
    %swap3A_30 = arith.constant 0 : index
    %swap3A_31 = vector.load %arg3[%swap3A, %swap3A_30] : memref<10016x2xf32, #tpu.memory_space<vmem>>, vector<10016x2xf32>
    tpu.vector_store %arg3[%swap3A, %swap3A_30], %concatenate3A {strides = array<i32>} : memref<10016x2xf32, #tpu.memory_space<vmem>>, vector<10016x2xf32>,
    return
  }
}

</mosaic_0001>

<sc_bundles>
// kernel: kernel.11.cloned.1.call-start
scs
__scs_entry_jumppad:
0x0: {  	(pc) =	sbr.rel $0x88, $3  }
0x1: {  	(tag) =	ssettag $0x0;
	lr =	simm.s32 $0x1  }
0x2: {  	[smem:$0x3F96] =	sst lr;
	_ =	strace $0xD0000000  }
0x3: {  	_ = 	snop  }
0x4: {  	_ = 	snop  }
0x5: {  	_ = 	snop  }
0x6: {  	_ = 	snop  }
0x7: {  	_ = 	snop  }
__scs_overlays_trampoline_lowered:
0x8: {  	[smem:$0x3FA5] =	sst s0  }
0x9: {  	[smem:$0x3FA6] =	sst s1  }
0xa: {  	[smem:$0x3FA7] =	sst s2  }
0xb: {  	[smem:$0x3FA8] =	sst s3  }
0xc: {  	[smem:$0x3FA9] =	sst s4  }
0xd: {  	[smem:$0x3FAA] =	sst s5  }
0xe: {  	[smem:$0x3FAB] =	sst s6  }
0xf: {  	[smem:$0x3FAC] =	sst s7  }
0x10: {  	[smem:$0x3FAD] =	sst s8  }
0x11: {  	[smem:$0x3FAE] =	sst s9;
	s0 =	simm.s32 @!p0 $0x0  }
0x12: {  	s1 =	sld [smem:$0x3F94];
	s0 =	simm.s32 @p0 $0x1  }
0x13: {  	[smem:$0x3FAF] =	sst s0;
	s0 =	simm.s32 @!p1 $0x0  }
0x14: {  	s2 =	sld [smem:$0x3F93];
	s0 =	simm.s32 @p1 $0x1  }
0x15: {  	[smem:$0x3FB0] =	sst s0;
	s0 =	simm.s32 @!p2 $0x0  }
0x16: {  	s3 =	sld [smem:$0x3FDB];
	s0 =	simm.s32 @p2 $0x1  }
0x17: {  	s4 =	simm.s32 $0x1BF5;
	[smem:$0x3FB2] =	sst s0  }
0x18: {  	s0 =	sld [smem:$0x3F95];
	_ =	swait.ge [sflag:s4], $0x0  }
0x19: {  	s7 =	sld [smem:$0x3F96]  }
0x1a: {  	s8 =	sadd.s32 $0xFFFFE003, lr  }
0x1b: {  	s9 =	sadd.s32 $0xFFFFFEF7, lr;
	s5 =	simm.s32 $0xFFFFFFFF;
	p2 =	slt.u32 s8, $0xFFFFF086  }
0x1c: {  	p1 =	slt.u32 s9, $0xF7A;
	s5 =	simm.s32 @!p2 $0x0  }
0x1d: {  	s5 =	simm.s32 @p1 $0x1;
	p0 =	seq.s32 s7, s2  }
0x1e: {  	s7 =	smul.u32 @!p0 $0xF7A, s2;
	p2 =	seq.s32 @!p0 s5, $0x0  }
0x1f: {  	s9 =	smul.u32 $0xF7A, s1;
	s8 =	simm.s32 @!p0 $0x1BF5;
	p2 =	por !p2, p0  }
0x20: {  	[sflag:s8] =	ssyncset.s32 @!p0 $0xFFFFF086;
	s6 =	sadd.s32 @!p0 s3, s7;
	s7 =	simm.s32 @!p0 $0x108  }
0x21: {  	s3 =	sadd.s32 s3, s9;
	s6 =	sadd.s32 @!p0 $0x88, s6;
	s7 =	simm.s32 @p2 $0x1082  }
0x22: {  	[simem:s7], [sflag:s8] =	dma.local @!p0 [hbm:s6], $0xF7A  }
0x23: {  	s9 =	sor.u32 $0xD0000000, s2;
	s6 =	simm.s32 $0x108;
	_ =	swait.ge @!p0 [sflag:s8], $0x0  }
0x24: {  	s3 =	sadd.s32 $0x88, s3;
	s6 =	simm.s32 @!p1 $0x1082;
	[sflag:s4] =	ssyncset.s32 $0xFFFFF086  }
0x25: {  	[simem:s6], [sflag:s4] =	dma.local [hbm:s3], $0xF7A  }
0x26: {  	[smem:$0x3F96] =	sst s1;
	(tag) =	ssettag s2;
	_ =	strace s9  }
0x27: {  	s1 =	sld [smem:$0x3FA6]  }
0x28: {  	s2 =	sld [smem:$0x3FA7]  }
0x29: {  	s4 =	sld [smem:$0x3FA9]  }
0x2a: {  	p0 =	seq.s32 s5, $0x0;
	s5 =	sld [smem:$0x3FAA]  }
0x2b: {  	s6 =	sld [smem:$0x3FAB]  }
0x2c: {  	s7 =	sld [smem:$0x3FAC]  }
0x2d: {  	s3 =	simm.s32 $0x108;
	s8 =	sld [smem:$0x3FAD]  }
0x2e: {  	s3 =	simm.s32 @!p0 $0x1082;
	s9 =	sld [smem:$0x3FAE]  }
0x2f: {  	lr =	sadd.s32 s0, s3;
	s0 =	sld [smem:$0x3FA5]  }
0x30: {  	s3 =	sld [smem:$0x3FA8]  }
0x31: {  	[smem:$0x3FB1] =	sst s10  }
0x32: {  	s10 =	sld [smem:$0x3FAF];
	_ =	sdelay $0x3  }
0x33: {  	p0 =	seq.s32 s10, $0x1;
	s10 =	sld [smem:$0x3FB1];
	_ =	sdelay $0x3  }
0x34: {  	[smem:$0x3FB1] =	sst s10  }
0x35: {  	s10 =	sld [smem:$0x3FB0];
	_ =	sdelay $0x3  }
0x36: {  	p1 =	seq.s32 s10, $0x1;
	s10 =	sld [smem:$0x3FB1];
	_ =	sdelay $0x3  }
0x37: {  	[smem:$0x3FB1] =	sst s10  }
0x38: {  	s10 =	sld [smem:$0x3FB2]  }
0x39: {  	_ = 	snop;
	(pc) =	sbr.ind lr, $3  }
0x3a: {  	_ = 	snop  }
0x3b: {  	_ = 	snop  }
0x3c: {  	p2 =	seq.s32 s10, $0x1;
	s10 =	sld [smem:$0x3FB1]  }
0x3d: {  	_ =	shalt  }
0x3e: {  	_ =	shalt  }
0x3f: {  	_ =	shalt  }
0x40: {  	_ =	shalt  }
0x41: {  	_ =	shalt  }
0x42: {  	_ =	shalt  }
0x43: {  	_ =	shalt  }
0x44: {  	_ =	shalt  }
0x45: {  	_ =	shalt  }
0x46: {  	_ =	shalt  }
0x47: {  	_ =	shalt  }
0x48: {  	_ =	shalt  }
0x49: {  	_ =	shalt  }
0x4a: {  	_ =	shalt  }
0x4b: {  	_ =	shalt  }
0x4c: {  	_ =	shalt  }
0x4d: {  	_ =	shalt  }
0x4e: {  	_ =	shalt  }
0x4f: {  	_ =	shalt  }
0x50: {  	_ =	shalt  }
0x51: {  	_ =	shalt  }
0x52: {  	_ =	shalt  }
0x53: {  	_ =	shalt  }
0x54: {  	_ =	shalt  }
0x55: {  	_ =	shalt  }
0x56: {  	_ =	shalt  }
0x57: {  	_ =	shalt  }
0x58: {  	_ =	shalt  }
0x59: {  	_ =	shalt  }
0x5a: {  	_ =	shalt  }
0x5b: {  	_ =	shalt  }
0x5c: {  	_ =	shalt  }
0x5d: {  	_ =	shalt  }
0x5e: {  	_ =	shalt  }
0x5f: {  	_ =	shalt  }
0x60: {  	_ =	shalt  }
0x61: {  	_ =	shalt  }
0x62: {  	_ =	shalt  }
0x63: {  	_ =	shalt  }
0x64: {  	_ =	shalt  }
0x65: {  	_ =	shalt  }
0x66: {  	_ =	shalt  }
0x67: {  	_ =	shalt  }
0x68: {  	_ =	shalt  }
0x69: {  	_ =	shalt  }
0x6a: {  	_ =	shalt  }
0x6b: {  	_ =	shalt  }
0x6c: {  	_ =	shalt  }
0x6d: {  	_ =	shalt  }
0x6e: {  	_ =	shalt  }
0x6f: {  	_ =	shalt  }
0x70: {  	_ =	shalt  }
0x71: {  	_ =	shalt  }
0x72: {  	_ =	shalt  }
0x73: {  	_ =	shalt  }
0x74: {  	_ =	shalt  }
0x75: {  	_ =	shalt  }
0x76: {  	_ =	shalt  }
0x77: {  	_ =	shalt  }
0x78: {  	_ =	shalt  }
0x79: {  	_ =	shalt  }
0x7a: {  	_ =	shalt  }
0x7b: {  	_ =	shalt  }
0x7c: {  	_ =	shalt  }
0x7d: {  	_ =	shalt  }
0x7e: {  	_ =	shalt  }
0x7f: {  	_ =	shalt  }
0x80: {  	_ =	shalt  }
0x81: {  	_ =	shalt  }
0x82: {  	_ =	shalt  }
0x83: {  	_ =	shalt  }
0x84: {  	_ =	shalt  }
0x85: {  	_ =	shalt  }
0x86: {  	_ =	shalt  }
0x87: {  	_ =	shalt  }
.Lfunc_end0:
.L_simem_size_0:
called_computation.1_lowered:
.L_overlay_start_0:
0x88: {  	s2 =	sld [smem:$0x3FD9]  }
0x89: {  	s3 =	sld [smem:$0x3FFE];
	_ =	sdelay $0x1  }
0x8a: {  	s1 =	srdreg.scid  }
0x8b: {  	s0 =	sand.u32 $0x1, s1  }
0x8c: {  	s17 =	sshll.u32 s0, $0xA;
	s2 =	sadd.s32 s3, s2  }
0x8d: {  	s2 =	sadd.s32 s2, s17  }
0x8e: {  	[smem:$0x3FBD] =	sst s2  }
0x8f: {  	_ = 	snop  }
0x90: {  	s2 =	sld [smem:$0x3FD0];
	(tm) =	ssettm $0x1  }
0x91: {  	s18 =	sld [smem:$0x3FFB];
	_ =	sdelay $0x3  }
0x92: {  	_ =	strace s18  }
0x93: {  	s3 =	sld [smem:$0x3FFC];
	_ =	sdelay $0x3  }
0x94: {  	_ =	strace s3  }
0x95: {  	s3 =	sld [smem:$0x3FFD];
	_ =	sdelay $0x3  }
0x96: {  	_ =	strace s3  }
0x97: {  	_ =	strace $0x8FFFFFFF  }
0x98: {  	s19 =	sld [smem:$0x3FDB];
	_ =	sdelay $0x1  }
0x99: {  	s4 =	simm.s32 $_scs_section_size  }
0x9a: {  	s5 =	simm.s32 $_size__tile_overlayer_lowered;
	s6 =	simm.s32 $_tile_overlayer_lowered  }
0x9b: {  	s22 =	simm.s32 $0x1BFF;
	s21 =	sshll.u32 s6, $0x1;
	s3 =	sadd.s32 s4, s19  }
0x9c: {  	s7 =	simm.s32 $0x0;
	s20 =	sshll.u32 s5, $0x1;
	s5 =	sadd.s32 s21, s3  }
0x9d: {  	[timem:s7], [sflag:s22] =	dma.local [hbm:s5], s20  }
0x9e: {  	_ =	swait.ge [sflag:s22], s20  }
0x9f: {  	s4 =	ssub.s32 $0x0, s20;
	[sflag:s22] =	ssyncset.done $0x0  }
0xa0: {  	[sflag:s22] =	ssyncadd.s32 s4;
	_ =	sdelay $0x1  }
0xa1: {  	s23 =	simm.s32 $0x1B8B  }
0xa2: {  	_ =	swait.ge [sflag:s23], $0x1  }
0xa3: {  	[sflag:s23] =	ssyncset.done $0x0  }
0xa4: {  	s25 =	simm.s32 $0x1B8E;
	s24 =	sld [smem:$0x3FFE];
	[sflag:s23] =	ssyncadd.s32 $0xFFFFFFFF  }
0xa5: {  	s26 =	simm.s32 $execute0_lowered;
	[smem:$0x3FD2] =	sst s25  }
0xa6: {  	s5 =	sshll.u32 s26, $0x1;
	_ =	strace $0x80000049;
	[dreg:$0x1] =	wrdreg $0xFFFFFFFF  }
0xa7: {  	s28 =	simm.s32 $_size_execute0_lowered;
	s3 =	sadd.s32 s3, s5;
	[dreg:$0x0] =	wrdreg $0x0  }
0xa8: {  	s5 =	sshll.u32 s28, $0x1;
	[dreg:$0x2] =	wrdreg s3  }
0xa9: {  	[dreg:$0x3] =	wrdreg s5  }
0xaa: {  	[dreg:$0x4] =	wrdreg $0xC0  }
0xab: {  	_ =	task [dreg:s7], $0x5FFFF  }
0xac: {  	[dreg:$0x1] =	wrdreg $0xFFFFFFFF  }
0xad: {  	[dreg:$0x0] =	wrdreg $0x60  }
0xae: {  	[dreg:$0x2] =	wrdreg s24  }
0xaf: {  	[dreg:$0x3] =	wrdreg s2  }
0xb0: {  	[dreg:$0x4] =	wrdreg $0x120000  }
0xb1: {  	[dreg:$0x5] =	wrdreg $0x9  }
0xb2: {  	_ =	task.clear_ibuf [dreg:s7], $0x6FFFF;
	_ =	strace $0x90000049  }
0xb3: {  	s29 =	simm.s32 $0x9;
	_ =	strace $0x8000004B  }
0xb4: {  	_ =	swait.ge [sflag:s29], $0x1  }
0xb5: {  	[sflag:s29] =	ssyncadd.s32 $0xFFFFFFFF  }
0xb6: {  	_ =	strace $0x9000004B  }
0xb7: {  	_ =	sfence  }
0xb8: {  	s30 =	sld [smem:$0x0];
	_ =	sdelay $0x2  }
0xb9: {  	s31 =	sshll.u32 s1, $0xD;
	s1 =	sshrl.u32 s1, $0x2  }
0xba: {  	s3 =	sand.u32 $0x4000, s31;
	s1 =	sadd.s32 s1, s30  }
0xbb: {  	s0 =	sor.u32 s3, s0;
	s1 =	sshll.u32 s1, $0x11  }
0xbc: {  	s0 =	sor.u32 s1, s0  }
0xbd: {  	s0 =	sadd.s32 $0x8F2B, s0  }
0xbe: {  	[sflag:s0] =	ssyncadd.remote.s32 $0x1  }
0xbf: {  	_ =	sfence.sel $0xFFFF  }
0xc0: {  	[dreg:$0x0] =	wrdreg $0xFFFFFFFF;
	(pc) =	sbr.abs _section_cstart, $3  }
0xc1: {  	[dreg:$0x1] =	wrdreg $0xFFFFFFFF  }
0xc2: {  	_ =	task.clear_ibuf [dreg:s7], $0x2FFFF;
	_ =	strace $0x9FFFFFFF  }
0xc3: {  	(tm) =	ssettm $0x7FFFFFFF  }
tec
execute0_lowered:
.L_overlay_start_1:
0x0: {  	(tag) =	ssettag $0x1  }
0x1: {  	s0 =	rddreg [dreg:$0x0]  }
0x2: {  	s3 =	rddreg [dreg:$0x2];
	s9 =	stileid.u32  }
0x3: {  	s1 =	srdreg.scid;
	s4 =	simm.s32 $0x0;
	s15 =	simm.s32 $0x5  }
0x4: {  	s17 =	simm.s32 $0x80;
	s18 =	simm.s32 $0xA000;
	s19 =	simm.s32 $0xC000  }
0x5: {  	s20 =	simm.s32 $0xE000;
	s21 =	simm.s32 $0x10000;
	s22 =	simm.s32 $0x1  }
0x6: {  	s23 =	simm.s32 $0x2;
	s24 =	simm.s32 $0x3;
	s2 =	smul.u32 $0x9C80, s9  }
0x7: {  	s25 =	simm.s32 $0x4;
	s30 =	simm.s32 $0x9E80;
	s7 =	smul.u32 $0xA00, s9  }
0x8: {  	s31 =	simm.s32 $0x9F00;
	s1 =	sand.u32 $0x1, s1;
	s9 =	smul.u32 $0x27200, s9  }
0x9: {  	[smem:$0x7FF] =	sst s4;
	s5 =	sadd.s32 $0x83200, s0;
	s6 =	smul.u32 $0x9C800, s1  }
0xa: {  	_ =	strace $0x8000004A;
	s8 =	ssub.s32 $0x2, s1;
	p0 =	seq.s32 s1, $0x1  }
0xb: {  	s14 =	sadd.s32 s7, s0;
	s28 =	sshrl.u32 s8, $0x1;
	s29 =	sshrl.u32 s9, $0x2  }
0xc: {  	s7 =	sadd.s32 s2, s3;
	s6 =	sadd.s32 s2, s6;
	s13 =	ssub.s32 s8, s28  }
0xd: {  	s1 =	sadd.s32 s29, s3;
	s2 =	simm.s32 $0x20E00;
	s6 =	sshrl.u32 s6, $0x3  }
0xe: {  	s8 =	sadd.s32 $0x2000, s1;
	s9 =	sadd.s32 $0x4000, s1;
	s10 =	sadd.s32 $0x6000, s1  }
0xf: {  	s11 =	sadd.s32 $0x8000, s1;
	s2 =	simm.s32 @!p0 $0x16E00;
	s13 =	smax.u32 s13, $0x1  }
0x10: {  	s0 =	sadd.s32 s6, s0;
	s6 =	sadd.s32 $0x2AE00, s14;
	s14 =	sadd.s32 s2, s14  }
0x11: {  	s2 =	simm.s32 $0x0;
	s12 =	sadd.s32 $0xAA400, s0;
	s0 =	simm.s32 $0x9F80  }
.LBB2_1:
0x12: {  	[tilespmem:s4], [sflag:$0x5] =	stream.linear.gather [hbm4b:s14+s4], $0x5000, $0x38;
	[tilespmem:$0x1BC80] =	vst v63  }
0x13: {  	_ =	swait.ge [sflag:s15], $0x5000  }
0x14: {  	[sflag:s15] =	ssyncset.done $0x0  }
0x15: {  	s1 =	simm.s32 $0x5000;
	[sflag:s15] =	ssyncadd.s32 $0xFFFFB000  }
0x16: {  	[tilespmem:s1], [sflag:$0x5] =	stream.linear.gather [hbm4b:s6+s4], $0x5000, $0x38;
	[tilespmem:$0x1BC80] =	vst v63  }
0x17: {  	_ =	swait.ge [sflag:s15], $0x5000  }
0x18: {  	[sflag:s15] =	ssyncset.done $0x0  }
0x19: {  	[sflag:s15] =	ssyncadd.s32 $0xFFFFB000  }
0x1a: {  	[tilespmem:s18], [sflag:$0x1] =	stream.indirect.gather [hbm4b:s5+s17], $0x40, s4, s17, $0xb8;
	[tilespmem:$0x1BC80] =	vst v63  }
0x1b: {  	_ = 	snop  }
0x1c: {  	[tilespmem:s19], [sflag:$0x1] =	stream.indirect.gather [hbm4b:s5+s17], $0x40, s17, s17, $0xb8;
	[tilespmem:$0x1BC80] =	vst v63  }
0x1d: {  	s29 =	rddreg [dreg:$0x1]  }
0x1e: {  	[tilespmem:s20], [sflag:$0x5] =	stream.linear.gather [hbm4b:s29+s4], $0x4000, $0x38;
	[tilespmem:$0x1BC80] =	vst v63  }
0x1f: {  	_ =	swait.ge [sflag:s15], $0x4000  }
0x20: {  	[sflag:s15] =	ssyncset.done $0x0  }
0x21: {  	[sflag:s15] =	ssyncadd.s32 $0xFFFFC000  }
0x22: {  	[spmem:s7] =	stream.linear.scatter [tilespmem:s20], [sflag:$0x5], $0x2000, $0x38;
	[tilespmem:$0x1BC80] =	vst v63  }
0x23: {  	_ =	swait.ge [sflag:s15], $0x2000  }
0x24: {  	[sflag:s15] =	ssyncset.done $0x0  }
0x25: {  	[sflag:s15] =	ssyncadd.s32 $0xFFFFE000  }
0x26: {  	[spmem:s8] =	stream.linear.scatter [tilespmem:s21], [sflag:$0x5], $0x2000, $0x38;
	[tilespmem:$0x1BC80] =	vst v63  }
0x27: {  	_ =	swait.ge [sflag:s15], $0x2000  }
0x28: {  	[sflag:s15] =	ssyncset.done $0x0  }
0x29: {  	[sflag:s15] =	ssyncadd.s32 $0xFFFFE000  }
0x2a: {  	[spmem:s9] =	stream.linear.scatter [tilespmem:s20], [sflag:$0x5], $0x2000, $0x38;
	[tilespmem:$0x1BC80] =	vst v63  }
0x2b: {  	_ =	swait.ge [sflag:s15], $0x2000  }
0x2c: {  	[sflag:s15] =	ssyncset.done $0x0  }
0x2d: {  	[sflag:s15] =	ssyncadd.s32 $0xFFFFE000  }
0x2e: {  	[spmem:s10] =	stream.linear.scatter [tilespmem:s21], [sflag:$0x5], $0x2000, $0x38;
	[tilespmem:$0x1BC80] =	vst v63  }
0x2f: {  	_ =	swait.ge [sflag:s15], $0x2000  }
0x30: {  	[sflag:s15] =	ssyncset.done $0x0  }
0x31: {  	[sflag:s15] =	ssyncadd.s32 $0xFFFFE000  }
0x32: {  	[spmem:s11] =	stream.linear.scatter [tilespmem:s20], [sflag:$0x5], $0x1C80, $0x38;
	[tilespmem:$0x1BC80] =	vst v63  }
0x33: {  	_ =	swait.ge [sflag:s15], $0x1C80  }
0x34: {  	[sflag:s15] =	ssyncset.done $0x0  }
0x35: {  	[sflag:s15] =	ssyncadd.s32 $0xFFFFE380  }
0x36: {  	s16 =	simm.s32 $0x100;
	[bflag:$0x0] =	sbarrier.arrive $0xFFFF  }
0x37: {  	[tilespmem:s20], [sflag:$0x2] =	stream.indirect.gather [hbm4b:s5+s17], $0x40, s16, s17, $0xb8;
	[tilespmem:$0x1BC80] =	vst v63  }
0x38: {  	s26 =	simm.s32 $0x180  }
0x39: {  	[tilespmem:s21], [sflag:$0x2] =	stream.indirect.gather [hbm4b:s5+s17], $0x40, s26, s17, $0xb8;
	[tilespmem:$0x1BC80] =	vst v63  }
0x3a: {  	_ =	swait.ge [sflag:s22], $0x2000  }
0x3b: {  	[sflag:s22] =	ssyncset.done $0x0  }
0x3c: {  	[sflag:s22] =	ssyncadd.s32 $0xFFFFE000  }
0x3d: {  	_ =	swait.ge [sflag:s22], $0x2000  }
0x3e: {  	[sflag:s22] =	ssyncset.done $0x0  }
0x3f: {  	s28 =	simm.s32 $0x5000;
	[sflag:s22] =	ssyncadd.s32 $0xFFFFE000  }
0x40: {  	[spmem:s3] =	stream.indirect.scatter.add.f32 [tilespmem:s18], [sflag:$0x3], $0x40, s28, s17, $0xb8;
	[tilespmem:$0x1BC80] =	vst v63  }
0x41: {  	s29 =	simm.s32 $0x5080  }
0x42: {  	[spmem:s3] =	stream.indirect.scatter.add.f32 [tilespmem:s19], [sflag:$0x3], $0x40, s29, s17, $0xb8;
	[tilespmem:$0x1BC80] =	vst v63  }
0x43: {  	_ =	swait.ge [sflag:s23], $0x2000  }
0x44: {  	[sflag:s23] =	ssyncset.done $0x0  }
0x45: {  	[sflag:s23] =	ssyncadd.s32 $0xFFFFE000  }
0x46: {  	_ =	swait.ge [sflag:s23], $0x2000  }
0x47: {  	[sflag:s23] =	ssyncset.done $0x0  }
0x48: {  	s16 =	simm.s32 $0x5100;
	[sflag:s23] =	ssyncadd.s32 $0xFFFFE000  }
0x49: {  	[spmem:s3] =	stream.indirect.scatter.add.f32 [tilespmem:s20], [sflag:$0x4], $0x40, s16, s17, $0xb8;
	[tilespmem:$0x1BC80] =	vst v63  }
0x4a: {  	s26 =	simm.s32 $0x5180  }
0x4b: {  	[spmem:s3] =	stream.indirect.scatter.add.f32 [tilespmem:s21], [sflag:$0x4], $0x40, s26, s17, $0xb8;
	[tilespmem:$0x1BC80] =	vst v63  }
0x4c: {  	_ =	swait.ge [sflag:s24], $0x2000  }
0x4d: {  	[sflag:s24] =	ssyncset.done $0x0  }
0x4e: {  	[sflag:s24] =	ssyncadd.s32 $0xFFFFE000  }
0x4f: {  	_ =	swait.ge [sflag:s24], $0x2000  }
0x50: {  	[sflag:s24] =	ssyncset.done $0x0  }
0x51: {  	s28 =	simm.s32 $0x200;
	[sflag:s24] =	ssyncadd.s32 $0xFFFFE000  }
0x52: {  	[tilespmem:s18], [sflag:$0x1] =	stream.indirect.gather [hbm4b:s5+s17], $0x40, s28, s17, $0xb8;
	[tilespmem:$0x1BC80] =	vst v63  }
0x53: {  	s29 =	simm.s32 $0x280  }
0x54: {  	[tilespmem:s19], [sflag:$0x1] =	stream.indirect.gather [hbm4b:s5+s17], $0x40, s29, s17, $0xb8;
	[tilespmem:$0x1BC80] =	vst v63  }
0x55: {  	_ =	swait.ge [sflag:s25], $0x2000  }
0x56: {  	[sflag:s25] =	ssyncset.done $0x0  }
0x57: {  	[sflag:s25] =	ssyncadd.s32 $0xFFFFE000  }
0x58: {  	_ =	swait.ge [sflag:s25], $0x2000  }
0x59: {  	s1 =	simm.s32 $0x200;
	s16 =	simm.s32 $0x1000;
	[sflag:s25] =	ssyncset.done $0x0  }
.LBB2_2:
0x5a: {  	s29 =	sadd.s32 $0x100, s1  }
0x5b: {  	[sflag:s25] =	ssyncadd.s32 $0xFFFFE000;
	s26 =	smov.u32 s16;
	s28 =	sadd.s32 $0x800, s16  }
0x5c: {  	[tilespmem:s20], [sflag:$0x2] =	stream.indirect.gather [hbm4b:s5+s17], $0x40, s29, s17, $0xb8;
	[tilespmem:$0x1BC80] =	vst v63  }
0x5d: {  	p0 =	sne.s32 s16, $0x13000;
	s16 =	sadd.s32 $0x180, s1  }
0x5e: {  	[tilespmem:s21], [sflag:$0x2] =	stream.indirect.gather [hbm4b:s5+s17], $0x40, s16, s17, $0xb8;
	[tilespmem:$0x1BC80] =	vst v63  }
0x5f: {  	_ =	swait.ge [sflag:s22], $0x2000  }
0x60: {  	[sflag:s22] =	ssyncset.done $0x0  }
0x61: {  	[sflag:s22] =	ssyncadd.s32 $0xFFFFE000  }
0x62: {  	_ =	swait.ge [sflag:s22], $0x2000  }
0x63: {  	[sflag:s22] =	ssyncset.done $0x0  }
0x64: {  	s16 =	sadd.s32 $0x5000, s1;
	[sflag:s22] =	ssyncadd.s32 $0xFFFFE000  }
0x65: {  	[spmem:s3] =	stream.indirect.scatter.add.f32 [tilespmem:s18], [sflag:$0x3], $0x40, s16, s17, $0xb8;
	[tilespmem:$0x1BC80] =	vst v63  }
0x66: {  	s16 =	sadd.s32 $0x5080, s1  }
0x67: {  	[spmem:s3] =	stream.indirect.scatter.add.f32 [tilespmem:s19], [sflag:$0x3], $0x40, s16, s17, $0xb8;
	[tilespmem:$0x1BC80] =	vst v63  }
0x68: {  	_ =	swait.ge [sflag:s23], $0x2000  }
0x69: {  	[sflag:s23] =	ssyncset.done $0x0  }
0x6a: {  	[sflag:s23] =	ssyncadd.s32 $0xFFFFE000  }
0x6b: {  	_ =	swait.ge [sflag:s23], $0x2000  }
0x6c: {  	[sflag:s23] =	ssyncset.done $0x0  }
0x6d: {  	s16 =	sadd.s32 $0x5100, s1;
	[sflag:s23] =	ssyncadd.s32 $0xFFFFE000  }
0x6e: {  	[spmem:s3] =	stream.indirect.scatter.add.f32 [tilespmem:s20], [sflag:$0x4], $0x40, s16, s17, $0xb8;
	[tilespmem:$0x1BC80] =	vst v63  }
0x6f: {  	s16 =	sadd.s32 $0x5180, s1  }
0x70: {  	[spmem:s3] =	stream.indirect.scatter.add.f32 [tilespmem:s21], [sflag:$0x4], $0x40, s16, s17, $0xb8;
	[tilespmem:$0x1BC80] =	vst v63  }
0x71: {  	_ =	swait.ge [sflag:s24], $0x2000  }
0x72: {  	[sflag:s24] =	ssyncset.done $0x0  }
0x73: {  	[sflag:s24] =	ssyncadd.s32 $0xFFFFE000  }
0x74: {  	_ =	swait.ge [sflag:s24], $0x2000  }
0x75: {  	[sflag:s24] =	ssyncset.done $0x0  }
0x76: {  	s16 =	sadd.s32 $0x200, s1;
	[sflag:s24] =	ssyncadd.s32 $0xFFFFE000  }
0x77: {  	[tilespmem:s18], [sflag:$0x1] =	stream.indirect.gather [hbm4b:s5+s17], $0x40, s16, s17, $0xb8;
	[tilespmem:$0x1BC80] =	vst v63  }
0x78: {  	s1 =	sadd.s32 $0x280, s1  }
0x79: {  	[tilespmem:s19], [sflag:$0x1] =	stream.indirect.gather [hbm4b:s5+s17], $0x40, s1, s17, $0xb8;
	[tilespmem:$0x1BC80] =	vst v63  }
.Ltmp0:
0x7a: {  	_ =	swait.ge [sflag:s25], $0x2000;
	(pc) =	sbr.rel @p0 .LBB2_2-.Ltmp0, $4  }
0x7b: {  	[sflag:s25] =	ssyncset.done $0x0  }
0x7c: {  	[sflag:s25] =	ssyncadd.s32 $0xFFFFE000  }
0x7d: {  	_ =	swait.ge [sflag:s25], $0x2000  }
0x7e: {  	s16 =	smov.u32 s28;
	s1 =	sshra.s32 s26, $0x2;
	[sflag:s25] =	ssyncset.done $0x0  }
0x7f: {  	s16 =	sadd.s32 $0x100, s1;
	[sflag:s25] =	ssyncadd.s32 $0xFFFFE000  }
0x80: {  	[tilespmem:s20], [sflag:$0x2] =	stream.indirect.gather [hbm4b:s5+s17], $0x40, s16, s17, $0xb8;
	[tilespmem:$0x1BC80] =	vst v63  }
0x81: {  	s28 =	sadd.s32 $0x180, s1  }
0x82: {  	[tilespmem:s21], [sflag:$0x2] =	stream.indirect.gather [hbm4b:s5+s17], $0x40, s28, s17, $0xb8;
	[tilespmem:$0x1BC80] =	vst v63  }
0x83: {  	_ =	swait.ge [sflag:s22], $0x2000  }
0x84: {  	[sflag:s22] =	ssyncset.done $0x0  }
0x85: {  	[sflag:s22] =	ssyncadd.s32 $0xFFFFE000  }
0x86: {  	_ =	swait.ge [sflag:s22], $0x2000  }
0x87: {  	[sflag:s22] =	ssyncset.done $0x0  }
0x88: {  	s29 =	sadd.s32 $0x5000, s1;
	[sflag:s22] =	ssyncadd.s32 $0xFFFFE000  }
0x89: {  	[spmem:s3] =	stream.indirect.scatter.add.f32 [tilespmem:s18], [sflag:$0x3], $0x40, s29, s17, $0xb8;
	[tilespmem:$0x1BC80] =	vst v63  }
0x8a: {  	s26 =	sadd.s32 $0x5080, s1  }
0x8b: {  	[spmem:s3] =	stream.indirect.scatter.add.f32 [tilespmem:s19], [sflag:$0x3], $0x40, s26, s17, $0xb8;
	[tilespmem:$0x1BC80] =	vst v63  }
0x8c: {  	_ =	swait.ge [sflag:s23], $0x2000  }
0x8d: {  	[sflag:s23] =	ssyncset.done $0x0  }
0x8e: {  	[sflag:s23] =	ssyncadd.s32 $0xFFFFE000  }
0x8f: {  	_ =	swait.ge [sflag:s23], $0x2000  }
0x90: {  	[sflag:s23] =	ssyncset.done $0x0  }
0x91: {  	s28 =	sadd.s32 $0x5100, s1;
	[sflag:s23] =	ssyncadd.s32 $0xFFFFE000  }
0x92: {  	[spmem:s3] =	stream.indirect.scatter.add.f32 [tilespmem:s20], [sflag:$0x4], $0x40, s28, s17, $0xb8;
	[tilespmem:$0x1BC80] =	vst v63  }
0x93: {  	s29 =	sadd.s32 $0x5180, s1  }
0x94: {  	[spmem:s3] =	stream.indirect.scatter.add.f32 [tilespmem:s21], [sflag:$0x4], $0x40, s29, s17, $0xb8;
	[tilespmem:$0x1BC80] =	vst v63  }
0x95: {  	_ =	swait.ge [sflag:s24], $0x2000  }
0x96: {  	[sflag:s24] =	ssyncset.done $0x0  }
0x97: {  	[sflag:s24] =	ssyncadd.s32 $0xFFFFE000  }
0x98: {  	_ =	swait.ge [sflag:s24], $0x2000  }
0x99: {  	[sflag:s24] =	ssyncset.done $0x0  }
0x9a: {  	s26 =	sadd.s32 $0x200, s1;
	[sflag:s24] =	ssyncadd.s32 $0xFFFFE000  }
0x9b: {  	[tilespmem:s18], [sflag:$0x1] =	stream.indirect.gather [hbm4b:s5+s17], $0x40, s26, s17, $0xb8;
	[tilespmem:$0x1BC80] =	vst v63  }
0x9c: {  	s28 =	sadd.s32 $0x280, s1  }
0x9d: {  	[tilespmem:s19], [sflag:$0x1] =	stream.indirect.gather [hbm4b:s5+s17], $0x40, s28, s17, $0xb8;
	[tilespmem:$0x1BC80] =	vst v63  }
0x9e: {  	_ =	swait.ge [sflag:s25], $0x2000  }
0x9f: {  	[sflag:s25] =	ssyncset.done $0x0  }
0xa0: {  	[sflag:s25] =	ssyncadd.s32 $0xFFFFE000  }
0xa1: {  	_ =	swait.ge [sflag:s25], $0x2000  }
0xa2: {  	[sflag:s25] =	ssyncset.done $0x0  }
0xa3: {  	s29 =	simm.s32 $0x4F00;
	[sflag:s25] =	ssyncadd.s32 $0xFFFFE000  }
0xa4: {  	[tilespmem:s20], [sflag:$0x2] =	stream.indirect.gather [hbm4b:s5+s17], $0x40, s29, s17, $0xb8;
	[tilespmem:$0x1BC80] =	vst v63  }
0xa5: {  	s16 =	simm.s32 $0x4F80  }
0xa6: {  	[tilespmem:s21], [sflag:$0x2] =	stream.indirect.gather [hbm4b:s5+s17], $0x40, s16, s17, $0xb8;
	[tilespmem:$0x1BC80] =	vst v63  }
0xa7: {  	_ =	swait.ge [sflag:s22], $0x2000  }
0xa8: {  	[sflag:s22] =	ssyncset.done $0x0  }
0xa9: {  	[sflag:s22] =	ssyncadd.s32 $0xFFFFE000  }
0xaa: {  	_ =	swait.ge [sflag:s22], $0x2000  }
0xab: {  	[sflag:s22] =	ssyncset.done $0x0  }
0xac: {  	s26 =	simm.s32 $0x9E00;
	[sflag:s22] =	ssyncadd.s32 $0xFFFFE000  }
0xad: {  	[spmem:s3] =	stream.indirect.scatter.add.f32 [tilespmem:s18], [sflag:$0x3], $0x40, s26, s17, $0xb8;
	[tilespmem:$0x1BC80] =	vst v63  }
0xae: {  	_ = 	snop  }
0xaf: {  	[spmem:s3] =	stream.indirect.scatter.add.f32 [tilespmem:s19], [sflag:$0x3], $0x40, s30, s17, $0xb8;
	[tilespmem:$0x1BC80] =	vst v63  }
0xb0: {  	_ =	swait.ge [sflag:s23], $0x2000  }
0xb1: {  	[sflag:s23] =	ssyncset.done $0x0  }
0xb2: {  	[sflag:s23] =	ssyncadd.s32 $0xFFFFE000  }
0xb3: {  	_ =	swait.ge [sflag:s23], $0x2000  }
0xb4: {  	[sflag:s23] =	ssyncset.done $0x0  }
0xb5: {  	[sflag:s23] =	ssyncadd.s32 $0xFFFFE000  }
0xb6: {  	[spmem:s3] =	stream.indirect.scatter.add.f32 [tilespmem:s20], [sflag:$0x4], $0x40, s31, s17, $0xb8;
	[tilespmem:$0x1BC80] =	vst v63  }
0xb7: {  	_ = 	snop  }
0xb8: {  	[spmem:s3] =	stream.indirect.scatter.add.f32 [tilespmem:s21], [sflag:$0x4], $0x40, s0, s17, $0xb8;
	[tilespmem:$0x1BC80] =	vst v63  }
0xb9: {  	_ =	swait.ge [sflag:s24], $0x2000  }
0xba: {  	[sflag:s24] =	ssyncset.done $0x0  }
0xbb: {  	[sflag:s24] =	ssyncadd.s32 $0xFFFFE000  }
0xbc: {  	_ =	swait.ge [sflag:s24], $0x2000  }
0xbd: {  	[sflag:s24] =	ssyncset.done $0x0  }
0xbe: {  	[sflag:s24] =	ssyncadd.s32 $0xFFFFE000  }
0xbf: {  	_ =	swait.ge [sflag:s25], $0x2000  }
0xc0: {  	[sflag:s25] =	ssyncset.done $0x0  }
0xc1: {  	[sflag:s25] =	ssyncadd.s32 $0xFFFFE000  }
0xc2: {  	s28 =	stileid.u32;
	_ =	swait.ge [sflag:s25], $0x2000  }
0xc3: {  	s2 =	sadd.s32 $0x1, s2;
	s1 =	sshll.u32 s28, $0x6;
	[sflag:s25] =	ssyncset.done $0x0  }
0xc4: {  	p0 =	sne.s32 s2, s13;
	s1 =	sor.u32 $0x1C05, s1;
	[sflag:s25] =	ssyncadd.s32 $0xFFFFE000  }
.Ltmp1:
0xc5: {  	s29 =	sshrl.u32 s7, $0x3;
	[bflag:$0x0] =	sbarrier.arrive $0xFFFF;
	(pc) =	sbr.rel @p0 .LBB2_1-.Ltmp1, $4  }
0xc6: {  	[hbm:s12], [sflag:s1] =	dma.local [spmem:s29], $0x1390  }
0xc7: {  	_ =	swait.ge [sflag:s15], $0x1390  }
0xc8: {  	[sflag:s15] =	ssyncset.done $0x0  }
0xc9: {  	[sflag:s15] =	ssyncadd.s32 $0xFFFFEC70  }
0xca: {  	_ =	sfence.sel $0x180000  }
0xcb: {  	[bflag:$0x0] =	sbarrier.arrive $0xFFFF  }
0xcc: {  	_ =	strace $0x9000004A  }
0xcd: {  	s0 =	stileid.u32;
	[bflag:$0x2] =	sbarrier.arrive $0xFFFF  }
0xce: {  	p0 =	sne.s32 s0, $0x0;
	s0 =	rddreg [dreg:$0x3]  }
0xcf: {  	s0 =	sadd.s32 @!p0 $0x100000, s0  }
0xd0: {  	[sflag:s0] =	ssyncadd.tile.s32 @!p0 $0x1;
	_ =	shalt  }
.Lfunc_end2:
_tile_overlayer_lowered:
.L_overlay_start_2:
0xd1: {  	(tag) =	ssettag $0x2  }
0xd2: {  	s0 =	rddreg [dreg:$0x0];
	s2 =	stileid.u32  }
0xd3: {  	s1 =	rddreg [dreg:$0x1];
	p0 =	sne.s32 s2, $0x0  }
0xd4: {  	s3 =	rddreg [dreg:$0x2];
	[bflag:$0x3] =	sbarrier.arrive $0xFFFF;
	s2 =	simm.s32 @!p0 $0x1C05  }
0xd5: {  	[timem:s3], [sflag:s2] =	dma.local @!p0 [hbm:s0], s1  }
0xd6: {  	s0 =	simm.s32 @!p0 $0x5  }
0xd7: {  	_ =	swait.ge @!p0 [sflag:s0], s1  }
0xd8: {  	s1 =	ssub.s32 @!p0 $0x0, s1;
	[sflag:s0] =	ssyncset.done @!p0 $0x0  }
0xd9: {  	[sflag:s0] =	ssyncadd.s32 @!p0 s1  }
0xda: {  	[bflag:$0x3] =	sbarrier.arrive $0xFFFF  }
0xdb: {  	_ =	shalt  }

// kernel: kernel.14.cloned.1.call-start
scs
__scs_entry_jumppad:
0x0: {  	(pc) =	sbr.rel $0x88, $3  }
0x1: {  	(tag) =	ssettag $0x0;
	lr =	simm.s32 $0x1  }
0x2: {  	[smem:$0x3F96] =	sst lr;
	_ =	strace $0xD0000000  }
0x3: {  	_ = 	snop  }
0x4: {  	_ = 	snop  }
0x5: {  	_ = 	snop  }
0x6: {  	_ = 	snop  }
0x7: {  	_ = 	snop  }
__scs_overlays_trampoline_lowered:
0x8: {  	[smem:$0x3FA5] =	sst s0  }
0x9: {  	[smem:$0x3FA6] =	sst s1  }
0xa: {  	[smem:$0x3FA7] =	sst s2  }
0xb: {  	[smem:$0x3FA8] =	sst s3  }
0xc: {  	[smem:$0x3FA9] =	sst s4  }
0xd: {  	[smem:$0x3FAA] =	sst s5  }
0xe: {  	[smem:$0x3FAB] =	sst s6  }
0xf: {  	[smem:$0x3FAC] =	sst s7  }
0x10: {  	[smem:$0x3FAD] =	sst s8  }
0x11: {  	[smem:$0x3FAE] =	sst s9;
	s0 =	simm.s32 @!p0 $0x0  }
0x12: {  	s1 =	sld [smem:$0x3F94];
	s0 =	simm.s32 @p0 $0x1  }
0x13: {  	[smem:$0x3FAF] =	sst s0;
	s0 =	simm.s32 @!p1 $0x0  }
0x14: {  	s2 =	sld [smem:$0x3F93];
	s0 =	simm.s32 @p1 $0x1  }
0x15: {  	[smem:$0x3FB0] =	sst s0;
	s0 =	simm.s32 @!p2 $0x0  }
0x16: {  	s3 =	sld [smem:$0x3FDB];
	s0 =	simm.s32 @p2 $0x1  }
0x17: {  	s4 =	simm.s32 $0x1BF5;
	[smem:$0x3FB2] =	sst s0  }
0x18: {  	s0 =	sld [smem:$0x3F95];
	_ =	swait.ge [sflag:s4], $0x0  }
0x19: {  	s7 =	sld [smem:$0x3F96]  }
0x1a: {  	s8 =	sadd.s32 $0xFFFFE003, lr  }
0x1b: {  	s9 =	sadd.s32 $0xFFFFFEF7, lr;
	s5 =	simm.s32 $0xFFFFFFFF;
	p2 =	slt.u32 s8, $0xFFFFF086  }
0x1c: {  	p1 =	slt.u32 s9, $0xF7A;
	s5 =	simm.s32 @!p2 $0x0  }
0x1d: {  	s5 =	simm.s32 @p1 $0x1;
	p0 =	seq.s32 s7, s2  }
0x1e: {  	s7 =	smul.u32 @!p0 $0xF7A, s2;
	p2 =	seq.s32 @!p0 s5, $0x0  }
0x1f: {  	s9 =	smul.u32 $0xF7A, s1;
	s8 =	simm.s32 @!p0 $0x1BF5;
	p2 =	por !p2, p0  }
0x20: {  	[sflag:s8] =	ssyncset.s32 @!p0 $0xFFFFF086;
	s6 =	sadd.s32 @!p0 s3, s7;
	s7 =	simm.s32 @!p0 $0x108  }
0x21: {  	s3 =	sadd.s32 s3, s9;
	s6 =	sadd.s32 @!p0 $0x88, s6;
	s7 =	simm.s32 @p2 $0x1082  }
0x22: {  	[simem:s7], [sflag:s8] =	dma.local @!p0 [hbm:s6], $0xF7A  }
0x23: {  	s9 =	sor.u32 $0xD0000000, s2;
	s6 =	simm.s32 $0x108;
	_ =	swait.ge @!p0 [sflag:s8], $0x0  }
0x24: {  	s3 =	sadd.s32 $0x88, s3;
	s6 =	simm.s32 @!p1 $0x1082;
	[sflag:s4] =	ssyncset.s32 $0xFFFFF086  }
0x25: {  	[simem:s6], [sflag:s4] =	dma.local [hbm:s3], $0xF7A  }
0x26: {  	[smem:$0x3F96] =	sst s1;
	(tag) =	ssettag s2;
	_ =	strace s9  }
0x27: {  	s1 =	sld [smem:$0x3FA6]  }
0x28: {  	s2 =	sld [smem:$0x3FA7]  }
0x29: {  	s4 =	sld [smem:$0x3FA9]  }
0x2a: {  	p0 =	seq.s32 s5, $0x0;
	s5 =	sld [smem:$0x3FAA]  }
0x2b: {  	s6 =	sld [smem:$0x3FAB]  }
0x2c: {  	s7 =	sld [smem:$0x3FAC]  }
0x2d: {  	s3 =	simm.s32 $0x108;
	s8 =	sld [smem:$0x3FAD]  }
0x2e: {  	s3 =	simm.s32 @!p0 $0x1082;
	s9 =	sld [smem:$0x3FAE]  }
0x2f: {  	lr =	sadd.s32 s0, s3;
	s0 =	sld [smem:$0x3FA5]  }
0x30: {  	s3 =	sld [smem:$0x3FA8]  }
0x31: {  	[smem:$0x3FB1] =	sst s10  }
0x32: {  	s10 =	sld [smem:$0x3FAF];
	_ =	sdelay $0x3  }
0x33: {  	p0 =	seq.s32 s10, $0x1;
	s10 =	sld [smem:$0x3FB1];
	_ =	sdelay $0x3  }
0x34: {  	[smem:$0x3FB1] =	sst s10  }
0x35: {  	s10 =	sld [smem:$0x3FB0];
	_ =	sdelay $0x3  }
0x36: {  	p1 =	seq.s32 s10, $0x1;
	s10 =	sld [smem:$0x3FB1];
	_ =	sdelay $0x3  }
0x37: {  	[smem:$0x3FB1] =	sst s10  }
0x38: {  	s10 =	sld [smem:$0x3FB2]  }
0x39: {  	_ = 	snop;
	(pc) =	sbr.ind lr, $3  }
0x3a: {  	_ = 	snop  }
0x3b: {  	_ = 	snop  }
0x3c: {  	p2 =	seq.s32 s10, $0x1;
	s10 =	sld [smem:$0x3FB1]  }
0x3d: {  	_ =	shalt  }
0x3e: {  	_ =	shalt  }
0x3f: {  	_ =	shalt  }
0x40: {  	_ =	shalt  }
0x41: {  	_ =	shalt  }
0x42: {  	_ =	shalt  }
0x43: {  	_ =	shalt  }
0x44: {  	_ =	shalt  }
0x45: {  	_ =	shalt  }
0x46: {  	_ =	shalt  }
0x47: {  	_ =	shalt  }
0x48: {  	_ =	shalt  }
0x49: {  	_ =	shalt  }
0x4a: {  	_ =	shalt  }
0x4b: {  	_ =	shalt  }
0x4c: {  	_ =	shalt  }
0x4d: {  	_ =	shalt  }
0x4e: {  	_ =	shalt  }
0x4f: {  	_ =	shalt  }
0x50: {  	_ =	shalt  }
0x51: {  	_ =	shalt  }
0x52: {  	_ =	shalt  }
0x53: {  	_ =	shalt  }
0x54: {  	_ =	shalt  }
0x55: {  	_ =	shalt  }
0x56: {  	_ =	shalt  }
0x57: {  	_ =	shalt  }
0x58: {  	_ =	shalt  }
0x59: {  	_ =	shalt  }
0x5a: {  	_ =	shalt  }
0x5b: {  	_ =	shalt  }
0x5c: {  	_ =	shalt  }
0x5d: {  	_ =	shalt  }
0x5e: {  	_ =	shalt  }
0x5f: {  	_ =	shalt  }
0x60: {  	_ =	shalt  }
0x61: {  	_ =	shalt  }
0x62: {  	_ =	shalt  }
0x63: {  	_ =	shalt  }
0x64: {  	_ =	shalt  }
0x65: {  	_ =	shalt  }
0x66: {  	_ =	shalt  }
0x67: {  	_ =	shalt  }
0x68: {  	_ =	shalt  }
0x69: {  	_ =	shalt  }
0x6a: {  	_ =	shalt  }
0x6b: {  	_ =	shalt  }
0x6c: {  	_ =	shalt  }
0x6d: {  	_ =	shalt  }
0x6e: {  	_ =	shalt  }
0x6f: {  	_ =	shalt  }
0x70: {  	_ =	shalt  }
0x71: {  	_ =	shalt  }
0x72: {  	_ =	shalt  }
0x73: {  	_ =	shalt  }
0x74: {  	_ =	shalt  }
0x75: {  	_ =	shalt  }
0x76: {  	_ =	shalt  }
0x77: {  	_ =	shalt  }
0x78: {  	_ =	shalt  }
0x79: {  	_ =	shalt  }
0x7a: {  	_ =	shalt  }
0x7b: {  	_ =	shalt  }
0x7c: {  	_ =	shalt  }
0x7d: {  	_ =	shalt  }
0x7e: {  	_ =	shalt  }
0x7f: {  	_ =	shalt  }
0x80: {  	_ =	shalt  }
0x81: {  	_ =	shalt  }
0x82: {  	_ =	shalt  }
0x83: {  	_ =	shalt  }
0x84: {  	_ =	shalt  }
0x85: {  	_ =	shalt  }
0x86: {  	_ =	shalt  }
0x87: {  	_ =	shalt  }
.Lfunc_end0:
.L_simem_size_0:
called_computation.2_lowered:
.L_overlay_start_0:
0x88: {  	s2 =	sld [smem:$0x3FD9]  }
0x89: {  	s3 =	sld [smem:$0x3FFE];
	_ =	sdelay $0x1  }
0x8a: {  	s1 =	srdreg.scid  }
0x8b: {  	s0 =	sand.u32 $0x1, s1  }
0x8c: {  	s17 =	sshll.u32 s0, $0xA;
	s2 =	sadd.s32 s3, s2  }
0x8d: {  	s2 =	sadd.s32 s2, s17  }
0x8e: {  	[smem:$0x3FBD] =	sst s2  }
0x8f: {  	_ = 	snop  }
0x90: {  	s2 =	sld [smem:$0x3FD0];
	(tm) =	ssettm $0x1  }
0x91: {  	s18 =	sld [smem:$0x3FFB];
	_ =	sdelay $0x3  }
0x92: {  	_ =	strace s18  }
0x93: {  	s3 =	sld [smem:$0x3FFC];
	_ =	sdelay $0x3  }
0x94: {  	_ =	strace s3  }
0x95: {  	s3 =	sld [smem:$0x3FFD];
	_ =	sdelay $0x3  }
0x96: {  	_ =	strace s3  }
0x97: {  	_ =	strace $0x8FFFFFFF  }
0x98: {  	s19 =	sld [smem:$0x3FDB];
	_ =	sdelay $0x1  }
0x99: {  	s4 =	simm.s32 $_scs_section_size  }
0x9a: {  	s5 =	simm.s32 $_size__tile_overlayer_lowered;
	s6 =	simm.s32 $_tile_overlayer_lowered  }
0x9b: {  	s22 =	simm.s32 $0x1BFF;
	s21 =	sshll.u32 s6, $0x1;
	s3 =	sadd.s32 s4, s19  }
0x9c: {  	s7 =	simm.s32 $0x0;
	s20 =	sshll.u32 s5, $0x1;
	s5 =	sadd.s32 s21, s3  }
0x9d: {  	[timem:s7], [sflag:s22] =	dma.local [hbm:s5], s20  }
0x9e: {  	_ =	swait.ge [sflag:s22], s20  }
0x9f: {  	s4 =	ssub.s32 $0x0, s20;
	[sflag:s22] =	ssyncset.done $0x0  }
0xa0: {  	[sflag:s22] =	ssyncadd.s32 s4;
	_ =	sdelay $0x1  }
0xa1: {  	s23 =	simm.s32 $0x1B8B  }
0xa2: {  	_ =	swait.ge [sflag:s23], $0x1  }
0xa3: {  	[sflag:s23] =	ssyncset.done $0x0  }
0xa4: {  	s25 =	simm.s32 $0x1B8E;
	s24 =	sld [smem:$0x3FFE];
	[sflag:s23] =	ssyncadd.s32 $0xFFFFFFFF  }
0xa5: {  	s26 =	simm.s32 $execute0_lowered;
	[smem:$0x3FD2] =	sst s25  }
0xa6: {  	s5 =	sshll.u32 s26, $0x1;
	_ =	strace $0x8000004C;
	[dreg:$0x1] =	wrdreg $0xFFFFFFFF  }
0xa7: {  	s28 =	simm.s32 $_size_execute0_lowered;
	s3 =	sadd.s32 s3, s5;
	[dreg:$0x0] =	wrdreg $0x0  }
0xa8: {  	s5 =	sshll.u32 s28, $0x1;
	[dreg:$0x2] =	wrdreg s3  }
0xa9: {  	[dreg:$0x3] =	wrdreg s5  }
0xaa: {  	[dreg:$0x4] =	wrdreg $0xC0  }
0xab: {  	_ =	task [dreg:s7], $0x5FFFF  }
0xac: {  	[dreg:$0x1] =	wrdreg $0xFFFFFFFF  }
0xad: {  	[dreg:$0x0] =	wrdreg $0x60  }
0xae: {  	[dreg:$0x2] =	wrdreg s24  }
0xaf: {  	[dreg:$0x3] =	wrdreg s2  }
0xb0: {  	[dreg:$0x4] =	wrdreg $0xD0000  }
0xb1: {  	[dreg:$0x5] =	wrdreg $0x9  }
0xb2: {  	_ =	task.clear_ibuf [dreg:s7], $0x6FFFF;
	_ =	strace $0x9000004C  }
0xb3: {  	s29 =	simm.s32 $0x9;
	_ =	strace $0x8000004E  }
0xb4: {  	_ =	swait.ge [sflag:s29], $0x1  }
0xb5: {  	[sflag:s29] =	ssyncadd.s32 $0xFFFFFFFF  }
0xb6: {  	_ =	strace $0x9000004E  }
0xb7: {  	_ =	sfence  }
0xb8: {  	s30 =	sld [smem:$0x0];
	_ =	sdelay $0x2  }
0xb9: {  	s31 =	sshll.u32 s1, $0xD;
	s1 =	sshrl.u32 s1, $0x2  }
0xba: {  	s3 =	sand.u32 $0x4000, s31;
	s1 =	sadd.s32 s1, s30  }
0xbb: {  	s0 =	sor.u32 s3, s0;
	s1 =	sshll.u32 s1, $0x11  }
0xbc: {  	s0 =	sor.u32 s1, s0  }
0xbd: {  	s0 =	sadd.s32 $0x8F2B, s0  }
0xbe: {  	[sflag:s0] =	ssyncadd.remote.s32 $0x1  }
0xbf: {  	_ =	sfence.sel $0xFFFF  }
0xc0: {  	[dreg:$0x0] =	wrdreg $0xFFFFFFFF;
	(pc) =	sbr.abs _section_cstart, $3  }
0xc1: {  	[dreg:$0x1] =	wrdreg $0xFFFFFFFF  }
0xc2: {  	_ =	task.clear_ibuf [dreg:s7], $0x2FFFF;
	_ =	strace $0x9FFFFFFF  }
0xc3: {  	(tm) =	ssettm $0x7FFFFFFF  }
tec
execute0_lowered:
.L_overlay_start_1:
0x0: {  	(tag) =	ssettag $0x1  }
0x1: {  	s0 =	rddreg [dreg:$0x0]  }
0x2: {  	s3 =	rddreg [dreg:$0x2]  }
0x3: {  	s1 =	srdreg.scid;
	s4 =	stileid.u32;
	s5 =	simm.s32 $0x0  }
0x4: {  	s11 =	simm.s32 $0x5;
	s16 =	simm.s32 $0x9800;
	s29 =	simm.s32 $0xC000  }
0x5: {  	s31 =	simm.s32 $0xC800;
	s9 =	simm.s32 $0x4;
	s28 =	simm.s32 $0x6800  }
0x6: {  	s30 =	simm.s32 $0x7000;
	s1 =	sand.u32 $0x1, s1;
	s2 =	smul.u32 $0x2720, s4  }
0x7: {  	[smem:$0x7FF] =	sst s5;
	s17 =	sshll.u32 s4, $0x1;
	s8 =	smul.u32 $0x9C80, s4  }
0x8: {  	s5 =	sadd.s32 $0xD200, s0;
	s6 =	smul.u32 $0x27200, s1;
	_ =	strace $0x8000004D  }
0x9: {  	s7 =	sor.u32 s1, s17;
	s1 =	ssub.s32 $0x2, s1;
	s17 =	simm.s32 $0x80  }
0xa: {  	s7 =	smul.u32 $0x500, s7;
	s18 =	sshrl.u32 s1, $0x1;
	s20 =	sshrl.u32 s8, $0x2  }
0xb: {  	s10 =	sadd.s32 s2, s3;
	s6 =	sadd.s32 s2, s6;
	s1 =	ssub.s32 s1, s18  }
0xc: {  	s22 =	sadd.s32 s20, s3;
	s20 =	simm.s32 $0xA000;
	[dreg:$0x6] =	wrdreg s10  }
0xd: {  	s6 =	sshrl.u32 s6, $0x3;
	s7 =	sadd.s32 s7, s0;
	s23 =	sadd.s32 $0x800, s22  }
0xe: {  	s24 =	sadd.s32 $0x1000, s22;
	s25 =	sadd.s32 $0x1800, s22;
	[dreg:$0x7] =	wrdreg s23  }
0xf: {  	s2 =	sadd.s32 $0x2000, s22;
	s26 =	smax.u32 s1, $0x1;
	[dreg:$0x8] =	wrdreg s24  }
0x10: {  	s22 =	simm.s32 $0xA800;
	s1 =	simm.s32 $0x1;
	[dreg:$0x9] =	wrdreg s25  }
0x11: {  	s0 =	sadd.s32 s6, s0;
	s19 =	sadd.s32 $0xD1600, s7;
	[dreg:$0xa] =	wrdreg s2  }
0x12: {  	s21 =	sadd.s32 $0x3200, s7;
	[dreg:$0xc] =	wrdreg s26;
	s2 =	simm.s32 $0x9000  }
0x13: {  	s24 =	simm.s32 $0xB000;
	s26 =	simm.s32 $0xB800;
	s6 =	simm.s32 $0x2  }
0x14: {  	s7 =	simm.s32 $0x3;
	s23 =	simm.s32 $0x5800;
	[dreg:$0x4] =	wrdreg s19  }
0x15: {  	s25 =	simm.s32 $0x6000;
	[dreg:$0x5] =	wrdreg s21;
	s0 =	sadd.s32 $0x12200, s0  }
0x16: {  	s21 =	simm.s32 $0x5000;
	[dreg:$0xb] =	wrdreg s0;
	s0 =	simm.s32 $0x0  }
.LBB2_1:
0x17: {  	[dreg:$0xd] =	wrdreg s0  }
0x18: {  	s8 =	simm.s32 $0x0;
	s4 =	rddreg [dreg:$0x4]  }
0x19: {  	[tilespmem:s8], [sflag:$0x5] =	stream.linear.gather [hbm4b:s4+s8], $0x2800, $0x38;
	[tilespmem:$0xF720] =	vst v63  }
0x1a: {  	_ =	swait.ge [sflag:s11], $0x2800  }
0x1b: {  	[sflag:s11] =	ssyncset.done $0x0  }
0x1c: {  	s12 =	simm.s32 $0x2800;
	s14 =	rddreg [dreg:$0x5];
	[sflag:s11] =	ssyncadd.s32 $0xFFFFD800  }
0x1d: {  	[tilespmem:s12], [sflag:$0x5] =	stream.linear.gather [hbm4b:s14+s8], $0x2800, $0x38;
	[tilespmem:$0xF720] =	vst v63  }
0x1e: {  	_ =	swait.ge [sflag:s11], $0x2800  }
0x1f: {  	[sflag:s11] =	ssyncset.done $0x0  }
0x20: {  	s12 =	simm.s32 $0x5000;
	[sflag:s11] =	ssyncadd.s32 $0xFFFFD800  }
0x21: {  	[tilespmem:s12], [sflag:$0x1] =	stream.indirect.gather [hbm4b:s5+s17], $0x10, s8, s17, $0xb8;
	[tilespmem:$0xF720] =	vst v63  }
0x22: {  	s13 =	simm.s32 $0x5800  }
0x23: {  	[tilespmem:s13], [sflag:$0x1] =	stream.indirect.gather [hbm4b:s5+s17], $0x10, s17, s17, $0xb8;
	[tilespmem:$0xF720] =	vst v63  }
0x24: {  	s15 =	simm.s32 $0x100;
	s14 =	simm.s32 $0x6000  }
0x25: {  	[tilespmem:s14], [sflag:$0x1] =	stream.indirect.gather [hbm4b:s5+s17], $0x10, s15, s17, $0xb8;
	[tilespmem:$0xF720] =	vst v63  }
0x26: {  	s18 =	simm.s32 $0x180;
	s15 =	simm.s32 $0x6800  }
0x27: {  	[tilespmem:s15], [sflag:$0x1] =	stream.indirect.gather [hbm4b:s5+s17], $0x10, s18, s17, $0xb8;
	[tilespmem:$0xF720] =	vst v63  }
0x28: {  	s19 =	simm.s32 $0x200;
	s18 =	simm.s32 $0x7000  }
0x29: {  	[tilespmem:s18], [sflag:$0x1] =	stream.indirect.gather [hbm4b:s5+s17], $0x10, s19, s17, $0xb8;
	[tilespmem:$0xF720] =	vst v63  }
0x2a: {  	s0 =	simm.s32 $0x280;
	s19 =	simm.s32 $0x7800  }
0x2b: {  	[tilespmem:s19], [sflag:$0x1] =	stream.indirect.gather [hbm4b:s5+s17], $0x10, s0, s17, $0xb8;
	[tilespmem:$0xF720] =	vst v63  }
0x2c: {  	s4 =	simm.s32 $0x8000;
	s0 =	simm.s32 $0x300  }
0x2d: {  	[tilespmem:s4], [sflag:$0x1] =	stream.indirect.gather [hbm4b:s5+s17], $0x10, s0, s17, $0xb8;
	[tilespmem:$0xF720] =	vst v63  }
0x2e: {  	s0 =	simm.s32 $0x380;
	s4 =	simm.s32 $0x8800  }
0x2f: {  	[tilespmem:s4], [sflag:$0x1] =	stream.indirect.gather [hbm4b:s5+s17], $0x10, s0, s17, $0xb8;
	[tilespmem:$0xF720] =	vst v63  }
0x30: {  	s0 =	rddreg [dreg:$0x1]  }
0x31: {  	[tilespmem:s2], [sflag:$0x5] =	stream.linear.gather [hbm4b:s0+s8], $0x4000, $0x38;
	[tilespmem:$0xF720] =	vst v63  }
0x32: {  	_ =	swait.ge [sflag:s11], $0x4000  }
0x33: {  	[sflag:s11] =	ssyncset.done $0x0  }
0x34: {  	[sflag:s11] =	ssyncadd.s32 $0xFFFFC000  }
0x35: {  	[spmem:s10] =	stream.linear.scatter [tilespmem:s2], [sflag:$0x5], $0x800, $0x38;
	[tilespmem:$0xF720] =	vst v63  }
0x36: {  	_ =	swait.ge [sflag:s11], $0x800  }
0x37: {  	[sflag:s11] =	ssyncset.done $0x0  }
0x38: {  	s10 =	rddreg [dreg:$0x7];
	[sflag:s11] =	ssyncadd.s32 $0xFFFFF800  }
0x39: {  	[spmem:s10] =	stream.linear.scatter [tilespmem:s16], [sflag:$0x5], $0x800, $0x38;
	[tilespmem:$0xF720] =	vst v63  }
0x3a: {  	_ =	swait.ge [sflag:s11], $0x800  }
0x3b: {  	[sflag:s11] =	ssyncset.done $0x0  }
0x3c: {  	s0 =	rddreg [dreg:$0x8];
	[sflag:s11] =	ssyncadd.s32 $0xFFFFF800  }
0x3d: {  	[spmem:s0] =	stream.linear.scatter [tilespmem:s20], [sflag:$0x5], $0x800, $0x38;
	[tilespmem:$0xF720] =	vst v63  }
0x3e: {  	_ =	swait.ge [sflag:s11], $0x800  }
0x3f: {  	[sflag:s11] =	ssyncset.done $0x0  }
0x40: {  	s8 =	rddreg [dreg:$0x9];
	[sflag:s11] =	ssyncadd.s32 $0xFFFFF800  }
0x41: {  	[spmem:s8] =	stream.linear.scatter [tilespmem:s22], [sflag:$0x5], $0x800, $0x38;
	[tilespmem:$0xF720] =	vst v63  }
0x42: {  	_ =	swait.ge [sflag:s11], $0x800  }
0x43: {  	[sflag:s11] =	ssyncset.done $0x0  }
0x44: {  	s10 =	rddreg [dreg:$0xa];
	[sflag:s11] =	ssyncadd.s32 $0xFFFFF800  }
0x45: {  	[spmem:s10] =	stream.linear.scatter [tilespmem:s2], [sflag:$0x5], $0x720, $0x38;
	[tilespmem:$0xF720] =	vst v63  }
0x46: {  	_ =	swait.ge [sflag:s11], $0x720  }
0x47: {  	[sflag:s11] =	ssyncset.done $0x0  }
0x48: {  	[sflag:s11] =	ssyncadd.s32 $0xFFFFF8E0  }
0x49: {  	s0 =	simm.s32 $0x400;
	[bflag:$0x0] =	sbarrier.arrive $0xFFFF  }
0x4a: {  	[tilespmem:s2], [sflag:$0x2] =	stream.indirect.gather [hbm4b:s5+s17], $0x10, s0, s17, $0xb8;
	[tilespmem:$0xF720] =	vst v63  }
0x4b: {  	s4 =	simm.s32 $0x480  }
0x4c: {  	[tilespmem:s16], [sflag:$0x2] =	stream.indirect.gather [hbm4b:s5+s17], $0x10, s4, s17, $0xb8;
	[tilespmem:$0xF720] =	vst v63  }
0x4d: {  	s8 =	simm.s32 $0x500  }
0x4e: {  	[tilespmem:s20], [sflag:$0x2] =	stream.indirect.gather [hbm4b:s5+s17], $0x10, s8, s17, $0xb8;
	[tilespmem:$0xF720] =	vst v63  }
0x4f: {  	s10 =	simm.s32 $0x580  }
0x50: {  	[tilespmem:s22], [sflag:$0x2] =	stream.indirect.gather [hbm4b:s5+s17], $0x10, s10, s17, $0xb8;
	[tilespmem:$0xF720] =	vst v63  }
0x51: {  	s0 =	simm.s32 $0x600  }
0x52: {  	[tilespmem:s24], [sflag:$0x2] =	stream.indirect.gather [hbm4b:s5+s17], $0x10, s0, s17, $0xb8;
	[tilespmem:$0xF720] =	vst v63  }
0x53: {  	s4 =	simm.s32 $0x680  }
0x54: {  	[tilespmem:s26], [sflag:$0x2] =	stream.indirect.gather [hbm4b:s5+s17], $0x10, s4, s17, $0xb8;
	[tilespmem:$0xF720] =	vst v63  }
0x55: {  	s8 =	simm.s32 $0x700  }
0x56: {  	[tilespmem:s29], [sflag:$0x2] =	stream.indirect.gather [hbm4b:s5+s17], $0x10, s8, s17, $0xb8;
	[tilespmem:$0xF720] =	vst v63  }
0x57: {  	s10 =	simm.s32 $0x780  }
0x58: {  	[tilespmem:s31], [sflag:$0x2] =	stream.indirect.gather [hbm4b:s5+s17], $0x10, s10, s17, $0xb8;
	[tilespmem:$0xF720] =	vst v63  }
0x59: {  	_ =	swait.ge [sflag:s1], $0x800  }
0x5a: {  	[sflag:s1] =	ssyncset.done $0x0  }
0x5b: {  	[sflag:s1] =	ssyncadd.s32 $0xFFFFF800  }
0x5c: {  	_ =	swait.ge [sflag:s1], $0x800  }
0x5d: {  	[sflag:s1] =	ssyncset.done $0x0  }
0x5e: {  	[sflag:s1] =	ssyncadd.s32 $0xFFFFF800  }
0x5f: {  	_ =	swait.ge [sflag:s1], $0x800  }
0x60: {  	[sflag:s1] =	ssyncset.done $0x0  }
0x61: {  	[sflag:s1] =	ssyncadd.s32 $0xFFFFF800  }
0x62: {  	_ =	swait.ge [sflag:s1], $0x800  }
0x63: {  	[sflag:s1] =	ssyncset.done $0x0  }
0x64: {  	[sflag:s1] =	ssyncadd.s32 $0xFFFFF800  }
0x65: {  	_ =	swait.ge [sflag:s1], $0x800  }
0x66: {  	[sflag:s1] =	ssyncset.done $0x0  }
0x67: {  	[sflag:s1] =	ssyncadd.s32 $0xFFFFF800  }
0x68: {  	_ =	swait.ge [sflag:s1], $0x800  }
0x69: {  	[sflag:s1] =	ssyncset.done $0x0  }
0x6a: {  	[sflag:s1] =	ssyncadd.s32 $0xFFFFF800  }
0x6b: {  	_ =	swait.ge [sflag:s1], $0x800  }
0x6c: {  	[sflag:s1] =	ssyncset.done $0x0  }
0x6d: {  	[sflag:s1] =	ssyncadd.s32 $0xFFFFF800  }
0x6e: {  	_ =	swait.ge [sflag:s1], $0x800  }
0x6f: {  	[sflag:s1] =	ssyncset.done $0x0  }
0x70: {  	s0 =	simm.s32 $0x2800;
	[sflag:s1] =	ssyncadd.s32 $0xFFFFF800  }
0x71: {  	[spmem:s3] =	stream.indirect.scatter.add.f32 [tilespmem:s12], [sflag:$0x3], $0x10, s0, s17, $0xb8;
	[tilespmem:$0xF720] =	vst v63  }
0x72: {  	s4 =	simm.s32 $0x2880  }
0x73: {  	[spmem:s3] =	stream.indirect.scatter.add.f32 [tilespmem:s13], [sflag:$0x3], $0x10, s4, s17, $0xb8;
	[tilespmem:$0xF720] =	vst v63  }
0x74: {  	s8 =	simm.s32 $0x2900  }
0x75: {  	[spmem:s3] =	stream.indirect.scatter.add.f32 [tilespmem:s14], [sflag:$0x3], $0x10, s8, s17, $0xb8;
	[tilespmem:$0xF720] =	vst v63  }
0x76: {  	s10 =	simm.s32 $0x2980  }
0x77: {  	[spmem:s3] =	stream.indirect.scatter.add.f32 [tilespmem:s15], [sflag:$0x3], $0x10, s10, s17, $0xb8;
	[tilespmem:$0xF720] =	vst v63  }
0x78: {  	s12 =	simm.s32 $0x2A00  }
0x79: {  	[spmem:s3] =	stream.indirect.scatter.add.f32 [tilespmem:s18], [sflag:$0x3], $0x10, s12, s17, $0xb8;
	[tilespmem:$0xF720] =	vst v63  }
0x7a: {  	s13 =	simm.s32 $0x2A80  }
0x7b: {  	[spmem:s3] =	stream.indirect.scatter.add.f32 [tilespmem:s19], [sflag:$0x3], $0x10, s13, s17, $0xb8;
	[tilespmem:$0xF720] =	vst v63  }
0x7c: {  	s14 =	simm.s32 $0x2B00;
	s15 =	simm.s32 $0x8000  }
0x7d: {  	[spmem:s3] =	stream.indirect.scatter.add.f32 [tilespmem:s15], [sflag:$0x3], $0x10, s14, s17, $0xb8;
	[tilespmem:$0xF720] =	vst v63  }
0x7e: {  	s18 =	simm.s32 $0x2B80;
	s19 =	simm.s32 $0x8800  }
0x7f: {  	[spmem:s3] =	stream.indirect.scatter.add.f32 [tilespmem:s19], [sflag:$0x3], $0x10, s18, s17, $0xb8;
	[tilespmem:$0xF720] =	vst v63  }
0x80: {  	_ =	swait.ge [sflag:s6], $0x800  }
0x81: {  	[sflag:s6] =	ssyncset.done $0x0  }
0x82: {  	[sflag:s6] =	ssyncadd.s32 $0xFFFFF800  }
0x83: {  	_ =	swait.ge [sflag:s6], $0x800  }
0x84: {  	[sflag:s6] =	ssyncset.done $0x0  }
0x85: {  	[sflag:s6] =	ssyncadd.s32 $0xFFFFF800  }
0x86: {  	_ =	swait.ge [sflag:s6], $0x800  }
0x87: {  	[sflag:s6] =	ssyncset.done $0x0  }
0x88: {  	[sflag:s6] =	ssyncadd.s32 $0xFFFFF800  }
0x89: {  	_ =	swait.ge [sflag:s6], $0x800  }
0x8a: {  	[sflag:s6] =	ssyncset.done $0x0  }
0x8b: {  	[sflag:s6] =	ssyncadd.s32 $0xFFFFF800  }
0x8c: {  	_ =	swait.ge [sflag:s6], $0x800  }
0x8d: {  	[sflag:s6] =	ssyncset.done $0x0  }
0x8e: {  	[sflag:s6] =	ssyncadd.s32 $0xFFFFF800  }
0x8f: {  	_ =	swait.ge [sflag:s6], $0x800  }
0x90: {  	[sflag:s6] =	ssyncset.done $0x0  }
0x91: {  	[sflag:s6] =	ssyncadd.s32 $0xFFFFF800  }
0x92: {  	_ =	swait.ge [sflag:s6], $0x800  }
0x93: {  	[sflag:s6] =	ssyncset.done $0x0  }
0x94: {  	[sflag:s6] =	ssyncadd.s32 $0xFFFFF800  }
0x95: {  	_ =	swait.ge [sflag:s6], $0x800  }
0x96: {  	[sflag:s6] =	ssyncset.done $0x0  }
0x97: {  	s8 =	simm.s32 $0x2C00;
	[sflag:s6] =	ssyncadd.s32 $0xFFFFF800  }
0x98: {  	[spmem:s3] =	stream.indirect.scatter.add.f32 [tilespmem:s2], [sflag:$0x4], $0x10, s8, s17, $0xb8;
	[tilespmem:$0xF720] =	vst v63  }
0x99: {  	s10 =	simm.s32 $0x2C80  }
0x9a: {  	[spmem:s3] =	stream.indirect.scatter.add.f32 [tilespmem:s16], [sflag:$0x4], $0x10, s10, s17, $0xb8;
	[tilespmem:$0xF720] =	vst v63  }
0x9b: {  	s12 =	simm.s32 $0x2D00  }
0x9c: {  	[spmem:s3] =	stream.indirect.scatter.add.f32 [tilespmem:s20], [sflag:$0x4], $0x10, s12, s17, $0xb8;
	[tilespmem:$0xF720] =	vst v63  }
0x9d: {  	s13 =	simm.s32 $0x2D80  }
0x9e: {  	[spmem:s3] =	stream.indirect.scatter.add.f32 [tilespmem:s22], [sflag:$0x4], $0x10, s13, s17, $0xb8;
	[tilespmem:$0xF720] =	vst v63  }
0x9f: {  	s14 =	simm.s32 $0x2E00  }
0xa0: {  	[spmem:s3] =	stream.indirect.scatter.add.f32 [tilespmem:s24], [sflag:$0x4], $0x10, s14, s17, $0xb8;
	[tilespmem:$0xF720] =	vst v63  }
0xa1: {  	s15 =	simm.s32 $0x2E80  }
0xa2: {  	[spmem:s3] =	stream.indirect.scatter.add.f32 [tilespmem:s26], [sflag:$0x4], $0x10, s15, s17, $0xb8;
	[tilespmem:$0xF720] =	vst v63  }
0xa3: {  	s18 =	simm.s32 $0x2F00  }
0xa4: {  	[spmem:s3] =	stream.indirect.scatter.add.f32 [tilespmem:s29], [sflag:$0x4], $0x10, s18, s17, $0xb8;
	[tilespmem:$0xF720] =	vst v63  }
0xa5: {  	s19 =	simm.s32 $0x2F80  }
0xa6: {  	[spmem:s3] =	stream.indirect.scatter.add.f32 [tilespmem:s31], [sflag:$0x4], $0x10, s19, s17, $0xb8;
	[tilespmem:$0xF720] =	vst v63  }
0xa7: {  	_ =	swait.ge [sflag:s7], $0x800  }
0xa8: {  	[sflag:s7] =	ssyncset.done $0x0  }
0xa9: {  	[sflag:s7] =	ssyncadd.s32 $0xFFFFF800  }
0xaa: {  	_ =	swait.ge [sflag:s7], $0x800  }
0xab: {  	[sflag:s7] =	ssyncset.done $0x0  }
0xac: {  	[sflag:s7] =	ssyncadd.s32 $0xFFFFF800  }
0xad: {  	_ =	swait.ge [sflag:s7], $0x800  }
0xae: {  	[sflag:s7] =	ssyncset.done $0x0  }
0xaf: {  	[sflag:s7] =	ssyncadd.s32 $0xFFFFF800  }
0xb0: {  	_ =	swait.ge [sflag:s7], $0x800  }
0xb1: {  	[sflag:s7] =	ssyncset.done $0x0  }
0xb2: {  	[sflag:s7] =	ssyncadd.s32 $0xFFFFF800  }
0xb3: {  	_ =	swait.ge [sflag:s7], $0x800  }
0xb4: {  	[sflag:s7] =	ssyncset.done $0x0  }
0xb5: {  	[sflag:s7] =	ssyncadd.s32 $0xFFFFF800  }
0xb6: {  	_ =	swait.ge [sflag:s7], $0x800  }
0xb7: {  	[sflag:s7] =	ssyncset.done $0x0  }
0xb8: {  	[sflag:s7] =	ssyncadd.s32 $0xFFFFF800  }
0xb9: {  	_ =	swait.ge [sflag:s7], $0x800  }
0xba: {  	[sflag:s7] =	ssyncset.done $0x0  }
0xbb: {  	[sflag:s7] =	ssyncadd.s32 $0xFFFFF800  }
0xbc: {  	p0 =	por $0x0, $0x0;
	_ =	swait.ge [sflag:s7], $0x800  }
0xbd: {  	s11 =	simm.s32 @!p0 $0x5000;
	[sflag:s7] =	ssyncset.done $0x0  }
0xbe: {  	s12 =	simm.s32 @!p0 $0x800;
	s13 =	simm.s32 @!p0 $0x80;
	[sflag:s7] =	ssyncadd.s32 $0xFFFFF800  }
0xbf: {  	[tilespmem:s11], [sflag:$0x1] =	stream.indirect.gather @!p0 [hbm4b:s5+s13], $0x10, s12, s13, $0xb8;
	[tilespmem:$0xF720] =	vst v63  }
0xc0: {  	s11 =	simm.s32 @!p0 $0x880;
	s12 =	simm.s32 @!p0 $0x5800  }
0xc1: {  	[tilespmem:s12], [sflag:$0x1] =	stream.indirect.gather @!p0 [hbm4b:s5+s13], $0x10, s11, s13, $0xb8;
	[tilespmem:$0xF720] =	vst v63  }
0xc2: {  	s11 =	simm.s32 @!p0 $0x900;
	s12 =	simm.s32 @!p0 $0x6000  }
0xc3: {  	[tilespmem:s12], [sflag:$0x1] =	stream.indirect.gather @!p0 [hbm4b:s5+s13], $0x10, s11, s13, $0xb8;
	[tilespmem:$0xF720] =	vst v63  }
0xc4: {  	s11 =	simm.s32 @!p0 $0x980;
	s12 =	simm.s32 @!p0 $0x6800  }
0xc5: {  	[tilespmem:s12], [sflag:$0x1] =	stream.indirect.gather @!p0 [hbm4b:s5+s13], $0x10, s11, s13, $0xb8;
	[tilespmem:$0xF720] =	vst v63  }
0xc6: {  	s11 =	simm.s32 @!p0 $0xA00;
	s12 =	simm.s32 @!p0 $0x7000  }
0xc7: {  	[tilespmem:s12], [sflag:$0x1] =	stream.indirect.gather @!p0 [hbm4b:s5+s13], $0x10, s11, s13, $0xb8;
	[tilespmem:$0xF720] =	vst v63  }
0xc8: {  	s11 =	simm.s32 @!p0 $0xA80;
	s12 =	simm.s32 @!p0 $0x7800  }
0xc9: {  	[tilespmem:s12], [sflag:$0x1] =	stream.indirect.gather @!p0 [hbm4b:s5+s13], $0x10, s11, s13, $0xb8;
	[tilespmem:$0xF720] =	vst v63  }
0xca: {  	s11 =	simm.s32 @!p0 $0xB00;
	s12 =	simm.s32 @!p0 $0x8000  }
0xcb: {  	[tilespmem:s12], [sflag:$0x1] =	stream.indirect.gather @!p0 [hbm4b:s5+s13], $0x10, s11, s13, $0xb8;
	[tilespmem:$0xF720] =	vst v63  }
0xcc: {  	s11 =	simm.s32 @!p0 $0xB80;
	s12 =	simm.s32 @!p0 $0x8800  }
0xcd: {  	[tilespmem:s12], [sflag:$0x1] =	stream.indirect.gather @!p0 [hbm4b:s5+s13], $0x10, s11, s13, $0xb8;
	[tilespmem:$0xF720] =	vst v63  }
0xce: {  	_ =	swait.ge [sflag:s9], $0x800  }
0xcf: {  	[sflag:s9] =	ssyncset.done $0x0  }
0xd0: {  	[sflag:s9] =	ssyncadd.s32 $0xFFFFF800  }
0xd1: {  	_ =	swait.ge [sflag:s9], $0x800  }
0xd2: {  	[sflag:s9] =	ssyncset.done $0x0  }
0xd3: {  	[sflag:s9] =	ssyncadd.s32 $0xFFFFF800  }
0xd4: {  	_ =	swait.ge [sflag:s9], $0x800  }
0xd5: {  	[sflag:s9] =	ssyncset.done $0x0  }
0xd6: {  	[sflag:s9] =	ssyncadd.s32 $0xFFFFF800  }
0xd7: {  	_ =	swait.ge [sflag:s9], $0x800  }
0xd8: {  	[sflag:s9] =	ssyncset.done $0x0  }
0xd9: {  	[sflag:s9] =	ssyncadd.s32 $0xFFFFF800  }
0xda: {  	_ =	swait.ge [sflag:s9], $0x800  }
0xdb: {  	[sflag:s9] =	ssyncset.done $0x0  }
0xdc: {  	[sflag:s9] =	ssyncadd.s32 $0xFFFFF800  }
0xdd: {  	_ =	swait.ge [sflag:s9], $0x800  }
0xde: {  	[sflag:s9] =	ssyncset.done $0x0  }
0xdf: {  	[sflag:s9] =	ssyncadd.s32 $0xFFFFF800  }
0xe0: {  	_ =	swait.ge [sflag:s9], $0x800  }
0xe1: {  	[sflag:s9] =	ssyncset.done $0x0  }
0xe2: {  	[sflag:s9] =	ssyncadd.s32 $0xFFFFF800  }
0xe3: {  	s0 =	simm.s32 $0x7800;
	s11 =	simm.s32 $0x2000;
	_ =	swait.ge [sflag:s9], $0x800  }
0xe4: {  	s12 =	simm.s32 $0x4000;
	s13 =	simm.s32 $0x800;
	[sflag:s9] =	ssyncset.done $0x0  }
.LBB2_2:
0xe5: {  	s4 =	sadd.s32 $0x400, s13  }
0xe6: {  	[sflag:s9] =	ssyncadd.s32 $0xFFFFF800;
	s14 =	smov.u32 s12;
	s12 =	sadd.s32 $0x2000, s12  }
0xe7: {  	[tilespmem:s2], [sflag:$0x2] =	stream.indirect.gather [hbm4b:s5+s17], $0x10, s4, s17, $0xb8;
	[tilespmem:$0xF720] =	vst v63  }
0xe8: {  	p0 =	sne.s32 s12, $0xA000;
	s4 =	sadd.s32 $0x480, s13  }
0xe9: {  	[tilespmem:s16], [sflag:$0x2] =	stream.indirect.gather [hbm4b:s5+s17], $0x10, s4, s17, $0xb8;
	[tilespmem:$0xF720] =	vst v63  }
0xea: {  	s4 =	sadd.s32 $0x500, s13  }
0xeb: {  	[tilespmem:s20], [sflag:$0x2] =	stream.indirect.gather [hbm4b:s5+s17], $0x10, s4, s17, $0xb8;
	[tilespmem:$0xF720] =	vst v63  }
0xec: {  	s4 =	sadd.s32 $0x580, s13  }
0xed: {  	[tilespmem:s22], [sflag:$0x2] =	stream.indirect.gather [hbm4b:s5+s17], $0x10, s4, s17, $0xb8;
	[tilespmem:$0xF720] =	vst v63  }
0xee: {  	s4 =	sadd.s32 $0x600, s13  }
0xef: {  	[tilespmem:s24], [sflag:$0x2] =	stream.indirect.gather [hbm4b:s5+s17], $0x10, s4, s17, $0xb8;
	[tilespmem:$0xF720] =	vst v63  }
0xf0: {  	s4 =	sadd.s32 $0x680, s13  }
0xf1: {  	[tilespmem:s26], [sflag:$0x2] =	stream.indirect.gather [hbm4b:s5+s17], $0x10, s4, s17, $0xb8;
	[tilespmem:$0xF720] =	vst v63  }
0xf2: {  	s4 =	sadd.s32 $0x700, s13  }
0xf3: {  	[tilespmem:s29], [sflag:$0x2] =	stream.indirect.gather [hbm4b:s5+s17], $0x10, s4, s17, $0xb8;
	[tilespmem:$0xF720] =	vst v63  }
0xf4: {  	s4 =	sadd.s32 $0x780, s13  }
0xf5: {  	[tilespmem:s31], [sflag:$0x2] =	stream.indirect.gather [hbm4b:s5+s17], $0x10, s4, s17, $0xb8;
	[tilespmem:$0xF720] =	vst v63  }
0xf6: {  	_ =	swait.ge [sflag:s1], $0x800  }
0xf7: {  	[sflag:s1] =	ssyncset.done $0x0  }
0xf8: {  	[sflag:s1] =	ssyncadd.s32 $0xFFFFF800  }
0xf9: {  	_ =	swait.ge [sflag:s1], $0x800  }
0xfa: {  	[sflag:s1] =	ssyncset.done $0x0  }
0xfb: {  	[sflag:s1] =	ssyncadd.s32 $0xFFFFF800  }
0xfc: {  	_ =	swait.ge [sflag:s1], $0x800  }
0xfd: {  	[sflag:s1] =	ssyncset.done $0x0  }
0xfe: {  	[sflag:s1] =	ssyncadd.s32 $0xFFFFF800  }
0xff: {  	_ =	swait.ge [sflag:s1], $0x800  }
0x100: {  	[sflag:s1] =	ssyncset.done $0x0  }
0x101: {  	[sflag:s1] =	ssyncadd.s32 $0xFFFFF800  }
0x102: {  	_ =	swait.ge [sflag:s1], $0x800  }
0x103: {  	[sflag:s1] =	ssyncset.done $0x0  }
0x104: {  	[sflag:s1] =	ssyncadd.s32 $0xFFFFF800  }
0x105: {  	_ =	swait.ge [sflag:s1], $0x800  }
0x106: {  	[sflag:s1] =	ssyncset.done $0x0  }
0x107: {  	[sflag:s1] =	ssyncadd.s32 $0xFFFFF800  }
0x108: {  	_ =	swait.ge [sflag:s1], $0x800  }
0x109: {  	[sflag:s1] =	ssyncset.done $0x0  }
0x10a: {  	[sflag:s1] =	ssyncadd.s32 $0xFFFFF800  }
0x10b: {  	_ =	swait.ge [sflag:s1], $0x800  }
0x10c: {  	[sflag:s1] =	ssyncset.done $0x0  }
0x10d: {  	s4 =	sadd.s32 $0x2800, s13;
	[sflag:s1] =	ssyncadd.s32 $0xFFFFF800  }
0x10e: {  	[spmem:s3] =	stream.indirect.scatter.add.f32 [tilespmem:s21], [sflag:$0x3], $0x10, s4, s17, $0xb8;
	[tilespmem:$0xF720] =	vst v63  }
0x10f: {  	s4 =	sadd.s32 $0x2880, s13  }
0x110: {  	[spmem:s3] =	stream.indirect.scatter.add.f32 [tilespmem:s23], [sflag:$0x3], $0x10, s4, s17, $0xb8;
	[tilespmem:$0xF720] =	vst v63  }
0x111: {  	s4 =	sadd.s32 $0x2900, s13  }
0x112: {  	[spmem:s3] =	stream.indirect.scatter.add.f32 [tilespmem:s25], [sflag:$0x3], $0x10, s4, s17, $0xb8;
	[tilespmem:$0xF720] =	vst v63  }
0x113: {  	s4 =	sadd.s32 $0x2980, s13  }
0x114: {  	[spmem:s3] =	stream.indirect.scatter.add.f32 [tilespmem:s28], [sflag:$0x3], $0x10, s4, s17, $0xb8;
	[tilespmem:$0xF720] =	vst v63  }
0x115: {  	s4 =	sadd.s32 $0x2A00, s13  }
0x116: {  	[spmem:s3] =	stream.indirect.scatter.add.f32 [tilespmem:s30], [sflag:$0x3], $0x10, s4, s17, $0xb8;
	[tilespmem:$0xF720] =	vst v63  }
0x117: {  	s4 =	sadd.s32 $0x2A80, s13  }
0x118: {  	[spmem:s3] =	stream.indirect.scatter.add.f32 [tilespmem:s0], [sflag:$0x3], $0x10, s4, s17, $0xb8;
	[tilespmem:$0xF720] =	vst v63  }
0x119: {  	s8 =	simm.s32 $0x8000;
	s4 =	sadd.s32 $0x2B00, s13  }
0x11a: {  	[spmem:s3] =	stream.indirect.scatter.add.f32 [tilespmem:s8], [sflag:$0x3], $0x10, s4, s17, $0xb8;
	[tilespmem:$0xF720] =	vst v63  }
0x11b: {  	s4 =	sadd.s32 $0x2B80, s13;
	s8 =	simm.s32 $0x8800  }
0x11c: {  	[spmem:s3] =	stream.indirect.scatter.add.f32 [tilespmem:s8], [sflag:$0x3], $0x10, s4, s17, $0xb8;
	[tilespmem:$0xF720] =	vst v63  }
0x11d: {  	_ =	swait.ge [sflag:s6], $0x800  }
0x11e: {  	[sflag:s6] =	ssyncset.done $0x0  }
0x11f: {  	[sflag:s6] =	ssyncadd.s32 $0xFFFFF800  }
0x120: {  	_ =	swait.ge [sflag:s6], $0x800  }
0x121: {  	[sflag:s6] =	ssyncset.done $0x0  }
0x122: {  	[sflag:s6] =	ssyncadd.s32 $0xFFFFF800  }
0x123: {  	_ =	swait.ge [sflag:s6], $0x800  }
0x124: {  	[sflag:s6] =	ssyncset.done $0x0  }
0x125: {  	[sflag:s6] =	ssyncadd.s32 $0xFFFFF800  }
0x126: {  	_ =	swait.ge [sflag:s6], $0x800  }
0x127: {  	[sflag:s6] =	ssyncset.done $0x0  }
0x128: {  	[sflag:s6] =	ssyncadd.s32 $0xFFFFF800  }
0x129: {  	_ =	swait.ge [sflag:s6], $0x800  }
0x12a: {  	[sflag:s6] =	ssyncset.done $0x0  }
0x12b: {  	[sflag:s6] =	ssyncadd.s32 $0xFFFFF800  }
0x12c: {  	_ =	swait.ge [sflag:s6], $0x800  }
0x12d: {  	[sflag:s6] =	ssyncset.done $0x0  }
0x12e: {  	[sflag:s6] =	ssyncadd.s32 $0xFFFFF800  }
0x12f: {  	_ =	swait.ge [sflag:s6], $0x800  }
0x130: {  	[sflag:s6] =	ssyncset.done $0x0  }
0x131: {  	[sflag:s6] =	ssyncadd.s32 $0xFFFFF800  }
0x132: {  	_ =	swait.ge [sflag:s6], $0x800  }
0x133: {  	[sflag:s6] =	ssyncset.done $0x0  }
0x134: {  	s4 =	sadd.s32 $0x2C00, s13;
	[sflag:s6] =	ssyncadd.s32 $0xFFFFF800  }
0x135: {  	[spmem:s3] =	stream.indirect.scatter.add.f32 [tilespmem:s2], [sflag:$0x4], $0x10, s4, s17, $0xb8;
	[tilespmem:$0xF720] =	vst v63  }
0x136: {  	s4 =	sadd.s32 $0x2C80, s13  }
0x137: {  	[spmem:s3] =	stream.indirect.scatter.add.f32 [tilespmem:s16], [sflag:$0x4], $0x10, s4, s17, $0xb8;
	[tilespmem:$0xF720] =	vst v63  }
0x138: {  	s4 =	sadd.s32 $0x2D00, s13  }
0x139: {  	[spmem:s3] =	stream.indirect.scatter.add.f32 [tilespmem:s20], [sflag:$0x4], $0x10, s4, s17, $0xb8;
	[tilespmem:$0xF720] =	vst v63  }
0x13a: {  	s4 =	sadd.s32 $0x2D80, s13  }
0x13b: {  	[spmem:s3] =	stream.indirect.scatter.add.f32 [tilespmem:s22], [sflag:$0x4], $0x10, s4, s17, $0xb8;
	[tilespmem:$0xF720] =	vst v63  }
0x13c: {  	s4 =	sadd.s32 $0x2E00, s13  }
0x13d: {  	[spmem:s3] =	stream.indirect.scatter.add.f32 [tilespmem:s24], [sflag:$0x4], $0x10, s4, s17, $0xb8;
	[tilespmem:$0xF720] =	vst v63  }
0x13e: {  	s4 =	sadd.s32 $0x2E80, s13  }
0x13f: {  	[spmem:s3] =	stream.indirect.scatter.add.f32 [tilespmem:s26], [sflag:$0x4], $0x10, s4, s17, $0xb8;
	[tilespmem:$0xF720] =	vst v63  }
0x140: {  	s4 =	sadd.s32 $0x2F00, s13  }
0x141: {  	[spmem:s3] =	stream.indirect.scatter.add.f32 [tilespmem:s29], [sflag:$0x4], $0x10, s4, s17, $0xb8;
	[tilespmem:$0xF720] =	vst v63  }
0x142: {  	s4 =	sadd.s32 $0x2F80, s13  }
0x143: {  	[spmem:s3] =	stream.indirect.scatter.add.f32 [tilespmem:s31], [sflag:$0x4], $0x10, s4, s17, $0xb8;
	[tilespmem:$0xF720] =	vst v63  }
0x144: {  	_ =	swait.ge [sflag:s7], $0x800  }
0x145: {  	[sflag:s7] =	ssyncset.done $0x0  }
0x146: {  	[sflag:s7] =	ssyncadd.s32 $0xFFFFF800  }
0x147: {  	_ =	swait.ge [sflag:s7], $0x800  }
0x148: {  	[sflag:s7] =	ssyncset.done $0x0  }
0x149: {  	[sflag:s7] =	ssyncadd.s32 $0xFFFFF800  }
0x14a: {  	_ =	swait.ge [sflag:s7], $0x800  }
0x14b: {  	[sflag:s7] =	ssyncset.done $0x0  }
0x14c: {  	[sflag:s7] =	ssyncadd.s32 $0xFFFFF800  }
0x14d: {  	_ =	swait.ge [sflag:s7], $0x800  }
0x14e: {  	[sflag:s7] =	ssyncset.done $0x0  }
0x14f: {  	[sflag:s7] =	ssyncadd.s32 $0xFFFFF800  }
0x150: {  	_ =	swait.ge [sflag:s7], $0x800  }
0x151: {  	[sflag:s7] =	ssyncset.done $0x0  }
0x152: {  	[sflag:s7] =	ssyncadd.s32 $0xFFFFF800  }
0x153: {  	_ =	swait.ge [sflag:s7], $0x800  }
0x154: {  	[sflag:s7] =	ssyncset.done $0x0  }
0x155: {  	[sflag:s7] =	ssyncadd.s32 $0xFFFFF800  }
0x156: {  	_ =	swait.ge [sflag:s7], $0x800  }
0x157: {  	[sflag:s7] =	ssyncset.done $0x0  }
0x158: {  	[sflag:s7] =	ssyncadd.s32 $0xFFFFF800  }
0x159: {  	p1 =	seq.s32 s11, $0x8000;
	_ =	swait.ge [sflag:s7], $0x800  }
0x15a: {  	s4 =	sshra.s32 @!p1 s11, $0x2;
	s11 =	simm.s32 @!p1 $0x5000;
	[sflag:s7] =	ssyncset.done $0x0  }
0x15b: {  	s8 =	simm.s32 @!p1 $0x80;
	s13 =	sadd.s32 @!p1 $0x800, s4;
	[sflag:s7] =	ssyncadd.s32 $0xFFFFF800  }
0x15c: {  	[tilespmem:s11], [sflag:$0x1] =	stream.indirect.gather @!p1 [hbm4b:s5+s8], $0x10, s13, s8, $0xb8;
	[tilespmem:$0xF720] =	vst v63  }
0x15d: {  	s10 =	sadd.s32 @!p1 $0x900, s4;
	s11 =	sadd.s32 @!p1 $0x880, s4;
	s13 =	simm.s32 @!p1 $0x5800  }
0x15e: {  	[tilespmem:s13], [sflag:$0x1] =	stream.indirect.gather @!p1 [hbm4b:s5+s8], $0x10, s11, s8, $0xb8;
	[tilespmem:$0xF720] =	vst v63  }
0x15f: {  	s15 =	sadd.s32 @!p1 $0xA00, s4;
	s11 =	simm.s32 @!p1 $0x6000;
	s13 =	sadd.s32 @!p1 $0x980, s4  }
0x160: {  	[tilespmem:s11], [sflag:$0x1] =	stream.indirect.gather @!p1 [hbm4b:s5+s8], $0x10, s10, s8, $0xb8;
	[tilespmem:$0xF720] =	vst v63  }
0x161: {  	s18 =	sadd.s32 @!p1 $0xA80, s4;
	s19 =	sadd.s32 @!p1 $0xB00, s4;
	s10 =	simm.s32 @!p1 $0x6800  }
0x162: {  	[tilespmem:s10], [sflag:$0x1] =	stream.indirect.gather @!p1 [hbm4b:s5+s8], $0x10, s13, s8, $0xb8;
	[tilespmem:$0xF720] =	vst v63  }
0x163: {  	s4 =	sadd.s32 @!p1 $0xB80, s4;
	s11 =	smov.u32 s14;
	s10 =	simm.s32 @!p1 $0x7000  }
0x164: {  	[tilespmem:s10], [sflag:$0x1] =	stream.indirect.gather @!p1 [hbm4b:s5+s8], $0x10, s15, s8, $0xb8;
	[tilespmem:$0xF720] =	vst v63  }
0x165: {  	s10 =	simm.s32 @!p1 $0x7800  }
0x166: {  	[tilespmem:s10], [sflag:$0x1] =	stream.indirect.gather @!p1 [hbm4b:s5+s8], $0x10, s18, s8, $0xb8;
	[tilespmem:$0xF720] =	vst v63  }
0x167: {  	s10 =	simm.s32 @!p1 $0x8000  }
0x168: {  	[tilespmem:s10], [sflag:$0x1] =	stream.indirect.gather @!p1 [hbm4b:s5+s8], $0x10, s19, s8, $0xb8;
	[tilespmem:$0xF720] =	vst v63  }
0x169: {  	s10 =	simm.s32 @!p1 $0x8800  }
0x16a: {  	[tilespmem:s10], [sflag:$0x1] =	stream.indirect.gather @!p1 [hbm4b:s5+s8], $0x10, s4, s8, $0xb8;
	[tilespmem:$0xF720] =	vst v63  }
0x16b: {  	_ =	swait.ge [sflag:s9], $0x800  }
0x16c: {  	[sflag:s9] =	ssyncset.done $0x0  }
0x16d: {  	[sflag:s9] =	ssyncadd.s32 $0xFFFFF800  }
0x16e: {  	_ =	swait.ge [sflag:s9], $0x800  }
0x16f: {  	[sflag:s9] =	ssyncset.done $0x0  }
0x170: {  	[sflag:s9] =	ssyncadd.s32 $0xFFFFF800  }
0x171: {  	_ =	swait.ge [sflag:s9], $0x800  }
0x172: {  	[sflag:s9] =	ssyncset.done $0x0  }
0x173: {  	[sflag:s9] =	ssyncadd.s32 $0xFFFFF800  }
0x174: {  	_ =	swait.ge [sflag:s9], $0x800  }
0x175: {  	[sflag:s9] =	ssyncset.done $0x0  }
0x176: {  	[sflag:s9] =	ssyncadd.s32 $0xFFFFF800  }
0x177: {  	_ =	swait.ge [sflag:s9], $0x800  }
0x178: {  	[sflag:s9] =	ssyncset.done $0x0  }
0x179: {  	[sflag:s9] =	ssyncadd.s32 $0xFFFFF800  }
0x17a: {  	_ =	swait.ge [sflag:s9], $0x800  }
0x17b: {  	[sflag:s9] =	ssyncset.done $0x0  }
0x17c: {  	[sflag:s9] =	ssyncadd.s32 $0xFFFFF800  }
.Ltmp0:
0x17d: {  	_ =	swait.ge [sflag:s9], $0x800;
	(pc) =	sbr.rel @p0 .LBB2_2-.Ltmp0, $4  }
0x17e: {  	[sflag:s9] =	ssyncset.done $0x0  }
0x17f: {  	[sflag:s9] =	ssyncadd.s32 $0xFFFFF800  }
0x180: {  	_ =	swait.ge [sflag:s9], $0x800  }
0x181: {  	s13 =	sshra.s32 s11, $0x2;
	[sflag:s9] =	ssyncset.done $0x0  }
0x182: {  	s4 =	sadd.s32 $0x400, s13;
	[sflag:s9] =	ssyncadd.s32 $0xFFFFF800  }
0x183: {  	[tilespmem:s2], [sflag:$0x2] =	stream.indirect.gather [hbm4b:s5+s17], $0x10, s4, s17, $0xb8;
	[tilespmem:$0xF720] =	vst v63  }
0x184: {  	s10 =	sadd.s32 $0x480, s13  }
0x185: {  	[tilespmem:s16], [sflag:$0x2] =	stream.indirect.gather [hbm4b:s5+s17], $0x10, s10, s17, $0xb8;
	[tilespmem:$0xF720] =	vst v63  }
0x186: {  	s12 =	sadd.s32 $0x500, s13  }
0x187: {  	[tilespmem:s20], [sflag:$0x2] =	stream.indirect.gather [hbm4b:s5+s17], $0x10, s12, s17, $0xb8;
	[tilespmem:$0xF720] =	vst v63  }
0x188: {  	s14 =	sadd.s32 $0x580, s13  }
0x189: {  	[tilespmem:s22], [sflag:$0x2] =	stream.indirect.gather [hbm4b:s5+s17], $0x10, s14, s17, $0xb8;
	[tilespmem:$0xF720] =	vst v63  }
0x18a: {  	s15 =	sadd.s32 $0x600, s13  }
0x18b: {  	[tilespmem:s24], [sflag:$0x2] =	stream.indirect.gather [hbm4b:s5+s17], $0x10, s15, s17, $0xb8;
	[tilespmem:$0xF720] =	vst v63  }
0x18c: {  	s18 =	sadd.s32 $0x680, s13  }
0x18d: {  	[tilespmem:s26], [sflag:$0x2] =	stream.indirect.gather [hbm4b:s5+s17], $0x10, s18, s17, $0xb8;
	[tilespmem:$0xF720] =	vst v63  }
0x18e: {  	s19 =	sadd.s32 $0x700, s13  }
0x18f: {  	[tilespmem:s29], [sflag:$0x2] =	stream.indirect.gather [hbm4b:s5+s17], $0x10, s19, s17, $0xb8;
	[tilespmem:$0xF720] =	vst v63  }
0x190: {  	s8 =	sadd.s32 $0x780, s13  }
0x191: {  	[tilespmem:s31], [sflag:$0x2] =	stream.indirect.gather [hbm4b:s5+s17], $0x10, s8, s17, $0xb8;
	[tilespmem:$0xF720] =	vst v63  }
0x192: {  	_ =	swait.ge [sflag:s1], $0x800  }
0x193: {  	[sflag:s1] =	ssyncset.done $0x0  }
0x194: {  	[sflag:s1] =	ssyncadd.s32 $0xFFFFF800  }
0x195: {  	_ =	swait.ge [sflag:s1], $0x800  }
0x196: {  	[sflag:s1] =	ssyncset.done $0x0  }
0x197: {  	[sflag:s1] =	ssyncadd.s32 $0xFFFFF800  }
0x198: {  	_ =	swait.ge [sflag:s1], $0x800  }
0x199: {  	[sflag:s1] =	ssyncset.done $0x0  }
0x19a: {  	[sflag:s1] =	ssyncadd.s32 $0xFFFFF800  }
0x19b: {  	_ =	swait.ge [sflag:s1], $0x800  }
0x19c: {  	[sflag:s1] =	ssyncset.done $0x0  }
0x19d: {  	[sflag:s1] =	ssyncadd.s32 $0xFFFFF800  }
0x19e: {  	_ =	swait.ge [sflag:s1], $0x800  }
0x19f: {  	[sflag:s1] =	ssyncset.done $0x0  }
0x1a0: {  	[sflag:s1] =	ssyncadd.s32 $0xFFFFF800  }
0x1a1: {  	_ =	swait.ge [sflag:s1], $0x800  }
0x1a2: {  	[sflag:s1] =	ssyncset.done $0x0  }
0x1a3: {  	[sflag:s1] =	ssyncadd.s32 $0xFFFFF800  }
0x1a4: {  	_ =	swait.ge [sflag:s1], $0x800  }
0x1a5: {  	[sflag:s1] =	ssyncset.done $0x0  }
0x1a6: {  	[sflag:s1] =	ssyncadd.s32 $0xFFFFF800  }
0x1a7: {  	_ =	swait.ge [sflag:s1], $0x800  }
0x1a8: {  	[sflag:s1] =	ssyncset.done $0x0  }
0x1a9: {  	s10 =	sadd.s32 $0x2800, s13;
	[sflag:s1] =	ssyncadd.s32 $0xFFFFF800  }
0x1aa: {  	[spmem:s3] =	stream.indirect.scatter.add.f32 [tilespmem:s21], [sflag:$0x3], $0x10, s10, s17, $0xb8;
	[tilespmem:$0xF720] =	vst v63  }
0x1ab: {  	s12 =	sadd.s32 $0x2880, s13  }
0x1ac: {  	[spmem:s3] =	stream.indirect.scatter.add.f32 [tilespmem:s23], [sflag:$0x3], $0x10, s12, s17, $0xb8;
	[tilespmem:$0xF720] =	vst v63  }
0x1ad: {  	s14 =	sadd.s32 $0x2900, s13  }
0x1ae: {  	[spmem:s3] =	stream.indirect.scatter.add.f32 [tilespmem:s25], [sflag:$0x3], $0x10, s14, s17, $0xb8;
	[tilespmem:$0xF720] =	vst v63  }
0x1af: {  	s15 =	sadd.s32 $0x2980, s13  }
0x1b0: {  	[spmem:s3] =	stream.indirect.scatter.add.f32 [tilespmem:s28], [sflag:$0x3], $0x10, s15, s17, $0xb8;
	[tilespmem:$0xF720] =	vst v63  }
0x1b1: {  	s18 =	sadd.s32 $0x2A00, s13  }
0x1b2: {  	[spmem:s3] =	stream.indirect.scatter.add.f32 [tilespmem:s30], [sflag:$0x3], $0x10, s18, s17, $0xb8;
	[tilespmem:$0xF720] =	vst v63  }
0x1b3: {  	s19 =	sadd.s32 $0x2A80, s13  }
0x1b4: {  	[spmem:s3] =	stream.indirect.scatter.add.f32 [tilespmem:s0], [sflag:$0x3], $0x10, s19, s17, $0xb8;
	[tilespmem:$0xF720] =	vst v63  }
0x1b5: {  	s8 =	simm.s32 $0x8000;
	s0 =	sadd.s32 $0x2B00, s13  }
0x1b6: {  	[spmem:s3] =	stream.indirect.scatter.add.f32 [tilespmem:s8], [sflag:$0x3], $0x10, s0, s17, $0xb8;
	[tilespmem:$0xF720] =	vst v63  }
0x1b7: {  	s10 =	sadd.s32 $0x2B80, s13;
	s12 =	simm.s32 $0x8800  }
0x1b8: {  	[spmem:s3] =	stream.indirect.scatter.add.f32 [tilespmem:s12], [sflag:$0x3], $0x10, s10, s17, $0xb8;
	[tilespmem:$0xF720] =	vst v63  }
0x1b9: {  	_ =	swait.ge [sflag:s6], $0x800  }
0x1ba: {  	[sflag:s6] =	ssyncset.done $0x0  }
0x1bb: {  	[sflag:s6] =	ssyncadd.s32 $0xFFFFF800  }
0x1bc: {  	_ =	swait.ge [sflag:s6], $0x800  }
0x1bd: {  	[sflag:s6] =	ssyncset.done $0x0  }
0x1be: {  	[sflag:s6] =	ssyncadd.s32 $0xFFFFF800  }
0x1bf: {  	_ =	swait.ge [sflag:s6], $0x800  }
0x1c0: {  	[sflag:s6] =	ssyncset.done $0x0  }
0x1c1: {  	[sflag:s6] =	ssyncadd.s32 $0xFFFFF800  }
0x1c2: {  	_ =	swait.ge [sflag:s6], $0x800  }
0x1c3: {  	[sflag:s6] =	ssyncset.done $0x0  }
0x1c4: {  	[sflag:s6] =	ssyncadd.s32 $0xFFFFF800  }
0x1c5: {  	_ =	swait.ge [sflag:s6], $0x800  }
0x1c6: {  	[sflag:s6] =	ssyncset.done $0x0  }
0x1c7: {  	[sflag:s6] =	ssyncadd.s32 $0xFFFFF800  }
0x1c8: {  	_ =	swait.ge [sflag:s6], $0x800  }
0x1c9: {  	[sflag:s6] =	ssyncset.done $0x0  }
0x1ca: {  	[sflag:s6] =	ssyncadd.s32 $0xFFFFF800  }
0x1cb: {  	_ =	swait.ge [sflag:s6], $0x800  }
0x1cc: {  	[sflag:s6] =	ssyncset.done $0x0  }
0x1cd: {  	[sflag:s6] =	ssyncadd.s32 $0xFFFFF800  }
0x1ce: {  	_ =	swait.ge [sflag:s6], $0x800  }
0x1cf: {  	[sflag:s6] =	ssyncset.done $0x0  }
0x1d0: {  	s14 =	sadd.s32 $0x2C00, s13;
	[sflag:s6] =	ssyncadd.s32 $0xFFFFF800  }
0x1d1: {  	[spmem:s3] =	stream.indirect.scatter.add.f32 [tilespmem:s2], [sflag:$0x4], $0x10, s14, s17, $0xb8;
	[tilespmem:$0xF720] =	vst v63  }
0x1d2: {  	s15 =	sadd.s32 $0x2C80, s13  }
0x1d3: {  	[spmem:s3] =	stream.indirect.scatter.add.f32 [tilespmem:s16], [sflag:$0x4], $0x10, s15, s17, $0xb8;
	[tilespmem:$0xF720] =	vst v63  }
0x1d4: {  	s18 =	sadd.s32 $0x2D00, s13  }
0x1d5: {  	[spmem:s3] =	stream.indirect.scatter.add.f32 [tilespmem:s20], [sflag:$0x4], $0x10, s18, s17, $0xb8;
	[tilespmem:$0xF720] =	vst v63  }
0x1d6: {  	s19 =	sadd.s32 $0x2D80, s13  }
0x1d7: {  	[spmem:s3] =	stream.indirect.scatter.add.f32 [tilespmem:s22], [sflag:$0x4], $0x10, s19, s17, $0xb8;
	[tilespmem:$0xF720] =	vst v63  }
0x1d8: {  	s0 =	sadd.s32 $0x2E00, s13  }
0x1d9: {  	[spmem:s3] =	stream.indirect.scatter.add.f32 [tilespmem:s24], [sflag:$0x4], $0x10, s0, s17, $0xb8;
	[tilespmem:$0xF720] =	vst v63  }
0x1da: {  	s8 =	sadd.s32 $0x2E80, s13  }
0x1db: {  	[spmem:s3] =	stream.indirect.scatter.add.f32 [tilespmem:s26], [sflag:$0x4], $0x10, s8, s17, $0xb8;
	[tilespmem:$0xF720] =	vst v63  }
0x1dc: {  	s10 =	sadd.s32 $0x2F00, s13  }
0x1dd: {  	[spmem:s3] =	stream.indirect.scatter.add.f32 [tilespmem:s29], [sflag:$0x4], $0x10, s10, s17, $0xb8;
	[tilespmem:$0xF720] =	vst v63  }
0x1de: {  	s12 =	sadd.s32 $0x2F80, s13  }
0x1df: {  	[spmem:s3] =	stream.indirect.scatter.add.f32 [tilespmem:s31], [sflag:$0x4], $0x10, s12, s17, $0xb8;
	[tilespmem:$0xF720] =	vst v63  }
0x1e0: {  	_ =	swait.ge [sflag:s7], $0x800  }
0x1e1: {  	[sflag:s7] =	ssyncset.done $0x0  }
0x1e2: {  	[sflag:s7] =	ssyncadd.s32 $0xFFFFF800  }
0x1e3: {  	_ =	swait.ge [sflag:s7], $0x800  }
0x1e4: {  	[sflag:s7] =	ssyncset.done $0x0  }
0x1e5: {  	[sflag:s7] =	ssyncadd.s32 $0xFFFFF800  }
0x1e6: {  	_ =	swait.ge [sflag:s7], $0x800  }
0x1e7: {  	[sflag:s7] =	ssyncset.done $0x0  }
0x1e8: {  	[sflag:s7] =	ssyncadd.s32 $0xFFFFF800  }
0x1e9: {  	_ =	swait.ge [sflag:s7], $0x800  }
0x1ea: {  	[sflag:s7] =	ssyncset.done $0x0  }
0x1eb: {  	[sflag:s7] =	ssyncadd.s32 $0xFFFFF800  }
0x1ec: {  	_ =	swait.ge [sflag:s7], $0x800  }
0x1ed: {  	[sflag:s7] =	ssyncset.done $0x0  }
0x1ee: {  	[sflag:s7] =	ssyncadd.s32 $0xFFFFF800  }
0x1ef: {  	_ =	swait.ge [sflag:s7], $0x800  }
0x1f0: {  	[sflag:s7] =	ssyncset.done $0x0  }
0x1f1: {  	[sflag:s7] =	ssyncadd.s32 $0xFFFFF800  }
0x1f2: {  	_ =	swait.ge [sflag:s7], $0x800  }
0x1f3: {  	[sflag:s7] =	ssyncset.done $0x0  }
0x1f4: {  	[sflag:s7] =	ssyncadd.s32 $0xFFFFF800  }
0x1f5: {  	p0 =	seq.s32 s11, $0x8000;
	_ =	swait.ge [sflag:s7], $0x800  }
0x1f6: {  	s4 =	sshra.s32 @!p0 s11, $0x2;
	s11 =	simm.s32 @!p0 $0x80;
	[sflag:s7] =	ssyncset.done $0x0  }
0x1f7: {  	s8 =	simm.s32 @!p0 $0x5000;
	s10 =	sadd.s32 @!p0 $0x800, s4;
	[sflag:s7] =	ssyncadd.s32 $0xFFFFF800  }
0x1f8: {  	[tilespmem:s8], [sflag:$0x1] =	stream.indirect.gather @!p0 [hbm4b:s5+s11], $0x10, s10, s11, $0xb8;
	[tilespmem:$0xF720] =	vst v63  }
0x1f9: {  	s8 =	sadd.s32 @!p0 $0x880, s4;
	s10 =	simm.s32 @!p0 $0x5800  }
0x1fa: {  	[tilespmem:s10], [sflag:$0x1] =	stream.indirect.gather @!p0 [hbm4b:s5+s11], $0x10, s8, s11, $0xb8;
	[tilespmem:$0xF720] =	vst v63  }
0x1fb: {  	s8 =	sadd.s32 @!p0 $0x900, s4;
	s10 =	simm.s32 @!p0 $0x6000  }
0x1fc: {  	[tilespmem:s10], [sflag:$0x1] =	stream.indirect.gather @!p0 [hbm4b:s5+s11], $0x10, s8, s11, $0xb8;
	[tilespmem:$0xF720] =	vst v63  }
0x1fd: {  	s8 =	sadd.s32 @!p0 $0x980, s4;
	s10 =	simm.s32 @!p0 $0x6800  }
0x1fe: {  	[tilespmem:s10], [sflag:$0x1] =	stream.indirect.gather @!p0 [hbm4b:s5+s11], $0x10, s8, s11, $0xb8;
	[tilespmem:$0xF720] =	vst v63  }
0x1ff: {  	s8 =	sadd.s32 @!p0 $0xA00, s4;
	s10 =	simm.s32 @!p0 $0x7000  }
0x200: {  	[tilespmem:s10], [sflag:$0x1] =	stream.indirect.gather @!p0 [hbm4b:s5+s11], $0x10, s8, s11, $0xb8;
	[tilespmem:$0xF720] =	vst v63  }
0x201: {  	s8 =	sadd.s32 @!p0 $0xA80, s4;
	s10 =	simm.s32 @!p0 $0x7800  }
0x202: {  	[tilespmem:s10], [sflag:$0x1] =	stream.indirect.gather @!p0 [hbm4b:s5+s11], $0x10, s8, s11, $0xb8;
	[tilespmem:$0xF720] =	vst v63  }
0x203: {  	s8 =	sadd.s32 @!p0 $0xB00, s4;
	s10 =	simm.s32 @!p0 $0x8000  }
0x204: {  	[tilespmem:s10], [sflag:$0x1] =	stream.indirect.gather @!p0 [hbm4b:s5+s11], $0x10, s8, s11, $0xb8;
	[tilespmem:$0xF720] =	vst v63  }
0x205: {  	s4 =	sadd.s32 @!p0 $0xB80, s4;
	s8 =	simm.s32 @!p0 $0x8800  }
0x206: {  	[tilespmem:s8], [sflag:$0x1] =	stream.indirect.gather @!p0 [hbm4b:s5+s11], $0x10, s4, s11, $0xb8;
	[tilespmem:$0xF720] =	vst v63  }
0x207: {  	_ =	swait.ge [sflag:s9], $0x800  }
0x208: {  	[sflag:s9] =	ssyncset.done $0x0  }
0x209: {  	[sflag:s9] =	ssyncadd.s32 $0xFFFFF800  }
0x20a: {  	_ =	swait.ge [sflag:s9], $0x800  }
0x20b: {  	[sflag:s9] =	ssyncset.done $0x0  }
0x20c: {  	[sflag:s9] =	ssyncadd.s32 $0xFFFFF800  }
0x20d: {  	_ =	swait.ge [sflag:s9], $0x800  }
0x20e: {  	[sflag:s9] =	ssyncset.done $0x0  }
0x20f: {  	[sflag:s9] =	ssyncadd.s32 $0xFFFFF800  }
0x210: {  	_ =	swait.ge [sflag:s9], $0x800  }
0x211: {  	[sflag:s9] =	ssyncset.done $0x0  }
0x212: {  	[sflag:s9] =	ssyncadd.s32 $0xFFFFF800  }
0x213: {  	_ =	swait.ge [sflag:s9], $0x800  }
0x214: {  	[sflag:s9] =	ssyncset.done $0x0  }
0x215: {  	[sflag:s9] =	ssyncadd.s32 $0xFFFFF800  }
0x216: {  	_ =	swait.ge [sflag:s9], $0x800  }
0x217: {  	[sflag:s9] =	ssyncset.done $0x0  }
0x218: {  	[sflag:s9] =	ssyncadd.s32 $0xFFFFF800  }
0x219: {  	_ =	swait.ge [sflag:s9], $0x800  }
0x21a: {  	[sflag:s9] =	ssyncset.done $0x0  }
0x21b: {  	[sflag:s9] =	ssyncadd.s32 $0xFFFFF800  }
0x21c: {  	_ =	swait.ge [sflag:s9], $0x800  }
0x21d: {  	[sflag:s9] =	ssyncset.done $0x0  }
0x21e: {  	[sflag:s9] =	ssyncadd.s32 $0xFFFFF800  }
0x21f: {  	s13 =	stileid.u32;
	[bflag:$0x0] =	sbarrier.arrive $0xFFFF  }
0x220: {  	s4 =	sshll.u32 s13, $0x6;
	s11 =	simm.s32 $0x5;
	s10 =	rddreg [dreg:$0x6]  }
0x221: {  	s4 =	sor.u32 $0x1C05, s4;
	s15 =	rddreg [dreg:$0xb];
	s14 =	sshrl.u32 s10, $0x3  }
0x222: {  	[hbm:s15], [sflag:s4] =	dma.local [spmem:s14], $0x4E4  }
0x223: {  	_ =	swait.ge [sflag:s11], $0x4E4  }
0x224: {  	s18 =	rddreg [dreg:$0xd]  }
0x225: {  	s19 =	rddreg [dreg:$0xc];
	s0 =	sadd.s32 $0x1, s18  }
0x226: {  	p0 =	sne.s32 s0, s19  }
.Ltmp1:
0x227: {  	_ = 	snop;
	(pc) =	sbr.rel @p0 .LBB2_1-.Ltmp1, $3  }
0x228: {  	_ =	sdelay $0x1  }
0x229: {  	[sflag:s11] =	ssyncset.done $0x0  }
0x22a: {  	[sflag:s11] =	ssyncadd.s32 $0xFFFFFB1C  }
0x22b: {  	_ =	sfence.sel $0x180000  }
0x22c: {  	[bflag:$0x0] =	sbarrier.arrive $0xFFFF  }
0x22d: {  	_ =	strace $0x9000004D  }
0x22e: {  	s0 =	stileid.u32;
	[bflag:$0x2] =	sbarrier.arrive $0xFFFF  }
0x22f: {  	p0 =	sne.s32 s0, $0x0;
	s0 =	rddreg [dreg:$0x3]  }
0x230: {  	s0 =	sadd.s32 @!p0 $0x100000, s0  }
0x231: {  	[sflag:s0] =	ssyncadd.tile.s32 @!p0 $0x1;
	_ =	shalt  }
.Lfunc_end2:
_tile_overlayer_lowered:
.L_overlay_start_2:
0x232: {  	(tag) =	ssettag $0x2  }
0x233: {  	s0 =	rddreg [dreg:$0x0];
	s2 =	stileid.u32  }
0x234: {  	s1 =	rddreg [dreg:$0x1];
	p0 =	sne.s32 s2, $0x0  }
0x235: {  	s3 =	rddreg [dreg:$0x2];
	[bflag:$0x3] =	sbarrier.arrive $0xFFFF;
	s2 =	simm.s32 @!p0 $0x1C05  }
0x236: {  	[timem:s3], [sflag:s2] =	dma.local @!p0 [hbm:s0], s1  }
0x237: {  	s0 =	simm.s32 @!p0 $0x5  }
0x238: {  	_ =	swait.ge @!p0 [sflag:s0], s1  }
0x239: {  	s1 =	ssub.s32 @!p0 $0x0, s1;
	[sflag:s0] =	ssyncset.done @!p0 $0x0  }
0x23a: {  	[sflag:s0] =	ssyncadd.s32 @!p0 s1  }
0x23b: {  	[bflag:$0x3] =	sbarrier.arrive $0xFFFF  }
0x23c: {  	_ =	shalt  }

// kernel: kernel.8.cloned.1.call-start
scs
__scs_entry_jumppad:
0x0: {  	(pc) =	sbr.rel $0x88, $3  }
0x1: {  	(tag) =	ssettag $0x0;
	lr =	simm.s32 $0x1  }
0x2: {  	[smem:$0x3F96] =	sst lr;
	_ =	strace $0xD0000000  }
0x3: {  	_ = 	snop  }
0x4: {  	_ = 	snop  }
0x5: {  	_ = 	snop  }
0x6: {  	_ = 	snop  }
0x7: {  	_ = 	snop  }
__scs_overlays_trampoline_lowered:
0x8: {  	[smem:$0x3FA5] =	sst s0  }
0x9: {  	[smem:$0x3FA6] =	sst s1  }
0xa: {  	[smem:$0x3FA7] =	sst s2  }
0xb: {  	[smem:$0x3FA8] =	sst s3  }
0xc: {  	[smem:$0x3FA9] =	sst s4  }
0xd: {  	[smem:$0x3FAA] =	sst s5  }
0xe: {  	[smem:$0x3FAB] =	sst s6  }
0xf: {  	[smem:$0x3FAC] =	sst s7  }
0x10: {  	[smem:$0x3FAD] =	sst s8  }
0x11: {  	[smem:$0x3FAE] =	sst s9;
	s0 =	simm.s32 @!p0 $0x0  }
0x12: {  	s1 =	sld [smem:$0x3F94];
	s0 =	simm.s32 @p0 $0x1  }
0x13: {  	[smem:$0x3FAF] =	sst s0;
	s0 =	simm.s32 @!p1 $0x0  }
0x14: {  	s2 =	sld [smem:$0x3F93];
	s0 =	simm.s32 @p1 $0x1  }
0x15: {  	[smem:$0x3FB0] =	sst s0;
	s0 =	simm.s32 @!p2 $0x0  }
0x16: {  	s3 =	sld [smem:$0x3FDB];
	s0 =	simm.s32 @p2 $0x1  }
0x17: {  	s4 =	simm.s32 $0x1BF5;
	[smem:$0x3FB2] =	sst s0  }
0x18: {  	s0 =	sld [smem:$0x3F95];
	_ =	swait.ge [sflag:s4], $0x0  }
0x19: {  	s7 =	sld [smem:$0x3F96]  }
0x1a: {  	s8 =	sadd.s32 $0xFFFFE003, lr  }
0x1b: {  	s9 =	sadd.s32 $0xFFFFFEF7, lr;
	s5 =	simm.s32 $0xFFFFFFFF;
	p2 =	slt.u32 s8, $0xFFFFF086  }
0x1c: {  	p1 =	slt.u32 s9, $0xF7A;
	s5 =	simm.s32 @!p2 $0x0  }
0x1d: {  	s5 =	simm.s32 @p1 $0x1;
	p0 =	seq.s32 s7, s2  }
0x1e: {  	s7 =	smul.u32 @!p0 $0xF7A, s2;
	p2 =	seq.s32 @!p0 s5, $0x0  }
0x1f: {  	s9 =	smul.u32 $0xF7A, s1;
	s8 =	simm.s32 @!p0 $0x1BF5;
	p2 =	por !p2, p0  }
0x20: {  	[sflag:s8] =	ssyncset.s32 @!p0 $0xFFFFF086;
	s6 =	sadd.s32 @!p0 s3, s7;
	s7 =	simm.s32 @!p0 $0x108  }
0x21: {  	s3 =	sadd.s32 s3, s9;
	s6 =	sadd.s32 @!p0 $0x88, s6;
	s7 =	simm.s32 @p2 $0x1082  }
0x22: {  	[simem:s7], [sflag:s8] =	dma.local @!p0 [hbm:s6], $0xF7A  }
0x23: {  	s9 =	sor.u32 $0xD0000000, s2;
	s6 =	simm.s32 $0x108;
	_ =	swait.ge @!p0 [sflag:s8], $0x0  }
0x24: {  	s3 =	sadd.s32 $0x88, s3;
	s6 =	simm.s32 @!p1 $0x1082;
	[sflag:s4] =	ssyncset.s32 $0xFFFFF086  }
0x25: {  	[simem:s6], [sflag:s4] =	dma.local [hbm:s3], $0xF7A  }
0x26: {  	[smem:$0x3F96] =	sst s1;
	(tag) =	ssettag s2;
	_ =	strace s9  }
0x27: {  	s1 =	sld [smem:$0x3FA6]  }
0x28: {  	s2 =	sld [smem:$0x3FA7]  }
0x29: {  	s4 =	sld [smem:$0x3FA9]  }
0x2a: {  	p0 =	seq.s32 s5, $0x0;
	s5 =	sld [smem:$0x3FAA]  }
0x2b: {  	s6 =	sld [smem:$0x3FAB]  }
0x2c: {  	s7 =	sld [smem:$0x3FAC]  }
0x2d: {  	s3 =	simm.s32 $0x108;
	s8 =	sld [smem:$0x3FAD]  }
0x2e: {  	s3 =	simm.s32 @!p0 $0x1082;
	s9 =	sld [smem:$0x3FAE]  }
0x2f: {  	lr =	sadd.s32 s0, s3;
	s0 =	sld [smem:$0x3FA5]  }
0x30: {  	s3 =	sld [smem:$0x3FA8]  }
0x31: {  	[smem:$0x3FB1] =	sst s10  }
0x32: {  	s10 =	sld [smem:$0x3FAF];
	_ =	sdelay $0x3  }
0x33: {  	p0 =	seq.s32 s10, $0x1;
	s10 =	sld [smem:$0x3FB1];
	_ =	sdelay $0x3  }
0x34: {  	[smem:$0x3FB1] =	sst s10  }
0x35: {  	s10 =	sld [smem:$0x3FB0];
	_ =	sdelay $0x3  }
0x36: {  	p1 =	seq.s32 s10, $0x1;
	s10 =	sld [smem:$0x3FB1];
	_ =	sdelay $0x3  }
0x37: {  	[smem:$0x3FB1] =	sst s10  }
0x38: {  	s10 =	sld [smem:$0x3FB2]  }
0x39: {  	_ = 	snop;
	(pc) =	sbr.ind lr, $3  }
0x3a: {  	_ = 	snop  }
0x3b: {  	_ = 	snop  }
0x3c: {  	p2 =	seq.s32 s10, $0x1;
	s10 =	sld [smem:$0x3FB1]  }
0x3d: {  	_ =	shalt  }
0x3e: {  	_ =	shalt  }
0x3f: {  	_ =	shalt  }
0x40: {  	_ =	shalt  }
0x41: {  	_ =	shalt  }
0x42: {  	_ =	shalt  }
0x43: {  	_ =	shalt  }
0x44: {  	_ =	shalt  }
0x45: {  	_ =	shalt  }
0x46: {  	_ =	shalt  }
0x47: {  	_ =	shalt  }
0x48: {  	_ =	shalt  }
0x49: {  	_ =	shalt  }
0x4a: {  	_ =	shalt  }
0x4b: {  	_ =	shalt  }
0x4c: {  	_ =	shalt  }
0x4d: {  	_ =	shalt  }
0x4e: {  	_ =	shalt  }
0x4f: {  	_ =	shalt  }
0x50: {  	_ =	shalt  }
0x51: {  	_ =	shalt  }
0x52: {  	_ =	shalt  }
0x53: {  	_ =	shalt  }
0x54: {  	_ =	shalt  }
0x55: {  	_ =	shalt  }
0x56: {  	_ =	shalt  }
0x57: {  	_ =	shalt  }
0x58: {  	_ =	shalt  }
0x59: {  	_ =	shalt  }
0x5a: {  	_ =	shalt  }
0x5b: {  	_ =	shalt  }
0x5c: {  	_ =	shalt  }
0x5d: {  	_ =	shalt  }
0x5e: {  	_ =	shalt  }
0x5f: {  	_ =	shalt  }
0x60: {  	_ =	shalt  }
0x61: {  	_ =	shalt  }
0x62: {  	_ =	shalt  }
0x63: {  	_ =	shalt  }
0x64: {  	_ =	shalt  }
0x65: {  	_ =	shalt  }
0x66: {  	_ =	shalt  }
0x67: {  	_ =	shalt  }
0x68: {  	_ =	shalt  }
0x69: {  	_ =	shalt  }
0x6a: {  	_ =	shalt  }
0x6b: {  	_ =	shalt  }
0x6c: {  	_ =	shalt  }
0x6d: {  	_ =	shalt  }
0x6e: {  	_ =	shalt  }
0x6f: {  	_ =	shalt  }
0x70: {  	_ =	shalt  }
0x71: {  	_ =	shalt  }
0x72: {  	_ =	shalt  }
0x73: {  	_ =	shalt  }
0x74: {  	_ =	shalt  }
0x75: {  	_ =	shalt  }
0x76: {  	_ =	shalt  }
0x77: {  	_ =	shalt  }
0x78: {  	_ =	shalt  }
0x79: {  	_ =	shalt  }
0x7a: {  	_ =	shalt  }
0x7b: {  	_ =	shalt  }
0x7c: {  	_ =	shalt  }
0x7d: {  	_ =	shalt  }
0x7e: {  	_ =	shalt  }
0x7f: {  	_ =	shalt  }
0x80: {  	_ =	shalt  }
0x81: {  	_ =	shalt  }
0x82: {  	_ =	shalt  }
0x83: {  	_ =	shalt  }
0x84: {  	_ =	shalt  }
0x85: {  	_ =	shalt  }
0x86: {  	_ =	shalt  }
0x87: {  	_ =	shalt  }
.Lfunc_end0:
.L_simem_size_0:
called_computation_lowered:
.L_overlay_start_0:
0x88: {  	s2 =	sld [smem:$0x3FD9]  }
0x89: {  	s3 =	sld [smem:$0x3FFE];
	_ =	sdelay $0x1  }
0x8a: {  	s1 =	srdreg.scid  }
0x8b: {  	s0 =	sand.u32 $0x1, s1  }
0x8c: {  	s17 =	sshll.u32 s0, $0xA;
	s2 =	sadd.s32 s3, s2  }
0x8d: {  	s2 =	sadd.s32 s2, s17  }
0x8e: {  	[smem:$0x3FBD] =	sst s2  }
0x8f: {  	_ = 	snop  }
0x90: {  	s2 =	sld [smem:$0x3FD0];
	(tm) =	ssettm $0x1  }
0x91: {  	s18 =	sld [smem:$0x3FFB];
	_ =	sdelay $0x3  }
0x92: {  	_ =	strace s18  }
0x93: {  	s3 =	sld [smem:$0x3FFC];
	_ =	sdelay $0x3  }
0x94: {  	_ =	strace s3  }
0x95: {  	s3 =	sld [smem:$0x3FFD];
	_ =	sdelay $0x3  }
0x96: {  	_ =	strace s3  }
0x97: {  	_ =	strace $0x8FFFFFFF  }
0x98: {  	s19 =	sld [smem:$0x3FDB];
	_ =	sdelay $0x1  }
0x99: {  	s4 =	simm.s32 $_scs_section_size  }
0x9a: {  	s5 =	simm.s32 $_size__tile_overlayer_lowered;
	s6 =	simm.s32 $_tile_overlayer_lowered  }
0x9b: {  	s22 =	simm.s32 $0x1BFF;
	s21 =	sshll.u32 s6, $0x1;
	s3 =	sadd.s32 s4, s19  }
0x9c: {  	s7 =	simm.s32 $0x0;
	s20 =	sshll.u32 s5, $0x1;
	s5 =	sadd.s32 s21, s3  }
0x9d: {  	[timem:s7], [sflag:s22] =	dma.local [hbm:s5], s20  }
0x9e: {  	_ =	swait.ge [sflag:s22], s20  }
0x9f: {  	s4 =	ssub.s32 $0x0, s20;
	[sflag:s22] =	ssyncset.done $0x0  }
0xa0: {  	[sflag:s22] =	ssyncadd.s32 s4;
	_ =	sdelay $0x1  }
0xa1: {  	s23 =	simm.s32 $0x1B8B  }
0xa2: {  	_ =	swait.ge [sflag:s23], $0x1  }
0xa3: {  	[sflag:s23] =	ssyncset.done $0x0  }
0xa4: {  	s25 =	simm.s32 $0x1B8E;
	s24 =	sld [smem:$0x3FFE];
	[sflag:s23] =	ssyncadd.s32 $0xFFFFFFFF  }
0xa5: {  	s26 =	simm.s32 $execute0_lowered;
	[smem:$0x3FD2] =	sst s25  }
0xa6: {  	s5 =	sshll.u32 s26, $0x1;
	_ =	strace $0x80000046;
	[dreg:$0x1] =	wrdreg $0xFFFFFFFF  }
0xa7: {  	s28 =	simm.s32 $_size_execute0_lowered;
	s3 =	sadd.s32 s3, s5;
	[dreg:$0x0] =	wrdreg $0x0  }
0xa8: {  	s5 =	sshll.u32 s28, $0x1;
	[dreg:$0x2] =	wrdreg s3  }
0xa9: {  	[dreg:$0x3] =	wrdreg s5  }
0xaa: {  	[dreg:$0x4] =	wrdreg $0xC0  }
0xab: {  	_ =	task [dreg:s7], $0x5FFFF  }
0xac: {  	[dreg:$0x1] =	wrdreg $0xFFFFFFFF  }
0xad: {  	[dreg:$0x0] =	wrdreg $0x60  }
0xae: {  	[dreg:$0x2] =	wrdreg s24  }
0xaf: {  	[dreg:$0x3] =	wrdreg s2  }
0xb0: {  	[dreg:$0x4] =	wrdreg $0x147200  }
0xb1: {  	[dreg:$0x5] =	wrdreg $0x9  }
0xb2: {  	_ =	task.clear_ibuf [dreg:s7], $0x6FFFF;
	_ =	strace $0x90000046  }
0xb3: {  	s29 =	simm.s32 $0x9;
	_ =	strace $0x80000048  }
0xb4: {  	_ =	swait.ge [sflag:s29], $0x1  }
0xb5: {  	[sflag:s29] =	ssyncadd.s32 $0xFFFFFFFF  }
0xb6: {  	_ =	strace $0x90000048  }
0xb7: {  	_ =	sfence  }
0xb8: {  	s30 =	sld [smem:$0x0];
	_ =	sdelay $0x2  }
0xb9: {  	s31 =	sshll.u32 s1, $0xD;
	s1 =	sshrl.u32 s1, $0x2  }
0xba: {  	s3 =	sand.u32 $0x4000, s31;
	s1 =	sadd.s32 s1, s30  }
0xbb: {  	s0 =	sor.u32 s3, s0;
	s1 =	sshll.u32 s1, $0x11  }
0xbc: {  	s0 =	sor.u32 s1, s0  }
0xbd: {  	s0 =	sadd.s32 $0x8F2B, s0  }
0xbe: {  	[sflag:s0] =	ssyncadd.remote.s32 $0x1  }
0xbf: {  	_ =	sfence.sel $0xFFFF  }
0xc0: {  	[dreg:$0x0] =	wrdreg $0xFFFFFFFF;
	(pc) =	sbr.abs _section_cstart, $3  }
0xc1: {  	[dreg:$0x1] =	wrdreg $0xFFFFFFFF  }
0xc2: {  	_ =	task.clear_ibuf [dreg:s7], $0x2FFFF;
	_ =	strace $0x9FFFFFFF  }
0xc3: {  	(tm) =	ssettm $0x7FFFFFFF  }
tec
execute0_lowered:
.L_overlay_start_1:
0x0: {  	(tag) =	ssettag $0x1  }
0x1: {  	s0 =	rddreg [dreg:$0x0]  }
0x2: {  	s3 =	rddreg [dreg:$0x2]  }
0x3: {  	s1 =	stileid.u32;
	s5 =	srdreg.scid  }
0x4: {  	s4 =	simm.s32 $0x0;
	s17 =	simm.s32 $0x16E00;
	s19 =	simm.s32 $0x12000  }
0x5: {  	s20 =	simm.s32 $0x80;
	s21 =	simm.s32 $0xA000;
	s22 =	simm.s32 $0xC000  }
0x6: {  	s23 =	simm.s32 $0xE000;
	s24 =	simm.s32 $0x10000;
	s6 =	smul.u32 $0xA00, s1  }
0x7: {  	s28 =	simm.s32 $0x3;
	s29 =	simm.s32 $0x4;
	s8 =	smul.u32 $0x9C80, s1  }
0x8: {  	s30 =	simm.s32 $0x0;
	s25 =	sand.u32 $0x1, s5;
	s9 =	smul.u32 $0x4E4, s1  }
0x9: {  	[smem:$0x7FF] =	sst s4;
	s5 =	sadd.s32 $0x34E00, s0;
	s11 =	smul.u32 $0x27200, s1  }
0xa: {  	s7 =	smul.u32 $0x9C800, s25;
	_ =	strace $0x80000047;
	s10 =	ssub.s32 $0x2, s25  }
0xb: {  	p0 =	seq.s32 s25, $0x0;
	s16 =	sadd.s32 s6, s0;
	s6 =	sadd.s32 $0x5C000, s0  }
0xc: {  	s26 =	sshrl.u32 s10, $0x1;
	s31 =	sshrl.u32 s11, $0x2;
	s17 =	simm.s32 @!p0 $0x20E00  }
0xd: {  	p0 =	sne.s32 s25, $0x0;
	s25 =	simm.s32 $0x1;
	s7 =	sadd.s32 s8, s7  }
0xe: {  	s15 =	ssub.s32 s10, s26;
	s8 =	sadd.s32 s8, s3;
	s12 =	sadd.s32 s31, s3  }
.Ltmp0:
0xf: {  	s26 =	simm.s32 $0x2;
	s7 =	sshrl.u32 s7, $0x3;
	(pc) =	sbr.rel .LBB2_1-.Ltmp0, $4  }
0x10: {  	s10 =	sadd.s32 $0x4000, s12;
	s11 =	sadd.s32 $0x6000, s12;
	s15 =	smax.u32 s15, $0x1  }
0x11: {  	s13 =	sadd.s32 s7, s0;
	s0 =	sadd.s32 s9, s0;
	s7 =	sadd.s32 $0x2AE00, s16  }
0x12: {  	s9 =	sadd.s32 $0x2000, s12;
	s12 =	sadd.s32 $0x8000, s12;
	s16 =	sadd.s32 s17, s16  }
0x13: {  	v0 =	vimm.f32 $1.000000000e+00;
	s17 =	simm.s32 $0x5;
	s13 =	sadd.s32 $0x61600, s13;
	s14 =	sadd.s32 $0x5C600, s0  }
.LBB2_5:
0x14: {  	s0 =	stileid.u32  }
0x15: {  	s0 =	sshll.u32 s0, $0x6  }
0x16: {  	[bflag:$0x0] =	sbarrier.arrive $0xFFFF;
	s1 =	sshrl.u32 s8, $0x3;
	s0 =	sor.u32 $0x1C05, s0  }
0x17: {  	[hbm:s13], [sflag:s0] =	dma.local [spmem:s1], $0x1390  }
0x18: {  	s30 =	sadd.s32 $0x1, s30;
	_ =	swait.ge [sflag:s17], $0x1390  }
0x19: {  	p1 =	sne.s32 s30, s15;
	[sflag:s17] =	ssyncset.done $0x0  }
0x1a: {  	s0 =	simm.s32 @!p0 $0x0;
	s1 =	simm.s32 @!p0 $0x12000;
	[sflag:s17] =	ssyncadd.s32 $0xFFFFEC70  }
0x1b: {  	[hbm4b:s14+s0] =	stream.linear.scatter @!p0 [tilespmem:s1], [sflag:$0x5], $0x2720, $0x38;
	[tilespmem:$0x1E3A0] =	vst v63  }
.Ltmp1:
0x1c: {  	_ = 	snop;
	(pc) =	sbr.rel @!p1 .LBB2_6-.Ltmp1, $4  }
0x1d: {  	s0 =	simm.s32 @!p0 $0x5  }
0x1e: {  	_ =	swait.ge @!p0 [sflag:s0], $0x2720  }
0x1f: {  	[sflag:s0] =	ssyncset.done @!p0 $0x0  }
0x20: {  	[sflag:s0] =	ssyncadd.s32 @!p0 $0xFFFFD8E0  }
.LBB2_1:
0x21: {  	[tilespmem:s4], [sflag:$0x5] =	stream.linear.gather [hbm4b:s16+s4], $0x5000, $0x38;
	[tilespmem:$0x1E3A0] =	vst v63  }
0x22: {  	_ =	swait.ge [sflag:s17], $0x5000  }
0x23: {  	[sflag:s17] =	ssyncset.done $0x0  }
0x24: {  	s0 =	simm.s32 $0x5000;
	[sflag:s17] =	ssyncadd.s32 $0xFFFFB000  }
0x25: {  	[tilespmem:s0], [sflag:$0x5] =	stream.linear.gather [hbm4b:s7+s4], $0x5000, $0x38;
	[tilespmem:$0x1E3A0] =	vst v63  }
0x26: {  	_ =	swait.ge [sflag:s17], $0x5000  }
0x27: {  	[sflag:s17] =	ssyncset.done $0x0  }
0x28: {  	[sflag:s17] =	ssyncadd.s32 $0xFFFFB000  }
0x29: {  	[tilespmem:s19], [sflag:$0x5] =	stream.linear.gather [hbm4b:s6+s4], $0x2720, $0x38;
	[tilespmem:$0x1E3A0] =	vst v63  }
0x2a: {  	_ =	swait.ge [sflag:s17], $0x2720  }
0x2b: {  	[sflag:s17] =	ssyncset.done $0x0  }
0x2c: {  	[sflag:s17] =	ssyncadd.s32 $0xFFFFD8E0  }
0x2d: {  	[tilespmem:s21], [sflag:$0x1] =	stream.indirect.gather [hbm4b:s5+s20], $0x40, s4, s20, $0xb8;
	[tilespmem:$0x1E3A0] =	vst v63  }
0x2e: {  	_ = 	snop  }
0x2f: {  	[tilespmem:s22], [sflag:$0x1] =	stream.indirect.gather [hbm4b:s5+s20], $0x40, s20, s20, $0xb8;
	[tilespmem:$0x1E3A0] =	vst v63  }
0x30: {  	s18 =	rddreg [dreg:$0x1]  }
0x31: {  	[tilespmem:s23], [sflag:$0x5] =	stream.linear.gather [hbm4b:s18+s4], $0x4000, $0x38;
	[tilespmem:$0x1E3A0] =	vst v63  }
0x32: {  	_ =	swait.ge [sflag:s17], $0x4000  }
0x33: {  	[sflag:s17] =	ssyncset.done $0x0  }
0x34: {  	[sflag:s17] =	ssyncadd.s32 $0xFFFFC000  }
0x35: {  	[spmem:s8] =	stream.linear.scatter [tilespmem:s23], [sflag:$0x5], $0x2000, $0x38;
	[tilespmem:$0x1E3A0] =	vst v63  }
0x36: {  	_ =	swait.ge [sflag:s17], $0x2000  }
0x37: {  	[sflag:s17] =	ssyncset.done $0x0  }
0x38: {  	[sflag:s17] =	ssyncadd.s32 $0xFFFFE000  }
0x39: {  	[spmem:s9] =	stream.linear.scatter [tilespmem:s24], [sflag:$0x5], $0x2000, $0x38;
	[tilespmem:$0x1E3A0] =	vst v63  }
0x3a: {  	_ =	swait.ge [sflag:s17], $0x2000  }
0x3b: {  	[sflag:s17] =	ssyncset.done $0x0  }
0x3c: {  	[sflag:s17] =	ssyncadd.s32 $0xFFFFE000  }
0x3d: {  	[spmem:s10] =	stream.linear.scatter [tilespmem:s23], [sflag:$0x5], $0x2000, $0x38;
	[tilespmem:$0x1E3A0] =	vst v63  }
0x3e: {  	_ =	swait.ge [sflag:s17], $0x2000  }
0x3f: {  	[sflag:s17] =	ssyncset.done $0x0  }
0x40: {  	[sflag:s17] =	ssyncadd.s32 $0xFFFFE000  }
0x41: {  	[spmem:s11] =	stream.linear.scatter [tilespmem:s24], [sflag:$0x5], $0x2000, $0x38;
	[tilespmem:$0x1E3A0] =	vst v63  }
0x42: {  	_ =	swait.ge [sflag:s17], $0x2000  }
0x43: {  	[sflag:s17] =	ssyncset.done $0x0  }
0x44: {  	[sflag:s17] =	ssyncadd.s32 $0xFFFFE000  }
0x45: {  	[spmem:s12] =	stream.linear.scatter [tilespmem:s23], [sflag:$0x5], $0x1C80, $0x38;
	[tilespmem:$0x1E3A0] =	vst v63  }
.Ltmp2:
0x46: {  	_ =	swait.ge [sflag:s17], $0x1C80;
	(pc) =	sbr.rel .LBB2_2-.Ltmp2, $4  }
0x47: {  	[sflag:s17] =	ssyncset.done $0x0  }
0x48: {  	[sflag:s17] =	ssyncadd.s32 $0xFFFFE380  }
0x49: {  	[bflag:$0x0] =	sbarrier.arrive $0xFFFF  }
0x4a: {  	s31 =	simm.s32 $0x0  }
.LBB2_4:
0x4b: {  	_ =	swait.ge [sflag:s28], $0x2000  }
0x4c: {  	[sflag:s28] =	ssyncset.done $0x0  }
0x4d: {  	[sflag:s28] =	ssyncadd.s32 $0xFFFFE000  }
0x4e: {  	p1 =	seq.s32 s31, $0x13800;
	_ =	swait.ge [sflag:s28], $0x2000  }
0x4f: {  	s0 =	sshra.s32 @!p1 s31, $0x2;
	s1 =	simm.s32 @!p1 $0x80;
	[sflag:s28] =	ssyncset.done $0x0  }
0x50: {  	s18 =	simm.s32 @!p1 $0xA000;
	s2 =	sadd.s32 @!p1 $0x200, s0;
	[sflag:s28] =	ssyncadd.s32 $0xFFFFE000  }
0x51: {  	[tilespmem:s18], [sflag:$0x1] =	stream.indirect.gather @!p1 [hbm4b:s5+s1], $0x40, s2, s1, $0xb8;
	[tilespmem:$0x1E3A0] =	vst v63  }
0x52: {  	s31 =	sadd.s32 $0x800, s31;
	s0 =	sadd.s32 @!p1 $0x280, s0;
	s2 =	simm.s32 @!p1 $0xC000  }
0x53: {  	[tilespmem:s2], [sflag:$0x1] =	stream.indirect.gather @!p1 [hbm4b:s5+s1], $0x40, s0, s1, $0xb8;
	[tilespmem:$0x1E3A0] =	vst v63  }
0x54: {  	p1 =	sne.s32 s31, $0x14000;
	_ =	swait.ge [sflag:s29], $0x2000  }
.Ltmp3:
0x55: {  	[sflag:s29] =	ssyncset.done $0x0;
	(pc) =	sbr.rel @!p1 .LBB2_5-.Ltmp3, $4  }
0x56: {  	[sflag:s29] =	ssyncadd.s32 $0xFFFFE000  }
0x57: {  	_ =	swait.ge [sflag:s29], $0x2000  }
0x58: {  	[sflag:s29] =	ssyncset.done $0x0  }
0x59: {  	[sflag:s29] =	ssyncadd.s32 $0xFFFFE000  }
.LBB2_2:
0x5a: {  	s0 =	sshra.s32 s31, $0x2  }
0x5b: {  	s2 =	sadd.s32 $0x100, s0  }
0x5c: {  	[tilespmem:s23], [sflag:$0x2] =	stream.indirect.gather [hbm4b:s5+s20], $0x40, s2, s20, $0xb8;
	[tilespmem:$0x1E3A0] =	vst v63  }
0x5d: {  	s18 =	sadd.s32 $0x180, s0  }
0x5e: {  	[tilespmem:s24], [sflag:$0x2] =	stream.indirect.gather [hbm4b:s5+s20], $0x40, s18, s20, $0xb8;
	[tilespmem:$0x1E3A0] =	vst v63  }
0x5f: {  	_ =	swait.ge [sflag:s25], $0x2000  }
0x60: {  	[sflag:s25] =	ssyncset.done $0x0  }
0x61: {  	[sflag:s25] =	ssyncadd.s32 $0xFFFFE000  }
0x62: {  	_ =	swait.ge [sflag:s25], $0x2000  }
0x63: {  	[sflag:s25] =	ssyncset.done $0x0  }
0x64: {  	s1 =	sadd.s32 $0x5000, s0;
	[sflag:s25] =	ssyncadd.s32 $0xFFFFE000  }
0x65: {  	[spmem:s3] =	stream.indirect.scatter.add.f32 [tilespmem:s21], [sflag:$0x3], $0x40, s1, s20, $0xb8;
	[tilespmem:$0x1E3A0] =	vst v63  }
0x66: {  	s18 =	sadd.s32 $0x5080, s0  }
0x67: {  	[spmem:s3] =	stream.indirect.scatter.add.f32 [tilespmem:s22], [sflag:$0x3], $0x40, s18, s20, $0xb8;
	[tilespmem:$0x1E3A0] =	vst v63  }
0x68: {  	_ =	swait.ge [sflag:s26], $0x2000  }
0x69: {  	[sflag:s26] =	ssyncset.done $0x0  }
0x6a: {  	[sflag:s26] =	ssyncadd.s32 $0xFFFFE000  }
0x6b: {  	_ =	swait.ge [sflag:s26], $0x2000  }
.Ltmp4:
0x6c: {  	[sflag:s26] =	ssyncset.done $0x0;
	(pc) =	sbr.rel @p0 .LBB2_4-.Ltmp4, $4  }
0x6d: {  	s1 =	sadd.s32 $0x5100, s0;
	[sflag:s26] =	ssyncadd.s32 $0xFFFFE000  }
0x6e: {  	[spmem:s3] =	stream.indirect.scatter.add.f32 [tilespmem:s23], [sflag:$0x4], $0x40, s1, s20, $0xb8;
	[tilespmem:$0x1E3A0] =	vst v63  }
0x6f: {  	s18 =	sadd.s32 $0x5180, s0  }
0x70: {  	[spmem:s3] =	stream.indirect.scatter.add.f32 [tilespmem:s24], [sflag:$0x4], $0x40, s18, s20, $0xb8;
	[tilespmem:$0x1E3A0] =	vst v63  }
0x71: {  	v1 =	vld [tilespmem:s0+$0x5000];
	_ =	sdelay $0x7  }
0x72: {  	[tilespmem:v1+s19+$0x0] =	vst.idx.add.f32.msk $0xffff, v0  }
0x73: {  	v1 =	vld [tilespmem:s0+$0x5010];
	_ =	sdelay $0x7  }
0x74: {  	[tilespmem:v1+s19+$0x0] =	vst.idx.add.f32.msk $0xffff, v0  }
0x75: {  	v1 =	vld [tilespmem:s0+$0x5020];
	_ =	sdelay $0x7  }
0x76: {  	[tilespmem:v1+s19+$0x0] =	vst.idx.add.f32.msk $0xffff, v0  }
0x77: {  	v1 =	vld [tilespmem:s0+$0x5030];
	_ =	sdelay $0x7  }
0x78: {  	[tilespmem:v1+s19+$0x0] =	vst.idx.add.f32.msk $0xffff, v0  }
0x79: {  	v1 =	vld [tilespmem:s0+$0x5040];
	_ =	sdelay $0x7  }
0x7a: {  	[tilespmem:v1+s19+$0x0] =	vst.idx.add.f32.msk $0xffff, v0  }
0x7b: {  	v1 =	vld [tilespmem:s0+$0x5050];
	_ =	sdelay $0x7  }
0x7c: {  	[tilespmem:v1+s19+$0x0] =	vst.idx.add.f32.msk $0xffff, v0  }
0x7d: {  	v1 =	vld [tilespmem:s0+$0x5060];
	_ =	sdelay $0x7  }
0x7e: {  	[tilespmem:v1+s19+$0x0] =	vst.idx.add.f32.msk $0xffff, v0  }
0x7f: {  	v1 =	vld [tilespmem:s0+$0x5070];
	_ =	sdelay $0x7  }
0x80: {  	[tilespmem:v1+s19+$0x0] =	vst.idx.add.f32.msk $0xffff, v0  }
0x81: {  	v1 =	vld [tilespmem:s0+$0x5080];
	_ =	sdelay $0x7  }
0x82: {  	[tilespmem:v1+s19+$0x0] =	vst.idx.add.f32.msk $0xffff, v0  }
0x83: {  	v1 =	vld [tilespmem:s0+$0x5090];
	_ =	sdelay $0x7  }
0x84: {  	[tilespmem:v1+s19+$0x0] =	vst.idx.add.f32.msk $0xffff, v0  }
0x85: {  	v1 =	vld [tilespmem:s0+$0x50A0];
	_ =	sdelay $0x7  }
0x86: {  	[tilespmem:v1+s19+$0x0] =	vst.idx.add.f32.msk $0xffff, v0  }
0x87: {  	v1 =	vld [tilespmem:s0+$0x50B0];
	_ =	sdelay $0x7  }
0x88: {  	[tilespmem:v1+s19+$0x0] =	vst.idx.add.f32.msk $0xffff, v0  }
0x89: {  	v1 =	vld [tilespmem:s0+$0x50C0];
	_ =	sdelay $0x7  }
0x8a: {  	[tilespmem:v1+s19+$0x0] =	vst.idx.add.f32.msk $0xffff, v0  }
0x8b: {  	v1 =	vld [tilespmem:s0+$0x50D0];
	_ =	sdelay $0x7  }
0x8c: {  	[tilespmem:v1+s19+$0x0] =	vst.idx.add.f32.msk $0xffff, v0  }
0x8d: {  	v1 =	vld [tilespmem:s0+$0x50E0];
	_ =	sdelay $0x7  }
0x8e: {  	[tilespmem:v1+s19+$0x0] =	vst.idx.add.f32.msk $0xffff, v0  }
0x8f: {  	v1 =	vld [tilespmem:s0+$0x50F0];
	_ =	sdelay $0x7  }
0x90: {  	[tilespmem:v1+s19+$0x0] =	vst.idx.add.f32.msk $0xffff, v0  }
0x91: {  	v1 =	vld [tilespmem:s0+$0x5100];
	_ =	sdelay $0x7  }
0x92: {  	[tilespmem:v1+s19+$0x0] =	vst.idx.add.f32.msk $0xffff, v0  }
0x93: {  	v1 =	vld [tilespmem:s0+$0x5110];
	_ =	sdelay $0x7  }
0x94: {  	[tilespmem:v1+s19+$0x0] =	vst.idx.add.f32.msk $0xffff, v0  }
0x95: {  	v1 =	vld [tilespmem:s0+$0x5120];
	_ =	sdelay $0x7  }
0x96: {  	[tilespmem:v1+s19+$0x0] =	vst.idx.add.f32.msk $0xffff, v0  }
0x97: {  	v1 =	vld [tilespmem:s0+$0x5130];
	_ =	sdelay $0x7  }
0x98: {  	[tilespmem:v1+s19+$0x0] =	vst.idx.add.f32.msk $0xffff, v0  }
0x99: {  	v1 =	vld [tilespmem:s0+$0x5140];
	_ =	sdelay $0x7  }
0x9a: {  	[tilespmem:v1+s19+$0x0] =	vst.idx.add.f32.msk $0xffff, v0  }
0x9b: {  	v1 =	vld [tilespmem:s0+$0x5150];
	_ =	sdelay $0x7  }
0x9c: {  	[tilespmem:v1+s19+$0x0] =	vst.idx.add.f32.msk $0xffff, v0  }
0x9d: {  	v1 =	vld [tilespmem:s0+$0x5160];
	_ =	sdelay $0x7  }
0x9e: {  	[tilespmem:v1+s19+$0x0] =	vst.idx.add.f32.msk $0xffff, v0  }
0x9f: {  	v1 =	vld [tilespmem:s0+$0x5170];
	_ =	sdelay $0x7  }
0xa0: {  	[tilespmem:v1+s19+$0x0] =	vst.idx.add.f32.msk $0xffff, v0  }
0xa1: {  	v1 =	vld [tilespmem:s0+$0x5180];
	_ =	sdelay $0x7  }
0xa2: {  	[tilespmem:v1+s19+$0x0] =	vst.idx.add.f32.msk $0xffff, v0  }
0xa3: {  	v1 =	vld [tilespmem:s0+$0x5190];
	_ =	sdelay $0x7  }
0xa4: {  	[tilespmem:v1+s19+$0x0] =	vst.idx.add.f32.msk $0xffff, v0  }
0xa5: {  	v1 =	vld [tilespmem:s0+$0x51A0];
	_ =	sdelay $0x7  }
0xa6: {  	[tilespmem:v1+s19+$0x0] =	vst.idx.add.f32.msk $0xffff, v0  }
0xa7: {  	v1 =	vld [tilespmem:s0+$0x51B0];
	_ =	sdelay $0x7  }
0xa8: {  	[tilespmem:v1+s19+$0x0] =	vst.idx.add.f32.msk $0xffff, v0  }
0xa9: {  	v1 =	vld [tilespmem:s0+$0x51C0];
	_ =	sdelay $0x7  }
0xaa: {  	[tilespmem:v1+s19+$0x0] =	vst.idx.add.f32.msk $0xffff, v0  }
0xab: {  	v1 =	vld [tilespmem:s0+$0x51D0];
	_ =	sdelay $0x7  }
0xac: {  	[tilespmem:v1+s19+$0x0] =	vst.idx.add.f32.msk $0xffff, v0  }
0xad: {  	v1 =	vld [tilespmem:s0+$0x51E0];
	_ =	sdelay $0x7  }
0xae: {  	[tilespmem:v1+s19+$0x0] =	vst.idx.add.f32.msk $0xffff, v0  }
0xaf: {  	v1 =	vld [tilespmem:s0+$0x51F0];
	_ =	sdelay $0x3  }
.Ltmp5:
0xb0: {  	_ = 	snop;
	(pc) =	sbr.rel .LBB2_4-.Ltmp5, $2  }
0xb1: {  	_ =	sdelay $0x2  }
0xb2: {  	[tilespmem:v1+s19+$0x0] =	vst.idx.add.f32.msk $0xffff, v0  }
.LBB2_6:
0xb3: {  	_ =	sfence.sel $0x180000  }
0xb4: {  	[bflag:$0x0] =	sbarrier.arrive $0xFFFF  }
0xb5: {  	_ =	strace $0x90000047  }
0xb6: {  	s0 =	stileid.u32;
	[bflag:$0x2] =	sbarrier.arrive $0xFFFF  }
0xb7: {  	p0 =	sne.s32 s0, $0x0;
	s0 =	rddreg [dreg:$0x3]  }
0xb8: {  	s0 =	sadd.s32 @!p0 $0x100000, s0  }
0xb9: {  	[sflag:s0] =	ssyncadd.tile.s32 @!p0 $0x1;
	_ =	shalt  }
.Lfunc_end2:
_tile_overlayer_lowered:
.L_overlay_start_2:
0xba: {  	(tag) =	ssettag $0x2  }
0xbb: {  	s0 =	rddreg [dreg:$0x0];
	s2 =	stileid.u32  }
0xbc: {  	s1 =	rddreg [dreg:$0x1];
	p0 =	sne.s32 s2, $0x0  }
0xbd: {  	s3 =	rddreg [dreg:$0x2];
	[bflag:$0x3] =	sbarrier.arrive $0xFFFF;
	s2 =	simm.s32 @!p0 $0x1C05  }
0xbe: {  	[timem:s3], [sflag:s2] =	dma.local @!p0 [hbm:s0], s1  }
0xbf: {  	s0 =	simm.s32 @!p0 $0x5  }
0xc0: {  	_ =	swait.ge @!p0 [sflag:s0], s1  }
0xc1: {  	s1 =	ssub.s32 @!p0 $0x0, s1;
	[sflag:s0] =	ssyncset.done @!p0 $0x0  }
0xc2: {  	[sflag:s0] =	ssyncadd.s32 @!p0 s1  }
0xc3: {  	[bflag:$0x3] =	sbarrier.arrive $0xFFFF  }
0xc4: {  	_ =	shalt  }

</sc_bundles>
